<compile_context>
chip_gen: v7x
topology: tpu7x:2x2x1
jax: 0.10.2.dev20260603
libtpu: 0.0.44.dev20260713+nightly
codegen_flags: <defaults>
</compile_context>

<pallas_src>
import jax
import jax.numpy as jnp
from jax import lax
from jax.experimental import pallas as pl
from jax.experimental.pallas import tpu as pltpu
from jax.experimental.pallas import tpu_sc as plsc

N = 10000
E = 320000
DIN = 128
H = 64
DE = 16
DEC = 32

NC = 2
NS = 16
CH = 128
EPT = E // (NC * NS)
NCHF = EPT // CH
TAIL = EPT - NCHF * CH
RZ = 1000
NZT = N // RZ

BLK = 2000
BLE = 4000

_MESH = plsc.VectorSubcoreMesh(core_axis_name="c", subcore_axis_name="s",
                               num_cores=NC, num_subcores=NS)



DW = 8


def _deg_body(dst1, zn, ones_h, out, d_t, ones_v,
              d0, d1, d2, d3, d4, d5, acc,
              ds0, ds1, ds2, ds3, ds4, ds5,
              ss0, ss1, ss2, ss3, ss4, ss5):
    c = lax.axis_index("c")
    s = lax.axis_index("s")
    w = c * NS + s
    ebase = w * EPT
    d = (d0, d1, d2, d3, d4, d5)
    ds = (ds0, ds1, ds2, ds3, ds4, ds5)
    ss = (ss0, ss1, ss2, ss3, ss4, ss5)
    pltpu.sync_copy(ones_h, ones_v)

    @pl.when(s < NZT)
    def _zero():
        pltpu.sync_copy(zn.at[pl.ds(s * RZ, RZ)], acc.at[pl.ds(s * RZ, RZ)])

    plsc.subcore_barrier()

    def start(j, b):
        pltpu.async_copy(dst1.at[pl.ds(ebase + j * CH, CH)], d[b], ds[b])

    for b in range(RING):
        start(b, b)

    def body(i, carry):
        for b in range(RING):
            j = RING * i + b
            pltpu.make_async_copy(dst1.at[pl.ds(j * CH, CH)], d[b],
                                  ds[b]).wait()
            pltpu.async_copy(ones_v.at[pl.ds(0, CH)], acc.at[d[b]], ss[b],
                             add=True)

            @pl.when(j + RING < NCHF)
            def _pref():
                pltpu.make_async_copy(ones_v.at[pl.ds(0, CH)], acc.at[d[b]],
                                      ss[b]).wait()
                start(j + RING, b)
        return carry

    lax.fori_loop(0, NIT3, body, 0)
    for b in range(RING):
        pltpu.make_async_copy(ones_v.at[pl.ds(0, CH)], acc.at[d[b]],
                              ss[b]).wait()
    pltpu.sync_copy(dst1.at[pl.ds(ebase + NCHF * CH, TAIL)], d_t)
    pltpu.sync_copy(ones_v.at[pl.ds(0, TAIL)], acc.at[d_t], add=True)
    plsc.subcore_barrier()

    @pl.when(s < NZT)
    def _out():
        pltpu.sync_copy(acc.at[pl.ds(s * RZ, RZ)],
                        out.at[pl.ds(c * N + s * RZ, RZ)])


_deg_call = pl.kernel(
    _deg_body,
    out_type=jax.ShapeDtypeStruct((2 * N, DW), jnp.float32),
    mesh=_MESH,
    compiler_params=pltpu.CompilerParams(use_tc_tiling_on_sc=False),
    scratch_types=(
        [pltpu.VMEM((TAIL,), jnp.int32),
         pltpu.VMEM((CH, DW), jnp.float32)]
        + [pltpu.VMEM((CH,), jnp.int32)] * 6
        + [pltpu.VMEM_SHARED((N, DW), jnp.float32)]
        + [pltpu.SemaphoreType.DMA] * 12
    ),
)


RING = 6
NIT3 = NCHF // RING


def _agg_body(hw, src1, dst1, z2d, out_a, out_b,
              s_flat, s_t, d_t, rows_t,
              d0, d1, d2, d3, d4, d5, r0, r1, r2, r3, r4, r5, acc,
              gs0, gs1, gs2, gs3, gs4, gs5,
              ds0, ds1, ds2, ds3, ds4, ds5,
              ss0, ss1, ss2, ss3, ss4, ss5):
    c = lax.axis_index("c")
    s = lax.axis_index("s")
    w = c * NS + s
    ebase = w * EPT
    d = (d0, d1, d2, d3, d4, d5)
    r = (r0, r1, r2, r3, r4, r5)
    gs = (gs0, gs1, gs2, gs3, gs4, gs5)
    ds = (ds0, ds1, ds2, ds3, ds4, ds5)
    ss = (ss0, ss1, ss2, ss3, ss4, ss5)

    @pl.when(s < NZT)
    def _zero():
        pltpu.sync_copy(z2d.at[pl.ds(s * RZ, RZ)], acc.at[pl.ds(s * RZ, RZ)])

    plsc.subcore_barrier()
    pltpu.sync_copy(src1.at[pl.ds(ebase, NCHF * CH)], s_flat)

    def start(j, b):
        pltpu.async_copy(dst1.at[pl.ds(ebase + j * CH, CH)], d[b], ds[b])
        pltpu.async_copy(hw.at[s_flat.at[pl.ds(j * CH, CH)]], r[b], gs[b])

    def wait_start(j, b):
        pltpu.make_async_copy(dst1.at[pl.ds(j * CH, CH)], d[b], ds[b]).wait()
        pltpu.make_async_copy(hw.at[s_flat.at[pl.ds(0, CH)]], r[b],
                              gs[b]).wait()

    def wait_scat(b):
        pltpu.make_async_copy(r[b], acc.at[d[b]], ss[b]).wait()

    for b in range(RING):
        start(b, b)

    def body(i, carry):
        for b in range(RING):
            j = RING * i + b
            wait_start(j, b)
            pltpu.async_copy(r[b], acc.at[d[b]], ss[b], add=True)

            @pl.when(j + RING < NCHF)
            def _pref():
                wait_scat(b)
                start(j + RING, b)
        return carry

    lax.fori_loop(0, NIT3, body, 0)
    for b in range(RING):
        wait_scat(b)
    pltpu.sync_copy(src1.at[pl.ds(ebase + NCHF * CH, TAIL)], s_t)
    pltpu.sync_copy(dst1.at[pl.ds(ebase + NCHF * CH, TAIL)], d_t)
    pltpu.async_copy(hw.at[s_t], rows_t, gs0).wait()
    pltpu.sync_copy(rows_t, acc.at[d_t], add=True)
    plsc.subcore_barrier()

    @pl.when((s < NZT) & (c == 0))
    def _out_a():
        pltpu.sync_copy(acc.at[pl.ds(s * RZ, RZ)],
                        out_a.at[pl.ds(s * RZ, RZ)])

    @pl.when((s < NZT) & (c == 1))
    def _out_b():
        pltpu.sync_copy(acc.at[pl.ds(s * RZ, RZ)],
                        out_b.at[pl.ds(s * RZ, RZ)])


_agg_call = pl.kernel(
    _agg_body,
    out_type=[jax.ShapeDtypeStruct((N, H), jnp.float32),
              jax.ShapeDtypeStruct((N, H), jnp.float32)],
    mesh=_MESH,
    compiler_params=pltpu.CompilerParams(use_tc_tiling_on_sc=False),
    scratch_types=[
        pltpu.VMEM((NCHF * CH,), jnp.int32),
        pltpu.VMEM((TAIL,), jnp.int32),
        pltpu.VMEM((TAIL,), jnp.int32),
        pltpu.VMEM((TAIL, H), jnp.float32),
    ]
    + [pltpu.VMEM((CH,), jnp.int32)] * 6
    + [pltpu.VMEM((CH, H), jnp.float32)] * 6
    + [pltpu.VMEM_SHARED((N, H), jnp.float32)]
    + [pltpu.SemaphoreType.DMA] * 18,
)


def _dec_body(p, q, src1, dst1, g1, g2,
              s_flat, d_flat, s_t, d_t, rp_t, rq_t,
              rp0, rp1, rp2, rp3, rp4, rp5, rq0, rq1, rq2, rq3, rq4, rq5,
              gp0, gp1, gp2, gp3, gp4, gp5, gq0, gq1, gq2, gq3, gq4, gq5,
              wp0, wp1, wp2, wp3, wp4, wp5, wq0, wq1, wq2, wq3, wq4, wq5):
    c = lax.axis_index("c")
    s = lax.axis_index("s")
    w = c * NS + s
    ebase = w * EPT
    rp = (rp0, rp1, rp2, rp3, rp4, rp5)
    rq = (rq0, rq1, rq2, rq3, rq4, rq5)
    gp = (gp0, gp1, gp2, gp3, gp4, gp5)
    gq = (gq0, gq1, gq2, gq3, gq4, gq5)
    wp = (wp0, wp1, wp2, wp3, wp4, wp5)
    wq = (wq0, wq1, wq2, wq3, wq4, wq5)
    pltpu.sync_copy(src1.at[pl.ds(ebase, NCHF * CH)], s_flat)
    pltpu.sync_copy(dst1.at[pl.ds(ebase, NCHF * CH)], d_flat)

    def start(j, b):
        pltpu.async_copy(p.at[s_flat.at[pl.ds(j * CH, CH)]], rp[b], gp[b])
        pltpu.async_copy(q.at[d_flat.at[pl.ds(j * CH, CH)]], rq[b], gq[b])

    for b in range(RING):
        start(b, b)

    def body(i, carry):
        for b in range(RING):
            j = RING * i + b
            pltpu.make_async_copy(p.at[s_flat.at[pl.ds(0, CH)]], rp[b],
                                  gp[b]).wait()
            pltpu.async_copy(rp[b], g1.at[pl.ds(ebase + j * CH, CH)], wp[b])
            pltpu.make_async_copy(q.at[d_flat.at[pl.ds(0, CH)]], rq[b],
                                  gq[b]).wait()
            pltpu.async_copy(rq[b], g2.at[pl.ds(ebase + j * CH, CH)], wq[b])

            @pl.when(j + RING < NCHF)
            def _pref():
                pltpu.make_async_copy(rp[b], g1.at[pl.ds(ebase, CH)],
                                      wp[b]).wait()
                pltpu.make_async_copy(rq[b], g2.at[pl.ds(ebase, CH)],
                                      wq[b]).wait()
                start(j + RING, b)
        return carry

    lax.fori_loop(0, NIT3, body, 0)
    for b in range(RING):
        pltpu.make_async_copy(rp[b], g1.at[pl.ds(ebase, CH)], wp[b]).wait()
        pltpu.make_async_copy(rq[b], g2.at[pl.ds(ebase, CH)], wq[b]).wait()
    pltpu.sync_copy(src1.at[pl.ds(ebase + NCHF * CH, TAIL)], s_t)
    pltpu.sync_copy(dst1.at[pl.ds(ebase + NCHF * CH, TAIL)], d_t)
    cp = pltpu.async_copy(p.at[s_t], rp_t, gp0)
    cq = pltpu.async_copy(q.at[d_t], rq_t, gq0)
    cp.wait()
    pltpu.sync_copy(rp_t, g1.at[pl.ds(ebase + NCHF * CH, TAIL)])
    cq.wait()
    pltpu.sync_copy(rq_t, g2.at[pl.ds(ebase + NCHF * CH, TAIL)])


_dec_call = pl.kernel(
    _dec_body,
    out_type=[jax.ShapeDtypeStruct((E, DEC), jnp.float32),
              jax.ShapeDtypeStruct((E, DEC), jnp.float32)],
    mesh=_MESH,
    compiler_params=pltpu.CompilerParams(use_tc_tiling_on_sc=False),
    scratch_types=(
        [pltpu.VMEM((NCHF * CH,), jnp.int32),
         pltpu.VMEM((NCHF * CH,), jnp.int32),
         pltpu.VMEM((TAIL,), jnp.int32),
         pltpu.VMEM((TAIL,), jnp.int32),
         pltpu.VMEM((TAIL, DEC), jnp.float32),
         pltpu.VMEM((TAIL, DEC), jnp.float32)]
        + [pltpu.VMEM((CH, DEC), jnp.float32)] * 12
        + [pltpu.SemaphoreType.DMA] * 24
    ),
)



def _tc1_body(x_r, w0_r, dega_r, degb_r, hws_r, dinv_r):
    deg = dega_r[...] + degb_r[...] + 1.0
    dinv = lax.rsqrt(deg)
    hw = jnp.dot(x_r[...], w0_r[...], preferred_element_type=jnp.float32)
    hws_r[...] = hw * dinv
    dinv_r[...] = dinv


def _tc1(x, w0, dega, degb):
    return pl.pallas_call(
        _tc1_body,
        grid=(N // BLK,),
        in_specs=[
            pl.BlockSpec((BLK, DIN), lambda i: (i, 0)),
            pl.BlockSpec((DIN, H), lambda i: (0, 0)),
            pl.BlockSpec((BLK, 1), lambda i: (i, 0)),
            pl.BlockSpec((BLK, 1), lambda i: (i, 0)),
        ],
        out_specs=[
            pl.BlockSpec((BLK, H), lambda i: (i, 0)),
            pl.BlockSpec((BLK, 1), lambda i: (i, 0)),
        ],
        out_shape=[
            jax.ShapeDtypeStruct((N, H), jnp.float32),
            jax.ShapeDtypeStruct((N, 1), jnp.float32),
        ],
    )(x, w0, dega, degb)


def _prologue(agg_a, agg_b, hwp, dinv, b, g, be):
    pre = dinv * (agg_a + agg_b + hwp) + b
    mu = jnp.mean(pre, axis=-1, keepdims=True)
    d = pre - mu
    var = jnp.mean(d * d, axis=-1, keepdims=True)
    hn = d * lax.rsqrt(var + 1e-5) * g + be
    return jnp.maximum(hn, 0.0)


def _tc2_body(agg_a_r, agg_b_r, hwp_r, dinv_r, w_r, b_r, g_r, be_r, out_r):
    h = _prologue(agg_a_r[...], agg_b_r[...], hwp_r[...], dinv_r[...],
                  b_r[...], g_r[...], be_r[...])
    out_r[...] = jnp.dot(h, w_r[...],
                         preferred_element_type=jnp.float32) * dinv_r[...]


def _tc2(agg_a, agg_b, hwp, dinv, w, b, g, be):
    return pl.pallas_call(
        _tc2_body,
        grid=(N // BLK,),
        in_specs=[
            pl.BlockSpec((BLK, H), lambda i: (i, 0)),
            pl.BlockSpec((BLK, H), lambda i: (i, 0)),
            pl.BlockSpec((BLK, H), lambda i: (i, 0)),
            pl.BlockSpec((BLK, 1), lambda i: (i, 0)),
            pl.BlockSpec((H, H), lambda i: (0, 0)),
            pl.BlockSpec((1, H), lambda i: (0, 0)),
            pl.BlockSpec((1, H), lambda i: (0, 0)),
            pl.BlockSpec((1, H), lambda i: (0, 0)),
        ],
        out_specs=pl.BlockSpec((BLK, H), lambda i: (i, 0)),
        out_shape=jax.ShapeDtypeStruct((N, H), jnp.float32),
    )(agg_a, agg_b, hwp, dinv, w, b, g, be)


def _tc3_body(agg_a_r, agg_b_r, hwp_r, dinv_r, w1a_r, w1b_r, b_r, g_r, be_r,
              p_r, q_r):
    h = _prologue(agg_a_r[...], agg_b_r[...], hwp_r[...], dinv_r[...],
                  b_r[...], g_r[...], be_r[...])
    p = jnp.dot(h, w1a_r[...], preferred_element_type=jnp.float32)
    q = jnp.dot(h, w1b_r[...], preferred_element_type=jnp.float32)
    p_r[...] = p
    q_r[...] = q


BLK3 = 2048


def _tc3(agg_a, agg_b, hwp, dinv, w1a, w1b, b, g, be):
    return pl.pallas_call(
        _tc3_body,
        grid=(pl.cdiv(N, BLK3),),
        in_specs=[
            pl.BlockSpec((BLK3, H), lambda i: (i, 0)),
            pl.BlockSpec((BLK3, H), lambda i: (i, 0)),
            pl.BlockSpec((BLK3, H), lambda i: (i, 0)),
            pl.BlockSpec((BLK3, 1), lambda i: (i, 0)),
            pl.BlockSpec((H, DEC), lambda i: (0, 0)),
            pl.BlockSpec((H, DEC), lambda i: (0, 0)),
            pl.BlockSpec((1, H), lambda i: (0, 0)),
            pl.BlockSpec((1, H), lambda i: (0, 0)),
            pl.BlockSpec((1, H), lambda i: (0, 0)),
        ],
        out_specs=[
            pl.BlockSpec((BLK3, DEC), lambda i: (i, 0)),
            pl.BlockSpec((BLK3, DEC), lambda i: (i, 0)),
        ],
        out_shape=[
            jax.ShapeDtypeStruct((N, DEC), jnp.float32),
            jax.ShapeDtypeStruct((N, DEC), jnp.float32),
        ],
    )(agg_a, agg_b, hwp, dinv, w1a, w1b, b, g, be)


E4 = E // 4
BL4 = BLE


def _tc4_body(g1_r, g2_r, ea_r, w1c_r, db1_r, w2_r, db2_r, w3_r, db3_r,
              out_r):
    r = jnp.dot(ea_r[...], w1c_r[...], preferred_element_type=jnp.float32)
    z = jnp.maximum(g1_r[...] + g2_r[...] + r + db1_r[...], 0.0)
    z2 = jnp.maximum(
        jnp.dot(z, w2_r[...], preferred_element_type=jnp.float32) + db2_r[...],
        0.0)
    out_r[...] = jnp.dot(z2, w3_r[...],
                         preferred_element_type=jnp.float32) + db3_r[...]


def _tc4(g1_4, g2_4, ea4, w1c4, db1_4, w2_4, db2_4, w3_4, db3_4):
    return pl.pallas_call(
        _tc4_body,
        grid=(E4 // BL4,),
        in_specs=[
            pl.BlockSpec((BL4, 128), lambda i: (i, 0)),
            pl.BlockSpec((BL4, 128), lambda i: (i, 0)),
            pl.BlockSpec((BL4, 4 * DE), lambda i: (i, 0)),
            pl.BlockSpec((4 * DE, 128), lambda i: (0, 0)),
            pl.BlockSpec((1, 128), lambda i: (0, 0)),
            pl.BlockSpec((128, 64), lambda i: (0, 0)),
            pl.BlockSpec((1, 64), lambda i: (0, 0)),
            pl.BlockSpec((64, 4), lambda i: (0, 0)),
            pl.BlockSpec((1, 4), lambda i: (0, 0)),
        ],
        out_specs=pl.BlockSpec((BL4, 4), lambda i: (i, 0)),
        out_shape=jax.ShapeDtypeStruct((E4, 4), jnp.float32),
    )(g1_4, g2_4, ea4, w1c4, db1_4, w2_4, db2_4, w3_4, db3_4)



def kernel(x, edge_index, edge_attr, W0, b0, W1, b1, W2, b2,
           g0, be0, g1, be1, g2, be2,
           dW1, db1, dW2, db2, dW3, db3):
    f32 = jnp.float32
    src = edge_index[0].astype(jnp.int32)
    dst = edge_index[1].astype(jnp.int32)
    ea4 = edge_attr.reshape(E4, 4 * DE)
    zn = jnp.zeros((N, DW), f32)
    z2d = jnp.zeros((N, H), f32)
    ones_h = jnp.ones((CH, DW), f32)

    deg2 = _deg_call(dst, zn, ones_h)
    dega = deg2[:N, :1]
    degb = deg2[N:, :1]

    hws0, dinv = _tc1(x, W0, dega, degb)

    agg_a, agg_b = _agg_call(hws0, src, dst, z2d)
    hws1 = _tc2(agg_a, agg_b, hws0, dinv, W1,
                b0.reshape(1, H), g0.reshape(1, H), be0.reshape(1, H))

    agg_a, agg_b = _agg_call(hws1, src, dst, z2d)
    agg_a, agg_b, ea4 = lax.optimization_barrier((agg_a, agg_b, ea4))
    hws2 = _tc2(agg_a, agg_b, hws1, dinv, W2,
                b1.reshape(1, H), g1.reshape(1, H), be1.reshape(1, H))

    agg_a, agg_b = _agg_call(hws2, src, dst, z2d)
    p, q = _tc3(agg_a, agg_b, hws2, dinv, dW1[:H], dW1[H:2 * H],
                b2.reshape(1, H), g2.reshape(1, H), be2.reshape(1, H))

    g1e, g2e = _dec_call(p, q, src, dst)

    def bd4(w):
        din, dout = w.shape
        z = jnp.zeros((din, dout), f32)
        return jnp.concatenate([
            jnp.concatenate([w if i == j else z for j in range(4)], axis=1)
            for i in range(4)], axis=0)

    w1c4 = bd4(dW1[2 * H:])
    w2_4 = bd4(dW2)
    w3_4 = bd4(dW3)
    out4 = _tc4(g1e.reshape(E4, 128), g2e.reshape(E4, 128),
                ea4, w1c4,
                jnp.tile(db1, 4).reshape(1, 128),
                w2_4, jnp.tile(db2, 4).reshape(1, 64),
                w3_4, jnp.tile(db3, 4).reshape(1, 4))
    return out4.reshape(E)

# --- scband reference (transcript-rebuilt; emitter-appended) ---
"""Pipeline reference for scband-trade-flow-gcn-32289564131493 (READ-ONLY COPY).

The authoritative reference and input builder live on the scoring server;
editing this copy changes nothing except your own understanding.
"""

import jax, jax.numpy as jnp
import numpy as np

N = 10000
E = 320000
DIN = 128
H = 64
DE = 16
DEC = 32


def setup_inputs(seed: int = 0) -> dict:
    key = jax.random.key(seed)
    ks = jax.random.split(key, 24)
    inp = {}
    inp["x"] = jax.random.normal(ks[0], (N, DIN), dtype=jnp.float32)
    inp["edge_index"] = jax.random.randint(ks[1], (2, E), 0, N, dtype=jnp.int32).astype(jnp.int64)
    inp["edge_attr"] = jax.random.normal(ks[2], (E, DE), dtype=jnp.float32)
    # GCN conv weights (stored as (in, out))
    inp["W0"] = jax.random.normal(ks[3], (DIN, H), dtype=jnp.float32) / np.sqrt(DIN)
    inp["b0"] = jnp.zeros((H,), dtype=jnp.float32)
    inp["W1"] = jax.random.normal(ks[4], (H, H), dtype=jnp.float32) / np.sqrt(H)
    inp["b1"] = jnp.zeros((H,), dtype=jnp.float32)
    inp["W2"] = jax.random.normal(ks[5], (H, H), dtype=jnp.float32) / np.sqrt(H)
    inp["b2"] = jnp.zeros((H,), dtype=jnp.float32)
    # LayerNorm params
    inp["g0"] = jnp.ones((H,), dtype=jnp.float32)
    inp["be0"] = jnp.zeros((H,), dtype=jnp.float32)
    inp["g1"] = jnp.ones((H,), dtype=jnp.float32)
    inp["be1"] = jnp.zeros((H,), dtype=jnp.float32)
    inp["g2"] = jnp.ones((H,), dtype=jnp.float32)
    inp["be2"] = jnp.zeros((H,), dtype=jnp.float32)
    # Edge decoder MLP: (2*H + DE) -> DEC -> DEC//2 -> 1
    din_dec = 2 * H + DE
    inp["dW1"] = jax.random.normal(ks[6], (din_dec, DEC), dtype=jnp.float32) / np.sqrt(din_dec)
    inp["db1"] = jnp.zeros((DEC,), dtype=jnp.float32)
    inp["dW2"] = jax.random.normal(ks[7], (DEC, DEC // 2), dtype=jnp.float32) / np.sqrt(DEC)
    inp["db2"] = jnp.zeros((DEC // 2,), dtype=jnp.float32)
    inp["dW3"] = jax.random.normal(ks[8], (DEC // 2, 1), dtype=jnp.float32) / np.sqrt(DEC // 2)
    inp["db3"] = jnp.zeros((1,), dtype=jnp.float32)
    return inp


def reference(x, edge_index, edge_attr, W0, b0, W1, b1, W2, b2,
              g0, be0, g1, be1, g2, be2,
              dW1, db1, dW2, db2, dW3, db3):
    n = x.shape[0]
    src = edge_index[0]
    dst = edge_index[1]
    loop = jnp.arange(n, dtype=src.dtype)
    src2 = jnp.concatenate([src, loop])
    dst2 = jnp.concatenate([dst, loop])
    deg = jax.ops.segment_sum(jnp.ones_like(dst2, dtype=x.dtype), dst2, num_segments=n)
    dinv = jnp.where(deg > 0, 1.0 / jnp.sqrt(deg), 0.0)
    norm = dinv[src2] * dinv[dst2]

    def gcn_conv(h, W, b):
        hw = h @ W
        msg = hw[src2] * norm[:, None]
        agg = jax.ops.segment_sum(msg, dst2, num_segments=n)
        return agg + b

    def layer_norm(h, g, b):
        mu = h.mean(axis=-1, keepdims=True)
        var = ((h - mu) ** 2).mean(axis=-1, keepdims=True)
        return (h - mu) / jnp.sqrt(var + 1e-5) * g + b

    # encode (dropout inactive at inference)
    h = jax.nn.relu(layer_norm(gcn_conv(x, W0, b0), g0, be0))
    h = jax.nn.relu(layer_norm(gcn_conv(h, W1, b1), g1, be1))
    h = jax.nn.relu(layer_norm(gcn_conv(h, W2, b2), g2, be2))

    # edge decoder
    z = jnp.concatenate([h[src], h[dst], edge_attr], axis=-1)
    z = jax.nn.relu(z @ dW1 + db1)
    z = jax.nn.relu(z @ dW2 + db2)
    out = z @ dW3 + db3
    return out.squeeze(-1)

if __name__ == "__main__":
    import jax
    _d = setup_inputs()
    print(jax.jit(kernel)(*tuple(_d.values())))

</pallas_src>

<mosaic_0001>
#map = affine_map<(d0, d1) -> (0, 0)>
#map1 = affine_map<(d0, d1) -> (0)>
module attributes {stable_mosaic.version = 14 : i64} {
  func.func @_agg_body(%arg0: i32, %arg1: i32, %arg2: memref<10000x64xf32, #tpu.memory_space<hbm>>, %arg3: memref<320000xi32, #tpu.memory_space<hbm>>, %arg4: memref<320000xi32, #tpu.memory_space<hbm>>, %arg5: memref<10000x64xf32, #tpu.memory_space<hbm>>, %arg6: memref<10000x64xf32, #tpu.memory_space<hbm>>, %arg7: memref<10000x64xf32, #tpu.memory_space<hbm>>, %arg8: memref<9984xi32, #tpu.memory_space<vmem>>, %arg9: memref<16xi32, #tpu.memory_space<vmem>>, %arg10: memref<16xi32, #tpu.memory_space<vmem>>, %arg11: memref<16x64xf32, #tpu.memory_space<vmem>>, %arg12: memref<128xi32, #tpu.memory_space<vmem>>, %arg13: memref<128xi32, #tpu.memory_space<vmem>>, %arg14: memref<128xi32, #tpu.memory_space<vmem>>, %arg15: memref<128xi32, #tpu.memory_space<vmem>>, %arg16: memref<128xi32, #tpu.memory_space<vmem>>, %arg17: memref<128xi32, #tpu.memory_space<vmem>>, %arg18: memref<128x64xf32, #tpu.memory_space<vmem>>, %arg19: memref<128x64xf32, #tpu.memory_space<vmem>>, %arg20: memref<128x64xf32, #tpu.memory_space<vmem>>, %arg21: memref<128x64xf32, #tpu.memory_space<vmem>>, %arg22: memref<128x64xf32, #tpu.memory_space<vmem>>, %arg23: memref<128x64xf32, #tpu.memory_space<vmem>>, %arg24: memref<10000x64xf32, #tpu.memory_space<vmem_shared>>, %arg25: memref<!tpu.dma_semaphore, #tpu.memory_space<semaphore_mem>>, %arg26: memref<!tpu.dma_semaphore, #tpu.memory_space<semaphore_mem>>, %arg27: memref<!tpu.dma_semaphore, #tpu.memory_space<semaphore_mem>>, %arg28: memref<!tpu.dma_semaphore, #tpu.memory_space<semaphore_mem>>, %arg29: memref<!tpu.dma_semaphore, #tpu.memory_space<semaphore_mem>>, %arg30: memref<!tpu.dma_semaphore, #tpu.memory_space<semaphore_mem>>, %arg31: memref<!tpu.dma_semaphore, #tpu.memory_space<semaphore_mem>>, %arg32: memref<!tpu.dma_semaphore, #tpu.memory_space<semaphore_mem>>, %arg33: memref<!tpu.dma_semaphore, #tpu.memory_space<semaphore_mem>>, %arg34: memref<!tpu.dma_semaphore, #tpu.memory_space<semaphore_mem>>, %arg35: memref<!tpu.dma_semaphore, #tpu.memory_space<semaphore_mem>>, %arg36: memref<!tpu.dma_semaphore, #tpu.memory_space<semaphore_mem>>, %arg37: memref<!tpu.dma_semaphore, #tpu.memory_space<semaphore_mem>>, %arg38: memref<!tpu.dma_semaphore, #tpu.memory_space<semaphore_mem>>, %arg39: memref<!tpu.dma_semaphore, #tpu.memory_space<semaphore_mem>>, %arg40: memref<!tpu.dma_semaphore, #tpu.memory_space<semaphore_mem>>, %arg41: memref<!tpu.dma_semaphore, #tpu.memory_space<semaphore_mem>>, %arg42: memref<!tpu.dma_semaphore, #tpu.memory_space<semaphore_mem>>) attributes {dimension_semantics = [#tpu.dimension_semantics<core_parallel>, #tpu.dimension_semantics<subcore_parallel>], iteration_bounds = array<i64: 2, 16>, scalar_prefetch = 0 : i64, scratch_operands = 35 : i64, tpu.core_type = #tpu.core_type<sc_vector_subcore>, window_params = [{transform_indices = #map}, {transform_indices = #map1}, {transform_indices = #map1}, {transform_indices = #map}, {transform_indices = #map}, {transform_indices = #map}]} {
    %mul3A = arith.constant 16 : i32
    %mul3A_0 = arith.muli %arg0, %mul3A : i32
    %add3A = arith.addi %mul3A_0, %arg1 : i32
    %mul3A_1 = arith.constant 10000 : i32
    %mul3A_2 = arith.muli %add3A, %mul3A_1 : i32
    %lt3A = arith.constant 10 : i32
    %lt3A_3 = arith.cmpi slt, %arg1, %lt3A : i32
    %convert_element_type3A = arith.extui %lt3A_3 : i1 to i32
    %cond3A = arith.constant 0 : i32
    %cond3A_4 = arith.cmpi ne, %convert_element_type3A, %cond3A : i32
    scf.if %cond3A_4 {
      %mul3A_105 = arith.constant 1000 : i32
      %mul3A_106 = arith.muli %arg1, %mul3A_105 : i32
      %mul3A_107 = arith.constant 1000 : i32
      %mul3A_108 = arith.muli %arg1, %mul3A_107 : i32
      "tpu.region"() ({
        %run_scoped3A = tpu.sem_alloc : memref<!tpu.dma_semaphore, #tpu.memory_space<semaphore_mem>>
        %dma_start3A_109 = arith.constant 0 : i32
        %dma_start3A_110 = tpu.memref_slice %arg24[%mul3A_108, %dma_start3A_109] : memref<10000x64xf32, #tpu.memory_space<vmem_shared>> -> memref<1000x64xf32, #tpu.memory_space<vmem_shared>>
        %dma_start3A_111 = arith.constant 0 : i32
        %dma_start3A_112 = tpu.memref_slice %arg5[%mul3A_106, %dma_start3A_111] : memref<10000x64xf32, #tpu.memory_space<hbm>> -> memref<1000x64xf32, #tpu.memory_space<hbm>>
        tpu.enqueue_dma source(%dma_start3A_112 : memref<1000x64xf32, #tpu.memory_space<hbm>>) target(%dma_start3A_110 : memref<1000x64xf32, #tpu.memory_space<vmem_shared>>) target_semaphore(%run_scoped3A : memref<!tpu.dma_semaphore, #tpu.memory_space<semaphore_mem>>)
        %dma_wait3A_113 = arith.constant 0 : i32
        %dma_wait3A_114 = tpu.memref_slice %arg24[%mul3A_108, %dma_wait3A_113] : memref<10000x64xf32, #tpu.memory_space<vmem_shared>> -> memref<1000x64xf32, #tpu.memory_space<vmem_shared>>
        %dma_wait3A_115 = arith.constant 0 : i32
        %dma_wait3A_116 = tpu.memref_slice %arg5[%mul3A_106, %dma_wait3A_115] : memref<10000x64xf32, #tpu.memory_space<hbm>> -> memref<1000x64xf32, #tpu.memory_space<hbm>>
        tpu.wait_dma2 semaphore(%run_scoped3A : memref<!tpu.dma_semaphore, #tpu.memory_space<semaphore_mem>>) src(%dma_wait3A_116 : memref<1000x64xf32, #tpu.memory_space<hbm>>) dst(%dma_wait3A_114 : memref<1000x64xf32, #tpu.memory_space<vmem_shared>>)
        tpu.yield
      }) : () -> ()
    } else {
    }
    %barrier3A = arith.constant 0 : index
    tpu.barrier barrier_id(%barrier3A)
    "tpu.region"() ({
      %run_scoped3A = tpu.sem_alloc : memref<!tpu.dma_semaphore, #tpu.memory_space<semaphore_mem>>
      %dma_start3A_105 = tpu.memref_slice %arg3[%mul3A_2] : memref<320000xi32, #tpu.memory_space<hbm>> -> memref<9984xi32, #tpu.memory_space<hbm>>
      %dma_start3A_106 = tpu.memref_slice %arg3[%mul3A_2] : memref<320000xi32, #tpu.memory_space<hbm>> -> memref<9984xi32, #tpu.memory_space<hbm>>
      tpu.enqueue_dma source(%dma_start3A_106 : memref<9984xi32, #tpu.memory_space<hbm>>) target(%arg8 : memref<9984xi32, #tpu.memory_space<vmem>>) target_semaphore(%run_scoped3A : memref<!tpu.dma_semaphore, #tpu.memory_space<semaphore_mem>>)
      %dma_wait3A_107 = tpu.memref_slice %arg3[%mul3A_2] : memref<320000xi32, #tpu.memory_space<hbm>> -> memref<9984xi32, #tpu.memory_space<hbm>>
      %dma_wait3A_108 = tpu.memref_slice %arg3[%mul3A_2] : memref<320000xi32, #tpu.memory_space<hbm>> -> memref<9984xi32, #tpu.memory_space<hbm>>
      tpu.wait_dma2 semaphore(%run_scoped3A : memref<!tpu.dma_semaphore, #tpu.memory_space<semaphore_mem>>) src(%dma_wait3A_108 : memref<9984xi32, #tpu.memory_space<hbm>>) dst(%arg8 : memref<9984xi32, #tpu.memory_space<vmem>>)
      tpu.yield
    }) : () -> ()
    %add3A_5 = arith.constant 0 : i32
    %add3A_6 = arith.addi %mul3A_2, %add3A_5 : i32
    %dma_start3A = tpu.memref_slice %arg4[%add3A_6] : memref<320000xi32, #tpu.memory_space<hbm>> -> memref<128xi32, #tpu.memory_space<hbm>>
    %dma_start3A_7 = tpu.memref_slice %arg4[%add3A_6] : memref<320000xi32, #tpu.memory_space<hbm>> -> memref<128xi32, #tpu.memory_space<hbm>>
    tpu.enqueue_dma source(%dma_start3A_7 : memref<128xi32, #tpu.memory_space<hbm>>) target(%arg12 : memref<128xi32, #tpu.memory_space<vmem>>) target_semaphore(%arg31 : memref<!tpu.dma_semaphore, #tpu.memory_space<semaphore_mem>>)
    %dma_start3A_8 = arith.constant 0 : i32
    %dma_start3A_9 = tpu.memref_slice %arg8[%dma_start3A_8] : memref<9984xi32, #tpu.memory_space<vmem>> -> memref<128xi32, #tpu.memory_space<vmem>>
    %dma_start3A_10 = arith.constant 0 : i32
    %dma_start3A_11 = arith.constant 0 : i32
    %dma_start3A_12 = tpu.memref_slice %arg2[%dma_start3A_10, %dma_start3A_11] : memref<10000x64xf32, #tpu.memory_space<hbm>> -> memref<10000x64xf32, #tpu.memory_space<hbm>>
    tpu.enqueue_indirect_dma source(%dma_start3A_12 : memref<10000x64xf32, #tpu.memory_space<hbm>>) target(%arg18 : memref<128x64xf32, #tpu.memory_space<vmem>>) offsets(%dma_start3A_9 : memref<128xi32, #tpu.memory_space<vmem>>) semaphore(%arg25 : memref<!tpu.dma_semaphore, #tpu.memory_space<semaphore_mem>>)
    %add3A_13 = arith.constant 128 : i32
    %add3A_14 = arith.addi %mul3A_2, %add3A_13 : i32
    %dma_start3A_15 = tpu.memref_slice %arg4[%add3A_14] : memref<320000xi32, #tpu.memory_space<hbm>> -> memref<128xi32, #tpu.memory_space<hbm>>
    %dma_start3A_16 = tpu.memref_slice %arg4[%add3A_14] : memref<320000xi32, #tpu.memory_space<hbm>> -> memref<128xi32, #tpu.memory_space<hbm>>
    tpu.enqueue_dma source(%dma_start3A_16 : memref<128xi32, #tpu.memory_space<hbm>>) target(%arg13 : memref<128xi32, #tpu.memory_space<vmem>>) target_semaphore(%arg32 : memref<!tpu.dma_semaphore, #tpu.memory_space<semaphore_mem>>)
    %dma_start3A_17 = arith.constant 128 : i32
    %dma_start3A_18 = tpu.memref_slice %arg8[%dma_start3A_17] : memref<9984xi32, #tpu.memory_space<vmem>> -> memref<128xi32, #tpu.memory_space<vmem>>
    %dma_start3A_19 = arith.constant 0 : i32
    %dma_start3A_20 = arith.constant 0 : i32
    %dma_start3A_21 = tpu.memref_slice %arg2[%dma_start3A_19, %dma_start3A_20] : memref<10000x64xf32, #tpu.memory_space<hbm>> -> memref<10000x64xf32, #tpu.memory_space<hbm>>
    tpu.enqueue_indirect_dma source(%dma_start3A_21 : memref<10000x64xf32, #tpu.memory_space<hbm>>) target(%arg19 : memref<128x64xf32, #tpu.memory_space<vmem>>) offsets(%dma_start3A_18 : memref<128xi32, #tpu.memory_space<vmem>>) semaphore(%arg26 : memref<!tpu.dma_semaphore, #tpu.memory_space<semaphore_mem>>)
    %add3A_22 = arith.constant 256 : i32
    %add3A_23 = arith.addi %mul3A_2, %add3A_22 : i32
    %dma_start3A_24 = tpu.memref_slice %arg4[%add3A_23] : memref<320000xi32, #tpu.memory_space<hbm>> -> memref<128xi32, #tpu.memory_space<hbm>>
    %dma_start3A_25 = tpu.memref_slice %arg4[%add3A_23] : memref<320000xi32, #tpu.memory_space<hbm>> -> memref<128xi32, #tpu.memory_space<hbm>>
    tpu.enqueue_dma source(%dma_start3A_25 : memref<128xi32, #tpu.memory_space<hbm>>) target(%arg14 : memref<128xi32, #tpu.memory_space<vmem>>) target_semaphore(%arg33 : memref<!tpu.dma_semaphore, #tpu.memory_space<semaphore_mem>>)
    %dma_start3A_26 = arith.constant 256 : i32
    %dma_start3A_27 = tpu.memref_slice %arg8[%dma_start3A_26] : memref<9984xi32, #tpu.memory_space<vmem>> -> memref<128xi32, #tpu.memory_space<vmem>>
    %dma_start3A_28 = arith.constant 0 : i32
    %dma_start3A_29 = arith.constant 0 : i32
    %dma_start3A_30 = tpu.memref_slice %arg2[%dma_start3A_28, %dma_start3A_29] : memref<10000x64xf32, #tpu.memory_space<hbm>> -> memref<10000x64xf32, #tpu.memory_space<hbm>>
    tpu.enqueue_indirect_dma source(%dma_start3A_30 : memref<10000x64xf32, #tpu.memory_space<hbm>>) target(%arg20 : memref<128x64xf32, #tpu.memory_space<vmem>>) offsets(%dma_start3A_27 : memref<128xi32, #tpu.memory_space<vmem>>) semaphore(%arg27 : memref<!tpu.dma_semaphore, #tpu.memory_space<semaphore_mem>>)
    %add3A_31 = arith.constant 384 : i32
    %add3A_32 = arith.addi %mul3A_2, %add3A_31 : i32
    %dma_start3A_33 = tpu.memref_slice %arg4[%add3A_32] : memref<320000xi32, #tpu.memory_space<hbm>> -> memref<128xi32, #tpu.memory_space<hbm>>
    %dma_start3A_34 = tpu.memref_slice %arg4[%add3A_32] : memref<320000xi32, #tpu.memory_space<hbm>> -> memref<128xi32, #tpu.memory_space<hbm>>
    tpu.enqueue_dma source(%dma_start3A_34 : memref<128xi32, #tpu.memory_space<hbm>>) target(%arg15 : memref<128xi32, #tpu.memory_space<vmem>>) target_semaphore(%arg34 : memref<!tpu.dma_semaphore, #tpu.memory_space<semaphore_mem>>)
    %dma_start3A_35 = arith.constant 384 : i32
    %dma_start3A_36 = tpu.memref_slice %arg8[%dma_start3A_35] : memref<9984xi32, #tpu.memory_space<vmem>> -> memref<128xi32, #tpu.memory_space<vmem>>
    %dma_start3A_37 = arith.constant 0 : i32
    %dma_start3A_38 = arith.constant 0 : i32
    %dma_start3A_39 = tpu.memref_slice %arg2[%dma_start3A_37, %dma_start3A_38] : memref<10000x64xf32, #tpu.memory_space<hbm>> -> memref<10000x64xf32, #tpu.memory_space<hbm>>
    tpu.enqueue_indirect_dma source(%dma_start3A_39 : memref<10000x64xf32, #tpu.memory_space<hbm>>) target(%arg21 : memref<128x64xf32, #tpu.memory_space<vmem>>) offsets(%dma_start3A_36 : memref<128xi32, #tpu.memory_space<vmem>>) semaphore(%arg28 : memref<!tpu.dma_semaphore, #tpu.memory_space<semaphore_mem>>)
    %add3A_40 = arith.constant 512 : i32
    %add3A_41 = arith.addi %mul3A_2, %add3A_40 : i32
    %dma_start3A_42 = tpu.memref_slice %arg4[%add3A_41] : memref<320000xi32, #tpu.memory_space<hbm>> -> memref<128xi32, #tpu.memory_space<hbm>>
    %dma_start3A_43 = tpu.memref_slice %arg4[%add3A_41] : memref<320000xi32, #tpu.memory_space<hbm>> -> memref<128xi32, #tpu.memory_space<hbm>>
    tpu.enqueue_dma source(%dma_start3A_43 : memref<128xi32, #tpu.memory_space<hbm>>) target(%arg16 : memref<128xi32, #tpu.memory_space<vmem>>) target_semaphore(%arg35 : memref<!tpu.dma_semaphore, #tpu.memory_space<semaphore_mem>>)
    %dma_start3A_44 = arith.constant 512 : i32
    %dma_start3A_45 = tpu.memref_slice %arg8[%dma_start3A_44] : memref<9984xi32, #tpu.memory_space<vmem>> -> memref<128xi32, #tpu.memory_space<vmem>>
    %dma_start3A_46 = arith.constant 0 : i32
    %dma_start3A_47 = arith.constant 0 : i32
    %dma_start3A_48 = tpu.memref_slice %arg2[%dma_start3A_46, %dma_start3A_47] : memref<10000x64xf32, #tpu.memory_space<hbm>> -> memref<10000x64xf32, #tpu.memory_space<hbm>>
    tpu.enqueue_indirect_dma source(%dma_start3A_48 : memref<10000x64xf32, #tpu.memory_space<hbm>>) target(%arg22 : memref<128x64xf32, #tpu.memory_space<vmem>>) offsets(%dma_start3A_45 : memref<128xi32, #tpu.memory_space<vmem>>) semaphore(%arg29 : memref<!tpu.dma_semaphore, #tpu.memory_space<semaphore_mem>>)
    %add3A_49 = arith.constant 640 : i32
    %add3A_50 = arith.addi %mul3A_2, %add3A_49 : i32
    %dma_start3A_51 = tpu.memref_slice %arg4[%add3A_50] : memref<320000xi32, #tpu.memory_space<hbm>> -> memref<128xi32, #tpu.memory_space<hbm>>
    %dma_start3A_52 = tpu.memref_slice %arg4[%add3A_50] : memref<320000xi32, #tpu.memory_space<hbm>> -> memref<128xi32, #tpu.memory_space<hbm>>
    tpu.enqueue_dma source(%dma_start3A_52 : memref<128xi32, #tpu.memory_space<hbm>>) target(%arg17 : memref<128xi32, #tpu.memory_space<vmem>>) target_semaphore(%arg36 : memref<!tpu.dma_semaphore, #tpu.memory_space<semaphore_mem>>)
    %dma_start3A_53 = arith.constant 640 : i32
    %dma_start3A_54 = tpu.memref_slice %arg8[%dma_start3A_53] : memref<9984xi32, #tpu.memory_space<vmem>> -> memref<128xi32, #tpu.memory_space<vmem>>
    %dma_start3A_55 = arith.constant 0 : i32
    %dma_start3A_56 = arith.constant 0 : i32
    %dma_start3A_57 = tpu.memref_slice %arg2[%dma_start3A_55, %dma_start3A_56] : memref<10000x64xf32, #tpu.memory_space<hbm>> -> memref<10000x64xf32, #tpu.memory_space<hbm>>
    tpu.enqueue_indirect_dma source(%dma_start3A_57 : memref<10000x64xf32, #tpu.memory_space<hbm>>) target(%arg23 : memref<128x64xf32, #tpu.memory_space<vmem>>) offsets(%dma_start3A_54 : memref<128xi32, #tpu.memory_space<vmem>>) semaphore(%arg30 : memref<!tpu.dma_semaphore, #tpu.memory_space<semaphore_mem>>)
    %scan3A = arith.constant 0 : i32
    %scan3A_58 = arith.constant 0 : i32
    %scan3A_59 = arith.constant 13 : i32
    %scan3A_60 = arith.addi %scan3A_58, %scan3A_59 : i32
    %scan3A_61 = arith.constant 1 : i32
    scf.for %scan3A_105 = %scan3A_58 to %scan3A_60 step %scan3A_61  : i32 {
      %mul3A_106 = arith.constant 6 : i32
      %mul3A_107 = arith.muli %mul3A_106, %scan3A_105 : i32
      %add3A_108 = arith.constant 0 : i32
      %add3A_109 = arith.addi %mul3A_107, %add3A_108 : i32
      %mul3A_110 = arith.constant 128 : i32
      %mul3A_111 = arith.muli %add3A_109, %mul3A_110 : i32
      %dma_wait3A_112 = tpu.memref_slice %arg4[%mul3A_111] : memref<320000xi32, #tpu.memory_space<hbm>> -> memref<128xi32, #tpu.memory_space<hbm>>
      %dma_wait3A_113 = tpu.memref_slice %arg4[%mul3A_111] : memref<320000xi32, #tpu.memory_space<hbm>> -> memref<128xi32, #tpu.memory_space<hbm>>
      tpu.wait_dma2 semaphore(%arg31 : memref<!tpu.dma_semaphore, #tpu.memory_space<semaphore_mem>>) src(%dma_wait3A_113 : memref<128xi32, #tpu.memory_space<hbm>>) dst(%arg12 : memref<128xi32, #tpu.memory_space<vmem>>)
      %dma_wait3A_114 = arith.constant 0 : i32
      %dma_wait3A_115 = tpu.memref_slice %arg8[%dma_wait3A_114] : memref<9984xi32, #tpu.memory_space<vmem>> -> memref<128xi32, #tpu.memory_space<vmem>>
      %dma_wait3A_116 = arith.constant 0 : i32
      %dma_wait3A_117 = arith.constant 0 : i32
      %dma_wait3A_118 = tpu.memref_slice %arg2[%dma_wait3A_116, %dma_wait3A_117] : memref<10000x64xf32, #tpu.memory_space<hbm>> -> memref<10000x64xf32, #tpu.memory_space<hbm>>
      tpu.wait_indirect_dma semaphore(%arg25 : memref<!tpu.dma_semaphore, #tpu.memory_space<semaphore_mem>>) src(%dma_wait3A_118 : memref<10000x64xf32, #tpu.memory_space<hbm>>) dst(%arg18 : memref<128x64xf32, #tpu.memory_space<vmem>>)
      %dma_start3A_119 = arith.constant 0 : i32
      %dma_start3A_120 = arith.constant 0 : i32
      %dma_start3A_121 = tpu.memref_slice %arg24[%dma_start3A_119, %dma_start3A_120] : memref<10000x64xf32, #tpu.memory_space<vmem_shared>> -> memref<10000x64xf32, #tpu.memory_space<vmem_shared>>
      tpu.enqueue_indirect_dma source(%arg18 : memref<128x64xf32, #tpu.memory_space<vmem>>) target(%dma_start3A_121 : memref<10000x64xf32, #tpu.memory_space<vmem_shared>>) offsets(%arg12 : memref<128xi32, #tpu.memory_space<vmem>>) semaphore(%arg37 : memref<!tpu.dma_semaphore, #tpu.memory_space<semaphore_mem>>) {add = true}
      %add3A_122 = arith.constant 6 : i32
      %add3A_123 = arith.addi %add3A_109, %add3A_122 : i32
      %lt3A_124 = arith.constant 78 : i32
      %lt3A_125 = arith.cmpi slt, %add3A_123, %lt3A_124 : i32
      %convert_element_type3A_126 = arith.extui %lt3A_125 : i1 to i32
      %cond3A_127 = arith.constant 0 : i32
      %cond3A_128 = arith.cmpi ne, %convert_element_type3A_126, %cond3A_127 : i32
      scf.if %cond3A_128 {
        %dma_wait3A_244 = arith.constant 0 : i32
        %dma_wait3A_245 = arith.constant 0 : i32
        %dma_wait3A_246 = tpu.memref_slice %arg24[%dma_wait3A_244, %dma_wait3A_245] : memref<10000x64xf32, #tpu.memory_space<vmem_shared>> -> memref<10000x64xf32, #tpu.memory_space<vmem_shared>>
        tpu.wait_indirect_dma semaphore(%arg37 : memref<!tpu.dma_semaphore, #tpu.memory_space<semaphore_mem>>) src(%arg18 : memref<128x64xf32, #tpu.memory_space<vmem>>) dst(%dma_wait3A_246 : memref<10000x64xf32, #tpu.memory_space<vmem_shared>>)
        %add3A_247 = arith.constant 6 : i32
        %add3A_248 = arith.addi %add3A_109, %add3A_247 : i32
        %mul3A_249 = arith.constant 128 : i32
        %mul3A_250 = arith.muli %add3A_248, %mul3A_249 : i32
        %add3A_251 = arith.addi %mul3A_2, %mul3A_250 : i32
        %dma_start3A_252 = tpu.memref_slice %arg4[%add3A_251] : memref<320000xi32, #tpu.memory_space<hbm>> -> memref<128xi32, #tpu.memory_space<hbm>>
        %dma_start3A_253 = tpu.memref_slice %arg4[%add3A_251] : memref<320000xi32, #tpu.memory_space<hbm>> -> memref<128xi32, #tpu.memory_space<hbm>>
        tpu.enqueue_dma source(%dma_start3A_253 : memref<128xi32, #tpu.memory_space<hbm>>) target(%arg12 : memref<128xi32, #tpu.memory_space<vmem>>) target_semaphore(%arg31 : memref<!tpu.dma_semaphore, #tpu.memory_space<semaphore_mem>>)
        %mul3A_254 = arith.constant 128 : i32
        %mul3A_255 = arith.muli %add3A_248, %mul3A_254 : i32
        %dma_start3A_256 = tpu.memref_slice %arg8[%mul3A_255] : memref<9984xi32, #tpu.memory_space<vmem>> -> memref<128xi32, #tpu.memory_space<vmem>>
        %dma_start3A_257 = arith.constant 0 : i32
        %dma_start3A_258 = arith.constant 0 : i32
        %dma_start3A_259 = tpu.memref_slice %arg2[%dma_start3A_257, %dma_start3A_258] : memref<10000x64xf32, #tpu.memory_space<hbm>> -> memref<10000x64xf32, #tpu.memory_space<hbm>>
        tpu.enqueue_indirect_dma source(%dma_start3A_259 : memref<10000x64xf32, #tpu.memory_space<hbm>>) target(%arg18 : memref<128x64xf32, #tpu.memory_space<vmem>>) offsets(%dma_start3A_256 : memref<128xi32, #tpu.memory_space<vmem>>) semaphore(%arg25 : memref<!tpu.dma_semaphore, #tpu.memory_space<semaphore_mem>>)
      } else {
      }
      %mul3A_129 = arith.constant 6 : i32
      %mul3A_130 = arith.muli %mul3A_129, %scan3A_105 : i32
      %add3A_131 = arith.constant 1 : i32
      %add3A_132 = arith.addi %mul3A_130, %add3A_131 : i32
      %mul3A_133 = arith.constant 128 : i32
      %mul3A_134 = arith.muli %add3A_132, %mul3A_133 : i32
      %dma_wait3A_135 = tpu.memref_slice %arg4[%mul3A_134] : memref<320000xi32, #tpu.memory_space<hbm>> -> memref<128xi32, #tpu.memory_space<hbm>>
      %dma_wait3A_136 = tpu.memref_slice %arg4[%mul3A_134] : memref<320000xi32, #tpu.memory_space<hbm>> -> memref<128xi32, #tpu.memory_space<hbm>>
      tpu.wait_dma2 semaphore(%arg32 : memref<!tpu.dma_semaphore, #tpu.memory_space<semaphore_mem>>) src(%dma_wait3A_136 : memref<128xi32, #tpu.memory_space<hbm>>) dst(%arg13 : memref<128xi32, #tpu.memory_space<vmem>>)
      %dma_wait3A_137 = arith.constant 0 : i32
      %dma_wait3A_138 = tpu.memref_slice %arg8[%dma_wait3A_137] : memref<9984xi32, #tpu.memory_space<vmem>> -> memref<128xi32, #tpu.memory_space<vmem>>
      %dma_wait3A_139 = arith.constant 0 : i32
      %dma_wait3A_140 = arith.constant 0 : i32
      %dma_wait3A_141 = tpu.memref_slice %arg2[%dma_wait3A_139, %dma_wait3A_140] : memref<10000x64xf32, #tpu.memory_space<hbm>> -> memref<10000x64xf32, #tpu.memory_space<hbm>>
      tpu.wait_indirect_dma semaphore(%arg26 : memref<!tpu.dma_semaphore, #tpu.memory_space<semaphore_mem>>) src(%dma_wait3A_141 : memref<10000x64xf32, #tpu.memory_space<hbm>>) dst(%arg19 : memref<128x64xf32, #tpu.memory_space<vmem>>)
      %dma_start3A_142 = arith.constant 0 : i32
      %dma_start3A_143 = arith.constant 0 : i32
      %dma_start3A_144 = tpu.memref_slice %arg24[%dma_start3A_142, %dma_start3A_143] : memref<10000x64xf32, #tpu.memory_space<vmem_shared>> -> memref<10000x64xf32, #tpu.memory_space<vmem_shared>>
      tpu.enqueue_indirect_dma source(%arg19 : memref<128x64xf32, #tpu.memory_space<vmem>>) target(%dma_start3A_144 : memref<10000x64xf32, #tpu.memory_space<vmem_shared>>) offsets(%arg13 : memref<128xi32, #tpu.memory_space<vmem>>) semaphore(%arg38 : memref<!tpu.dma_semaphore, #tpu.memory_space<semaphore_mem>>) {add = true}
      %add3A_145 = arith.constant 6 : i32
      %add3A_146 = arith.addi %add3A_132, %add3A_145 : i32
      %lt3A_147 = arith.constant 78 : i32
      %lt3A_148 = arith.cmpi slt, %add3A_146, %lt3A_147 : i32
      %convert_element_type3A_149 = arith.extui %lt3A_148 : i1 to i32
      %cond3A_150 = arith.constant 0 : i32
      %cond3A_151 = arith.cmpi ne, %convert_element_type3A_149, %cond3A_150 : i32
      scf.if %cond3A_151 {
        %dma_wait3A_244 = arith.constant 0 : i32
        %dma_wait3A_245 = arith.constant 0 : i32
        %dma_wait3A_246 = tpu.memref_slice %arg24[%dma_wait3A_244, %dma_wait3A_245] : memref<10000x64xf32, #tpu.memory_space<vmem_shared>> -> memref<10000x64xf32, #tpu.memory_space<vmem_shared>>
        tpu.wait_indirect_dma semaphore(%arg38 : memref<!tpu.dma_semaphore, #tpu.memory_space<semaphore_mem>>) src(%arg19 : memref<128x64xf32, #tpu.memory_space<vmem>>) dst(%dma_wait3A_246 : memref<10000x64xf32, #tpu.memory_space<vmem_shared>>)
        %add3A_247 = arith.constant 6 : i32
        %add3A_248 = arith.addi %add3A_132, %add3A_247 : i32
        %mul3A_249 = arith.constant 128 : i32
        %mul3A_250 = arith.muli %add3A_248, %mul3A_249 : i32
        %add3A_251 = arith.addi %mul3A_2, %mul3A_250 : i32
        %dma_start3A_252 = tpu.memref_slice %arg4[%add3A_251] : memref<320000xi32, #tpu.memory_space<hbm>> -> memref<128xi32, #tpu.memory_space<hbm>>
        %dma_start3A_253 = tpu.memref_slice %arg4[%add3A_251] : memref<320000xi32, #tpu.memory_space<hbm>> -> memref<128xi32, #tpu.memory_space<hbm>>
        tpu.enqueue_dma source(%dma_start3A_253 : memref<128xi32, #tpu.memory_space<hbm>>) target(%arg13 : memref<128xi32, #tpu.memory_space<vmem>>) target_semaphore(%arg32 : memref<!tpu.dma_semaphore, #tpu.memory_space<semaphore_mem>>)
        %mul3A_254 = arith.constant 128 : i32
        %mul3A_255 = arith.muli %add3A_248, %mul3A_254 : i32
        %dma_start3A_256 = tpu.memref_slice %arg8[%mul3A_255] : memref<9984xi32, #tpu.memory_space<vmem>> -> memref<128xi32, #tpu.memory_space<vmem>>
        %dma_start3A_257 = arith.constant 0 : i32
        %dma_start3A_258 = arith.constant 0 : i32
        %dma_start3A_259 = tpu.memref_slice %arg2[%dma_start3A_257, %dma_start3A_258] : memref<10000x64xf32, #tpu.memory_space<hbm>> -> memref<10000x64xf32, #tpu.memory_space<hbm>>
        tpu.enqueue_indirect_dma source(%dma_start3A_259 : memref<10000x64xf32, #tpu.memory_space<hbm>>) target(%arg19 : memref<128x64xf32, #tpu.memory_space<vmem>>) offsets(%dma_start3A_256 : memref<128xi32, #tpu.memory_space<vmem>>) semaphore(%arg26 : memref<!tpu.dma_semaphore, #tpu.memory_space<semaphore_mem>>)
      } else {
      }
      %mul3A_152 = arith.constant 6 : i32
      %mul3A_153 = arith.muli %mul3A_152, %scan3A_105 : i32
      %add3A_154 = arith.constant 2 : i32
      %add3A_155 = arith.addi %mul3A_153, %add3A_154 : i32
      %mul3A_156 = arith.constant 128 : i32
      %mul3A_157 = arith.muli %add3A_155, %mul3A_156 : i32
      %dma_wait3A_158 = tpu.memref_slice %arg4[%mul3A_157] : memref<320000xi32, #tpu.memory_space<hbm>> -> memref<128xi32, #tpu.memory_space<hbm>>
      %dma_wait3A_159 = tpu.memref_slice %arg4[%mul3A_157] : memref<320000xi32, #tpu.memory_space<hbm>> -> memref<128xi32, #tpu.memory_space<hbm>>
      tpu.wait_dma2 semaphore(%arg33 : memref<!tpu.dma_semaphore, #tpu.memory_space<semaphore_mem>>) src(%dma_wait3A_159 : memref<128xi32, #tpu.memory_space<hbm>>) dst(%arg14 : memref<128xi32, #tpu.memory_space<vmem>>)
      %dma_wait3A_160 = arith.constant 0 : i32
      %dma_wait3A_161 = tpu.memref_slice %arg8[%dma_wait3A_160] : memref<9984xi32, #tpu.memory_space<vmem>> -> memref<128xi32, #tpu.memory_space<vmem>>
      %dma_wait3A_162 = arith.constant 0 : i32
      %dma_wait3A_163 = arith.constant 0 : i32
      %dma_wait3A_164 = tpu.memref_slice %arg2[%dma_wait3A_162, %dma_wait3A_163] : memref<10000x64xf32, #tpu.memory_space<hbm>> -> memref<10000x64xf32, #tpu.memory_space<hbm>>
      tpu.wait_indirect_dma semaphore(%arg27 : memref<!tpu.dma_semaphore, #tpu.memory_space<semaphore_mem>>) src(%dma_wait3A_164 : memref<10000x64xf32, #tpu.memory_space<hbm>>) dst(%arg20 : memref<128x64xf32, #tpu.memory_space<vmem>>)
      %dma_start3A_165 = arith.constant 0 : i32
      %dma_start3A_166 = arith.constant 0 : i32
      %dma_start3A_167 = tpu.memref_slice %arg24[%dma_start3A_165, %dma_start3A_166] : memref<10000x64xf32, #tpu.memory_space<vmem_shared>> -> memref<10000x64xf32, #tpu.memory_space<vmem_shared>>
      tpu.enqueue_indirect_dma source(%arg20 : memref<128x64xf32, #tpu.memory_space<vmem>>) target(%dma_start3A_167 : memref<10000x64xf32, #tpu.memory_space<vmem_shared>>) offsets(%arg14 : memref<128xi32, #tpu.memory_space<vmem>>) semaphore(%arg39 : memref<!tpu.dma_semaphore, #tpu.memory_space<semaphore_mem>>) {add = true}
      %add3A_168 = arith.constant 6 : i32
      %add3A_169 = arith.addi %add3A_155, %add3A_168 : i32
      %lt3A_170 = arith.constant 78 : i32
      %lt3A_171 = arith.cmpi slt, %add3A_169, %lt3A_170 : i32
      %convert_element_type3A_172 = arith.extui %lt3A_171 : i1 to i32
      %cond3A_173 = arith.constant 0 : i32
      %cond3A_174 = arith.cmpi ne, %convert_element_type3A_172, %cond3A_173 : i32
      scf.if %cond3A_174 {
        %dma_wait3A_244 = arith.constant 0 : i32
        %dma_wait3A_245 = arith.constant 0 : i32
        %dma_wait3A_246 = tpu.memref_slice %arg24[%dma_wait3A_244, %dma_wait3A_245] : memref<10000x64xf32, #tpu.memory_space<vmem_shared>> -> memref<10000x64xf32, #tpu.memory_space<vmem_shared>>
        tpu.wait_indirect_dma semaphore(%arg39 : memref<!tpu.dma_semaphore, #tpu.memory_space<semaphore_mem>>) src(%arg20 : memref<128x64xf32, #tpu.memory_space<vmem>>) dst(%dma_wait3A_246 : memref<10000x64xf32, #tpu.memory_space<vmem_shared>>)
        %add3A_247 = arith.constant 6 : i32
        %add3A_248 = arith.addi %add3A_155, %add3A_247 : i32
        %mul3A_249 = arith.constant 128 : i32
        %mul3A_250 = arith.muli %add3A_248, %mul3A_249 : i32
        %add3A_251 = arith.addi %mul3A_2, %mul3A_250 : i32
        %dma_start3A_252 = tpu.memref_slice %arg4[%add3A_251] : memref<320000xi32, #tpu.memory_space<hbm>> -> memref<128xi32, #tpu.memory_space<hbm>>
        %dma_start3A_253 = tpu.memref_slice %arg4[%add3A_251] : memref<320000xi32, #tpu.memory_space<hbm>> -> memref<128xi32, #tpu.memory_space<hbm>>
        tpu.enqueue_dma source(%dma_start3A_253 : memref<128xi32, #tpu.memory_space<hbm>>) target(%arg14 : memref<128xi32, #tpu.memory_space<vmem>>) target_semaphore(%arg33 : memref<!tpu.dma_semaphore, #tpu.memory_space<semaphore_mem>>)
        %mul3A_254 = arith.constant 128 : i32
        %mul3A_255 = arith.muli %add3A_248, %mul3A_254 : i32
        %dma_start3A_256 = tpu.memref_slice %arg8[%mul3A_255] : memref<9984xi32, #tpu.memory_space<vmem>> -> memref<128xi32, #tpu.memory_space<vmem>>
        %dma_start3A_257 = arith.constant 0 : i32
        %dma_start3A_258 = arith.constant 0 : i32
        %dma_start3A_259 = tpu.memref_slice %arg2[%dma_start3A_257, %dma_start3A_258] : memref<10000x64xf32, #tpu.memory_space<hbm>> -> memref<10000x64xf32, #tpu.memory_space<hbm>>
        tpu.enqueue_indirect_dma source(%dma_start3A_259 : memref<10000x64xf32, #tpu.memory_space<hbm>>) target(%arg20 : memref<128x64xf32, #tpu.memory_space<vmem>>) offsets(%dma_start3A_256 : memref<128xi32, #tpu.memory_space<vmem>>) semaphore(%arg27 : memref<!tpu.dma_semaphore, #tpu.memory_space<semaphore_mem>>)
      } else {
      }
      %mul3A_175 = arith.constant 6 : i32
      %mul3A_176 = arith.muli %mul3A_175, %scan3A_105 : i32
      %add3A_177 = arith.constant 3 : i32
      %add3A_178 = arith.addi %mul3A_176, %add3A_177 : i32
      %mul3A_179 = arith.constant 128 : i32
      %mul3A_180 = arith.muli %add3A_178, %mul3A_179 : i32
      %dma_wait3A_181 = tpu.memref_slice %arg4[%mul3A_180] : memref<320000xi32, #tpu.memory_space<hbm>> -> memref<128xi32, #tpu.memory_space<hbm>>
      %dma_wait3A_182 = tpu.memref_slice %arg4[%mul3A_180] : memref<320000xi32, #tpu.memory_space<hbm>> -> memref<128xi32, #tpu.memory_space<hbm>>
      tpu.wait_dma2 semaphore(%arg34 : memref<!tpu.dma_semaphore, #tpu.memory_space<semaphore_mem>>) src(%dma_wait3A_182 : memref<128xi32, #tpu.memory_space<hbm>>) dst(%arg15 : memref<128xi32, #tpu.memory_space<vmem>>)
      %dma_wait3A_183 = arith.constant 0 : i32
      %dma_wait3A_184 = tpu.memref_slice %arg8[%dma_wait3A_183] : memref<9984xi32, #tpu.memory_space<vmem>> -> memref<128xi32, #tpu.memory_space<vmem>>
      %dma_wait3A_185 = arith.constant 0 : i32
      %dma_wait3A_186 = arith.constant 0 : i32
      %dma_wait3A_187 = tpu.memref_slice %arg2[%dma_wait3A_185, %dma_wait3A_186] : memref<10000x64xf32, #tpu.memory_space<hbm>> -> memref<10000x64xf32, #tpu.memory_space<hbm>>
      tpu.wait_indirect_dma semaphore(%arg28 : memref<!tpu.dma_semaphore, #tpu.memory_space<semaphore_mem>>) src(%dma_wait3A_187 : memref<10000x64xf32, #tpu.memory_space<hbm>>) dst(%arg21 : memref<128x64xf32, #tpu.memory_space<vmem>>)
      %dma_start3A_188 = arith.constant 0 : i32
      %dma_start3A_189 = arith.constant 0 : i32
      %dma_start3A_190 = tpu.memref_slice %arg24[%dma_start3A_188, %dma_start3A_189] : memref<10000x64xf32, #tpu.memory_space<vmem_shared>> -> memref<10000x64xf32, #tpu.memory_space<vmem_shared>>
      tpu.enqueue_indirect_dma source(%arg21 : memref<128x64xf32, #tpu.memory_space<vmem>>) target(%dma_start3A_190 : memref<10000x64xf32, #tpu.memory_space<vmem_shared>>) offsets(%arg15 : memref<128xi32, #tpu.memory_space<vmem>>) semaphore(%arg40 : memref<!tpu.dma_semaphore, #tpu.memory_space<semaphore_mem>>) {add = true}
      %add3A_191 = arith.constant 6 : i32
      %add3A_192 = arith.addi %add3A_178, %add3A_191 : i32
      %lt3A_193 = arith.constant 78 : i32
      %lt3A_194 = arith.cmpi slt, %add3A_192, %lt3A_193 : i32
      %convert_element_type3A_195 = arith.extui %lt3A_194 : i1 to i32
      %cond3A_196 = arith.constant 0 : i32
      %cond3A_197 = arith.cmpi ne, %convert_element_type3A_195, %cond3A_196 : i32
      scf.if %cond3A_197 {
        %dma_wait3A_244 = arith.constant 0 : i32
        %dma_wait3A_245 = arith.constant 0 : i32
        %dma_wait3A_246 = tpu.memref_slice %arg24[%dma_wait3A_244, %dma_wait3A_245] : memref<10000x64xf32, #tpu.memory_space<vmem_shared>> -> memref<10000x64xf32, #tpu.memory_space<vmem_shared>>
        tpu.wait_indirect_dma semaphore(%arg40 : memref<!tpu.dma_semaphore, #tpu.memory_space<semaphore_mem>>) src(%arg21 : memref<128x64xf32, #tpu.memory_space<vmem>>) dst(%dma_wait3A_246 : memref<10000x64xf32, #tpu.memory_space<vmem_shared>>)
        %add3A_247 = arith.constant 6 : i32
        %add3A_248 = arith.addi %add3A_178, %add3A_247 : i32
        %mul3A_249 = arith.constant 128 : i32
        %mul3A_250 = arith.muli %add3A_248, %mul3A_249 : i32
        %add3A_251 = arith.addi %mul3A_2, %mul3A_250 : i32
        %dma_start3A_252 = tpu.memref_slice %arg4[%add3A_251] : memref<320000xi32, #tpu.memory_space<hbm>> -> memref<128xi32, #tpu.memory_space<hbm>>
        %dma_start3A_253 = tpu.memref_slice %arg4[%add3A_251] : memref<320000xi32, #tpu.memory_space<hbm>> -> memref<128xi32, #tpu.memory_space<hbm>>
        tpu.enqueue_dma source(%dma_start3A_253 : memref<128xi32, #tpu.memory_space<hbm>>) target(%arg15 : memref<128xi32, #tpu.memory_space<vmem>>) target_semaphore(%arg34 : memref<!tpu.dma_semaphore, #tpu.memory_space<semaphore_mem>>)
        %mul3A_254 = arith.constant 128 : i32
        %mul3A_255 = arith.muli %add3A_248, %mul3A_254 : i32
        %dma_start3A_256 = tpu.memref_slice %arg8[%mul3A_255] : memref<9984xi32, #tpu.memory_space<vmem>> -> memref<128xi32, #tpu.memory_space<vmem>>
        %dma_start3A_257 = arith.constant 0 : i32
        %dma_start3A_258 = arith.constant 0 : i32
        %dma_start3A_259 = tpu.memref_slice %arg2[%dma_start3A_257, %dma_start3A_258] : memref<10000x64xf32, #tpu.memory_space<hbm>> -> memref<10000x64xf32, #tpu.memory_space<hbm>>
        tpu.enqueue_indirect_dma source(%dma_start3A_259 : memref<10000x64xf32, #tpu.memory_space<hbm>>) target(%arg21 : memref<128x64xf32, #tpu.memory_space<vmem>>) offsets(%dma_start3A_256 : memref<128xi32, #tpu.memory_space<vmem>>) semaphore(%arg28 : memref<!tpu.dma_semaphore, #tpu.memory_space<semaphore_mem>>)
      } else {
      }
      %mul3A_198 = arith.constant 6 : i32
      %mul3A_199 = arith.muli %mul3A_198, %scan3A_105 : i32
      %add3A_200 = arith.constant 4 : i32
      %add3A_201 = arith.addi %mul3A_199, %add3A_200 : i32
      %mul3A_202 = arith.constant 128 : i32
      %mul3A_203 = arith.muli %add3A_201, %mul3A_202 : i32
      %dma_wait3A_204 = tpu.memref_slice %arg4[%mul3A_203] : memref<320000xi32, #tpu.memory_space<hbm>> -> memref<128xi32, #tpu.memory_space<hbm>>
      %dma_wait3A_205 = tpu.memref_slice %arg4[%mul3A_203] : memref<320000xi32, #tpu.memory_space<hbm>> -> memref<128xi32, #tpu.memory_space<hbm>>
      tpu.wait_dma2 semaphore(%arg35 : memref<!tpu.dma_semaphore, #tpu.memory_space<semaphore_mem>>) src(%dma_wait3A_205 : memref<128xi32, #tpu.memory_space<hbm>>) dst(%arg16 : memref<128xi32, #tpu.memory_space<vmem>>)
      %dma_wait3A_206 = arith.constant 0 : i32
      %dma_wait3A_207 = tpu.memref_slice %arg8[%dma_wait3A_206] : memref<9984xi32, #tpu.memory_space<vmem>> -> memref<128xi32, #tpu.memory_space<vmem>>
      %dma_wait3A_208 = arith.constant 0 : i32
      %dma_wait3A_209 = arith.constant 0 : i32
      %dma_wait3A_210 = tpu.memref_slice %arg2[%dma_wait3A_208, %dma_wait3A_209] : memref<10000x64xf32, #tpu.memory_space<hbm>> -> memref<10000x64xf32, #tpu.memory_space<hbm>>
      tpu.wait_indirect_dma semaphore(%arg29 : memref<!tpu.dma_semaphore, #tpu.memory_space<semaphore_mem>>) src(%dma_wait3A_210 : memref<10000x64xf32, #tpu.memory_space<hbm>>) dst(%arg22 : memref<128x64xf32, #tpu.memory_space<vmem>>)
      %dma_start3A_211 = arith.constant 0 : i32
      %dma_start3A_212 = arith.constant 0 : i32
      %dma_start3A_213 = tpu.memref_slice %arg24[%dma_start3A_211, %dma_start3A_212] : memref<10000x64xf32, #tpu.memory_space<vmem_shared>> -> memref<10000x64xf32, #tpu.memory_space<vmem_shared>>
      tpu.enqueue_indirect_dma source(%arg22 : memref<128x64xf32, #tpu.memory_space<vmem>>) target(%dma_start3A_213 : memref<10000x64xf32, #tpu.memory_space<vmem_shared>>) offsets(%arg16 : memref<128xi32, #tpu.memory_space<vmem>>) semaphore(%arg41 : memref<!tpu.dma_semaphore, #tpu.memory_space<semaphore_mem>>) {add = true}
      %add3A_214 = arith.constant 6 : i32
      %add3A_215 = arith.addi %add3A_201, %add3A_214 : i32
      %lt3A_216 = arith.constant 78 : i32
      %lt3A_217 = arith.cmpi slt, %add3A_215, %lt3A_216 : i32
      %convert_element_type3A_218 = arith.extui %lt3A_217 : i1 to i32
      %cond3A_219 = arith.constant 0 : i32
      %cond3A_220 = arith.cmpi ne, %convert_element_type3A_218, %cond3A_219 : i32
      scf.if %cond3A_220 {
        %dma_wait3A_244 = arith.constant 0 : i32
        %dma_wait3A_245 = arith.constant 0 : i32
        %dma_wait3A_246 = tpu.memref_slice %arg24[%dma_wait3A_244, %dma_wait3A_245] : memref<10000x64xf32, #tpu.memory_space<vmem_shared>> -> memref<10000x64xf32, #tpu.memory_space<vmem_shared>>
        tpu.wait_indirect_dma semaphore(%arg41 : memref<!tpu.dma_semaphore, #tpu.memory_space<semaphore_mem>>) src(%arg22 : memref<128x64xf32, #tpu.memory_space<vmem>>) dst(%dma_wait3A_246 : memref<10000x64xf32, #tpu.memory_space<vmem_shared>>)
        %add3A_247 = arith.constant 6 : i32
        %add3A_248 = arith.addi %add3A_201, %add3A_247 : i32
        %mul3A_249 = arith.constant 128 : i32
        %mul3A_250 = arith.muli %add3A_248, %mul3A_249 : i32
        %add3A_251 = arith.addi %mul3A_2, %mul3A_250 : i32
        %dma_start3A_252 = tpu.memref_slice %arg4[%add3A_251] : memref<320000xi32, #tpu.memory_space<hbm>> -> memref<128xi32, #tpu.memory_space<hbm>>
        %dma_start3A_253 = tpu.memref_slice %arg4[%add3A_251] : memref<320000xi32, #tpu.memory_space<hbm>> -> memref<128xi32, #tpu.memory_space<hbm>>
        tpu.enqueue_dma source(%dma_start3A_253 : memref<128xi32, #tpu.memory_space<hbm>>) target(%arg16 : memref<128xi32, #tpu.memory_space<vmem>>) target_semaphore(%arg35 : memref<!tpu.dma_semaphore, #tpu.memory_space<semaphore_mem>>)
        %mul3A_254 = arith.constant 128 : i32
        %mul3A_255 = arith.muli %add3A_248, %mul3A_254 : i32
        %dma_start3A_256 = tpu.memref_slice %arg8[%mul3A_255] : memref<9984xi32, #tpu.memory_space<vmem>> -> memref<128xi32, #tpu.memory_space<vmem>>
        %dma_start3A_257 = arith.constant 0 : i32
        %dma_start3A_258 = arith.constant 0 : i32
        %dma_start3A_259 = tpu.memref_slice %arg2[%dma_start3A_257, %dma_start3A_258] : memref<10000x64xf32, #tpu.memory_space<hbm>> -> memref<10000x64xf32, #tpu.memory_space<hbm>>
        tpu.enqueue_indirect_dma source(%dma_start3A_259 : memref<10000x64xf32, #tpu.memory_space<hbm>>) target(%arg22 : memref<128x64xf32, #tpu.memory_space<vmem>>) offsets(%dma_start3A_256 : memref<128xi32, #tpu.memory_space<vmem>>) semaphore(%arg29 : memref<!tpu.dma_semaphore, #tpu.memory_space<semaphore_mem>>)
      } else {
      }
      %mul3A_221 = arith.constant 6 : i32
      %mul3A_222 = arith.muli %mul3A_221, %scan3A_105 : i32
      %add3A_223 = arith.constant 5 : i32
      %add3A_224 = arith.addi %mul3A_222, %add3A_223 : i32
      %mul3A_225 = arith.constant 128 : i32
      %mul3A_226 = arith.muli %add3A_224, %mul3A_225 : i32
      %dma_wait3A_227 = tpu.memref_slice %arg4[%mul3A_226] : memref<320000xi32, #tpu.memory_space<hbm>> -> memref<128xi32, #tpu.memory_space<hbm>>
      %dma_wait3A_228 = tpu.memref_slice %arg4[%mul3A_226] : memref<320000xi32, #tpu.memory_space<hbm>> -> memref<128xi32, #tpu.memory_space<hbm>>
      tpu.wait_dma2 semaphore(%arg36 : memref<!tpu.dma_semaphore, #tpu.memory_space<semaphore_mem>>) src(%dma_wait3A_228 : memref<128xi32, #tpu.memory_space<hbm>>) dst(%arg17 : memref<128xi32, #tpu.memory_space<vmem>>)
      %dma_wait3A_229 = arith.constant 0 : i32
      %dma_wait3A_230 = tpu.memref_slice %arg8[%dma_wait3A_229] : memref<9984xi32, #tpu.memory_space<vmem>> -> memref<128xi32, #tpu.memory_space<vmem>>
      %dma_wait3A_231 = arith.constant 0 : i32
      %dma_wait3A_232 = arith.constant 0 : i32
      %dma_wait3A_233 = tpu.memref_slice %arg2[%dma_wait3A_231, %dma_wait3A_232] : memref<10000x64xf32, #tpu.memory_space<hbm>> -> memref<10000x64xf32, #tpu.memory_space<hbm>>
      tpu.wait_indirect_dma semaphore(%arg30 : memref<!tpu.dma_semaphore, #tpu.memory_space<semaphore_mem>>) src(%dma_wait3A_233 : memref<10000x64xf32, #tpu.memory_space<hbm>>) dst(%arg23 : memref<128x64xf32, #tpu.memory_space<vmem>>)
      %dma_start3A_234 = arith.constant 0 : i32
      %dma_start3A_235 = arith.constant 0 : i32
      %dma_start3A_236 = tpu.memref_slice %arg24[%dma_start3A_234, %dma_start3A_235] : memref<10000x64xf32, #tpu.memory_space<vmem_shared>> -> memref<10000x64xf32, #tpu.memory_space<vmem_shared>>
      tpu.enqueue_indirect_dma source(%arg23 : memref<128x64xf32, #tpu.memory_space<vmem>>) target(%dma_start3A_236 : memref<10000x64xf32, #tpu.memory_space<vmem_shared>>) offsets(%arg17 : memref<128xi32, #tpu.memory_space<vmem>>) semaphore(%arg42 : memref<!tpu.dma_semaphore, #tpu.memory_space<semaphore_mem>>) {add = true}
      %add3A_237 = arith.constant 6 : i32
      %add3A_238 = arith.addi %add3A_224, %add3A_237 : i32
      %lt3A_239 = arith.constant 78 : i32
      %lt3A_240 = arith.cmpi slt, %add3A_238, %lt3A_239 : i32
      %convert_element_type3A_241 = arith.extui %lt3A_240 : i1 to i32
      %cond3A_242 = arith.constant 0 : i32
      %cond3A_243 = arith.cmpi ne, %convert_element_type3A_241, %cond3A_242 : i32
      scf.if %cond3A_243 {
        %dma_wait3A_244 = arith.constant 0 : i32
        %dma_wait3A_245 = arith.constant 0 : i32
        %dma_wait3A_246 = tpu.memref_slice %arg24[%dma_wait3A_244, %dma_wait3A_245] : memref<10000x64xf32, #tpu.memory_space<vmem_shared>> -> memref<10000x64xf32, #tpu.memory_space<vmem_shared>>
        tpu.wait_indirect_dma semaphore(%arg42 : memref<!tpu.dma_semaphore, #tpu.memory_space<semaphore_mem>>) src(%arg23 : memref<128x64xf32, #tpu.memory_space<vmem>>) dst(%dma_wait3A_246 : memref<10000x64xf32, #tpu.memory_space<vmem_shared>>)
        %add3A_247 = arith.constant 6 : i32
        %add3A_248 = arith.addi %add3A_224, %add3A_247 : i32
        %mul3A_249 = arith.constant 128 : i32
        %mul3A_250 = arith.muli %add3A_248, %mul3A_249 : i32
        %add3A_251 = arith.addi %mul3A_2, %mul3A_250 : i32
        %dma_start3A_252 = tpu.memref_slice %arg4[%add3A_251] : memref<320000xi32, #tpu.memory_space<hbm>> -> memref<128xi32, #tpu.memory_space<hbm>>
        %dma_start3A_253 = tpu.memref_slice %arg4[%add3A_251] : memref<320000xi32, #tpu.memory_space<hbm>> -> memref<128xi32, #tpu.memory_space<hbm>>
        tpu.enqueue_dma source(%dma_start3A_253 : memref<128xi32, #tpu.memory_space<hbm>>) target(%arg17 : memref<128xi32, #tpu.memory_space<vmem>>) target_semaphore(%arg36 : memref<!tpu.dma_semaphore, #tpu.memory_space<semaphore_mem>>)
        %mul3A_254 = arith.constant 128 : i32
        %mul3A_255 = arith.muli %add3A_248, %mul3A_254 : i32
        %dma_start3A_256 = tpu.memref_slice %arg8[%mul3A_255] : memref<9984xi32, #tpu.memory_space<vmem>> -> memref<128xi32, #tpu.memory_space<vmem>>
        %dma_start3A_257 = arith.constant 0 : i32
        %dma_start3A_258 = arith.constant 0 : i32
        %dma_start3A_259 = tpu.memref_slice %arg2[%dma_start3A_257, %dma_start3A_258] : memref<10000x64xf32, #tpu.memory_space<hbm>> -> memref<10000x64xf32, #tpu.memory_space<hbm>>
        tpu.enqueue_indirect_dma source(%dma_start3A_259 : memref<10000x64xf32, #tpu.memory_space<hbm>>) target(%arg23 : memref<128x64xf32, #tpu.memory_space<vmem>>) offsets(%dma_start3A_256 : memref<128xi32, #tpu.memory_space<vmem>>) semaphore(%arg30 : memref<!tpu.dma_semaphore, #tpu.memory_space<semaphore_mem>>)
      } else {
      }
    }
    %scan3A_62 = arith.constant 13 : i32
    %dma_wait3A = arith.constant 0 : i32
    %dma_wait3A_63 = arith.constant 0 : i32
    %dma_wait3A_64 = tpu.memref_slice %arg24[%dma_wait3A, %dma_wait3A_63] : memref<10000x64xf32, #tpu.memory_space<vmem_shared>> -> memref<10000x64xf32, #tpu.memory_space<vmem_shared>>
    tpu.wait_indirect_dma semaphore(%arg37 : memref<!tpu.dma_semaphore, #tpu.memory_space<semaphore_mem>>) src(%arg18 : memref<128x64xf32, #tpu.memory_space<vmem>>) dst(%dma_wait3A_64 : memref<10000x64xf32, #tpu.memory_space<vmem_shared>>)
    %dma_wait3A_65 = arith.constant 0 : i32
    %dma_wait3A_66 = arith.constant 0 : i32
    %dma_wait3A_67 = tpu.memref_slice %arg24[%dma_wait3A_65, %dma_wait3A_66] : memref<10000x64xf32, #tpu.memory_space<vmem_shared>> -> memref<10000x64xf32, #tpu.memory_space<vmem_shared>>
    tpu.wait_indirect_dma semaphore(%arg38 : memref<!tpu.dma_semaphore, #tpu.memory_space<semaphore_mem>>) src(%arg19 : memref<128x64xf32, #tpu.memory_space<vmem>>) dst(%dma_wait3A_67 : memref<10000x64xf32, #tpu.memory_space<vmem_shared>>)
    %dma_wait3A_68 = arith.constant 0 : i32
    %dma_wait3A_69 = arith.constant 0 : i32
    %dma_wait3A_70 = tpu.memref_slice %arg24[%dma_wait3A_68, %dma_wait3A_69] : memref<10000x64xf32, #tpu.memory_space<vmem_shared>> -> memref<10000x64xf32, #tpu.memory_space<vmem_shared>>
    tpu.wait_indirect_dma semaphore(%arg39 : memref<!tpu.dma_semaphore, #tpu.memory_space<semaphore_mem>>) src(%arg20 : memref<128x64xf32, #tpu.memory_space<vmem>>) dst(%dma_wait3A_70 : memref<10000x64xf32, #tpu.memory_space<vmem_shared>>)
    %dma_wait3A_71 = arith.constant 0 : i32
    %dma_wait3A_72 = arith.constant 0 : i32
    %dma_wait3A_73 = tpu.memref_slice %arg24[%dma_wait3A_71, %dma_wait3A_72] : memref<10000x64xf32, #tpu.memory_space<vmem_shared>> -> memref<10000x64xf32, #tpu.memory_space<vmem_shared>>
    tpu.wait_indirect_dma semaphore(%arg40 : memref<!tpu.dma_semaphore, #tpu.memory_space<semaphore_mem>>) src(%arg21 : memref<128x64xf32, #tpu.memory_space<vmem>>) dst(%dma_wait3A_73 : memref<10000x64xf32, #tpu.memory_space<vmem_shared>>)
    %dma_wait3A_74 = arith.constant 0 : i32
    %dma_wait3A_75 = arith.constant 0 : i32
    %dma_wait3A_76 = tpu.memref_slice %arg24[%dma_wait3A_74, %dma_wait3A_75] : memref<10000x64xf32, #tpu.memory_space<vmem_shared>> -> memref<10000x64xf32, #tpu.memory_space<vmem_shared>>
    tpu.wait_indirect_dma semaphore(%arg41 : memref<!tpu.dma_semaphore, #tpu.memory_space<semaphore_mem>>) src(%arg22 : memref<128x64xf32, #tpu.memory_space<vmem>>) dst(%dma_wait3A_76 : memref<10000x64xf32, #tpu.memory_space<vmem_shared>>)
    %dma_wait3A_77 = arith.constant 0 : i32
    %dma_wait3A_78 = arith.constant 0 : i32
    %dma_wait3A_79 = tpu.memref_slice %arg24[%dma_wait3A_77, %dma_wait3A_78] : memref<10000x64xf32, #tpu.memory_space<vmem_shared>> -> memref<10000x64xf32, #tpu.memory_space<vmem_shared>>
    tpu.wait_indirect_dma semaphore(%arg42 : memref<!tpu.dma_semaphore, #tpu.memory_space<semaphore_mem>>) src(%arg23 : memref<128x64xf32, #tpu.memory_space<vmem>>) dst(%dma_wait3A_79 : memref<10000x64xf32, #tpu.memory_space<vmem_shared>>)
    %add3A_80 = arith.constant 9984 : i32
    %add3A_81 = arith.addi %mul3A_2, %add3A_80 : i32
    "tpu.region"() ({
      %run_scoped3A = tpu.sem_alloc : memref<!tpu.dma_semaphore, #tpu.memory_space<semaphore_mem>>
      %dma_start3A_105 = tpu.memref_slice %arg3[%add3A_81] : memref<320000xi32, #tpu.memory_space<hbm>> -> memref<16xi32, #tpu.memory_space<hbm>>
      %dma_start3A_106 = tpu.memref_slice %arg3[%add3A_81] : memref<320000xi32, #tpu.memory_space<hbm>> -> memref<16xi32, #tpu.memory_space<hbm>>
      tpu.enqueue_dma source(%dma_start3A_106 : memref<16xi32, #tpu.memory_space<hbm>>) target(%arg9 : memref<16xi32, #tpu.memory_space<vmem>>) target_semaphore(%run_scoped3A : memref<!tpu.dma_semaphore, #tpu.memory_space<semaphore_mem>>)
      %dma_wait3A_107 = tpu.memref_slice %arg3[%add3A_81] : memref<320000xi32, #tpu.memory_space<hbm>> -> memref<16xi32, #tpu.memory_space<hbm>>
      %dma_wait3A_108 = tpu.memref_slice %arg3[%add3A_81] : memref<320000xi32, #tpu.memory_space<hbm>> -> memref<16xi32, #tpu.memory_space<hbm>>
      tpu.wait_dma2 semaphore(%run_scoped3A : memref<!tpu.dma_semaphore, #tpu.memory_space<semaphore_mem>>) src(%dma_wait3A_108 : memref<16xi32, #tpu.memory_space<hbm>>) dst(%arg9 : memref<16xi32, #tpu.memory_space<vmem>>)
      tpu.yield
    }) : () -> ()
    %add3A_82 = arith.constant 9984 : i32
    %add3A_83 = arith.addi %mul3A_2, %add3A_82 : i32
    "tpu.region"() ({
      %run_scoped3A = tpu.sem_alloc : memref<!tpu.dma_semaphore, #tpu.memory_space<semaphore_mem>>
      %dma_start3A_105 = tpu.memref_slice %arg4[%add3A_83] : memref<320000xi32, #tpu.memory_space<hbm>> -> memref<16xi32, #tpu.memory_space<hbm>>
      %dma_start3A_106 = tpu.memref_slice %arg4[%add3A_83] : memref<320000xi32, #tpu.memory_space<hbm>> -> memref<16xi32, #tpu.memory_space<hbm>>
      tpu.enqueue_dma source(%dma_start3A_106 : memref<16xi32, #tpu.memory_space<hbm>>) target(%arg10 : memref<16xi32, #tpu.memory_space<vmem>>) target_semaphore(%run_scoped3A : memref<!tpu.dma_semaphore, #tpu.memory_space<semaphore_mem>>)
      %dma_wait3A_107 = tpu.memref_slice %arg4[%add3A_83] : memref<320000xi32, #tpu.memory_space<hbm>> -> memref<16xi32, #tpu.memory_space<hbm>>
      %dma_wait3A_108 = tpu.memref_slice %arg4[%add3A_83] : memref<320000xi32, #tpu.memory_space<hbm>> -> memref<16xi32, #tpu.memory_space<hbm>>
      tpu.wait_dma2 semaphore(%run_scoped3A : memref<!tpu.dma_semaphore, #tpu.memory_space<semaphore_mem>>) src(%dma_wait3A_108 : memref<16xi32, #tpu.memory_space<hbm>>) dst(%arg10 : memref<16xi32, #tpu.memory_space<vmem>>)
      tpu.yield
    }) : () -> ()
    %dma_start3A_84 = arith.constant 0 : i32
    %dma_start3A_85 = arith.constant 0 : i32
    %dma_start3A_86 = tpu.memref_slice %arg2[%dma_start3A_84, %dma_start3A_85] : memref<10000x64xf32, #tpu.memory_space<hbm>> -> memref<10000x64xf32, #tpu.memory_space<hbm>>
    tpu.enqueue_indirect_dma source(%dma_start3A_86 : memref<10000x64xf32, #tpu.memory_space<hbm>>) target(%arg11 : memref<16x64xf32, #tpu.memory_space<vmem>>) offsets(%arg9 : memref<16xi32, #tpu.memory_space<vmem>>) semaphore(%arg25 : memref<!tpu.dma_semaphore, #tpu.memory_space<semaphore_mem>>)
    %dma_wait3A_87 = arith.constant 0 : i32
    %dma_wait3A_88 = arith.constant 0 : i32
    %dma_wait3A_89 = tpu.memref_slice %arg2[%dma_wait3A_87, %dma_wait3A_88] : memref<10000x64xf32, #tpu.memory_space<hbm>> -> memref<10000x64xf32, #tpu.memory_space<hbm>>
    tpu.wait_indirect_dma semaphore(%arg25 : memref<!tpu.dma_semaphore, #tpu.memory_space<semaphore_mem>>) src(%dma_wait3A_89 : memref<10000x64xf32, #tpu.memory_space<hbm>>) dst(%arg11 : memref<16x64xf32, #tpu.memory_space<vmem>>)
    "tpu.region"() ({
      %run_scoped3A = tpu.sem_alloc : memref<!tpu.dma_semaphore, #tpu.memory_space<semaphore_mem>>
      %dma_start3A_105 = arith.constant 0 : i32
      %dma_start3A_106 = arith.constant 0 : i32
      %dma_start3A_107 = tpu.memref_slice %arg24[%dma_start3A_105, %dma_start3A_106] : memref<10000x64xf32, #tpu.memory_space<vmem_shared>> -> memref<10000x64xf32, #tpu.memory_space<vmem_shared>>
      tpu.enqueue_indirect_dma source(%arg11 : memref<16x64xf32, #tpu.memory_space<vmem>>) target(%dma_start3A_107 : memref<10000x64xf32, #tpu.memory_space<vmem_shared>>) offsets(%arg10 : memref<16xi32, #tpu.memory_space<vmem>>) semaphore(%run_scoped3A : memref<!tpu.dma_semaphore, #tpu.memory_space<semaphore_mem>>) {add = true}
      %dma_wait3A_108 = arith.constant 0 : i32
      %dma_wait3A_109 = arith.constant 0 : i32
      %dma_wait3A_110 = tpu.memref_slice %arg24[%dma_wait3A_108, %dma_wait3A_109] : memref<10000x64xf32, #tpu.memory_space<vmem_shared>> -> memref<10000x64xf32, #tpu.memory_space<vmem_shared>>
      tpu.wait_indirect_dma semaphore(%run_scoped3A : memref<!tpu.dma_semaphore, #tpu.memory_space<semaphore_mem>>) src(%arg11 : memref<16x64xf32, #tpu.memory_space<vmem>>) dst(%dma_wait3A_110 : memref<10000x64xf32, #tpu.memory_space<vmem_shared>>)
      tpu.yield
    }) : () -> ()
    %barrier3A_90 = arith.constant 0 : index
    tpu.barrier barrier_id(%barrier3A_90)
    %lt3A_91 = arith.constant 10 : i32
    %lt3A_92 = arith.cmpi slt, %arg1, %lt3A_91 : i32
    %eq3A = arith.constant 0 : i32
    %eq3A_93 = arith.cmpi eq, %arg0, %eq3A : i32
    %and3A = arith.andi %lt3A_92, %eq3A_93 : i1
    %convert_element_type3A_94 = arith.extui %and3A : i1 to i32
    %cond3A_95 = arith.constant 0 : i32
    %cond3A_96 = arith.cmpi ne, %convert_element_type3A_94, %cond3A_95 : i32
    scf.if %cond3A_96 {
      %mul3A_105 = arith.constant 1000 : i32
      %mul3A_106 = arith.muli %arg1, %mul3A_105 : i32
      %mul3A_107 = arith.constant 1000 : i32
      %mul3A_108 = arith.muli %arg1, %mul3A_107 : i32
      "tpu.region"() ({
        %run_scoped3A = tpu.sem_alloc : memref<!tpu.dma_semaphore, #tpu.memory_space<semaphore_mem>>
        %dma_start3A_109 = arith.constant 0 : i32
        %dma_start3A_110 = tpu.memref_slice %arg6[%mul3A_108, %dma_start3A_109] : memref<10000x64xf32, #tpu.memory_space<hbm>> -> memref<1000x64xf32, #tpu.memory_space<hbm>>
        %dma_start3A_111 = arith.constant 0 : i32
        %dma_start3A_112 = tpu.memref_slice %arg24[%mul3A_106, %dma_start3A_111] : memref<10000x64xf32, #tpu.memory_space<vmem_shared>> -> memref<1000x64xf32, #tpu.memory_space<vmem_shared>>
        tpu.enqueue_dma source(%dma_start3A_112 : memref<1000x64xf32, #tpu.memory_space<vmem_shared>>) target(%dma_start3A_110 : memref<1000x64xf32, #tpu.memory_space<hbm>>) target_semaphore(%run_scoped3A : memref<!tpu.dma_semaphore, #tpu.memory_space<semaphore_mem>>)
        %dma_wait3A_113 = arith.constant 0 : i32
        %dma_wait3A_114 = tpu.memref_slice %arg6[%mul3A_108, %dma_wait3A_113] : memref<10000x64xf32, #tpu.memory_space<hbm>> -> memref<1000x64xf32, #tpu.memory_space<hbm>>
        %dma_wait3A_115 = arith.constant 0 : i32
        %dma_wait3A_116 = tpu.memref_slice %arg24[%mul3A_106, %dma_wait3A_115] : memref<10000x64xf32, #tpu.memory_space<vmem_shared>> -> memref<1000x64xf32, #tpu.memory_space<vmem_shared>>
        tpu.wait_dma2 semaphore(%run_scoped3A : memref<!tpu.dma_semaphore, #tpu.memory_space<semaphore_mem>>) src(%dma_wait3A_116 : memref<1000x64xf32, #tpu.memory_space<vmem_shared>>) dst(%dma_wait3A_114 : memref<1000x64xf32, #tpu.memory_space<hbm>>)
        tpu.yield
      }) : () -> ()
    } else {
    }
    %lt3A_97 = arith.constant 10 : i32
    %lt3A_98 = arith.cmpi slt, %arg1, %lt3A_97 : i32
    %eq3A_99 = arith.constant 1 : i32
    %eq3A_100 = arith.cmpi eq, %arg0, %eq3A_99 : i32
    %and3A_101 = arith.andi %lt3A_98, %eq3A_100 : i1
    %convert_element_type3A_102 = arith.extui %and3A_101 : i1 to i32
    %cond3A_103 = arith.constant 0 : i32
    %cond3A_104 = arith.cmpi ne, %convert_element_type3A_102, %cond3A_103 : i32
    scf.if %cond3A_104 {
      %mul3A_105 = arith.constant 1000 : i32
      %mul3A_106 = arith.muli %arg1, %mul3A_105 : i32
      %mul3A_107 = arith.constant 1000 : i32
      %mul3A_108 = arith.muli %arg1, %mul3A_107 : i32
      "tpu.region"() ({
        %run_scoped3A = tpu.sem_alloc : memref<!tpu.dma_semaphore, #tpu.memory_space<semaphore_mem>>
        %dma_start3A_109 = arith.constant 0 : i32
        %dma_start3A_110 = tpu.memref_slice %arg7[%mul3A_108, %dma_start3A_109] : memref<10000x64xf32, #tpu.memory_space<hbm>> -> memref<1000x64xf32, #tpu.memory_space<hbm>>
        %dma_start3A_111 = arith.constant 0 : i32
        %dma_start3A_112 = tpu.memref_slice %arg24[%mul3A_106, %dma_start3A_111] : memref<10000x64xf32, #tpu.memory_space<vmem_shared>> -> memref<1000x64xf32, #tpu.memory_space<vmem_shared>>
        tpu.enqueue_dma source(%dma_start3A_112 : memref<1000x64xf32, #tpu.memory_space<vmem_shared>>) target(%dma_start3A_110 : memref<1000x64xf32, #tpu.memory_space<hbm>>) target_semaphore(%run_scoped3A : memref<!tpu.dma_semaphore, #tpu.memory_space<semaphore_mem>>)
        %dma_wait3A_113 = arith.constant 0 : i32
        %dma_wait3A_114 = tpu.memref_slice %arg7[%mul3A_108, %dma_wait3A_113] : memref<10000x64xf32, #tpu.memory_space<hbm>> -> memref<1000x64xf32, #tpu.memory_space<hbm>>
        %dma_wait3A_115 = arith.constant 0 : i32
        %dma_wait3A_116 = tpu.memref_slice %arg24[%mul3A_106, %dma_wait3A_115] : memref<10000x64xf32, #tpu.memory_space<vmem_shared>> -> memref<1000x64xf32, #tpu.memory_space<vmem_shared>>
        tpu.wait_dma2 semaphore(%run_scoped3A : memref<!tpu.dma_semaphore, #tpu.memory_space<semaphore_mem>>) src(%dma_wait3A_116 : memref<1000x64xf32, #tpu.memory_space<vmem_shared>>) dst(%dma_wait3A_114 : memref<1000x64xf32, #tpu.memory_space<hbm>>)
        tpu.yield
      }) : () -> ()
    } else {
    }
    return
  }
}

#map = affine_map<(d0, d1) -> (0)>
#map1 = affine_map<(d0, d1) -> (0, 0)>
module attributes {stable_mosaic.version = 14 : i64} {
  func.func @_deg_body(%arg0: i32, %arg1: i32, %arg2: memref<320000xi32, #tpu.memory_space<hbm>>, %arg3: memref<10000x8xf32, #tpu.memory_space<hbm>>, %arg4: memref<128x8xf32, #tpu.memory_space<hbm>>, %arg5: memref<20000x8xf32, #tpu.memory_space<hbm>>, %arg6: memref<16xi32, #tpu.memory_space<vmem>>, %arg7: memref<128x8xf32, #tpu.memory_space<vmem>>, %arg8: memref<128xi32, #tpu.memory_space<vmem>>, %arg9: memref<128xi32, #tpu.memory_space<vmem>>, %arg10: memref<128xi32, #tpu.memory_space<vmem>>, %arg11: memref<128xi32, #tpu.memory_space<vmem>>, %arg12: memref<128xi32, #tpu.memory_space<vmem>>, %arg13: memref<128xi32, #tpu.memory_space<vmem>>, %arg14: memref<10000x8xf32, #tpu.memory_space<vmem_shared>>, %arg15: memref<!tpu.dma_semaphore, #tpu.memory_space<semaphore_mem>>, %arg16: memref<!tpu.dma_semaphore, #tpu.memory_space<semaphore_mem>>, %arg17: memref<!tpu.dma_semaphore, #tpu.memory_space<semaphore_mem>>, %arg18: memref<!tpu.dma_semaphore, #tpu.memory_space<semaphore_mem>>, %arg19: memref<!tpu.dma_semaphore, #tpu.memory_space<semaphore_mem>>, %arg20: memref<!tpu.dma_semaphore, #tpu.memory_space<semaphore_mem>>, %arg21: memref<!tpu.dma_semaphore, #tpu.memory_space<semaphore_mem>>, %arg22: memref<!tpu.dma_semaphore, #tpu.memory_space<semaphore_mem>>, %arg23: memref<!tpu.dma_semaphore, #tpu.memory_space<semaphore_mem>>, %arg24: memref<!tpu.dma_semaphore, #tpu.memory_space<semaphore_mem>>, %arg25: memref<!tpu.dma_semaphore, #tpu.memory_space<semaphore_mem>>, %arg26: memref<!tpu.dma_semaphore, #tpu.memory_space<semaphore_mem>>) attributes {dimension_semantics = [#tpu.dimension_semantics<core_parallel>, #tpu.dimension_semantics<subcore_parallel>], iteration_bounds = array<i64: 2, 16>, scalar_prefetch = 0 : i64, scratch_operands = 21 : i64, tpu.core_type = #tpu.core_type<sc_vector_subcore>, window_params = [{transform_indices = #map}, {transform_indices = #map1}, {transform_indices = #map1}, {transform_indices = #map1}]} {
    %mul3A = arith.constant 16 : i32
    %mul3A_0 = arith.muli %arg0, %mul3A : i32
    %add3A = arith.addi %mul3A_0, %arg1 : i32
    %mul3A_1 = arith.constant 10000 : i32
    %mul3A_2 = arith.muli %add3A, %mul3A_1 : i32
    "tpu.region"() ({
      %run_scoped3A = tpu.sem_alloc : memref<!tpu.dma_semaphore, #tpu.memory_space<semaphore_mem>>
      tpu.enqueue_dma source(%arg4 : memref<128x8xf32, #tpu.memory_space<hbm>>) target(%arg7 : memref<128x8xf32, #tpu.memory_space<vmem>>) target_semaphore(%run_scoped3A : memref<!tpu.dma_semaphore, #tpu.memory_space<semaphore_mem>>)
      tpu.wait_dma2 semaphore(%run_scoped3A : memref<!tpu.dma_semaphore, #tpu.memory_space<semaphore_mem>>) src(%arg4 : memref<128x8xf32, #tpu.memory_space<hbm>>) dst(%arg7 : memref<128x8xf32, #tpu.memory_space<vmem>>)
      tpu.yield
    }) : () -> ()
    %lt3A = arith.constant 10 : i32
    %lt3A_3 = arith.cmpi slt, %arg1, %lt3A : i32
    %convert_element_type3A = arith.extui %lt3A_3 : i1 to i32
    %cond3A = arith.constant 0 : i32
    %cond3A_4 = arith.cmpi ne, %convert_element_type3A, %cond3A : i32
    scf.if %cond3A_4 {
      %mul3A_76 = arith.constant 1000 : i32
      %mul3A_77 = arith.muli %arg1, %mul3A_76 : i32
      %mul3A_78 = arith.constant 1000 : i32
      %mul3A_79 = arith.muli %arg1, %mul3A_78 : i32
      "tpu.region"() ({
        %run_scoped3A = tpu.sem_alloc : memref<!tpu.dma_semaphore, #tpu.memory_space<semaphore_mem>>
        %dma_start3A_80 = arith.constant 0 : i32
        %dma_start3A_81 = tpu.memref_slice %arg14[%mul3A_79, %dma_start3A_80] : memref<10000x8xf32, #tpu.memory_space<vmem_shared>> -> memref<1000x8xf32, #tpu.memory_space<vmem_shared>>
        %dma_start3A_82 = arith.constant 0 : i32
        %dma_start3A_83 = tpu.memref_slice %arg3[%mul3A_77, %dma_start3A_82] : memref<10000x8xf32, #tpu.memory_space<hbm>> -> memref<1000x8xf32, #tpu.memory_space<hbm>>
        tpu.enqueue_dma source(%dma_start3A_83 : memref<1000x8xf32, #tpu.memory_space<hbm>>) target(%dma_start3A_81 : memref<1000x8xf32, #tpu.memory_space<vmem_shared>>) target_semaphore(%run_scoped3A : memref<!tpu.dma_semaphore, #tpu.memory_space<semaphore_mem>>)
        %dma_wait3A_84 = arith.constant 0 : i32
        %dma_wait3A_85 = tpu.memref_slice %arg14[%mul3A_79, %dma_wait3A_84] : memref<10000x8xf32, #tpu.memory_space<vmem_shared>> -> memref<1000x8xf32, #tpu.memory_space<vmem_shared>>
        %dma_wait3A_86 = arith.constant 0 : i32
        %dma_wait3A_87 = tpu.memref_slice %arg3[%mul3A_77, %dma_wait3A_86] : memref<10000x8xf32, #tpu.memory_space<hbm>> -> memref<1000x8xf32, #tpu.memory_space<hbm>>
        tpu.wait_dma2 semaphore(%run_scoped3A : memref<!tpu.dma_semaphore, #tpu.memory_space<semaphore_mem>>) src(%dma_wait3A_87 : memref<1000x8xf32, #tpu.memory_space<hbm>>) dst(%dma_wait3A_85 : memref<1000x8xf32, #tpu.memory_space<vmem_shared>>)
        tpu.yield
      }) : () -> ()
    } else {
    }
    %barrier3A = arith.constant 0 : index
    tpu.barrier barrier_id(%barrier3A)
    %add3A_5 = arith.constant 0 : i32
    %add3A_6 = arith.addi %mul3A_2, %add3A_5 : i32
    %dma_start3A = tpu.memref_slice %arg2[%add3A_6] : memref<320000xi32, #tpu.memory_space<hbm>> -> memref<128xi32, #tpu.memory_space<hbm>>
    %dma_start3A_7 = tpu.memref_slice %arg2[%add3A_6] : memref<320000xi32, #tpu.memory_space<hbm>> -> memref<128xi32, #tpu.memory_space<hbm>>
    tpu.enqueue_dma source(%dma_start3A_7 : memref<128xi32, #tpu.memory_space<hbm>>) target(%arg8 : memref<128xi32, #tpu.memory_space<vmem>>) target_semaphore(%arg15 : memref<!tpu.dma_semaphore, #tpu.memory_space<semaphore_mem>>)
    %add3A_8 = arith.constant 128 : i32
    %add3A_9 = arith.addi %mul3A_2, %add3A_8 : i32
    %dma_start3A_10 = tpu.memref_slice %arg2[%add3A_9] : memref<320000xi32, #tpu.memory_space<hbm>> -> memref<128xi32, #tpu.memory_space<hbm>>
    %dma_start3A_11 = tpu.memref_slice %arg2[%add3A_9] : memref<320000xi32, #tpu.memory_space<hbm>> -> memref<128xi32, #tpu.memory_space<hbm>>
    tpu.enqueue_dma source(%dma_start3A_11 : memref<128xi32, #tpu.memory_space<hbm>>) target(%arg9 : memref<128xi32, #tpu.memory_space<vmem>>) target_semaphore(%arg16 : memref<!tpu.dma_semaphore, #tpu.memory_space<semaphore_mem>>)
    %add3A_12 = arith.constant 256 : i32
    %add3A_13 = arith.addi %mul3A_2, %add3A_12 : i32
    %dma_start3A_14 = tpu.memref_slice %arg2[%add3A_13] : memref<320000xi32, #tpu.memory_space<hbm>> -> memref<128xi32, #tpu.memory_space<hbm>>
    %dma_start3A_15 = tpu.memref_slice %arg2[%add3A_13] : memref<320000xi32, #tpu.memory_space<hbm>> -> memref<128xi32, #tpu.memory_space<hbm>>
    tpu.enqueue_dma source(%dma_start3A_15 : memref<128xi32, #tpu.memory_space<hbm>>) target(%arg10 : memref<128xi32, #tpu.memory_space<vmem>>) target_semaphore(%arg17 : memref<!tpu.dma_semaphore, #tpu.memory_space<semaphore_mem>>)
    %add3A_16 = arith.constant 384 : i32
    %add3A_17 = arith.addi %mul3A_2, %add3A_16 : i32
    %dma_start3A_18 = tpu.memref_slice %arg2[%add3A_17] : memref<320000xi32, #tpu.memory_space<hbm>> -> memref<128xi32, #tpu.memory_space<hbm>>
    %dma_start3A_19 = tpu.memref_slice %arg2[%add3A_17] : memref<320000xi32, #tpu.memory_space<hbm>> -> memref<128xi32, #tpu.memory_space<hbm>>
    tpu.enqueue_dma source(%dma_start3A_19 : memref<128xi32, #tpu.memory_space<hbm>>) target(%arg11 : memref<128xi32, #tpu.memory_space<vmem>>) target_semaphore(%arg18 : memref<!tpu.dma_semaphore, #tpu.memory_space<semaphore_mem>>)
    %add3A_20 = arith.constant 512 : i32
    %add3A_21 = arith.addi %mul3A_2, %add3A_20 : i32
    %dma_start3A_22 = tpu.memref_slice %arg2[%add3A_21] : memref<320000xi32, #tpu.memory_space<hbm>> -> memref<128xi32, #tpu.memory_space<hbm>>
    %dma_start3A_23 = tpu.memref_slice %arg2[%add3A_21] : memref<320000xi32, #tpu.memory_space<hbm>> -> memref<128xi32, #tpu.memory_space<hbm>>
    tpu.enqueue_dma source(%dma_start3A_23 : memref<128xi32, #tpu.memory_space<hbm>>) target(%arg12 : memref<128xi32, #tpu.memory_space<vmem>>) target_semaphore(%arg19 : memref<!tpu.dma_semaphore, #tpu.memory_space<semaphore_mem>>)
    %add3A_24 = arith.constant 640 : i32
    %add3A_25 = arith.addi %mul3A_2, %add3A_24 : i32
    %dma_start3A_26 = tpu.memref_slice %arg2[%add3A_25] : memref<320000xi32, #tpu.memory_space<hbm>> -> memref<128xi32, #tpu.memory_space<hbm>>
    %dma_start3A_27 = tpu.memref_slice %arg2[%add3A_25] : memref<320000xi32, #tpu.memory_space<hbm>> -> memref<128xi32, #tpu.memory_space<hbm>>
    tpu.enqueue_dma source(%dma_start3A_27 : memref<128xi32, #tpu.memory_space<hbm>>) target(%arg13 : memref<128xi32, #tpu.memory_space<vmem>>) target_semaphore(%arg20 : memref<!tpu.dma_semaphore, #tpu.memory_space<semaphore_mem>>)
    %scan3A = arith.constant 0 : i32
    %scan3A_28 = arith.constant 0 : i32
    %scan3A_29 = arith.constant 13 : i32
    %scan3A_30 = arith.addi %scan3A_28, %scan3A_29 : i32
    %scan3A_31 = arith.constant 1 : i32
    scf.for %scan3A_76 = %scan3A_28 to %scan3A_30 step %scan3A_31  : i32 {
      %mul3A_77 = arith.constant 6 : i32
      %mul3A_78 = arith.muli %mul3A_77, %scan3A_76 : i32
      %add3A_79 = arith.constant 0 : i32
      %add3A_80 = arith.addi %mul3A_78, %add3A_79 : i32
      %mul3A_81 = arith.constant 128 : i32
      %mul3A_82 = arith.muli %add3A_80, %mul3A_81 : i32
      %dma_wait3A_83 = tpu.memref_slice %arg2[%mul3A_82] : memref<320000xi32, #tpu.memory_space<hbm>> -> memref<128xi32, #tpu.memory_space<hbm>>
      %dma_wait3A_84 = tpu.memref_slice %arg2[%mul3A_82] : memref<320000xi32, #tpu.memory_space<hbm>> -> memref<128xi32, #tpu.memory_space<hbm>>
      tpu.wait_dma2 semaphore(%arg15 : memref<!tpu.dma_semaphore, #tpu.memory_space<semaphore_mem>>) src(%dma_wait3A_84 : memref<128xi32, #tpu.memory_space<hbm>>) dst(%arg8 : memref<128xi32, #tpu.memory_space<vmem>>)
      %dma_start3A_85 = arith.constant 0 : i32
      %dma_start3A_86 = arith.constant 0 : i32
      %dma_start3A_87 = tpu.memref_slice %arg7[%dma_start3A_85, %dma_start3A_86] : memref<128x8xf32, #tpu.memory_space<vmem>> -> memref<128x8xf32, #tpu.memory_space<vmem>>
      %dma_start3A_88 = arith.constant 0 : i32
      %dma_start3A_89 = arith.constant 0 : i32
      %dma_start3A_90 = tpu.memref_slice %arg14[%dma_start3A_88, %dma_start3A_89] : memref<10000x8xf32, #tpu.memory_space<vmem_shared>> -> memref<10000x8xf32, #tpu.memory_space<vmem_shared>>
      tpu.enqueue_indirect_dma source(%dma_start3A_87 : memref<128x8xf32, #tpu.memory_space<vmem>>) target(%dma_start3A_90 : memref<10000x8xf32, #tpu.memory_space<vmem_shared>>) offsets(%arg8 : memref<128xi32, #tpu.memory_space<vmem>>) semaphore(%arg21 : memref<!tpu.dma_semaphore, #tpu.memory_space<semaphore_mem>>) {add = true}
      %add3A_91 = arith.constant 6 : i32
      %add3A_92 = arith.addi %add3A_80, %add3A_91 : i32
      %lt3A_93 = arith.constant 78 : i32
      %lt3A_94 = arith.cmpi slt, %add3A_92, %lt3A_93 : i32
      %convert_element_type3A_95 = arith.extui %lt3A_94 : i1 to i32
      %cond3A_96 = arith.constant 0 : i32
      %cond3A_97 = arith.cmpi ne, %convert_element_type3A_95, %cond3A_96 : i32
      scf.if %cond3A_97 {
        %dma_wait3A_203 = arith.constant 0 : i32
        %dma_wait3A_204 = arith.constant 0 : i32
        %dma_wait3A_205 = tpu.memref_slice %arg7[%dma_wait3A_203, %dma_wait3A_204] : memref<128x8xf32, #tpu.memory_space<vmem>> -> memref<128x8xf32, #tpu.memory_space<vmem>>
        %dma_wait3A_206 = arith.constant 0 : i32
        %dma_wait3A_207 = arith.constant 0 : i32
        %dma_wait3A_208 = tpu.memref_slice %arg14[%dma_wait3A_206, %dma_wait3A_207] : memref<10000x8xf32, #tpu.memory_space<vmem_shared>> -> memref<10000x8xf32, #tpu.memory_space<vmem_shared>>
        tpu.wait_indirect_dma semaphore(%arg21 : memref<!tpu.dma_semaphore, #tpu.memory_space<semaphore_mem>>) src(%dma_wait3A_205 : memref<128x8xf32, #tpu.memory_space<vmem>>) dst(%dma_wait3A_208 : memref<10000x8xf32, #tpu.memory_space<vmem_shared>>)
        %add3A_209 = arith.constant 6 : i32
        %add3A_210 = arith.addi %add3A_80, %add3A_209 : i32
        %mul3A_211 = arith.constant 128 : i32
        %mul3A_212 = arith.muli %add3A_210, %mul3A_211 : i32
        %add3A_213 = arith.addi %mul3A_2, %mul3A_212 : i32
        %dma_start3A_214 = tpu.memref_slice %arg2[%add3A_213] : memref<320000xi32, #tpu.memory_space<hbm>> -> memref<128xi32, #tpu.memory_space<hbm>>
        %dma_start3A_215 = tpu.memref_slice %arg2[%add3A_213] : memref<320000xi32, #tpu.memory_space<hbm>> -> memref<128xi32, #tpu.memory_space<hbm>>
        tpu.enqueue_dma source(%dma_start3A_215 : memref<128xi32, #tpu.memory_space<hbm>>) target(%arg8 : memref<128xi32, #tpu.memory_space<vmem>>) target_semaphore(%arg15 : memref<!tpu.dma_semaphore, #tpu.memory_space<semaphore_mem>>)
      } else {
      }
      %mul3A_98 = arith.constant 6 : i32
      %mul3A_99 = arith.muli %mul3A_98, %scan3A_76 : i32
      %add3A_100 = arith.constant 1 : i32
      %add3A_101 = arith.addi %mul3A_99, %add3A_100 : i32
      %mul3A_102 = arith.constant 128 : i32
      %mul3A_103 = arith.muli %add3A_101, %mul3A_102 : i32
      %dma_wait3A_104 = tpu.memref_slice %arg2[%mul3A_103] : memref<320000xi32, #tpu.memory_space<hbm>> -> memref<128xi32, #tpu.memory_space<hbm>>
      %dma_wait3A_105 = tpu.memref_slice %arg2[%mul3A_103] : memref<320000xi32, #tpu.memory_space<hbm>> -> memref<128xi32, #tpu.memory_space<hbm>>
      tpu.wait_dma2 semaphore(%arg16 : memref<!tpu.dma_semaphore, #tpu.memory_space<semaphore_mem>>) src(%dma_wait3A_105 : memref<128xi32, #tpu.memory_space<hbm>>) dst(%arg9 : memref<128xi32, #tpu.memory_space<vmem>>)
      %dma_start3A_106 = arith.constant 0 : i32
      %dma_start3A_107 = arith.constant 0 : i32
      %dma_start3A_108 = tpu.memref_slice %arg7[%dma_start3A_106, %dma_start3A_107] : memref<128x8xf32, #tpu.memory_space<vmem>> -> memref<128x8xf32, #tpu.memory_space<vmem>>
      %dma_start3A_109 = arith.constant 0 : i32
      %dma_start3A_110 = arith.constant 0 : i32
      %dma_start3A_111 = tpu.memref_slice %arg14[%dma_start3A_109, %dma_start3A_110] : memref<10000x8xf32, #tpu.memory_space<vmem_shared>> -> memref<10000x8xf32, #tpu.memory_space<vmem_shared>>
      tpu.enqueue_indirect_dma source(%dma_start3A_108 : memref<128x8xf32, #tpu.memory_space<vmem>>) target(%dma_start3A_111 : memref<10000x8xf32, #tpu.memory_space<vmem_shared>>) offsets(%arg9 : memref<128xi32, #tpu.memory_space<vmem>>) semaphore(%arg22 : memref<!tpu.dma_semaphore, #tpu.memory_space<semaphore_mem>>) {add = true}
      %add3A_112 = arith.constant 6 : i32
      %add3A_113 = arith.addi %add3A_101, %add3A_112 : i32
      %lt3A_114 = arith.constant 78 : i32
      %lt3A_115 = arith.cmpi slt, %add3A_113, %lt3A_114 : i32
      %convert_element_type3A_116 = arith.extui %lt3A_115 : i1 to i32
      %cond3A_117 = arith.constant 0 : i32
      %cond3A_118 = arith.cmpi ne, %convert_element_type3A_116, %cond3A_117 : i32
      scf.if %cond3A_118 {
        %dma_wait3A_203 = arith.constant 0 : i32
        %dma_wait3A_204 = arith.constant 0 : i32
        %dma_wait3A_205 = tpu.memref_slice %arg7[%dma_wait3A_203, %dma_wait3A_204] : memref<128x8xf32, #tpu.memory_space<vmem>> -> memref<128x8xf32, #tpu.memory_space<vmem>>
        %dma_wait3A_206 = arith.constant 0 : i32
        %dma_wait3A_207 = arith.constant 0 : i32
        %dma_wait3A_208 = tpu.memref_slice %arg14[%dma_wait3A_206, %dma_wait3A_207] : memref<10000x8xf32, #tpu.memory_space<vmem_shared>> -> memref<10000x8xf32, #tpu.memory_space<vmem_shared>>
        tpu.wait_indirect_dma semaphore(%arg22 : memref<!tpu.dma_semaphore, #tpu.memory_space<semaphore_mem>>) src(%dma_wait3A_205 : memref<128x8xf32, #tpu.memory_space<vmem>>) dst(%dma_wait3A_208 : memref<10000x8xf32, #tpu.memory_space<vmem_shared>>)
        %add3A_209 = arith.constant 6 : i32
        %add3A_210 = arith.addi %add3A_101, %add3A_209 : i32
        %mul3A_211 = arith.constant 128 : i32
        %mul3A_212 = arith.muli %add3A_210, %mul3A_211 : i32
        %add3A_213 = arith.addi %mul3A_2, %mul3A_212 : i32
        %dma_start3A_214 = tpu.memref_slice %arg2[%add3A_213] : memref<320000xi32, #tpu.memory_space<hbm>> -> memref<128xi32, #tpu.memory_space<hbm>>
        %dma_start3A_215 = tpu.memref_slice %arg2[%add3A_213] : memref<320000xi32, #tpu.memory_space<hbm>> -> memref<128xi32, #tpu.memory_space<hbm>>
        tpu.enqueue_dma source(%dma_start3A_215 : memref<128xi32, #tpu.memory_space<hbm>>) target(%arg9 : memref<128xi32, #tpu.memory_space<vmem>>) target_semaphore(%arg16 : memref<!tpu.dma_semaphore, #tpu.memory_space<semaphore_mem>>)
      } else {
      }
      %mul3A_119 = arith.constant 6 : i32
      %mul3A_120 = arith.muli %mul3A_119, %scan3A_76 : i32
      %add3A_121 = arith.constant 2 : i32
      %add3A_122 = arith.addi %mul3A_120, %add3A_121 : i32
      %mul3A_123 = arith.constant 128 : i32
      %mul3A_124 = arith.muli %add3A_122, %mul3A_123 : i32
      %dma_wait3A_125 = tpu.memref_slice %arg2[%mul3A_124] : memref<320000xi32, #tpu.memory_space<hbm>> -> memref<128xi32, #tpu.memory_space<hbm>>
      %dma_wait3A_126 = tpu.memref_slice %arg2[%mul3A_124] : memref<320000xi32, #tpu.memory_space<hbm>> -> memref<128xi32, #tpu.memory_space<hbm>>
      tpu.wait_dma2 semaphore(%arg17 : memref<!tpu.dma_semaphore, #tpu.memory_space<semaphore_mem>>) src(%dma_wait3A_126 : memref<128xi32, #tpu.memory_space<hbm>>) dst(%arg10 : memref<128xi32, #tpu.memory_space<vmem>>)
      %dma_start3A_127 = arith.constant 0 : i32
      %dma_start3A_128 = arith.constant 0 : i32
      %dma_start3A_129 = tpu.memref_slice %arg7[%dma_start3A_127, %dma_start3A_128] : memref<128x8xf32, #tpu.memory_space<vmem>> -> memref<128x8xf32, #tpu.memory_space<vmem>>
      %dma_start3A_130 = arith.constant 0 : i32
      %dma_start3A_131 = arith.constant 0 : i32
      %dma_start3A_132 = tpu.memref_slice %arg14[%dma_start3A_130, %dma_start3A_131] : memref<10000x8xf32, #tpu.memory_space<vmem_shared>> -> memref<10000x8xf32, #tpu.memory_space<vmem_shared>>
      tpu.enqueue_indirect_dma source(%dma_start3A_129 : memref<128x8xf32, #tpu.memory_space<vmem>>) target(%dma_start3A_132 : memref<10000x8xf32, #tpu.memory_space<vmem_shared>>) offsets(%arg10 : memref<128xi32, #tpu.memory_space<vmem>>) semaphore(%arg23 : memref<!tpu.dma_semaphore, #tpu.memory_space<semaphore_mem>>) {add = true}
      %add3A_133 = arith.constant 6 : i32
      %add3A_134 = arith.addi %add3A_122, %add3A_133 : i32
      %lt3A_135 = arith.constant 78 : i32
      %lt3A_136 = arith.cmpi slt, %add3A_134, %lt3A_135 : i32
      %convert_element_type3A_137 = arith.extui %lt3A_136 : i1 to i32
      %cond3A_138 = arith.constant 0 : i32
      %cond3A_139 = arith.cmpi ne, %convert_element_type3A_137, %cond3A_138 : i32
      scf.if %cond3A_139 {
        %dma_wait3A_203 = arith.constant 0 : i32
        %dma_wait3A_204 = arith.constant 0 : i32
        %dma_wait3A_205 = tpu.memref_slice %arg7[%dma_wait3A_203, %dma_wait3A_204] : memref<128x8xf32, #tpu.memory_space<vmem>> -> memref<128x8xf32, #tpu.memory_space<vmem>>
        %dma_wait3A_206 = arith.constant 0 : i32
        %dma_wait3A_207 = arith.constant 0 : i32
        %dma_wait3A_208 = tpu.memref_slice %arg14[%dma_wait3A_206, %dma_wait3A_207] : memref<10000x8xf32, #tpu.memory_space<vmem_shared>> -> memref<10000x8xf32, #tpu.memory_space<vmem_shared>>
        tpu.wait_indirect_dma semaphore(%arg23 : memref<!tpu.dma_semaphore, #tpu.memory_space<semaphore_mem>>) src(%dma_wait3A_205 : memref<128x8xf32, #tpu.memory_space<vmem>>) dst(%dma_wait3A_208 : memref<10000x8xf32, #tpu.memory_space<vmem_shared>>)
        %add3A_209 = arith.constant 6 : i32
        %add3A_210 = arith.addi %add3A_122, %add3A_209 : i32
        %mul3A_211 = arith.constant 128 : i32
        %mul3A_212 = arith.muli %add3A_210, %mul3A_211 : i32
        %add3A_213 = arith.addi %mul3A_2, %mul3A_212 : i32
        %dma_start3A_214 = tpu.memref_slice %arg2[%add3A_213] : memref<320000xi32, #tpu.memory_space<hbm>> -> memref<128xi32, #tpu.memory_space<hbm>>
        %dma_start3A_215 = tpu.memref_slice %arg2[%add3A_213] : memref<320000xi32, #tpu.memory_space<hbm>> -> memref<128xi32, #tpu.memory_space<hbm>>
        tpu.enqueue_dma source(%dma_start3A_215 : memref<128xi32, #tpu.memory_space<hbm>>) target(%arg10 : memref<128xi32, #tpu.memory_space<vmem>>) target_semaphore(%arg17 : memref<!tpu.dma_semaphore, #tpu.memory_space<semaphore_mem>>)
      } else {
      }
      %mul3A_140 = arith.constant 6 : i32
      %mul3A_141 = arith.muli %mul3A_140, %scan3A_76 : i32
      %add3A_142 = arith.constant 3 : i32
      %add3A_143 = arith.addi %mul3A_141, %add3A_142 : i32
      %mul3A_144 = arith.constant 128 : i32
      %mul3A_145 = arith.muli %add3A_143, %mul3A_144 : i32
      %dma_wait3A_146 = tpu.memref_slice %arg2[%mul3A_145] : memref<320000xi32, #tpu.memory_space<hbm>> -> memref<128xi32, #tpu.memory_space<hbm>>
      %dma_wait3A_147 = tpu.memref_slice %arg2[%mul3A_145] : memref<320000xi32, #tpu.memory_space<hbm>> -> memref<128xi32, #tpu.memory_space<hbm>>
      tpu.wait_dma2 semaphore(%arg18 : memref<!tpu.dma_semaphore, #tpu.memory_space<semaphore_mem>>) src(%dma_wait3A_147 : memref<128xi32, #tpu.memory_space<hbm>>) dst(%arg11 : memref<128xi32, #tpu.memory_space<vmem>>)
      %dma_start3A_148 = arith.constant 0 : i32
      %dma_start3A_149 = arith.constant 0 : i32
      %dma_start3A_150 = tpu.memref_slice %arg7[%dma_start3A_148, %dma_start3A_149] : memref<128x8xf32, #tpu.memory_space<vmem>> -> memref<128x8xf32, #tpu.memory_space<vmem>>
      %dma_start3A_151 = arith.constant 0 : i32
      %dma_start3A_152 = arith.constant 0 : i32
      %dma_start3A_153 = tpu.memref_slice %arg14[%dma_start3A_151, %dma_start3A_152] : memref<10000x8xf32, #tpu.memory_space<vmem_shared>> -> memref<10000x8xf32, #tpu.memory_space<vmem_shared>>
      tpu.enqueue_indirect_dma source(%dma_start3A_150 : memref<128x8xf32, #tpu.memory_space<vmem>>) target(%dma_start3A_153 : memref<10000x8xf32, #tpu.memory_space<vmem_shared>>) offsets(%arg11 : memref<128xi32, #tpu.memory_space<vmem>>) semaphore(%arg24 : memref<!tpu.dma_semaphore, #tpu.memory_space<semaphore_mem>>) {add = true}
      %add3A_154 = arith.constant 6 : i32
      %add3A_155 = arith.addi %add3A_143, %add3A_154 : i32
      %lt3A_156 = arith.constant 78 : i32
      %lt3A_157 = arith.cmpi slt, %add3A_155, %lt3A_156 : i32
      %convert_element_type3A_158 = arith.extui %lt3A_157 : i1 to i32
      %cond3A_159 = arith.constant 0 : i32
      %cond3A_160 = arith.cmpi ne, %convert_element_type3A_158, %cond3A_159 : i32
      scf.if %cond3A_160 {
        %dma_wait3A_203 = arith.constant 0 : i32
        %dma_wait3A_204 = arith.constant 0 : i32
        %dma_wait3A_205 = tpu.memref_slice %arg7[%dma_wait3A_203, %dma_wait3A_204] : memref<128x8xf32, #tpu.memory_space<vmem>> -> memref<128x8xf32, #tpu.memory_space<vmem>>
        %dma_wait3A_206 = arith.constant 0 : i32
        %dma_wait3A_207 = arith.constant 0 : i32
        %dma_wait3A_208 = tpu.memref_slice %arg14[%dma_wait3A_206, %dma_wait3A_207] : memref<10000x8xf32, #tpu.memory_space<vmem_shared>> -> memref<10000x8xf32, #tpu.memory_space<vmem_shared>>
        tpu.wait_indirect_dma semaphore(%arg24 : memref<!tpu.dma_semaphore, #tpu.memory_space<semaphore_mem>>) src(%dma_wait3A_205 : memref<128x8xf32, #tpu.memory_space<vmem>>) dst(%dma_wait3A_208 : memref<10000x8xf32, #tpu.memory_space<vmem_shared>>)
        %add3A_209 = arith.constant 6 : i32
        %add3A_210 = arith.addi %add3A_143, %add3A_209 : i32
        %mul3A_211 = arith.constant 128 : i32
        %mul3A_212 = arith.muli %add3A_210, %mul3A_211 : i32
        %add3A_213 = arith.addi %mul3A_2, %mul3A_212 : i32
        %dma_start3A_214 = tpu.memref_slice %arg2[%add3A_213] : memref<320000xi32, #tpu.memory_space<hbm>> -> memref<128xi32, #tpu.memory_space<hbm>>
        %dma_start3A_215 = tpu.memref_slice %arg2[%add3A_213] : memref<320000xi32, #tpu.memory_space<hbm>> -> memref<128xi32, #tpu.memory_space<hbm>>
        tpu.enqueue_dma source(%dma_start3A_215 : memref<128xi32, #tpu.memory_space<hbm>>) target(%arg11 : memref<128xi32, #tpu.memory_space<vmem>>) target_semaphore(%arg18 : memref<!tpu.dma_semaphore, #tpu.memory_space<semaphore_mem>>)
      } else {
      }
      %mul3A_161 = arith.constant 6 : i32
      %mul3A_162 = arith.muli %mul3A_161, %scan3A_76 : i32
      %add3A_163 = arith.constant 4 : i32
      %add3A_164 = arith.addi %mul3A_162, %add3A_163 : i32
      %mul3A_165 = arith.constant 128 : i32
      %mul3A_166 = arith.muli %add3A_164, %mul3A_165 : i32
      %dma_wait3A_167 = tpu.memref_slice %arg2[%mul3A_166] : memref<320000xi32, #tpu.memory_space<hbm>> -> memref<128xi32, #tpu.memory_space<hbm>>
      %dma_wait3A_168 = tpu.memref_slice %arg2[%mul3A_166] : memref<320000xi32, #tpu.memory_space<hbm>> -> memref<128xi32, #tpu.memory_space<hbm>>
      tpu.wait_dma2 semaphore(%arg19 : memref<!tpu.dma_semaphore, #tpu.memory_space<semaphore_mem>>) src(%dma_wait3A_168 : memref<128xi32, #tpu.memory_space<hbm>>) dst(%arg12 : memref<128xi32, #tpu.memory_space<vmem>>)
      %dma_start3A_169 = arith.constant 0 : i32
      %dma_start3A_170 = arith.constant 0 : i32
      %dma_start3A_171 = tpu.memref_slice %arg7[%dma_start3A_169, %dma_start3A_170] : memref<128x8xf32, #tpu.memory_space<vmem>> -> memref<128x8xf32, #tpu.memory_space<vmem>>
      %dma_start3A_172 = arith.constant 0 : i32
      %dma_start3A_173 = arith.constant 0 : i32
      %dma_start3A_174 = tpu.memref_slice %arg14[%dma_start3A_172, %dma_start3A_173] : memref<10000x8xf32, #tpu.memory_space<vmem_shared>> -> memref<10000x8xf32, #tpu.memory_space<vmem_shared>>
      tpu.enqueue_indirect_dma source(%dma_start3A_171 : memref<128x8xf32, #tpu.memory_space<vmem>>) target(%dma_start3A_174 : memref<10000x8xf32, #tpu.memory_space<vmem_shared>>) offsets(%arg12 : memref<128xi32, #tpu.memory_space<vmem>>) semaphore(%arg25 : memref<!tpu.dma_semaphore, #tpu.memory_space<semaphore_mem>>) {add = true}
      %add3A_175 = arith.constant 6 : i32
      %add3A_176 = arith.addi %add3A_164, %add3A_175 : i32
      %lt3A_177 = arith.constant 78 : i32
      %lt3A_178 = arith.cmpi slt, %add3A_176, %lt3A_177 : i32
      %convert_element_type3A_179 = arith.extui %lt3A_178 : i1 to i32
      %cond3A_180 = arith.constant 0 : i32
      %cond3A_181 = arith.cmpi ne, %convert_element_type3A_179, %cond3A_180 : i32
      scf.if %cond3A_181 {
        %dma_wait3A_203 = arith.constant 0 : i32
        %dma_wait3A_204 = arith.constant 0 : i32
        %dma_wait3A_205 = tpu.memref_slice %arg7[%dma_wait3A_203, %dma_wait3A_204] : memref<128x8xf32, #tpu.memory_space<vmem>> -> memref<128x8xf32, #tpu.memory_space<vmem>>
        %dma_wait3A_206 = arith.constant 0 : i32
        %dma_wait3A_207 = arith.constant 0 : i32
        %dma_wait3A_208 = tpu.memref_slice %arg14[%dma_wait3A_206, %dma_wait3A_207] : memref<10000x8xf32, #tpu.memory_space<vmem_shared>> -> memref<10000x8xf32, #tpu.memory_space<vmem_shared>>
        tpu.wait_indirect_dma semaphore(%arg25 : memref<!tpu.dma_semaphore, #tpu.memory_space<semaphore_mem>>) src(%dma_wait3A_205 : memref<128x8xf32, #tpu.memory_space<vmem>>) dst(%dma_wait3A_208 : memref<10000x8xf32, #tpu.memory_space<vmem_shared>>)
        %add3A_209 = arith.constant 6 : i32
        %add3A_210 = arith.addi %add3A_164, %add3A_209 : i32
        %mul3A_211 = arith.constant 128 : i32
        %mul3A_212 = arith.muli %add3A_210, %mul3A_211 : i32
        %add3A_213 = arith.addi %mul3A_2, %mul3A_212 : i32
        %dma_start3A_214 = tpu.memref_slice %arg2[%add3A_213] : memref<320000xi32, #tpu.memory_space<hbm>> -> memref<128xi32, #tpu.memory_space<hbm>>
        %dma_start3A_215 = tpu.memref_slice %arg2[%add3A_213] : memref<320000xi32, #tpu.memory_space<hbm>> -> memref<128xi32, #tpu.memory_space<hbm>>
        tpu.enqueue_dma source(%dma_start3A_215 : memref<128xi32, #tpu.memory_space<hbm>>) target(%arg12 : memref<128xi32, #tpu.memory_space<vmem>>) target_semaphore(%arg19 : memref<!tpu.dma_semaphore, #tpu.memory_space<semaphore_mem>>)
      } else {
      }
      %mul3A_182 = arith.constant 6 : i32
      %mul3A_183 = arith.muli %mul3A_182, %scan3A_76 : i32
      %add3A_184 = arith.constant 5 : i32
      %add3A_185 = arith.addi %mul3A_183, %add3A_184 : i32
      %mul3A_186 = arith.constant 128 : i32
      %mul3A_187 = arith.muli %add3A_185, %mul3A_186 : i32
      %dma_wait3A_188 = tpu.memref_slice %arg2[%mul3A_187] : memref<320000xi32, #tpu.memory_space<hbm>> -> memref<128xi32, #tpu.memory_space<hbm>>
      %dma_wait3A_189 = tpu.memref_slice %arg2[%mul3A_187] : memref<320000xi32, #tpu.memory_space<hbm>> -> memref<128xi32, #tpu.memory_space<hbm>>
      tpu.wait_dma2 semaphore(%arg20 : memref<!tpu.dma_semaphore, #tpu.memory_space<semaphore_mem>>) src(%dma_wait3A_189 : memref<128xi32, #tpu.memory_space<hbm>>) dst(%arg13 : memref<128xi32, #tpu.memory_space<vmem>>)
      %dma_start3A_190 = arith.constant 0 : i32
      %dma_start3A_191 = arith.constant 0 : i32
      %dma_start3A_192 = tpu.memref_slice %arg7[%dma_start3A_190, %dma_start3A_191] : memref<128x8xf32, #tpu.memory_space<vmem>> -> memref<128x8xf32, #tpu.memory_space<vmem>>
      %dma_start3A_193 = arith.constant 0 : i32
      %dma_start3A_194 = arith.constant 0 : i32
      %dma_start3A_195 = tpu.memref_slice %arg14[%dma_start3A_193, %dma_start3A_194] : memref<10000x8xf32, #tpu.memory_space<vmem_shared>> -> memref<10000x8xf32, #tpu.memory_space<vmem_shared>>
      tpu.enqueue_indirect_dma source(%dma_start3A_192 : memref<128x8xf32, #tpu.memory_space<vmem>>) target(%dma_start3A_195 : memref<10000x8xf32, #tpu.memory_space<vmem_shared>>) offsets(%arg13 : memref<128xi32, #tpu.memory_space<vmem>>) semaphore(%arg26 : memref<!tpu.dma_semaphore, #tpu.memory_space<semaphore_mem>>) {add = true}
      %add3A_196 = arith.constant 6 : i32
      %add3A_197 = arith.addi %add3A_185, %add3A_196 : i32
      %lt3A_198 = arith.constant 78 : i32
      %lt3A_199 = arith.cmpi slt, %add3A_197, %lt3A_198 : i32
      %convert_element_type3A_200 = arith.extui %lt3A_199 : i1 to i32
      %cond3A_201 = arith.constant 0 : i32
      %cond3A_202 = arith.cmpi ne, %convert_element_type3A_200, %cond3A_201 : i32
      scf.if %cond3A_202 {
        %dma_wait3A_203 = arith.constant 0 : i32
        %dma_wait3A_204 = arith.constant 0 : i32
        %dma_wait3A_205 = tpu.memref_slice %arg7[%dma_wait3A_203, %dma_wait3A_204] : memref<128x8xf32, #tpu.memory_space<vmem>> -> memref<128x8xf32, #tpu.memory_space<vmem>>
        %dma_wait3A_206 = arith.constant 0 : i32
        %dma_wait3A_207 = arith.constant 0 : i32
        %dma_wait3A_208 = tpu.memref_slice %arg14[%dma_wait3A_206, %dma_wait3A_207] : memref<10000x8xf32, #tpu.memory_space<vmem_shared>> -> memref<10000x8xf32, #tpu.memory_space<vmem_shared>>
        tpu.wait_indirect_dma semaphore(%arg26 : memref<!tpu.dma_semaphore, #tpu.memory_space<semaphore_mem>>) src(%dma_wait3A_205 : memref<128x8xf32, #tpu.memory_space<vmem>>) dst(%dma_wait3A_208 : memref<10000x8xf32, #tpu.memory_space<vmem_shared>>)
        %add3A_209 = arith.constant 6 : i32
        %add3A_210 = arith.addi %add3A_185, %add3A_209 : i32
        %mul3A_211 = arith.constant 128 : i32
        %mul3A_212 = arith.muli %add3A_210, %mul3A_211 : i32
        %add3A_213 = arith.addi %mul3A_2, %mul3A_212 : i32
        %dma_start3A_214 = tpu.memref_slice %arg2[%add3A_213] : memref<320000xi32, #tpu.memory_space<hbm>> -> memref<128xi32, #tpu.memory_space<hbm>>
        %dma_start3A_215 = tpu.memref_slice %arg2[%add3A_213] : memref<320000xi32, #tpu.memory_space<hbm>> -> memref<128xi32, #tpu.memory_space<hbm>>
        tpu.enqueue_dma source(%dma_start3A_215 : memref<128xi32, #tpu.memory_space<hbm>>) target(%arg13 : memref<128xi32, #tpu.memory_space<vmem>>) target_semaphore(%arg20 : memref<!tpu.dma_semaphore, #tpu.memory_space<semaphore_mem>>)
      } else {
      }
    }
    %scan3A_32 = arith.constant 13 : i32
    %dma_wait3A = arith.constant 0 : i32
    %dma_wait3A_33 = arith.constant 0 : i32
    %dma_wait3A_34 = tpu.memref_slice %arg7[%dma_wait3A, %dma_wait3A_33] : memref<128x8xf32, #tpu.memory_space<vmem>> -> memref<128x8xf32, #tpu.memory_space<vmem>>
    %dma_wait3A_35 = arith.constant 0 : i32
    %dma_wait3A_36 = arith.constant 0 : i32
    %dma_wait3A_37 = tpu.memref_slice %arg14[%dma_wait3A_35, %dma_wait3A_36] : memref<10000x8xf32, #tpu.memory_space<vmem_shared>> -> memref<10000x8xf32, #tpu.memory_space<vmem_shared>>
    tpu.wait_indirect_dma semaphore(%arg21 : memref<!tpu.dma_semaphore, #tpu.memory_space<semaphore_mem>>) src(%dma_wait3A_34 : memref<128x8xf32, #tpu.memory_space<vmem>>) dst(%dma_wait3A_37 : memref<10000x8xf32, #tpu.memory_space<vmem_shared>>)
    %dma_wait3A_38 = arith.constant 0 : i32
    %dma_wait3A_39 = arith.constant 0 : i32
    %dma_wait3A_40 = tpu.memref_slice %arg7[%dma_wait3A_38, %dma_wait3A_39] : memref<128x8xf32, #tpu.memory_space<vmem>> -> memref<128x8xf32, #tpu.memory_space<vmem>>
    %dma_wait3A_41 = arith.constant 0 : i32
    %dma_wait3A_42 = arith.constant 0 : i32
    %dma_wait3A_43 = tpu.memref_slice %arg14[%dma_wait3A_41, %dma_wait3A_42] : memref<10000x8xf32, #tpu.memory_space<vmem_shared>> -> memref<10000x8xf32, #tpu.memory_space<vmem_shared>>
    tpu.wait_indirect_dma semaphore(%arg22 : memref<!tpu.dma_semaphore, #tpu.memory_space<semaphore_mem>>) src(%dma_wait3A_40 : memref<128x8xf32, #tpu.memory_space<vmem>>) dst(%dma_wait3A_43 : memref<10000x8xf32, #tpu.memory_space<vmem_shared>>)
    %dma_wait3A_44 = arith.constant 0 : i32
    %dma_wait3A_45 = arith.constant 0 : i32
    %dma_wait3A_46 = tpu.memref_slice %arg7[%dma_wait3A_44, %dma_wait3A_45] : memref<128x8xf32, #tpu.memory_space<vmem>> -> memref<128x8xf32, #tpu.memory_space<vmem>>
    %dma_wait3A_47 = arith.constant 0 : i32
    %dma_wait3A_48 = arith.constant 0 : i32
    %dma_wait3A_49 = tpu.memref_slice %arg14[%dma_wait3A_47, %dma_wait3A_48] : memref<10000x8xf32, #tpu.memory_space<vmem_shared>> -> memref<10000x8xf32, #tpu.memory_space<vmem_shared>>
    tpu.wait_indirect_dma semaphore(%arg23 : memref<!tpu.dma_semaphore, #tpu.memory_space<semaphore_mem>>) src(%dma_wait3A_46 : memref<128x8xf32, #tpu.memory_space<vmem>>) dst(%dma_wait3A_49 : memref<10000x8xf32, #tpu.memory_space<vmem_shared>>)
    %dma_wait3A_50 = arith.constant 0 : i32
    %dma_wait3A_51 = arith.constant 0 : i32
    %dma_wait3A_52 = tpu.memref_slice %arg7[%dma_wait3A_50, %dma_wait3A_51] : memref<128x8xf32, #tpu.memory_space<vmem>> -> memref<128x8xf32, #tpu.memory_space<vmem>>
    %dma_wait3A_53 = arith.constant 0 : i32
    %dma_wait3A_54 = arith.constant 0 : i32
    %dma_wait3A_55 = tpu.memref_slice %arg14[%dma_wait3A_53, %dma_wait3A_54] : memref<10000x8xf32, #tpu.memory_space<vmem_shared>> -> memref<10000x8xf32, #tpu.memory_space<vmem_shared>>
    tpu.wait_indirect_dma semaphore(%arg24 : memref<!tpu.dma_semaphore, #tpu.memory_space<semaphore_mem>>) src(%dma_wait3A_52 : memref<128x8xf32, #tpu.memory_space<vmem>>) dst(%dma_wait3A_55 : memref<10000x8xf32, #tpu.memory_space<vmem_shared>>)
    %dma_wait3A_56 = arith.constant 0 : i32
    %dma_wait3A_57 = arith.constant 0 : i32
    %dma_wait3A_58 = tpu.memref_slice %arg7[%dma_wait3A_56, %dma_wait3A_57] : memref<128x8xf32, #tpu.memory_space<vmem>> -> memref<128x8xf32, #tpu.memory_space<vmem>>
    %dma_wait3A_59 = arith.constant 0 : i32
    %dma_wait3A_60 = arith.constant 0 : i32
    %dma_wait3A_61 = tpu.memref_slice %arg14[%dma_wait3A_59, %dma_wait3A_60] : memref<10000x8xf32, #tpu.memory_space<vmem_shared>> -> memref<10000x8xf32, #tpu.memory_space<vmem_shared>>
    tpu.wait_indirect_dma semaphore(%arg25 : memref<!tpu.dma_semaphore, #tpu.memory_space<semaphore_mem>>) src(%dma_wait3A_58 : memref<128x8xf32, #tpu.memory_space<vmem>>) dst(%dma_wait3A_61 : memref<10000x8xf32, #tpu.memory_space<vmem_shared>>)
    %dma_wait3A_62 = arith.constant 0 : i32
    %dma_wait3A_63 = arith.constant 0 : i32
    %dma_wait3A_64 = tpu.memref_slice %arg7[%dma_wait3A_62, %dma_wait3A_63] : memref<128x8xf32, #tpu.memory_space<vmem>> -> memref<128x8xf32, #tpu.memory_space<vmem>>
    %dma_wait3A_65 = arith.constant 0 : i32
    %dma_wait3A_66 = arith.constant 0 : i32
    %dma_wait3A_67 = tpu.memref_slice %arg14[%dma_wait3A_65, %dma_wait3A_66] : memref<10000x8xf32, #tpu.memory_space<vmem_shared>> -> memref<10000x8xf32, #tpu.memory_space<vmem_shared>>
    tpu.wait_indirect_dma semaphore(%arg26 : memref<!tpu.dma_semaphore, #tpu.memory_space<semaphore_mem>>) src(%dma_wait3A_64 : memref<128x8xf32, #tpu.memory_space<vmem>>) dst(%dma_wait3A_67 : memref<10000x8xf32, #tpu.memory_space<vmem_shared>>)
    %add3A_68 = arith.constant 9984 : i32
    %add3A_69 = arith.addi %mul3A_2, %add3A_68 : i32
    "tpu.region"() ({
      %run_scoped3A = tpu.sem_alloc : memref<!tpu.dma_semaphore, #tpu.memory_space<semaphore_mem>>
      %dma_start3A_76 = tpu.memref_slice %arg2[%add3A_69] : memref<320000xi32, #tpu.memory_space<hbm>> -> memref<16xi32, #tpu.memory_space<hbm>>
      %dma_start3A_77 = tpu.memref_slice %arg2[%add3A_69] : memref<320000xi32, #tpu.memory_space<hbm>> -> memref<16xi32, #tpu.memory_space<hbm>>
      tpu.enqueue_dma source(%dma_start3A_77 : memref<16xi32, #tpu.memory_space<hbm>>) target(%arg6 : memref<16xi32, #tpu.memory_space<vmem>>) target_semaphore(%run_scoped3A : memref<!tpu.dma_semaphore, #tpu.memory_space<semaphore_mem>>)
      %dma_wait3A_78 = tpu.memref_slice %arg2[%add3A_69] : memref<320000xi32, #tpu.memory_space<hbm>> -> memref<16xi32, #tpu.memory_space<hbm>>
      %dma_wait3A_79 = tpu.memref_slice %arg2[%add3A_69] : memref<320000xi32, #tpu.memory_space<hbm>> -> memref<16xi32, #tpu.memory_space<hbm>>
      tpu.wait_dma2 semaphore(%run_scoped3A : memref<!tpu.dma_semaphore, #tpu.memory_space<semaphore_mem>>) src(%dma_wait3A_79 : memref<16xi32, #tpu.memory_space<hbm>>) dst(%arg6 : memref<16xi32, #tpu.memory_space<vmem>>)
      tpu.yield
    }) : () -> ()
    "tpu.region"() ({
      %run_scoped3A = tpu.sem_alloc : memref<!tpu.dma_semaphore, #tpu.memory_space<semaphore_mem>>
      %dma_start3A_76 = arith.constant 0 : i32
      %dma_start3A_77 = arith.constant 0 : i32
      %dma_start3A_78 = tpu.memref_slice %arg7[%dma_start3A_76, %dma_start3A_77] : memref<128x8xf32, #tpu.memory_space<vmem>> -> memref<16x8xf32, #tpu.memory_space<vmem>>
      %dma_start3A_79 = arith.constant 0 : i32
      %dma_start3A_80 = arith.constant 0 : i32
      %dma_start3A_81 = tpu.memref_slice %arg14[%dma_start3A_79, %dma_start3A_80] : memref<10000x8xf32, #tpu.memory_space<vmem_shared>> -> memref<10000x8xf32, #tpu.memory_space<vmem_shared>>
      tpu.enqueue_indirect_dma source(%dma_start3A_78 : memref<16x8xf32, #tpu.memory_space<vmem>>) target(%dma_start3A_81 : memref<10000x8xf32, #tpu.memory_space<vmem_shared>>) offsets(%arg6 : memref<16xi32, #tpu.memory_space<vmem>>) semaphore(%run_scoped3A : memref<!tpu.dma_semaphore, #tpu.memory_space<semaphore_mem>>) {add = true}
      %dma_wait3A_82 = arith.constant 0 : i32
      %dma_wait3A_83 = arith.constant 0 : i32
      %dma_wait3A_84 = tpu.memref_slice %arg7[%dma_wait3A_82, %dma_wait3A_83] : memref<128x8xf32, #tpu.memory_space<vmem>> -> memref<16x8xf32, #tpu.memory_space<vmem>>
      %dma_wait3A_85 = arith.constant 0 : i32
      %dma_wait3A_86 = arith.constant 0 : i32
      %dma_wait3A_87 = tpu.memref_slice %arg14[%dma_wait3A_85, %dma_wait3A_86] : memref<10000x8xf32, #tpu.memory_space<vmem_shared>> -> memref<10000x8xf32, #tpu.memory_space<vmem_shared>>
      tpu.wait_indirect_dma semaphore(%run_scoped3A : memref<!tpu.dma_semaphore, #tpu.memory_space<semaphore_mem>>) src(%dma_wait3A_84 : memref<16x8xf32, #tpu.memory_space<vmem>>) dst(%dma_wait3A_87 : memref<10000x8xf32, #tpu.memory_space<vmem_shared>>)
      tpu.yield
    }) : () -> ()
    %barrier3A_70 = arith.constant 0 : index
    tpu.barrier barrier_id(%barrier3A_70)
    %lt3A_71 = arith.constant 10 : i32
    %lt3A_72 = arith.cmpi slt, %arg1, %lt3A_71 : i32
    %convert_element_type3A_73 = arith.extui %lt3A_72 : i1 to i32
    %cond3A_74 = arith.constant 0 : i32
    %cond3A_75 = arith.cmpi ne, %convert_element_type3A_73, %cond3A_74 : i32
    scf.if %cond3A_75 {
      %mul3A_76 = arith.constant 1000 : i32
      %mul3A_77 = arith.muli %arg1, %mul3A_76 : i32
      %mul3A_78 = arith.constant 10000 : i32
      %mul3A_79 = arith.muli %arg0, %mul3A_78 : i32
      %mul3A_80 = arith.constant 1000 : i32
      %mul3A_81 = arith.muli %arg1, %mul3A_80 : i32
      %add3A_82 = arith.addi %mul3A_79, %mul3A_81 : i32
      "tpu.region"() ({
        %run_scoped3A = tpu.sem_alloc : memref<!tpu.dma_semaphore, #tpu.memory_space<semaphore_mem>>
        %dma_start3A_83 = arith.constant 0 : i32
        %dma_start3A_84 = tpu.memref_slice %arg5[%add3A_82, %dma_start3A_83] : memref<20000x8xf32, #tpu.memory_space<hbm>> -> memref<1000x8xf32, #tpu.memory_space<hbm>>
        %dma_start3A_85 = arith.constant 0 : i32
        %dma_start3A_86 = tpu.memref_slice %arg14[%mul3A_77, %dma_start3A_85] : memref<10000x8xf32, #tpu.memory_space<vmem_shared>> -> memref<1000x8xf32, #tpu.memory_space<vmem_shared>>
        tpu.enqueue_dma source(%dma_start3A_86 : memref<1000x8xf32, #tpu.memory_space<vmem_shared>>) target(%dma_start3A_84 : memref<1000x8xf32, #tpu.memory_space<hbm>>) target_semaphore(%run_scoped3A : memref<!tpu.dma_semaphore, #tpu.memory_space<semaphore_mem>>)
        %dma_wait3A_87 = arith.constant 0 : i32
        %dma_wait3A_88 = tpu.memref_slice %arg5[%add3A_82, %dma_wait3A_87] : memref<20000x8xf32, #tpu.memory_space<hbm>> -> memref<1000x8xf32, #tpu.memory_space<hbm>>
        %dma_wait3A_89 = arith.constant 0 : i32
        %dma_wait3A_90 = tpu.memref_slice %arg14[%mul3A_77, %dma_wait3A_89] : memref<10000x8xf32, #tpu.memory_space<vmem_shared>> -> memref<1000x8xf32, #tpu.memory_space<vmem_shared>>
        tpu.wait_dma2 semaphore(%run_scoped3A : memref<!tpu.dma_semaphore, #tpu.memory_space<semaphore_mem>>) src(%dma_wait3A_90 : memref<1000x8xf32, #tpu.memory_space<vmem_shared>>) dst(%dma_wait3A_88 : memref<1000x8xf32, #tpu.memory_space<hbm>>)
        tpu.yield
      }) : () -> ()
    } else {
    }
    return
  }
}

#map = affine_map<(d0, d1) -> (0, 0)>
#map1 = affine_map<(d0, d1) -> (0)>
module attributes {stable_mosaic.version = 14 : i64} {
  func.func @_agg_body(%arg0: i32, %arg1: i32, %arg2: memref<10000x64xf32, #tpu.memory_space<hbm>>, %arg3: memref<320000xi32, #tpu.memory_space<hbm>>, %arg4: memref<320000xi32, #tpu.memory_space<hbm>>, %arg5: memref<10000x64xf32, #tpu.memory_space<hbm>>, %arg6: memref<10000x64xf32, #tpu.memory_space<hbm>>, %arg7: memref<10000x64xf32, #tpu.memory_space<hbm>>, %arg8: memref<9984xi32, #tpu.memory_space<vmem>>, %arg9: memref<16xi32, #tpu.memory_space<vmem>>, %arg10: memref<16xi32, #tpu.memory_space<vmem>>, %arg11: memref<16x64xf32, #tpu.memory_space<vmem>>, %arg12: memref<128xi32, #tpu.memory_space<vmem>>, %arg13: memref<128xi32, #tpu.memory_space<vmem>>, %arg14: memref<128xi32, #tpu.memory_space<vmem>>, %arg15: memref<128xi32, #tpu.memory_space<vmem>>, %arg16: memref<128xi32, #tpu.memory_space<vmem>>, %arg17: memref<128xi32, #tpu.memory_space<vmem>>, %arg18: memref<128x64xf32, #tpu.memory_space<vmem>>, %arg19: memref<128x64xf32, #tpu.memory_space<vmem>>, %arg20: memref<128x64xf32, #tpu.memory_space<vmem>>, %arg21: memref<128x64xf32, #tpu.memory_space<vmem>>, %arg22: memref<128x64xf32, #tpu.memory_space<vmem>>, %arg23: memref<128x64xf32, #tpu.memory_space<vmem>>, %arg24: memref<10000x64xf32, #tpu.memory_space<vmem_shared>>, %arg25: memref<!tpu.dma_semaphore, #tpu.memory_space<semaphore_mem>>, %arg26: memref<!tpu.dma_semaphore, #tpu.memory_space<semaphore_mem>>, %arg27: memref<!tpu.dma_semaphore, #tpu.memory_space<semaphore_mem>>, %arg28: memref<!tpu.dma_semaphore, #tpu.memory_space<semaphore_mem>>, %arg29: memref<!tpu.dma_semaphore, #tpu.memory_space<semaphore_mem>>, %arg30: memref<!tpu.dma_semaphore, #tpu.memory_space<semaphore_mem>>, %arg31: memref<!tpu.dma_semaphore, #tpu.memory_space<semaphore_mem>>, %arg32: memref<!tpu.dma_semaphore, #tpu.memory_space<semaphore_mem>>, %arg33: memref<!tpu.dma_semaphore, #tpu.memory_space<semaphore_mem>>, %arg34: memref<!tpu.dma_semaphore, #tpu.memory_space<semaphore_mem>>, %arg35: memref<!tpu.dma_semaphore, #tpu.memory_space<semaphore_mem>>, %arg36: memref<!tpu.dma_semaphore, #tpu.memory_space<semaphore_mem>>, %arg37: memref<!tpu.dma_semaphore, #tpu.memory_space<semaphore_mem>>, %arg38: memref<!tpu.dma_semaphore, #tpu.memory_space<semaphore_mem>>, %arg39: memref<!tpu.dma_semaphore, #tpu.memory_space<semaphore_mem>>, %arg40: memref<!tpu.dma_semaphore, #tpu.memory_space<semaphore_mem>>, %arg41: memref<!tpu.dma_semaphore, #tpu.memory_space<semaphore_mem>>, %arg42: memref<!tpu.dma_semaphore, #tpu.memory_space<semaphore_mem>>) attributes {dimension_semantics = [#tpu.dimension_semantics<core_parallel>, #tpu.dimension_semantics<subcore_parallel>], iteration_bounds = array<i64: 2, 16>, scalar_prefetch = 0 : i64, scratch_operands = 35 : i64, tpu.core_type = #tpu.core_type<sc_vector_subcore>, window_params = [{transform_indices = #map}, {transform_indices = #map1}, {transform_indices = #map1}, {transform_indices = #map}, {transform_indices = #map}, {transform_indices = #map}]} {
    %mul3A = arith.constant 16 : i32
    %mul3A_0 = arith.muli %arg0, %mul3A : i32
    %add3A = arith.addi %mul3A_0, %arg1 : i32
    %mul3A_1 = arith.constant 10000 : i32
    %mul3A_2 = arith.muli %add3A, %mul3A_1 : i32
    %lt3A = arith.constant 10 : i32
    %lt3A_3 = arith.cmpi slt, %arg1, %lt3A : i32
    %convert_element_type3A = arith.extui %lt3A_3 : i1 to i32
    %cond3A = arith.constant 0 : i32
    %cond3A_4 = arith.cmpi ne, %convert_element_type3A, %cond3A : i32
    scf.if %cond3A_4 {
      %mul3A_105 = arith.constant 1000 : i32
      %mul3A_106 = arith.muli %arg1, %mul3A_105 : i32
      %mul3A_107 = arith.constant 1000 : i32
      %mul3A_108 = arith.muli %arg1, %mul3A_107 : i32
      "tpu.region"() ({
        %run_scoped3A = tpu.sem_alloc : memref<!tpu.dma_semaphore, #tpu.memory_space<semaphore_mem>>
        %dma_start3A_109 = arith.constant 0 : i32
        %dma_start3A_110 = tpu.memref_slice %arg24[%mul3A_108, %dma_start3A_109] : memref<10000x64xf32, #tpu.memory_space<vmem_shared>> -> memref<1000x64xf32, #tpu.memory_space<vmem_shared>>
        %dma_start3A_111 = arith.constant 0 : i32
        %dma_start3A_112 = tpu.memref_slice %arg5[%mul3A_106, %dma_start3A_111] : memref<10000x64xf32, #tpu.memory_space<hbm>> -> memref<1000x64xf32, #tpu.memory_space<hbm>>
        tpu.enqueue_dma source(%dma_start3A_112 : memref<1000x64xf32, #tpu.memory_space<hbm>>) target(%dma_start3A_110 : memref<1000x64xf32, #tpu.memory_space<vmem_shared>>) target_semaphore(%run_scoped3A : memref<!tpu.dma_semaphore, #tpu.memory_space<semaphore_mem>>)
        %dma_wait3A_113 = arith.constant 0 : i32
        %dma_wait3A_114 = tpu.memref_slice %arg24[%mul3A_108, %dma_wait3A_113] : memref<10000x64xf32, #tpu.memory_space<vmem_shared>> -> memref<1000x64xf32, #tpu.memory_space<vmem_shared>>
        %dma_wait3A_115 = arith.constant 0 : i32
        %dma_wait3A_116 = tpu.memref_slice %arg5[%mul3A_106, %dma_wait3A_115] : memref<10000x64xf32, #tpu.memory_space<hbm>> -> memref<1000x64xf32, #tpu.memory_space<hbm>>
        tpu.wait_dma2 semaphore(%run_scoped3A : memref<!tpu.dma_semaphore, #tpu.memory_space<semaphore_mem>>) src(%dma_wait3A_116 : memref<1000x64xf32, #tpu.memory_space<hbm>>) dst(%dma_wait3A_114 : memref<1000x64xf32, #tpu.memory_space<vmem_shared>>)
        tpu.yield
      }) : () -> ()
    } else {
    }
    %barrier3A = arith.constant 0 : index
    tpu.barrier barrier_id(%barrier3A)
    "tpu.region"() ({
      %run_scoped3A = tpu.sem_alloc : memref<!tpu.dma_semaphore, #tpu.memory_space<semaphore_mem>>
      %dma_start3A_105 = tpu.memref_slice %arg3[%mul3A_2] : memref<320000xi32, #tpu.memory_space<hbm>> -> memref<9984xi32, #tpu.memory_space<hbm>>
      %dma_start3A_106 = tpu.memref_slice %arg3[%mul3A_2] : memref<320000xi32, #tpu.memory_space<hbm>> -> memref<9984xi32, #tpu.memory_space<hbm>>
      tpu.enqueue_dma source(%dma_start3A_106 : memref<9984xi32, #tpu.memory_space<hbm>>) target(%arg8 : memref<9984xi32, #tpu.memory_space<vmem>>) target_semaphore(%run_scoped3A : memref<!tpu.dma_semaphore, #tpu.memory_space<semaphore_mem>>)
      %dma_wait3A_107 = tpu.memref_slice %arg3[%mul3A_2] : memref<320000xi32, #tpu.memory_space<hbm>> -> memref<9984xi32, #tpu.memory_space<hbm>>
      %dma_wait3A_108 = tpu.memref_slice %arg3[%mul3A_2] : memref<320000xi32, #tpu.memory_space<hbm>> -> memref<9984xi32, #tpu.memory_space<hbm>>
      tpu.wait_dma2 semaphore(%run_scoped3A : memref<!tpu.dma_semaphore, #tpu.memory_space<semaphore_mem>>) src(%dma_wait3A_108 : memref<9984xi32, #tpu.memory_space<hbm>>) dst(%arg8 : memref<9984xi32, #tpu.memory_space<vmem>>)
      tpu.yield
    }) : () -> ()
    %add3A_5 = arith.constant 0 : i32
    %add3A_6 = arith.addi %mul3A_2, %add3A_5 : i32
    %dma_start3A = tpu.memref_slice %arg4[%add3A_6] : memref<320000xi32, #tpu.memory_space<hbm>> -> memref<128xi32, #tpu.memory_space<hbm>>
    %dma_start3A_7 = tpu.memref_slice %arg4[%add3A_6] : memref<320000xi32, #tpu.memory_space<hbm>> -> memref<128xi32, #tpu.memory_space<hbm>>
    tpu.enqueue_dma source(%dma_start3A_7 : memref<128xi32, #tpu.memory_space<hbm>>) target(%arg12 : memref<128xi32, #tpu.memory_space<vmem>>) target_semaphore(%arg31 : memref<!tpu.dma_semaphore, #tpu.memory_space<semaphore_mem>>)
    %dma_start3A_8 = arith.constant 0 : i32
    %dma_start3A_9 = tpu.memref_slice %arg8[%dma_start3A_8] : memref<9984xi32, #tpu.memory_space<vmem>> -> memref<128xi32, #tpu.memory_space<vmem>>
    %dma_start3A_10 = arith.constant 0 : i32
    %dma_start3A_11 = arith.constant 0 : i32
    %dma_start3A_12 = tpu.memref_slice %arg2[%dma_start3A_10, %dma_start3A_11] : memref<10000x64xf32, #tpu.memory_space<hbm>> -> memref<10000x64xf32, #tpu.memory_space<hbm>>
    tpu.enqueue_indirect_dma source(%dma_start3A_12 : memref<10000x64xf32, #tpu.memory_space<hbm>>) target(%arg18 : memref<128x64xf32, #tpu.memory_space<vmem>>) offsets(%dma_start3A_9 : memref<128xi32, #tpu.memory_space<vmem>>) semaphore(%arg25 : memref<!tpu.dma_semaphore, #tpu.memory_space<semaphore_mem>>)
    %add3A_13 = arith.constant 128 : i32
    %add3A_14 = arith.addi %mul3A_2, %add3A_13 : i32
    %dma_start3A_15 = tpu.memref_slice %arg4[%add3A_14] : memref<320000xi32, #tpu.memory_space<hbm>> -> memref<128xi32, #tpu.memory_space<hbm>>
    %dma_start3A_16 = tpu.memref_slice %arg4[%add3A_14] : memref<320000xi32, #tpu.memory_space<hbm>> -> memref<128xi32, #tpu.memory_space<hbm>>
    tpu.enqueue_dma source(%dma_start3A_16 : memref<128xi32, #tpu.memory_space<hbm>>) target(%arg13 : memref<128xi32, #tpu.memory_space<vmem>>) target_semaphore(%arg32 : memref<!tpu.dma_semaphore, #tpu.memory_space<semaphore_mem>>)
    %dma_start3A_17 = arith.constant 128 : i32
    %dma_start3A_18 = tpu.memref_slice %arg8[%dma_start3A_17] : memref<9984xi32, #tpu.memory_space<vmem>> -> memref<128xi32, #tpu.memory_space<vmem>>
    %dma_start3A_19 = arith.constant 0 : i32
    %dma_start3A_20 = arith.constant 0 : i32
    %dma_start3A_21 = tpu.memref_slice %arg2[%dma_start3A_19, %dma_start3A_20] : memref<10000x64xf32, #tpu.memory_space<hbm>> -> memref<10000x64xf32, #tpu.memory_space<hbm>>
    tpu.enqueue_indirect_dma source(%dma_start3A_21 : memref<10000x64xf32, #tpu.memory_space<hbm>>) target(%arg19 : memref<128x64xf32, #tpu.memory_space<vmem>>) offsets(%dma_start3A_18 : memref<128xi32, #tpu.memory_space<vmem>>) semaphore(%arg26 : memref<!tpu.dma_semaphore, #tpu.memory_space<semaphore_mem>>)
    %add3A_22 = arith.constant 256 : i32
    %add3A_23 = arith.addi %mul3A_2, %add3A_22 : i32
    %dma_start3A_24 = tpu.memref_slice %arg4[%add3A_23] : memref<320000xi32, #tpu.memory_space<hbm>> -> memref<128xi32, #tpu.memory_space<hbm>>
    %dma_start3A_25 = tpu.memref_slice %arg4[%add3A_23] : memref<320000xi32, #tpu.memory_space<hbm>> -> memref<128xi32, #tpu.memory_space<hbm>>
    tpu.enqueue_dma source(%dma_start3A_25 : memref<128xi32, #tpu.memory_space<hbm>>) target(%arg14 : memref<128xi32, #tpu.memory_space<vmem>>) target_semaphore(%arg33 : memref<!tpu.dma_semaphore, #tpu.memory_space<semaphore_mem>>)
    %dma_start3A_26 = arith.constant 256 : i32
    %dma_start3A_27 = tpu.memref_slice %arg8[%dma_start3A_26] : memref<9984xi32, #tpu.memory_space<vmem>> -> memref<128xi32, #tpu.memory_space<vmem>>
    %dma_start3A_28 = arith.constant 0 : i32
    %dma_start3A_29 = arith.constant 0 : i32
    %dma_start3A_30 = tpu.memref_slice %arg2[%dma_start3A_28, %dma_start3A_29] : memref<10000x64xf32, #tpu.memory_space<hbm>> -> memref<10000x64xf32, #tpu.memory_space<hbm>>
    tpu.enqueue_indirect_dma source(%dma_start3A_30 : memref<10000x64xf32, #tpu.memory_space<hbm>>) target(%arg20 : memref<128x64xf32, #tpu.memory_space<vmem>>) offsets(%dma_start3A_27 : memref<128xi32, #tpu.memory_space<vmem>>) semaphore(%arg27 : memref<!tpu.dma_semaphore, #tpu.memory_space<semaphore_mem>>)
    %add3A_31 = arith.constant 384 : i32
    %add3A_32 = arith.addi %mul3A_2, %add3A_31 : i32
    %dma_start3A_33 = tpu.memref_slice %arg4[%add3A_32] : memref<320000xi32, #tpu.memory_space<hbm>> -> memref<128xi32, #tpu.memory_space<hbm>>
    %dma_start3A_34 = tpu.memref_slice %arg4[%add3A_32] : memref<320000xi32, #tpu.memory_space<hbm>> -> memref<128xi32, #tpu.memory_space<hbm>>
    tpu.enqueue_dma source(%dma_start3A_34 : memref<128xi32, #tpu.memory_space<hbm>>) target(%arg15 : memref<128xi32, #tpu.memory_space<vmem>>) target_semaphore(%arg34 : memref<!tpu.dma_semaphore, #tpu.memory_space<semaphore_mem>>)
    %dma_start3A_35 = arith.constant 384 : i32
    %dma_start3A_36 = tpu.memref_slice %arg8[%dma_start3A_35] : memref<9984xi32, #tpu.memory_space<vmem>> -> memref<128xi32, #tpu.memory_space<vmem>>
    %dma_start3A_37 = arith.constant 0 : i32
    %dma_start3A_38 = arith.constant 0 : i32
    %dma_start3A_39 = tpu.memref_slice %arg2[%dma_start3A_37, %dma_start3A_38] : memref<10000x64xf32, #tpu.memory_space<hbm>> -> memref<10000x64xf32, #tpu.memory_space<hbm>>
    tpu.enqueue_indirect_dma source(%dma_start3A_39 : memref<10000x64xf32, #tpu.memory_space<hbm>>) target(%arg21 : memref<128x64xf32, #tpu.memory_space<vmem>>) offsets(%dma_start3A_36 : memref<128xi32, #tpu.memory_space<vmem>>) semaphore(%arg28 : memref<!tpu.dma_semaphore, #tpu.memory_space<semaphore_mem>>)
    %add3A_40 = arith.constant 512 : i32
    %add3A_41 = arith.addi %mul3A_2, %add3A_40 : i32
    %dma_start3A_42 = tpu.memref_slice %arg4[%add3A_41] : memref<320000xi32, #tpu.memory_space<hbm>> -> memref<128xi32, #tpu.memory_space<hbm>>
    %dma_start3A_43 = tpu.memref_slice %arg4[%add3A_41] : memref<320000xi32, #tpu.memory_space<hbm>> -> memref<128xi32, #tpu.memory_space<hbm>>
    tpu.enqueue_dma source(%dma_start3A_43 : memref<128xi32, #tpu.memory_space<hbm>>) target(%arg16 : memref<128xi32, #tpu.memory_space<vmem>>) target_semaphore(%arg35 : memref<!tpu.dma_semaphore, #tpu.memory_space<semaphore_mem>>)
    %dma_start3A_44 = arith.constant 512 : i32
    %dma_start3A_45 = tpu.memref_slice %arg8[%dma_start3A_44] : memref<9984xi32, #tpu.memory_space<vmem>> -> memref<128xi32, #tpu.memory_space<vmem>>
    %dma_start3A_46 = arith.constant 0 : i32
    %dma_start3A_47 = arith.constant 0 : i32
    %dma_start3A_48 = tpu.memref_slice %arg2[%dma_start3A_46, %dma_start3A_47] : memref<10000x64xf32, #tpu.memory_space<hbm>> -> memref<10000x64xf32, #tpu.memory_space<hbm>>
    tpu.enqueue_indirect_dma source(%dma_start3A_48 : memref<10000x64xf32, #tpu.memory_space<hbm>>) target(%arg22 : memref<128x64xf32, #tpu.memory_space<vmem>>) offsets(%dma_start3A_45 : memref<128xi32, #tpu.memory_space<vmem>>) semaphore(%arg29 : memref<!tpu.dma_semaphore, #tpu.memory_space<semaphore_mem>>)
    %add3A_49 = arith.constant 640 : i32
    %add3A_50 = arith.addi %mul3A_2, %add3A_49 : i32
    %dma_start3A_51 = tpu.memref_slice %arg4[%add3A_50] : memref<320000xi32, #tpu.memory_space<hbm>> -> memref<128xi32, #tpu.memory_space<hbm>>
    %dma_start3A_52 = tpu.memref_slice %arg4[%add3A_50] : memref<320000xi32, #tpu.memory_space<hbm>> -> memref<128xi32, #tpu.memory_space<hbm>>
    tpu.enqueue_dma source(%dma_start3A_52 : memref<128xi32, #tpu.memory_space<hbm>>) target(%arg17 : memref<128xi32, #tpu.memory_space<vmem>>) target_semaphore(%arg36 : memref<!tpu.dma_semaphore, #tpu.memory_space<semaphore_mem>>)
    %dma_start3A_53 = arith.constant 640 : i32
    %dma_start3A_54 = tpu.memref_slice %arg8[%dma_start3A_53] : memref<9984xi32, #tpu.memory_space<vmem>> -> memref<128xi32, #tpu.memory_space<vmem>>
    %dma_start3A_55 = arith.constant 0 : i32
    %dma_start3A_56 = arith.constant 0 : i32
    %dma_start3A_57 = tpu.memref_slice %arg2[%dma_start3A_55, %dma_start3A_56] : memref<10000x64xf32, #tpu.memory_space<hbm>> -> memref<10000x64xf32, #tpu.memory_space<hbm>>
    tpu.enqueue_indirect_dma source(%dma_start3A_57 : memref<10000x64xf32, #tpu.memory_space<hbm>>) target(%arg23 : memref<128x64xf32, #tpu.memory_space<vmem>>) offsets(%dma_start3A_54 : memref<128xi32, #tpu.memory_space<vmem>>) semaphore(%arg30 : memref<!tpu.dma_semaphore, #tpu.memory_space<semaphore_mem>>)
    %scan3A = arith.constant 0 : i32
    %scan3A_58 = arith.constant 0 : i32
    %scan3A_59 = arith.constant 13 : i32
    %scan3A_60 = arith.addi %scan3A_58, %scan3A_59 : i32
    %scan3A_61 = arith.constant 1 : i32
    scf.for %scan3A_105 = %scan3A_58 to %scan3A_60 step %scan3A_61  : i32 {
      %mul3A_106 = arith.constant 6 : i32
      %mul3A_107 = arith.muli %mul3A_106, %scan3A_105 : i32
      %add3A_108 = arith.constant 0 : i32
      %add3A_109 = arith.addi %mul3A_107, %add3A_108 : i32
      %mul3A_110 = arith.constant 128 : i32
      %mul3A_111 = arith.muli %add3A_109, %mul3A_110 : i32
      %dma_wait3A_112 = tpu.memref_slice %arg4[%mul3A_111] : memref<320000xi32, #tpu.memory_space<hbm>> -> memref<128xi32, #tpu.memory_space<hbm>>
      %dma_wait3A_113 = tpu.memref_slice %arg4[%mul3A_111] : memref<320000xi32, #tpu.memory_space<hbm>> -> memref<128xi32, #tpu.memory_space<hbm>>
      tpu.wait_dma2 semaphore(%arg31 : memref<!tpu.dma_semaphore, #tpu.memory_space<semaphore_mem>>) src(%dma_wait3A_113 : memref<128xi32, #tpu.memory_space<hbm>>) dst(%arg12 : memref<128xi32, #tpu.memory_space<vmem>>)
      %dma_wait3A_114 = arith.constant 0 : i32
      %dma_wait3A_115 = tpu.memref_slice %arg8[%dma_wait3A_114] : memref<9984xi32, #tpu.memory_space<vmem>> -> memref<128xi32, #tpu.memory_space<vmem>>
      %dma_wait3A_116 = arith.constant 0 : i32
      %dma_wait3A_117 = arith.constant 0 : i32
      %dma_wait3A_118 = tpu.memref_slice %arg2[%dma_wait3A_116, %dma_wait3A_117] : memref<10000x64xf32, #tpu.memory_space<hbm>> -> memref<10000x64xf32, #tpu.memory_space<hbm>>
      tpu.wait_indirect_dma semaphore(%arg25 : memref<!tpu.dma_semaphore, #tpu.memory_space<semaphore_mem>>) src(%dma_wait3A_118 : memref<10000x64xf32, #tpu.memory_space<hbm>>) dst(%arg18 : memref<128x64xf32, #tpu.memory_space<vmem>>)
      %dma_start3A_119 = arith.constant 0 : i32
      %dma_start3A_120 = arith.constant 0 : i32
      %dma_start3A_121 = tpu.memref_slice %arg24[%dma_start3A_119, %dma_start3A_120] : memref<10000x64xf32, #tpu.memory_space<vmem_shared>> -> memref<10000x64xf32, #tpu.memory_space<vmem_shared>>
      tpu.enqueue_indirect_dma source(%arg18 : memref<128x64xf32, #tpu.memory_space<vmem>>) target(%dma_start3A_121 : memref<10000x64xf32, #tpu.memory_space<vmem_shared>>) offsets(%arg12 : memref<128xi32, #tpu.memory_space<vmem>>) semaphore(%arg37 : memref<!tpu.dma_semaphore, #tpu.memory_space<semaphore_mem>>) {add = true}
      %add3A_122 = arith.constant 6 : i32
      %add3A_123 = arith.addi %add3A_109, %add3A_122 : i32
      %lt3A_124 = arith.constant 78 : i32
      %lt3A_125 = arith.cmpi slt, %add3A_123, %lt3A_124 : i32
      %convert_element_type3A_126 = arith.extui %lt3A_125 : i1 to i32
      %cond3A_127 = arith.constant 0 : i32
      %cond3A_128 = arith.cmpi ne, %convert_element_type3A_126, %cond3A_127 : i32
      scf.if %cond3A_128 {
        %dma_wait3A_244 = arith.constant 0 : i32
        %dma_wait3A_245 = arith.constant 0 : i32
        %dma_wait3A_246 = tpu.memref_slice %arg24[%dma_wait3A_244, %dma_wait3A_245] : memref<10000x64xf32, #tpu.memory_space<vmem_shared>> -> memref<10000x64xf32, #tpu.memory_space<vmem_shared>>
        tpu.wait_indirect_dma semaphore(%arg37 : memref<!tpu.dma_semaphore, #tpu.memory_space<semaphore_mem>>) src(%arg18 : memref<128x64xf32, #tpu.memory_space<vmem>>) dst(%dma_wait3A_246 : memref<10000x64xf32, #tpu.memory_space<vmem_shared>>)
        %add3A_247 = arith.constant 6 : i32
        %add3A_248 = arith.addi %add3A_109, %add3A_247 : i32
        %mul3A_249 = arith.constant 128 : i32
        %mul3A_250 = arith.muli %add3A_248, %mul3A_249 : i32
        %add3A_251 = arith.addi %mul3A_2, %mul3A_250 : i32
        %dma_start3A_252 = tpu.memref_slice %arg4[%add3A_251] : memref<320000xi32, #tpu.memory_space<hbm>> -> memref<128xi32, #tpu.memory_space<hbm>>
        %dma_start3A_253 = tpu.memref_slice %arg4[%add3A_251] : memref<320000xi32, #tpu.memory_space<hbm>> -> memref<128xi32, #tpu.memory_space<hbm>>
        tpu.enqueue_dma source(%dma_start3A_253 : memref<128xi32, #tpu.memory_space<hbm>>) target(%arg12 : memref<128xi32, #tpu.memory_space<vmem>>) target_semaphore(%arg31 : memref<!tpu.dma_semaphore, #tpu.memory_space<semaphore_mem>>)
        %mul3A_254 = arith.constant 128 : i32
        %mul3A_255 = arith.muli %add3A_248, %mul3A_254 : i32
        %dma_start3A_256 = tpu.memref_slice %arg8[%mul3A_255] : memref<9984xi32, #tpu.memory_space<vmem>> -> memref<128xi32, #tpu.memory_space<vmem>>
        %dma_start3A_257 = arith.constant 0 : i32
        %dma_start3A_258 = arith.constant 0 : i32
        %dma_start3A_259 = tpu.memref_slice %arg2[%dma_start3A_257, %dma_start3A_258] : memref<10000x64xf32, #tpu.memory_space<hbm>> -> memref<10000x64xf32, #tpu.memory_space<hbm>>
        tpu.enqueue_indirect_dma source(%dma_start3A_259 : memref<10000x64xf32, #tpu.memory_space<hbm>>) target(%arg18 : memref<128x64xf32, #tpu.memory_space<vmem>>) offsets(%dma_start3A_256 : memref<128xi32, #tpu.memory_space<vmem>>) semaphore(%arg25 : memref<!tpu.dma_semaphore, #tpu.memory_space<semaphore_mem>>)
      } else {
      }
      %mul3A_129 = arith.constant 6 : i32
      %mul3A_130 = arith.muli %mul3A_129, %scan3A_105 : i32
      %add3A_131 = arith.constant 1 : i32
      %add3A_132 = arith.addi %mul3A_130, %add3A_131 : i32
      %mul3A_133 = arith.constant 128 : i32
      %mul3A_134 = arith.muli %add3A_132, %mul3A_133 : i32
      %dma_wait3A_135 = tpu.memref_slice %arg4[%mul3A_134] : memref<320000xi32, #tpu.memory_space<hbm>> -> memref<128xi32, #tpu.memory_space<hbm>>
      %dma_wait3A_136 = tpu.memref_slice %arg4[%mul3A_134] : memref<320000xi32, #tpu.memory_space<hbm>> -> memref<128xi32, #tpu.memory_space<hbm>>
      tpu.wait_dma2 semaphore(%arg32 : memref<!tpu.dma_semaphore, #tpu.memory_space<semaphore_mem>>) src(%dma_wait3A_136 : memref<128xi32, #tpu.memory_space<hbm>>) dst(%arg13 : memref<128xi32, #tpu.memory_space<vmem>>)
      %dma_wait3A_137 = arith.constant 0 : i32
      %dma_wait3A_138 = tpu.memref_slice %arg8[%dma_wait3A_137] : memref<9984xi32, #tpu.memory_space<vmem>> -> memref<128xi32, #tpu.memory_space<vmem>>
      %dma_wait3A_139 = arith.constant 0 : i32
      %dma_wait3A_140 = arith.constant 0 : i32
      %dma_wait3A_141 = tpu.memref_slice %arg2[%dma_wait3A_139, %dma_wait3A_140] : memref<10000x64xf32, #tpu.memory_space<hbm>> -> memref<10000x64xf32, #tpu.memory_space<hbm>>
      tpu.wait_indirect_dma semaphore(%arg26 : memref<!tpu.dma_semaphore, #tpu.memory_space<semaphore_mem>>) src(%dma_wait3A_141 : memref<10000x64xf32, #tpu.memory_space<hbm>>) dst(%arg19 : memref<128x64xf32, #tpu.memory_space<vmem>>)
      %dma_start3A_142 = arith.constant 0 : i32
      %dma_start3A_143 = arith.constant 0 : i32
      %dma_start3A_144 = tpu.memref_slice %arg24[%dma_start3A_142, %dma_start3A_143] : memref<10000x64xf32, #tpu.memory_space<vmem_shared>> -> memref<10000x64xf32, #tpu.memory_space<vmem_shared>>
      tpu.enqueue_indirect_dma source(%arg19 : memref<128x64xf32, #tpu.memory_space<vmem>>) target(%dma_start3A_144 : memref<10000x64xf32, #tpu.memory_space<vmem_shared>>) offsets(%arg13 : memref<128xi32, #tpu.memory_space<vmem>>) semaphore(%arg38 : memref<!tpu.dma_semaphore, #tpu.memory_space<semaphore_mem>>) {add = true}
      %add3A_145 = arith.constant 6 : i32
      %add3A_146 = arith.addi %add3A_132, %add3A_145 : i32
      %lt3A_147 = arith.constant 78 : i32
      %lt3A_148 = arith.cmpi slt, %add3A_146, %lt3A_147 : i32
      %convert_element_type3A_149 = arith.extui %lt3A_148 : i1 to i32
      %cond3A_150 = arith.constant 0 : i32
      %cond3A_151 = arith.cmpi ne, %convert_element_type3A_149, %cond3A_150 : i32
      scf.if %cond3A_151 {
        %dma_wait3A_244 = arith.constant 0 : i32
        %dma_wait3A_245 = arith.constant 0 : i32
        %dma_wait3A_246 = tpu.memref_slice %arg24[%dma_wait3A_244, %dma_wait3A_245] : memref<10000x64xf32, #tpu.memory_space<vmem_shared>> -> memref<10000x64xf32, #tpu.memory_space<vmem_shared>>
        tpu.wait_indirect_dma semaphore(%arg38 : memref<!tpu.dma_semaphore, #tpu.memory_space<semaphore_mem>>) src(%arg19 : memref<128x64xf32, #tpu.memory_space<vmem>>) dst(%dma_wait3A_246 : memref<10000x64xf32, #tpu.memory_space<vmem_shared>>)
        %add3A_247 = arith.constant 6 : i32
        %add3A_248 = arith.addi %add3A_132, %add3A_247 : i32
        %mul3A_249 = arith.constant 128 : i32
        %mul3A_250 = arith.muli %add3A_248, %mul3A_249 : i32
        %add3A_251 = arith.addi %mul3A_2, %mul3A_250 : i32
        %dma_start3A_252 = tpu.memref_slice %arg4[%add3A_251] : memref<320000xi32, #tpu.memory_space<hbm>> -> memref<128xi32, #tpu.memory_space<hbm>>
        %dma_start3A_253 = tpu.memref_slice %arg4[%add3A_251] : memref<320000xi32, #tpu.memory_space<hbm>> -> memref<128xi32, #tpu.memory_space<hbm>>
        tpu.enqueue_dma source(%dma_start3A_253 : memref<128xi32, #tpu.memory_space<hbm>>) target(%arg13 : memref<128xi32, #tpu.memory_space<vmem>>) target_semaphore(%arg32 : memref<!tpu.dma_semaphore, #tpu.memory_space<semaphore_mem>>)
        %mul3A_254 = arith.constant 128 : i32
        %mul3A_255 = arith.muli %add3A_248, %mul3A_254 : i32
        %dma_start3A_256 = tpu.memref_slice %arg8[%mul3A_255] : memref<9984xi32, #tpu.memory_space<vmem>> -> memref<128xi32, #tpu.memory_space<vmem>>
        %dma_start3A_257 = arith.constant 0 : i32
        %dma_start3A_258 = arith.constant 0 : i32
        %dma_start3A_259 = tpu.memref_slice %arg2[%dma_start3A_257, %dma_start3A_258] : memref<10000x64xf32, #tpu.memory_space<hbm>> -> memref<10000x64xf32, #tpu.memory_space<hbm>>
        tpu.enqueue_indirect_dma source(%dma_start3A_259 : memref<10000x64xf32, #tpu.memory_space<hbm>>) target(%arg19 : memref<128x64xf32, #tpu.memory_space<vmem>>) offsets(%dma_start3A_256 : memref<128xi32, #tpu.memory_space<vmem>>) semaphore(%arg26 : memref<!tpu.dma_semaphore, #tpu.memory_space<semaphore_mem>>)
      } else {
      }
      %mul3A_152 = arith.constant 6 : i32
      %mul3A_153 = arith.muli %mul3A_152, %scan3A_105 : i32
      %add3A_154 = arith.constant 2 : i32
      %add3A_155 = arith.addi %mul3A_153, %add3A_154 : i32
      %mul3A_156 = arith.constant 128 : i32
      %mul3A_157 = arith.muli %add3A_155, %mul3A_156 : i32
      %dma_wait3A_158 = tpu.memref_slice %arg4[%mul3A_157] : memref<320000xi32, #tpu.memory_space<hbm>> -> memref<128xi32, #tpu.memory_space<hbm>>
      %dma_wait3A_159 = tpu.memref_slice %arg4[%mul3A_157] : memref<320000xi32, #tpu.memory_space<hbm>> -> memref<128xi32, #tpu.memory_space<hbm>>
      tpu.wait_dma2 semaphore(%arg33 : memref<!tpu.dma_semaphore, #tpu.memory_space<semaphore_mem>>) src(%dma_wait3A_159 : memref<128xi32, #tpu.memory_space<hbm>>) dst(%arg14 : memref<128xi32, #tpu.memory_space<vmem>>)
      %dma_wait3A_160 = arith.constant 0 : i32
      %dma_wait3A_161 = tpu.memref_slice %arg8[%dma_wait3A_160] : memref<9984xi32, #tpu.memory_space<vmem>> -> memref<128xi32, #tpu.memory_space<vmem>>
      %dma_wait3A_162 = arith.constant 0 : i32
      %dma_wait3A_163 = arith.constant 0 : i32
      %dma_wait3A_164 = tpu.memref_slice %arg2[%dma_wait3A_162, %dma_wait3A_163] : memref<10000x64xf32, #tpu.memory_space<hbm>> -> memref<10000x64xf32, #tpu.memory_space<hbm>>
      tpu.wait_indirect_dma semaphore(%arg27 : memref<!tpu.dma_semaphore, #tpu.memory_space<semaphore_mem>>) src(%dma_wait3A_164 : memref<10000x64xf32, #tpu.memory_space<hbm>>) dst(%arg20 : memref<128x64xf32, #tpu.memory_space<vmem>>)
      %dma_start3A_165 = arith.constant 0 : i32
      %dma_start3A_166 = arith.constant 0 : i32
      %dma_start3A_167 = tpu.memref_slice %arg24[%dma_start3A_165, %dma_start3A_166] : memref<10000x64xf32, #tpu.memory_space<vmem_shared>> -> memref<10000x64xf32, #tpu.memory_space<vmem_shared>>
      tpu.enqueue_indirect_dma source(%arg20 : memref<128x64xf32, #tpu.memory_space<vmem>>) target(%dma_start3A_167 : memref<10000x64xf32, #tpu.memory_space<vmem_shared>>) offsets(%arg14 : memref<128xi32, #tpu.memory_space<vmem>>) semaphore(%arg39 : memref<!tpu.dma_semaphore, #tpu.memory_space<semaphore_mem>>) {add = true}
      %add3A_168 = arith.constant 6 : i32
      %add3A_169 = arith.addi %add3A_155, %add3A_168 : i32
      %lt3A_170 = arith.constant 78 : i32
      %lt3A_171 = arith.cmpi slt, %add3A_169, %lt3A_170 : i32
      %convert_element_type3A_172 = arith.extui %lt3A_171 : i1 to i32
      %cond3A_173 = arith.constant 0 : i32
      %cond3A_174 = arith.cmpi ne, %convert_element_type3A_172, %cond3A_173 : i32
      scf.if %cond3A_174 {
        %dma_wait3A_244 = arith.constant 0 : i32
        %dma_wait3A_245 = arith.constant 0 : i32
        %dma_wait3A_246 = tpu.memref_slice %arg24[%dma_wait3A_244, %dma_wait3A_245] : memref<10000x64xf32, #tpu.memory_space<vmem_shared>> -> memref<10000x64xf32, #tpu.memory_space<vmem_shared>>
        tpu.wait_indirect_dma semaphore(%arg39 : memref<!tpu.dma_semaphore, #tpu.memory_space<semaphore_mem>>) src(%arg20 : memref<128x64xf32, #tpu.memory_space<vmem>>) dst(%dma_wait3A_246 : memref<10000x64xf32, #tpu.memory_space<vmem_shared>>)
        %add3A_247 = arith.constant 6 : i32
        %add3A_248 = arith.addi %add3A_155, %add3A_247 : i32
        %mul3A_249 = arith.constant 128 : i32
        %mul3A_250 = arith.muli %add3A_248, %mul3A_249 : i32
        %add3A_251 = arith.addi %mul3A_2, %mul3A_250 : i32
        %dma_start3A_252 = tpu.memref_slice %arg4[%add3A_251] : memref<320000xi32, #tpu.memory_space<hbm>> -> memref<128xi32, #tpu.memory_space<hbm>>
        %dma_start3A_253 = tpu.memref_slice %arg4[%add3A_251] : memref<320000xi32, #tpu.memory_space<hbm>> -> memref<128xi32, #tpu.memory_space<hbm>>
        tpu.enqueue_dma source(%dma_start3A_253 : memref<128xi32, #tpu.memory_space<hbm>>) target(%arg14 : memref<128xi32, #tpu.memory_space<vmem>>) target_semaphore(%arg33 : memref<!tpu.dma_semaphore, #tpu.memory_space<semaphore_mem>>)
        %mul3A_254 = arith.constant 128 : i32
        %mul3A_255 = arith.muli %add3A_248, %mul3A_254 : i32
        %dma_start3A_256 = tpu.memref_slice %arg8[%mul3A_255] : memref<9984xi32, #tpu.memory_space<vmem>> -> memref<128xi32, #tpu.memory_space<vmem>>
        %dma_start3A_257 = arith.constant 0 : i32
        %dma_start3A_258 = arith.constant 0 : i32
        %dma_start3A_259 = tpu.memref_slice %arg2[%dma_start3A_257, %dma_start3A_258] : memref<10000x64xf32, #tpu.memory_space<hbm>> -> memref<10000x64xf32, #tpu.memory_space<hbm>>
        tpu.enqueue_indirect_dma source(%dma_start3A_259 : memref<10000x64xf32, #tpu.memory_space<hbm>>) target(%arg20 : memref<128x64xf32, #tpu.memory_space<vmem>>) offsets(%dma_start3A_256 : memref<128xi32, #tpu.memory_space<vmem>>) semaphore(%arg27 : memref<!tpu.dma_semaphore, #tpu.memory_space<semaphore_mem>>)
      } else {
      }
      %mul3A_175 = arith.constant 6 : i32
      %mul3A_176 = arith.muli %mul3A_175, %scan3A_105 : i32
      %add3A_177 = arith.constant 3 : i32
      %add3A_178 = arith.addi %mul3A_176, %add3A_177 : i32
      %mul3A_179 = arith.constant 128 : i32
      %mul3A_180 = arith.muli %add3A_178, %mul3A_179 : i32
      %dma_wait3A_181 = tpu.memref_slice %arg4[%mul3A_180] : memref<320000xi32, #tpu.memory_space<hbm>> -> memref<128xi32, #tpu.memory_space<hbm>>
      %dma_wait3A_182 = tpu.memref_slice %arg4[%mul3A_180] : memref<320000xi32, #tpu.memory_space<hbm>> -> memref<128xi32, #tpu.memory_space<hbm>>
      tpu.wait_dma2 semaphore(%arg34 : memref<!tpu.dma_semaphore, #tpu.memory_space<semaphore_mem>>) src(%dma_wait3A_182 : memref<128xi32, #tpu.memory_space<hbm>>) dst(%arg15 : memref<128xi32, #tpu.memory_space<vmem>>)
      %dma_wait3A_183 = arith.constant 0 : i32
      %dma_wait3A_184 = tpu.memref_slice %arg8[%dma_wait3A_183] : memref<9984xi32, #tpu.memory_space<vmem>> -> memref<128xi32, #tpu.memory_space<vmem>>
      %dma_wait3A_185 = arith.constant 0 : i32
      %dma_wait3A_186 = arith.constant 0 : i32
      %dma_wait3A_187 = tpu.memref_slice %arg2[%dma_wait3A_185, %dma_wait3A_186] : memref<10000x64xf32, #tpu.memory_space<hbm>> -> memref<10000x64xf32, #tpu.memory_space<hbm>>
      tpu.wait_indirect_dma semaphore(%arg28 : memref<!tpu.dma_semaphore, #tpu.memory_space<semaphore_mem>>) src(%dma_wait3A_187 : memref<10000x64xf32, #tpu.memory_space<hbm>>) dst(%arg21 : memref<128x64xf32, #tpu.memory_space<vmem>>)
      %dma_start3A_188 = arith.constant 0 : i32
      %dma_start3A_189 = arith.constant 0 : i32
      %dma_start3A_190 = tpu.memref_slice %arg24[%dma_start3A_188, %dma_start3A_189] : memref<10000x64xf32, #tpu.memory_space<vmem_shared>> -> memref<10000x64xf32, #tpu.memory_space<vmem_shared>>
      tpu.enqueue_indirect_dma source(%arg21 : memref<128x64xf32, #tpu.memory_space<vmem>>) target(%dma_start3A_190 : memref<10000x64xf32, #tpu.memory_space<vmem_shared>>) offsets(%arg15 : memref<128xi32, #tpu.memory_space<vmem>>) semaphore(%arg40 : memref<!tpu.dma_semaphore, #tpu.memory_space<semaphore_mem>>) {add = true}
      %add3A_191 = arith.constant 6 : i32
      %add3A_192 = arith.addi %add3A_178, %add3A_191 : i32
      %lt3A_193 = arith.constant 78 : i32
      %lt3A_194 = arith.cmpi slt, %add3A_192, %lt3A_193 : i32
      %convert_element_type3A_195 = arith.extui %lt3A_194 : i1 to i32
      %cond3A_196 = arith.constant 0 : i32
      %cond3A_197 = arith.cmpi ne, %convert_element_type3A_195, %cond3A_196 : i32
      scf.if %cond3A_197 {
        %dma_wait3A_244 = arith.constant 0 : i32
        %dma_wait3A_245 = arith.constant 0 : i32
        %dma_wait3A_246 = tpu.memref_slice %arg24[%dma_wait3A_244, %dma_wait3A_245] : memref<10000x64xf32, #tpu.memory_space<vmem_shared>> -> memref<10000x64xf32, #tpu.memory_space<vmem_shared>>
        tpu.wait_indirect_dma semaphore(%arg40 : memref<!tpu.dma_semaphore, #tpu.memory_space<semaphore_mem>>) src(%arg21 : memref<128x64xf32, #tpu.memory_space<vmem>>) dst(%dma_wait3A_246 : memref<10000x64xf32, #tpu.memory_space<vmem_shared>>)
        %add3A_247 = arith.constant 6 : i32
        %add3A_248 = arith.addi %add3A_178, %add3A_247 : i32
        %mul3A_249 = arith.constant 128 : i32
        %mul3A_250 = arith.muli %add3A_248, %mul3A_249 : i32
        %add3A_251 = arith.addi %mul3A_2, %mul3A_250 : i32
        %dma_start3A_252 = tpu.memref_slice %arg4[%add3A_251] : memref<320000xi32, #tpu.memory_space<hbm>> -> memref<128xi32, #tpu.memory_space<hbm>>
        %dma_start3A_253 = tpu.memref_slice %arg4[%add3A_251] : memref<320000xi32, #tpu.memory_space<hbm>> -> memref<128xi32, #tpu.memory_space<hbm>>
        tpu.enqueue_dma source(%dma_start3A_253 : memref<128xi32, #tpu.memory_space<hbm>>) target(%arg15 : memref<128xi32, #tpu.memory_space<vmem>>) target_semaphore(%arg34 : memref<!tpu.dma_semaphore, #tpu.memory_space<semaphore_mem>>)
        %mul3A_254 = arith.constant 128 : i32
        %mul3A_255 = arith.muli %add3A_248, %mul3A_254 : i32
        %dma_start3A_256 = tpu.memref_slice %arg8[%mul3A_255] : memref<9984xi32, #tpu.memory_space<vmem>> -> memref<128xi32, #tpu.memory_space<vmem>>
        %dma_start3A_257 = arith.constant 0 : i32
        %dma_start3A_258 = arith.constant 0 : i32
        %dma_start3A_259 = tpu.memref_slice %arg2[%dma_start3A_257, %dma_start3A_258] : memref<10000x64xf32, #tpu.memory_space<hbm>> -> memref<10000x64xf32, #tpu.memory_space<hbm>>
        tpu.enqueue_indirect_dma source(%dma_start3A_259 : memref<10000x64xf32, #tpu.memory_space<hbm>>) target(%arg21 : memref<128x64xf32, #tpu.memory_space<vmem>>) offsets(%dma_start3A_256 : memref<128xi32, #tpu.memory_space<vmem>>) semaphore(%arg28 : memref<!tpu.dma_semaphore, #tpu.memory_space<semaphore_mem>>)
      } else {
      }
      %mul3A_198 = arith.constant 6 : i32
      %mul3A_199 = arith.muli %mul3A_198, %scan3A_105 : i32
      %add3A_200 = arith.constant 4 : i32
      %add3A_201 = arith.addi %mul3A_199, %add3A_200 : i32
      %mul3A_202 = arith.constant 128 : i32
      %mul3A_203 = arith.muli %add3A_201, %mul3A_202 : i32
      %dma_wait3A_204 = tpu.memref_slice %arg4[%mul3A_203] : memref<320000xi32, #tpu.memory_space<hbm>> -> memref<128xi32, #tpu.memory_space<hbm>>
      %dma_wait3A_205 = tpu.memref_slice %arg4[%mul3A_203] : memref<320000xi32, #tpu.memory_space<hbm>> -> memref<128xi32, #tpu.memory_space<hbm>>
      tpu.wait_dma2 semaphore(%arg35 : memref<!tpu.dma_semaphore, #tpu.memory_space<semaphore_mem>>) src(%dma_wait3A_205 : memref<128xi32, #tpu.memory_space<hbm>>) dst(%arg16 : memref<128xi32, #tpu.memory_space<vmem>>)
      %dma_wait3A_206 = arith.constant 0 : i32
      %dma_wait3A_207 = tpu.memref_slice %arg8[%dma_wait3A_206] : memref<9984xi32, #tpu.memory_space<vmem>> -> memref<128xi32, #tpu.memory_space<vmem>>
      %dma_wait3A_208 = arith.constant 0 : i32
      %dma_wait3A_209 = arith.constant 0 : i32
      %dma_wait3A_210 = tpu.memref_slice %arg2[%dma_wait3A_208, %dma_wait3A_209] : memref<10000x64xf32, #tpu.memory_space<hbm>> -> memref<10000x64xf32, #tpu.memory_space<hbm>>
      tpu.wait_indirect_dma semaphore(%arg29 : memref<!tpu.dma_semaphore, #tpu.memory_space<semaphore_mem>>) src(%dma_wait3A_210 : memref<10000x64xf32, #tpu.memory_space<hbm>>) dst(%arg22 : memref<128x64xf32, #tpu.memory_space<vmem>>)
      %dma_start3A_211 = arith.constant 0 : i32
      %dma_start3A_212 = arith.constant 0 : i32
      %dma_start3A_213 = tpu.memref_slice %arg24[%dma_start3A_211, %dma_start3A_212] : memref<10000x64xf32, #tpu.memory_space<vmem_shared>> -> memref<10000x64xf32, #tpu.memory_space<vmem_shared>>
      tpu.enqueue_indirect_dma source(%arg22 : memref<128x64xf32, #tpu.memory_space<vmem>>) target(%dma_start3A_213 : memref<10000x64xf32, #tpu.memory_space<vmem_shared>>) offsets(%arg16 : memref<128xi32, #tpu.memory_space<vmem>>) semaphore(%arg41 : memref<!tpu.dma_semaphore, #tpu.memory_space<semaphore_mem>>) {add = true}
      %add3A_214 = arith.constant 6 : i32
      %add3A_215 = arith.addi %add3A_201, %add3A_214 : i32
      %lt3A_216 = arith.constant 78 : i32
      %lt3A_217 = arith.cmpi slt, %add3A_215, %lt3A_216 : i32
      %convert_element_type3A_218 = arith.extui %lt3A_217 : i1 to i32
      %cond3A_219 = arith.constant 0 : i32
      %cond3A_220 = arith.cmpi ne, %convert_element_type3A_218, %cond3A_219 : i32
      scf.if %cond3A_220 {
        %dma_wait3A_244 = arith.constant 0 : i32
        %dma_wait3A_245 = arith.constant 0 : i32
        %dma_wait3A_246 = tpu.memref_slice %arg24[%dma_wait3A_244, %dma_wait3A_245] : memref<10000x64xf32, #tpu.memory_space<vmem_shared>> -> memref<10000x64xf32, #tpu.memory_space<vmem_shared>>
        tpu.wait_indirect_dma semaphore(%arg41 : memref<!tpu.dma_semaphore, #tpu.memory_space<semaphore_mem>>) src(%arg22 : memref<128x64xf32, #tpu.memory_space<vmem>>) dst(%dma_wait3A_246 : memref<10000x64xf32, #tpu.memory_space<vmem_shared>>)
        %add3A_247 = arith.constant 6 : i32
        %add3A_248 = arith.addi %add3A_201, %add3A_247 : i32
        %mul3A_249 = arith.constant 128 : i32
        %mul3A_250 = arith.muli %add3A_248, %mul3A_249 : i32
        %add3A_251 = arith.addi %mul3A_2, %mul3A_250 : i32
        %dma_start3A_252 = tpu.memref_slice %arg4[%add3A_251] : memref<320000xi32, #tpu.memory_space<hbm>> -> memref<128xi32, #tpu.memory_space<hbm>>
        %dma_start3A_253 = tpu.memref_slice %arg4[%add3A_251] : memref<320000xi32, #tpu.memory_space<hbm>> -> memref<128xi32, #tpu.memory_space<hbm>>
        tpu.enqueue_dma source(%dma_start3A_253 : memref<128xi32, #tpu.memory_space<hbm>>) target(%arg16 : memref<128xi32, #tpu.memory_space<vmem>>) target_semaphore(%arg35 : memref<!tpu.dma_semaphore, #tpu.memory_space<semaphore_mem>>)
        %mul3A_254 = arith.constant 128 : i32
        %mul3A_255 = arith.muli %add3A_248, %mul3A_254 : i32
        %dma_start3A_256 = tpu.memref_slice %arg8[%mul3A_255] : memref<9984xi32, #tpu.memory_space<vmem>> -> memref<128xi32, #tpu.memory_space<vmem>>
        %dma_start3A_257 = arith.constant 0 : i32
        %dma_start3A_258 = arith.constant 0 : i32
        %dma_start3A_259 = tpu.memref_slice %arg2[%dma_start3A_257, %dma_start3A_258] : memref<10000x64xf32, #tpu.memory_space<hbm>> -> memref<10000x64xf32, #tpu.memory_space<hbm>>
        tpu.enqueue_indirect_dma source(%dma_start3A_259 : memref<10000x64xf32, #tpu.memory_space<hbm>>) target(%arg22 : memref<128x64xf32, #tpu.memory_space<vmem>>) offsets(%dma_start3A_256 : memref<128xi32, #tpu.memory_space<vmem>>) semaphore(%arg29 : memref<!tpu.dma_semaphore, #tpu.memory_space<semaphore_mem>>)
      } else {
      }
      %mul3A_221 = arith.constant 6 : i32
      %mul3A_222 = arith.muli %mul3A_221, %scan3A_105 : i32
      %add3A_223 = arith.constant 5 : i32
      %add3A_224 = arith.addi %mul3A_222, %add3A_223 : i32
      %mul3A_225 = arith.constant 128 : i32
      %mul3A_226 = arith.muli %add3A_224, %mul3A_225 : i32
      %dma_wait3A_227 = tpu.memref_slice %arg4[%mul3A_226] : memref<320000xi32, #tpu.memory_space<hbm>> -> memref<128xi32, #tpu.memory_space<hbm>>
      %dma_wait3A_228 = tpu.memref_slice %arg4[%mul3A_226] : memref<320000xi32, #tpu.memory_space<hbm>> -> memref<128xi32, #tpu.memory_space<hbm>>
      tpu.wait_dma2 semaphore(%arg36 : memref<!tpu.dma_semaphore, #tpu.memory_space<semaphore_mem>>) src(%dma_wait3A_228 : memref<128xi32, #tpu.memory_space<hbm>>) dst(%arg17 : memref<128xi32, #tpu.memory_space<vmem>>)
      %dma_wait3A_229 = arith.constant 0 : i32
      %dma_wait3A_230 = tpu.memref_slice %arg8[%dma_wait3A_229] : memref<9984xi32, #tpu.memory_space<vmem>> -> memref<128xi32, #tpu.memory_space<vmem>>
      %dma_wait3A_231 = arith.constant 0 : i32
      %dma_wait3A_232 = arith.constant 0 : i32
      %dma_wait3A_233 = tpu.memref_slice %arg2[%dma_wait3A_231, %dma_wait3A_232] : memref<10000x64xf32, #tpu.memory_space<hbm>> -> memref<10000x64xf32, #tpu.memory_space<hbm>>
      tpu.wait_indirect_dma semaphore(%arg30 : memref<!tpu.dma_semaphore, #tpu.memory_space<semaphore_mem>>) src(%dma_wait3A_233 : memref<10000x64xf32, #tpu.memory_space<hbm>>) dst(%arg23 : memref<128x64xf32, #tpu.memory_space<vmem>>)
      %dma_start3A_234 = arith.constant 0 : i32
      %dma_start3A_235 = arith.constant 0 : i32
      %dma_start3A_236 = tpu.memref_slice %arg24[%dma_start3A_234, %dma_start3A_235] : memref<10000x64xf32, #tpu.memory_space<vmem_shared>> -> memref<10000x64xf32, #tpu.memory_space<vmem_shared>>
      tpu.enqueue_indirect_dma source(%arg23 : memref<128x64xf32, #tpu.memory_space<vmem>>) target(%dma_start3A_236 : memref<10000x64xf32, #tpu.memory_space<vmem_shared>>) offsets(%arg17 : memref<128xi32, #tpu.memory_space<vmem>>) semaphore(%arg42 : memref<!tpu.dma_semaphore, #tpu.memory_space<semaphore_mem>>) {add = true}
      %add3A_237 = arith.constant 6 : i32
      %add3A_238 = arith.addi %add3A_224, %add3A_237 : i32
      %lt3A_239 = arith.constant 78 : i32
      %lt3A_240 = arith.cmpi slt, %add3A_238, %lt3A_239 : i32
      %convert_element_type3A_241 = arith.extui %lt3A_240 : i1 to i32
      %cond3A_242 = arith.constant 0 : i32
      %cond3A_243 = arith.cmpi ne, %convert_element_type3A_241, %cond3A_242 : i32
      scf.if %cond3A_243 {
        %dma_wait3A_244 = arith.constant 0 : i32
        %dma_wait3A_245 = arith.constant 0 : i32
        %dma_wait3A_246 = tpu.memref_slice %arg24[%dma_wait3A_244, %dma_wait3A_245] : memref<10000x64xf32, #tpu.memory_space<vmem_shared>> -> memref<10000x64xf32, #tpu.memory_space<vmem_shared>>
        tpu.wait_indirect_dma semaphore(%arg42 : memref<!tpu.dma_semaphore, #tpu.memory_space<semaphore_mem>>) src(%arg23 : memref<128x64xf32, #tpu.memory_space<vmem>>) dst(%dma_wait3A_246 : memref<10000x64xf32, #tpu.memory_space<vmem_shared>>)
        %add3A_247 = arith.constant 6 : i32
        %add3A_248 = arith.addi %add3A_224, %add3A_247 : i32
        %mul3A_249 = arith.constant 128 : i32
        %mul3A_250 = arith.muli %add3A_248, %mul3A_249 : i32
        %add3A_251 = arith.addi %mul3A_2, %mul3A_250 : i32
        %dma_start3A_252 = tpu.memref_slice %arg4[%add3A_251] : memref<320000xi32, #tpu.memory_space<hbm>> -> memref<128xi32, #tpu.memory_space<hbm>>
        %dma_start3A_253 = tpu.memref_slice %arg4[%add3A_251] : memref<320000xi32, #tpu.memory_space<hbm>> -> memref<128xi32, #tpu.memory_space<hbm>>
        tpu.enqueue_dma source(%dma_start3A_253 : memref<128xi32, #tpu.memory_space<hbm>>) target(%arg17 : memref<128xi32, #tpu.memory_space<vmem>>) target_semaphore(%arg36 : memref<!tpu.dma_semaphore, #tpu.memory_space<semaphore_mem>>)
        %mul3A_254 = arith.constant 128 : i32
        %mul3A_255 = arith.muli %add3A_248, %mul3A_254 : i32
        %dma_start3A_256 = tpu.memref_slice %arg8[%mul3A_255] : memref<9984xi32, #tpu.memory_space<vmem>> -> memref<128xi32, #tpu.memory_space<vmem>>
        %dma_start3A_257 = arith.constant 0 : i32
        %dma_start3A_258 = arith.constant 0 : i32
        %dma_start3A_259 = tpu.memref_slice %arg2[%dma_start3A_257, %dma_start3A_258] : memref<10000x64xf32, #tpu.memory_space<hbm>> -> memref<10000x64xf32, #tpu.memory_space<hbm>>
        tpu.enqueue_indirect_dma source(%dma_start3A_259 : memref<10000x64xf32, #tpu.memory_space<hbm>>) target(%arg23 : memref<128x64xf32, #tpu.memory_space<vmem>>) offsets(%dma_start3A_256 : memref<128xi32, #tpu.memory_space<vmem>>) semaphore(%arg30 : memref<!tpu.dma_semaphore, #tpu.memory_space<semaphore_mem>>)
      } else {
      }
    }
    %scan3A_62 = arith.constant 13 : i32
    %dma_wait3A = arith.constant 0 : i32
    %dma_wait3A_63 = arith.constant 0 : i32
    %dma_wait3A_64 = tpu.memref_slice %arg24[%dma_wait3A, %dma_wait3A_63] : memref<10000x64xf32, #tpu.memory_space<vmem_shared>> -> memref<10000x64xf32, #tpu.memory_space<vmem_shared>>
    tpu.wait_indirect_dma semaphore(%arg37 : memref<!tpu.dma_semaphore, #tpu.memory_space<semaphore_mem>>) src(%arg18 : memref<128x64xf32, #tpu.memory_space<vmem>>) dst(%dma_wait3A_64 : memref<10000x64xf32, #tpu.memory_space<vmem_shared>>)
    %dma_wait3A_65 = arith.constant 0 : i32
    %dma_wait3A_66 = arith.constant 0 : i32
    %dma_wait3A_67 = tpu.memref_slice %arg24[%dma_wait3A_65, %dma_wait3A_66] : memref<10000x64xf32, #tpu.memory_space<vmem_shared>> -> memref<10000x64xf32, #tpu.memory_space<vmem_shared>>
    tpu.wait_indirect_dma semaphore(%arg38 : memref<!tpu.dma_semaphore, #tpu.memory_space<semaphore_mem>>) src(%arg19 : memref<128x64xf32, #tpu.memory_space<vmem>>) dst(%dma_wait3A_67 : memref<10000x64xf32, #tpu.memory_space<vmem_shared>>)
    %dma_wait3A_68 = arith.constant 0 : i32
    %dma_wait3A_69 = arith.constant 0 : i32
    %dma_wait3A_70 = tpu.memref_slice %arg24[%dma_wait3A_68, %dma_wait3A_69] : memref<10000x64xf32, #tpu.memory_space<vmem_shared>> -> memref<10000x64xf32, #tpu.memory_space<vmem_shared>>
    tpu.wait_indirect_dma semaphore(%arg39 : memref<!tpu.dma_semaphore, #tpu.memory_space<semaphore_mem>>) src(%arg20 : memref<128x64xf32, #tpu.memory_space<vmem>>) dst(%dma_wait3A_70 : memref<10000x64xf32, #tpu.memory_space<vmem_shared>>)
    %dma_wait3A_71 = arith.constant 0 : i32
    %dma_wait3A_72 = arith.constant 0 : i32
    %dma_wait3A_73 = tpu.memref_slice %arg24[%dma_wait3A_71, %dma_wait3A_72] : memref<10000x64xf32, #tpu.memory_space<vmem_shared>> -> memref<10000x64xf32, #tpu.memory_space<vmem_shared>>
    tpu.wait_indirect_dma semaphore(%arg40 : memref<!tpu.dma_semaphore, #tpu.memory_space<semaphore_mem>>) src(%arg21 : memref<128x64xf32, #tpu.memory_space<vmem>>) dst(%dma_wait3A_73 : memref<10000x64xf32, #tpu.memory_space<vmem_shared>>)
    %dma_wait3A_74 = arith.constant 0 : i32
    %dma_wait3A_75 = arith.constant 0 : i32
    %dma_wait3A_76 = tpu.memref_slice %arg24[%dma_wait3A_74, %dma_wait3A_75] : memref<10000x64xf32, #tpu.memory_space<vmem_shared>> -> memref<10000x64xf32, #tpu.memory_space<vmem_shared>>
    tpu.wait_indirect_dma semaphore(%arg41 : memref<!tpu.dma_semaphore, #tpu.memory_space<semaphore_mem>>) src(%arg22 : memref<128x64xf32, #tpu.memory_space<vmem>>) dst(%dma_wait3A_76 : memref<10000x64xf32, #tpu.memory_space<vmem_shared>>)
    %dma_wait3A_77 = arith.constant 0 : i32
    %dma_wait3A_78 = arith.constant 0 : i32
    %dma_wait3A_79 = tpu.memref_slice %arg24[%dma_wait3A_77, %dma_wait3A_78] : memref<10000x64xf32, #tpu.memory_space<vmem_shared>> -> memref<10000x64xf32, #tpu.memory_space<vmem_shared>>
    tpu.wait_indirect_dma semaphore(%arg42 : memref<!tpu.dma_semaphore, #tpu.memory_space<semaphore_mem>>) src(%arg23 : memref<128x64xf32, #tpu.memory_space<vmem>>) dst(%dma_wait3A_79 : memref<10000x64xf32, #tpu.memory_space<vmem_shared>>)
    %add3A_80 = arith.constant 9984 : i32
    %add3A_81 = arith.addi %mul3A_2, %add3A_80 : i32
    "tpu.region"() ({
      %run_scoped3A = tpu.sem_alloc : memref<!tpu.dma_semaphore, #tpu.memory_space<semaphore_mem>>
      %dma_start3A_105 = tpu.memref_slice %arg3[%add3A_81] : memref<320000xi32, #tpu.memory_space<hbm>> -> memref<16xi32, #tpu.memory_space<hbm>>
      %dma_start3A_106 = tpu.memref_slice %arg3[%add3A_81] : memref<320000xi32, #tpu.memory_space<hbm>> -> memref<16xi32, #tpu.memory_space<hbm>>
      tpu.enqueue_dma source(%dma_start3A_106 : memref<16xi32, #tpu.memory_space<hbm>>) target(%arg9 : memref<16xi32, #tpu.memory_space<vmem>>) target_semaphore(%run_scoped3A : memref<!tpu.dma_semaphore, #tpu.memory_space<semaphore_mem>>)
      %dma_wait3A_107 = tpu.memref_slice %arg3[%add3A_81] : memref<320000xi32, #tpu.memory_space<hbm>> -> memref<16xi32, #tpu.memory_space<hbm>>
      %dma_wait3A_108 = tpu.memref_slice %arg3[%add3A_81] : memref<320000xi32, #tpu.memory_space<hbm>> -> memref<16xi32, #tpu.memory_space<hbm>>
      tpu.wait_dma2 semaphore(%run_scoped3A : memref<!tpu.dma_semaphore, #tpu.memory_space<semaphore_mem>>) src(%dma_wait3A_108 : memref<16xi32, #tpu.memory_space<hbm>>) dst(%arg9 : memref<16xi32, #tpu.memory_space<vmem>>)
      tpu.yield
    }) : () -> ()
    %add3A_82 = arith.constant 9984 : i32
    %add3A_83 = arith.addi %mul3A_2, %add3A_82 : i32
    "tpu.region"() ({
      %run_scoped3A = tpu.sem_alloc : memref<!tpu.dma_semaphore, #tpu.memory_space<semaphore_mem>>
      %dma_start3A_105 = tpu.memref_slice %arg4[%add3A_83] : memref<320000xi32, #tpu.memory_space<hbm>> -> memref<16xi32, #tpu.memory_space<hbm>>
      %dma_start3A_106 = tpu.memref_slice %arg4[%add3A_83] : memref<320000xi32, #tpu.memory_space<hbm>> -> memref<16xi32, #tpu.memory_space<hbm>>
      tpu.enqueue_dma source(%dma_start3A_106 : memref<16xi32, #tpu.memory_space<hbm>>) target(%arg10 : memref<16xi32, #tpu.memory_space<vmem>>) target_semaphore(%run_scoped3A : memref<!tpu.dma_semaphore, #tpu.memory_space<semaphore_mem>>)
      %dma_wait3A_107 = tpu.memref_slice %arg4[%add3A_83] : memref<320000xi32, #tpu.memory_space<hbm>> -> memref<16xi32, #tpu.memory_space<hbm>>
      %dma_wait3A_108 = tpu.memref_slice %arg4[%add3A_83] : memref<320000xi32, #tpu.memory_space<hbm>> -> memref<16xi32, #tpu.memory_space<hbm>>
      tpu.wait_dma2 semaphore(%run_scoped3A : memref<!tpu.dma_semaphore, #tpu.memory_space<semaphore_mem>>) src(%dma_wait3A_108 : memref<16xi32, #tpu.memory_space<hbm>>) dst(%arg10 : memref<16xi32, #tpu.memory_space<vmem>>)
      tpu.yield
    }) : () -> ()
    %dma_start3A_84 = arith.constant 0 : i32
    %dma_start3A_85 = arith.constant 0 : i32
    %dma_start3A_86 = tpu.memref_slice %arg2[%dma_start3A_84, %dma_start3A_85] : memref<10000x64xf32, #tpu.memory_space<hbm>> -> memref<10000x64xf32, #tpu.memory_space<hbm>>
    tpu.enqueue_indirect_dma source(%dma_start3A_86 : memref<10000x64xf32, #tpu.memory_space<hbm>>) target(%arg11 : memref<16x64xf32, #tpu.memory_space<vmem>>) offsets(%arg9 : memref<16xi32, #tpu.memory_space<vmem>>) semaphore(%arg25 : memref<!tpu.dma_semaphore, #tpu.memory_space<semaphore_mem>>)
    %dma_wait3A_87 = arith.constant 0 : i32
    %dma_wait3A_88 = arith.constant 0 : i32
    %dma_wait3A_89 = tpu.memref_slice %arg2[%dma_wait3A_87, %dma_wait3A_88] : memref<10000x64xf32, #tpu.memory_space<hbm>> -> memref<10000x64xf32, #tpu.memory_space<hbm>>
    tpu.wait_indirect_dma semaphore(%arg25 : memref<!tpu.dma_semaphore, #tpu.memory_space<semaphore_mem>>) src(%dma_wait3A_89 : memref<10000x64xf32, #tpu.memory_space<hbm>>) dst(%arg11 : memref<16x64xf32, #tpu.memory_space<vmem>>)
    "tpu.region"() ({
      %run_scoped3A = tpu.sem_alloc : memref<!tpu.dma_semaphore, #tpu.memory_space<semaphore_mem>>
      %dma_start3A_105 = arith.constant 0 : i32
      %dma_start3A_106 = arith.constant 0 : i32
      %dma_start3A_107 = tpu.memref_slice %arg24[%dma_start3A_105, %dma_start3A_106] : memref<10000x64xf32, #tpu.memory_space<vmem_shared>> -> memref<10000x64xf32, #tpu.memory_space<vmem_shared>>
      tpu.enqueue_indirect_dma source(%arg11 : memref<16x64xf32, #tpu.memory_space<vmem>>) target(%dma_start3A_107 : memref<10000x64xf32, #tpu.memory_space<vmem_shared>>) offsets(%arg10 : memref<16xi32, #tpu.memory_space<vmem>>) semaphore(%run_scoped3A : memref<!tpu.dma_semaphore, #tpu.memory_space<semaphore_mem>>) {add = true}
      %dma_wait3A_108 = arith.constant 0 : i32
      %dma_wait3A_109 = arith.constant 0 : i32
      %dma_wait3A_110 = tpu.memref_slice %arg24[%dma_wait3A_108, %dma_wait3A_109] : memref<10000x64xf32, #tpu.memory_space<vmem_shared>> -> memref<10000x64xf32, #tpu.memory_space<vmem_shared>>
      tpu.wait_indirect_dma semaphore(%run_scoped3A : memref<!tpu.dma_semaphore, #tpu.memory_space<semaphore_mem>>) src(%arg11 : memref<16x64xf32, #tpu.memory_space<vmem>>) dst(%dma_wait3A_110 : memref<10000x64xf32, #tpu.memory_space<vmem_shared>>)
      tpu.yield
    }) : () -> ()
    %barrier3A_90 = arith.constant 0 : index
    tpu.barrier barrier_id(%barrier3A_90)
    %lt3A_91 = arith.constant 10 : i32
    %lt3A_92 = arith.cmpi slt, %arg1, %lt3A_91 : i32
    %eq3A = arith.constant 0 : i32
    %eq3A_93 = arith.cmpi eq, %arg0, %eq3A : i32
    %and3A = arith.andi %lt3A_92, %eq3A_93 : i1
    %convert_element_type3A_94 = arith.extui %and3A : i1 to i32
    %cond3A_95 = arith.constant 0 : i32
    %cond3A_96 = arith.cmpi ne, %convert_element_type3A_94, %cond3A_95 : i32
    scf.if %cond3A_96 {
      %mul3A_105 = arith.constant 1000 : i32
      %mul3A_106 = arith.muli %arg1, %mul3A_105 : i32
      %mul3A_107 = arith.constant 1000 : i32
      %mul3A_108 = arith.muli %arg1, %mul3A_107 : i32
      "tpu.region"() ({
        %run_scoped3A = tpu.sem_alloc : memref<!tpu.dma_semaphore, #tpu.memory_space<semaphore_mem>>
        %dma_start3A_109 = arith.constant 0 : i32
        %dma_start3A_110 = tpu.memref_slice %arg6[%mul3A_108, %dma_start3A_109] : memref<10000x64xf32, #tpu.memory_space<hbm>> -> memref<1000x64xf32, #tpu.memory_space<hbm>>
        %dma_start3A_111 = arith.constant 0 : i32
        %dma_start3A_112 = tpu.memref_slice %arg24[%mul3A_106, %dma_start3A_111] : memref<10000x64xf32, #tpu.memory_space<vmem_shared>> -> memref<1000x64xf32, #tpu.memory_space<vmem_shared>>
        tpu.enqueue_dma source(%dma_start3A_112 : memref<1000x64xf32, #tpu.memory_space<vmem_shared>>) target(%dma_start3A_110 : memref<1000x64xf32, #tpu.memory_space<hbm>>) target_semaphore(%run_scoped3A : memref<!tpu.dma_semaphore, #tpu.memory_space<semaphore_mem>>)
        %dma_wait3A_113 = arith.constant 0 : i32
        %dma_wait3A_114 = tpu.memref_slice %arg6[%mul3A_108, %dma_wait3A_113] : memref<10000x64xf32, #tpu.memory_space<hbm>> -> memref<1000x64xf32, #tpu.memory_space<hbm>>
        %dma_wait3A_115 = arith.constant 0 : i32
        %dma_wait3A_116 = tpu.memref_slice %arg24[%mul3A_106, %dma_wait3A_115] : memref<10000x64xf32, #tpu.memory_space<vmem_shared>> -> memref<1000x64xf32, #tpu.memory_space<vmem_shared>>
        tpu.wait_dma2 semaphore(%run_scoped3A : memref<!tpu.dma_semaphore, #tpu.memory_space<semaphore_mem>>) src(%dma_wait3A_116 : memref<1000x64xf32, #tpu.memory_space<vmem_shared>>) dst(%dma_wait3A_114 : memref<1000x64xf32, #tpu.memory_space<hbm>>)
        tpu.yield
      }) : () -> ()
    } else {
    }
    %lt3A_97 = arith.constant 10 : i32
    %lt3A_98 = arith.cmpi slt, %arg1, %lt3A_97 : i32
    %eq3A_99 = arith.constant 1 : i32
    %eq3A_100 = arith.cmpi eq, %arg0, %eq3A_99 : i32
    %and3A_101 = arith.andi %lt3A_98, %eq3A_100 : i1
    %convert_element_type3A_102 = arith.extui %and3A_101 : i1 to i32
    %cond3A_103 = arith.constant 0 : i32
    %cond3A_104 = arith.cmpi ne, %convert_element_type3A_102, %cond3A_103 : i32
    scf.if %cond3A_104 {
      %mul3A_105 = arith.constant 1000 : i32
      %mul3A_106 = arith.muli %arg1, %mul3A_105 : i32
      %mul3A_107 = arith.constant 1000 : i32
      %mul3A_108 = arith.muli %arg1, %mul3A_107 : i32
      "tpu.region"() ({
        %run_scoped3A = tpu.sem_alloc : memref<!tpu.dma_semaphore, #tpu.memory_space<semaphore_mem>>
        %dma_start3A_109 = arith.constant 0 : i32
        %dma_start3A_110 = tpu.memref_slice %arg7[%mul3A_108, %dma_start3A_109] : memref<10000x64xf32, #tpu.memory_space<hbm>> -> memref<1000x64xf32, #tpu.memory_space<hbm>>
        %dma_start3A_111 = arith.constant 0 : i32
        %dma_start3A_112 = tpu.memref_slice %arg24[%mul3A_106, %dma_start3A_111] : memref<10000x64xf32, #tpu.memory_space<vmem_shared>> -> memref<1000x64xf32, #tpu.memory_space<vmem_shared>>
        tpu.enqueue_dma source(%dma_start3A_112 : memref<1000x64xf32, #tpu.memory_space<vmem_shared>>) target(%dma_start3A_110 : memref<1000x64xf32, #tpu.memory_space<hbm>>) target_semaphore(%run_scoped3A : memref<!tpu.dma_semaphore, #tpu.memory_space<semaphore_mem>>)
        %dma_wait3A_113 = arith.constant 0 : i32
        %dma_wait3A_114 = tpu.memref_slice %arg7[%mul3A_108, %dma_wait3A_113] : memref<10000x64xf32, #tpu.memory_space<hbm>> -> memref<1000x64xf32, #tpu.memory_space<hbm>>
        %dma_wait3A_115 = arith.constant 0 : i32
        %dma_wait3A_116 = tpu.memref_slice %arg24[%mul3A_106, %dma_wait3A_115] : memref<10000x64xf32, #tpu.memory_space<vmem_shared>> -> memref<1000x64xf32, #tpu.memory_space<vmem_shared>>
        tpu.wait_dma2 semaphore(%run_scoped3A : memref<!tpu.dma_semaphore, #tpu.memory_space<semaphore_mem>>) src(%dma_wait3A_116 : memref<1000x64xf32, #tpu.memory_space<vmem_shared>>) dst(%dma_wait3A_114 : memref<1000x64xf32, #tpu.memory_space<hbm>>)
        tpu.yield
      }) : () -> ()
    } else {
    }
    return
  }
}

#map = affine_map<(d0, d1) -> (0, 0)>
#map1 = affine_map<(d0, d1) -> (0)>
module attributes {stable_mosaic.version = 14 : i64} {
  func.func @_agg_body(%arg0: i32, %arg1: i32, %arg2: memref<10000x64xf32, #tpu.memory_space<hbm>>, %arg3: memref<320000xi32, #tpu.memory_space<hbm>>, %arg4: memref<320000xi32, #tpu.memory_space<hbm>>, %arg5: memref<10000x64xf32, #tpu.memory_space<hbm>>, %arg6: memref<10000x64xf32, #tpu.memory_space<hbm>>, %arg7: memref<10000x64xf32, #tpu.memory_space<hbm>>, %arg8: memref<9984xi32, #tpu.memory_space<vmem>>, %arg9: memref<16xi32, #tpu.memory_space<vmem>>, %arg10: memref<16xi32, #tpu.memory_space<vmem>>, %arg11: memref<16x64xf32, #tpu.memory_space<vmem>>, %arg12: memref<128xi32, #tpu.memory_space<vmem>>, %arg13: memref<128xi32, #tpu.memory_space<vmem>>, %arg14: memref<128xi32, #tpu.memory_space<vmem>>, %arg15: memref<128xi32, #tpu.memory_space<vmem>>, %arg16: memref<128xi32, #tpu.memory_space<vmem>>, %arg17: memref<128xi32, #tpu.memory_space<vmem>>, %arg18: memref<128x64xf32, #tpu.memory_space<vmem>>, %arg19: memref<128x64xf32, #tpu.memory_space<vmem>>, %arg20: memref<128x64xf32, #tpu.memory_space<vmem>>, %arg21: memref<128x64xf32, #tpu.memory_space<vmem>>, %arg22: memref<128x64xf32, #tpu.memory_space<vmem>>, %arg23: memref<128x64xf32, #tpu.memory_space<vmem>>, %arg24: memref<10000x64xf32, #tpu.memory_space<vmem_shared>>, %arg25: memref<!tpu.dma_semaphore, #tpu.memory_space<semaphore_mem>>, %arg26: memref<!tpu.dma_semaphore, #tpu.memory_space<semaphore_mem>>, %arg27: memref<!tpu.dma_semaphore, #tpu.memory_space<semaphore_mem>>, %arg28: memref<!tpu.dma_semaphore, #tpu.memory_space<semaphore_mem>>, %arg29: memref<!tpu.dma_semaphore, #tpu.memory_space<semaphore_mem>>, %arg30: memref<!tpu.dma_semaphore, #tpu.memory_space<semaphore_mem>>, %arg31: memref<!tpu.dma_semaphore, #tpu.memory_space<semaphore_mem>>, %arg32: memref<!tpu.dma_semaphore, #tpu.memory_space<semaphore_mem>>, %arg33: memref<!tpu.dma_semaphore, #tpu.memory_space<semaphore_mem>>, %arg34: memref<!tpu.dma_semaphore, #tpu.memory_space<semaphore_mem>>, %arg35: memref<!tpu.dma_semaphore, #tpu.memory_space<semaphore_mem>>, %arg36: memref<!tpu.dma_semaphore, #tpu.memory_space<semaphore_mem>>, %arg37: memref<!tpu.dma_semaphore, #tpu.memory_space<semaphore_mem>>, %arg38: memref<!tpu.dma_semaphore, #tpu.memory_space<semaphore_mem>>, %arg39: memref<!tpu.dma_semaphore, #tpu.memory_space<semaphore_mem>>, %arg40: memref<!tpu.dma_semaphore, #tpu.memory_space<semaphore_mem>>, %arg41: memref<!tpu.dma_semaphore, #tpu.memory_space<semaphore_mem>>, %arg42: memref<!tpu.dma_semaphore, #tpu.memory_space<semaphore_mem>>) attributes {dimension_semantics = [#tpu.dimension_semantics<core_parallel>, #tpu.dimension_semantics<subcore_parallel>], iteration_bounds = array<i64: 2, 16>, scalar_prefetch = 0 : i64, scratch_operands = 35 : i64, tpu.core_type = #tpu.core_type<sc_vector_subcore>, window_params = [{transform_indices = #map}, {transform_indices = #map1}, {transform_indices = #map1}, {transform_indices = #map}, {transform_indices = #map}, {transform_indices = #map}]} {
    %mul3A = arith.constant 16 : i32
    %mul3A_0 = arith.muli %arg0, %mul3A : i32
    %add3A = arith.addi %mul3A_0, %arg1 : i32
    %mul3A_1 = arith.constant 10000 : i32
    %mul3A_2 = arith.muli %add3A, %mul3A_1 : i32
    %lt3A = arith.constant 10 : i32
    %lt3A_3 = arith.cmpi slt, %arg1, %lt3A : i32
    %convert_element_type3A = arith.extui %lt3A_3 : i1 to i32
    %cond3A = arith.constant 0 : i32
    %cond3A_4 = arith.cmpi ne, %convert_element_type3A, %cond3A : i32
    scf.if %cond3A_4 {
      %mul3A_105 = arith.constant 1000 : i32
      %mul3A_106 = arith.muli %arg1, %mul3A_105 : i32
      %mul3A_107 = arith.constant 1000 : i32
      %mul3A_108 = arith.muli %arg1, %mul3A_107 : i32
      "tpu.region"() ({
        %run_scoped3A = tpu.sem_alloc : memref<!tpu.dma_semaphore, #tpu.memory_space<semaphore_mem>>
        %dma_start3A_109 = arith.constant 0 : i32
        %dma_start3A_110 = tpu.memref_slice %arg24[%mul3A_108, %dma_start3A_109] : memref<10000x64xf32, #tpu.memory_space<vmem_shared>> -> memref<1000x64xf32, #tpu.memory_space<vmem_shared>>
        %dma_start3A_111 = arith.constant 0 : i32
        %dma_start3A_112 = tpu.memref_slice %arg5[%mul3A_106, %dma_start3A_111] : memref<10000x64xf32, #tpu.memory_space<hbm>> -> memref<1000x64xf32, #tpu.memory_space<hbm>>
        tpu.enqueue_dma source(%dma_start3A_112 : memref<1000x64xf32, #tpu.memory_space<hbm>>) target(%dma_start3A_110 : memref<1000x64xf32, #tpu.memory_space<vmem_shared>>) target_semaphore(%run_scoped3A : memref<!tpu.dma_semaphore, #tpu.memory_space<semaphore_mem>>)
        %dma_wait3A_113 = arith.constant 0 : i32
        %dma_wait3A_114 = tpu.memref_slice %arg24[%mul3A_108, %dma_wait3A_113] : memref<10000x64xf32, #tpu.memory_space<vmem_shared>> -> memref<1000x64xf32, #tpu.memory_space<vmem_shared>>
        %dma_wait3A_115 = arith.constant 0 : i32
        %dma_wait3A_116 = tpu.memref_slice %arg5[%mul3A_106, %dma_wait3A_115] : memref<10000x64xf32, #tpu.memory_space<hbm>> -> memref<1000x64xf32, #tpu.memory_space<hbm>>
        tpu.wait_dma2 semaphore(%run_scoped3A : memref<!tpu.dma_semaphore, #tpu.memory_space<semaphore_mem>>) src(%dma_wait3A_116 : memref<1000x64xf32, #tpu.memory_space<hbm>>) dst(%dma_wait3A_114 : memref<1000x64xf32, #tpu.memory_space<vmem_shared>>)
        tpu.yield
      }) : () -> ()
    } else {
    }
    %barrier3A = arith.constant 0 : index
    tpu.barrier barrier_id(%barrier3A)
    "tpu.region"() ({
      %run_scoped3A = tpu.sem_alloc : memref<!tpu.dma_semaphore, #tpu.memory_space<semaphore_mem>>
      %dma_start3A_105 = tpu.memref_slice %arg3[%mul3A_2] : memref<320000xi32, #tpu.memory_space<hbm>> -> memref<9984xi32, #tpu.memory_space<hbm>>
      %dma_start3A_106 = tpu.memref_slice %arg3[%mul3A_2] : memref<320000xi32, #tpu.memory_space<hbm>> -> memref<9984xi32, #tpu.memory_space<hbm>>
      tpu.enqueue_dma source(%dma_start3A_106 : memref<9984xi32, #tpu.memory_space<hbm>>) target(%arg8 : memref<9984xi32, #tpu.memory_space<vmem>>) target_semaphore(%run_scoped3A : memref<!tpu.dma_semaphore, #tpu.memory_space<semaphore_mem>>)
      %dma_wait3A_107 = tpu.memref_slice %arg3[%mul3A_2] : memref<320000xi32, #tpu.memory_space<hbm>> -> memref<9984xi32, #tpu.memory_space<hbm>>
      %dma_wait3A_108 = tpu.memref_slice %arg3[%mul3A_2] : memref<320000xi32, #tpu.memory_space<hbm>> -> memref<9984xi32, #tpu.memory_space<hbm>>
      tpu.wait_dma2 semaphore(%run_scoped3A : memref<!tpu.dma_semaphore, #tpu.memory_space<semaphore_mem>>) src(%dma_wait3A_108 : memref<9984xi32, #tpu.memory_space<hbm>>) dst(%arg8 : memref<9984xi32, #tpu.memory_space<vmem>>)
      tpu.yield
    }) : () -> ()
    %add3A_5 = arith.constant 0 : i32
    %add3A_6 = arith.addi %mul3A_2, %add3A_5 : i32
    %dma_start3A = tpu.memref_slice %arg4[%add3A_6] : memref<320000xi32, #tpu.memory_space<hbm>> -> memref<128xi32, #tpu.memory_space<hbm>>
    %dma_start3A_7 = tpu.memref_slice %arg4[%add3A_6] : memref<320000xi32, #tpu.memory_space<hbm>> -> memref<128xi32, #tpu.memory_space<hbm>>
    tpu.enqueue_dma source(%dma_start3A_7 : memref<128xi32, #tpu.memory_space<hbm>>) target(%arg12 : memref<128xi32, #tpu.memory_space<vmem>>) target_semaphore(%arg31 : memref<!tpu.dma_semaphore, #tpu.memory_space<semaphore_mem>>)
    %dma_start3A_8 = arith.constant 0 : i32
    %dma_start3A_9 = tpu.memref_slice %arg8[%dma_start3A_8] : memref<9984xi32, #tpu.memory_space<vmem>> -> memref<128xi32, #tpu.memory_space<vmem>>
    %dma_start3A_10 = arith.constant 0 : i32
    %dma_start3A_11 = arith.constant 0 : i32
    %dma_start3A_12 = tpu.memref_slice %arg2[%dma_start3A_10, %dma_start3A_11] : memref<10000x64xf32, #tpu.memory_space<hbm>> -> memref<10000x64xf32, #tpu.memory_space<hbm>>
    tpu.enqueue_indirect_dma source(%dma_start3A_12 : memref<10000x64xf32, #tpu.memory_space<hbm>>) target(%arg18 : memref<128x64xf32, #tpu.memory_space<vmem>>) offsets(%dma_start3A_9 : memref<128xi32, #tpu.memory_space<vmem>>) semaphore(%arg25 : memref<!tpu.dma_semaphore, #tpu.memory_space<semaphore_mem>>)
    %add3A_13 = arith.constant 128 : i32
    %add3A_14 = arith.addi %mul3A_2, %add3A_13 : i32
    %dma_start3A_15 = tpu.memref_slice %arg4[%add3A_14] : memref<320000xi32, #tpu.memory_space<hbm>> -> memref<128xi32, #tpu.memory_space<hbm>>
    %dma_start3A_16 = tpu.memref_slice %arg4[%add3A_14] : memref<320000xi32, #tpu.memory_space<hbm>> -> memref<128xi32, #tpu.memory_space<hbm>>
    tpu.enqueue_dma source(%dma_start3A_16 : memref<128xi32, #tpu.memory_space<hbm>>) target(%arg13 : memref<128xi32, #tpu.memory_space<vmem>>) target_semaphore(%arg32 : memref<!tpu.dma_semaphore, #tpu.memory_space<semaphore_mem>>)
    %dma_start3A_17 = arith.constant 128 : i32
    %dma_start3A_18 = tpu.memref_slice %arg8[%dma_start3A_17] : memref<9984xi32, #tpu.memory_space<vmem>> -> memref<128xi32, #tpu.memory_space<vmem>>
    %dma_start3A_19 = arith.constant 0 : i32
    %dma_start3A_20 = arith.constant 0 : i32
    %dma_start3A_21 = tpu.memref_slice %arg2[%dma_start3A_19, %dma_start3A_20] : memref<10000x64xf32, #tpu.memory_space<hbm>> -> memref<10000x64xf32, #tpu.memory_space<hbm>>
    tpu.enqueue_indirect_dma source(%dma_start3A_21 : memref<10000x64xf32, #tpu.memory_space<hbm>>) target(%arg19 : memref<128x64xf32, #tpu.memory_space<vmem>>) offsets(%dma_start3A_18 : memref<128xi32, #tpu.memory_space<vmem>>) semaphore(%arg26 : memref<!tpu.dma_semaphore, #tpu.memory_space<semaphore_mem>>)
    %add3A_22 = arith.constant 256 : i32
    %add3A_23 = arith.addi %mul3A_2, %add3A_22 : i32
    %dma_start3A_24 = tpu.memref_slice %arg4[%add3A_23] : memref<320000xi32, #tpu.memory_space<hbm>> -> memref<128xi32, #tpu.memory_space<hbm>>
    %dma_start3A_25 = tpu.memref_slice %arg4[%add3A_23] : memref<320000xi32, #tpu.memory_space<hbm>> -> memref<128xi32, #tpu.memory_space<hbm>>
    tpu.enqueue_dma source(%dma_start3A_25 : memref<128xi32, #tpu.memory_space<hbm>>) target(%arg14 : memref<128xi32, #tpu.memory_space<vmem>>) target_semaphore(%arg33 : memref<!tpu.dma_semaphore, #tpu.memory_space<semaphore_mem>>)
    %dma_start3A_26 = arith.constant 256 : i32
    %dma_start3A_27 = tpu.memref_slice %arg8[%dma_start3A_26] : memref<9984xi32, #tpu.memory_space<vmem>> -> memref<128xi32, #tpu.memory_space<vmem>>
    %dma_start3A_28 = arith.constant 0 : i32
    %dma_start3A_29 = arith.constant 0 : i32
    %dma_start3A_30 = tpu.memref_slice %arg2[%dma_start3A_28, %dma_start3A_29] : memref<10000x64xf32, #tpu.memory_space<hbm>> -> memref<10000x64xf32, #tpu.memory_space<hbm>>
    tpu.enqueue_indirect_dma source(%dma_start3A_30 : memref<10000x64xf32, #tpu.memory_space<hbm>>) target(%arg20 : memref<128x64xf32, #tpu.memory_space<vmem>>) offsets(%dma_start3A_27 : memref<128xi32, #tpu.memory_space<vmem>>) semaphore(%arg27 : memref<!tpu.dma_semaphore, #tpu.memory_space<semaphore_mem>>)
    %add3A_31 = arith.constant 384 : i32
    %add3A_32 = arith.addi %mul3A_2, %add3A_31 : i32
    %dma_start3A_33 = tpu.memref_slice %arg4[%add3A_32] : memref<320000xi32, #tpu.memory_space<hbm>> -> memref<128xi32, #tpu.memory_space<hbm>>
    %dma_start3A_34 = tpu.memref_slice %arg4[%add3A_32] : memref<320000xi32, #tpu.memory_space<hbm>> -> memref<128xi32, #tpu.memory_space<hbm>>
    tpu.enqueue_dma source(%dma_start3A_34 : memref<128xi32, #tpu.memory_space<hbm>>) target(%arg15 : memref<128xi32, #tpu.memory_space<vmem>>) target_semaphore(%arg34 : memref<!tpu.dma_semaphore, #tpu.memory_space<semaphore_mem>>)
    %dma_start3A_35 = arith.constant 384 : i32
    %dma_start3A_36 = tpu.memref_slice %arg8[%dma_start3A_35] : memref<9984xi32, #tpu.memory_space<vmem>> -> memref<128xi32, #tpu.memory_space<vmem>>
    %dma_start3A_37 = arith.constant 0 : i32
    %dma_start3A_38 = arith.constant 0 : i32
    %dma_start3A_39 = tpu.memref_slice %arg2[%dma_start3A_37, %dma_start3A_38] : memref<10000x64xf32, #tpu.memory_space<hbm>> -> memref<10000x64xf32, #tpu.memory_space<hbm>>
    tpu.enqueue_indirect_dma source(%dma_start3A_39 : memref<10000x64xf32, #tpu.memory_space<hbm>>) target(%arg21 : memref<128x64xf32, #tpu.memory_space<vmem>>) offsets(%dma_start3A_36 : memref<128xi32, #tpu.memory_space<vmem>>) semaphore(%arg28 : memref<!tpu.dma_semaphore, #tpu.memory_space<semaphore_mem>>)
    %add3A_40 = arith.constant 512 : i32
    %add3A_41 = arith.addi %mul3A_2, %add3A_40 : i32
    %dma_start3A_42 = tpu.memref_slice %arg4[%add3A_41] : memref<320000xi32, #tpu.memory_space<hbm>> -> memref<128xi32, #tpu.memory_space<hbm>>
    %dma_start3A_43 = tpu.memref_slice %arg4[%add3A_41] : memref<320000xi32, #tpu.memory_space<hbm>> -> memref<128xi32, #tpu.memory_space<hbm>>
    tpu.enqueue_dma source(%dma_start3A_43 : memref<128xi32, #tpu.memory_space<hbm>>) target(%arg16 : memref<128xi32, #tpu.memory_space<vmem>>) target_semaphore(%arg35 : memref<!tpu.dma_semaphore, #tpu.memory_space<semaphore_mem>>)
    %dma_start3A_44 = arith.constant 512 : i32
    %dma_start3A_45 = tpu.memref_slice %arg8[%dma_start3A_44] : memref<9984xi32, #tpu.memory_space<vmem>> -> memref<128xi32, #tpu.memory_space<vmem>>
    %dma_start3A_46 = arith.constant 0 : i32
    %dma_start3A_47 = arith.constant 0 : i32
    %dma_start3A_48 = tpu.memref_slice %arg2[%dma_start3A_46, %dma_start3A_47] : memref<10000x64xf32, #tpu.memory_space<hbm>> -> memref<10000x64xf32, #tpu.memory_space<hbm>>
    tpu.enqueue_indirect_dma source(%dma_start3A_48 : memref<10000x64xf32, #tpu.memory_space<hbm>>) target(%arg22 : memref<128x64xf32, #tpu.memory_space<vmem>>) offsets(%dma_start3A_45 : memref<128xi32, #tpu.memory_space<vmem>>) semaphore(%arg29 : memref<!tpu.dma_semaphore, #tpu.memory_space<semaphore_mem>>)
    %add3A_49 = arith.constant 640 : i32
    %add3A_50 = arith.addi %mul3A_2, %add3A_49 : i32
    %dma_start3A_51 = tpu.memref_slice %arg4[%add3A_50] : memref<320000xi32, #tpu.memory_space<hbm>> -> memref<128xi32, #tpu.memory_space<hbm>>
    %dma_start3A_52 = tpu.memref_slice %arg4[%add3A_50] : memref<320000xi32, #tpu.memory_space<hbm>> -> memref<128xi32, #tpu.memory_space<hbm>>
    tpu.enqueue_dma source(%dma_start3A_52 : memref<128xi32, #tpu.memory_space<hbm>>) target(%arg17 : memref<128xi32, #tpu.memory_space<vmem>>) target_semaphore(%arg36 : memref<!tpu.dma_semaphore, #tpu.memory_space<semaphore_mem>>)
    %dma_start3A_53 = arith.constant 640 : i32
    %dma_start3A_54 = tpu.memref_slice %arg8[%dma_start3A_53] : memref<9984xi32, #tpu.memory_space<vmem>> -> memref<128xi32, #tpu.memory_space<vmem>>
    %dma_start3A_55 = arith.constant 0 : i32
    %dma_start3A_56 = arith.constant 0 : i32
    %dma_start3A_57 = tpu.memref_slice %arg2[%dma_start3A_55, %dma_start3A_56] : memref<10000x64xf32, #tpu.memory_space<hbm>> -> memref<10000x64xf32, #tpu.memory_space<hbm>>
    tpu.enqueue_indirect_dma source(%dma_start3A_57 : memref<10000x64xf32, #tpu.memory_space<hbm>>) target(%arg23 : memref<128x64xf32, #tpu.memory_space<vmem>>) offsets(%dma_start3A_54 : memref<128xi32, #tpu.memory_space<vmem>>) semaphore(%arg30 : memref<!tpu.dma_semaphore, #tpu.memory_space<semaphore_mem>>)
    %scan3A = arith.constant 0 : i32
    %scan3A_58 = arith.constant 0 : i32
    %scan3A_59 = arith.constant 13 : i32
    %scan3A_60 = arith.addi %scan3A_58, %scan3A_59 : i32
    %scan3A_61 = arith.constant 1 : i32
    scf.for %scan3A_105 = %scan3A_58 to %scan3A_60 step %scan3A_61  : i32 {
      %mul3A_106 = arith.constant 6 : i32
      %mul3A_107 = arith.muli %mul3A_106, %scan3A_105 : i32
      %add3A_108 = arith.constant 0 : i32
      %add3A_109 = arith.addi %mul3A_107, %add3A_108 : i32
      %mul3A_110 = arith.constant 128 : i32
      %mul3A_111 = arith.muli %add3A_109, %mul3A_110 : i32
      %dma_wait3A_112 = tpu.memref_slice %arg4[%mul3A_111] : memref<320000xi32, #tpu.memory_space<hbm>> -> memref<128xi32, #tpu.memory_space<hbm>>
      %dma_wait3A_113 = tpu.memref_slice %arg4[%mul3A_111] : memref<320000xi32, #tpu.memory_space<hbm>> -> memref<128xi32, #tpu.memory_space<hbm>>
      tpu.wait_dma2 semaphore(%arg31 : memref<!tpu.dma_semaphore, #tpu.memory_space<semaphore_mem>>) src(%dma_wait3A_113 : memref<128xi32, #tpu.memory_space<hbm>>) dst(%arg12 : memref<128xi32, #tpu.memory_space<vmem>>)
      %dma_wait3A_114 = arith.constant 0 : i32
      %dma_wait3A_115 = tpu.memref_slice %arg8[%dma_wait3A_114] : memref<9984xi32, #tpu.memory_space<vmem>> -> memref<128xi32, #tpu.memory_space<vmem>>
      %dma_wait3A_116 = arith.constant 0 : i32
      %dma_wait3A_117 = arith.constant 0 : i32
      %dma_wait3A_118 = tpu.memref_slice %arg2[%dma_wait3A_116, %dma_wait3A_117] : memref<10000x64xf32, #tpu.memory_space<hbm>> -> memref<10000x64xf32, #tpu.memory_space<hbm>>
      tpu.wait_indirect_dma semaphore(%arg25 : memref<!tpu.dma_semaphore, #tpu.memory_space<semaphore_mem>>) src(%dma_wait3A_118 : memref<10000x64xf32, #tpu.memory_space<hbm>>) dst(%arg18 : memref<128x64xf32, #tpu.memory_space<vmem>>)
      %dma_start3A_119 = arith.constant 0 : i32
      %dma_start3A_120 = arith.constant 0 : i32
      %dma_start3A_121 = tpu.memref_slice %arg24[%dma_start3A_119, %dma_start3A_120] : memref<10000x64xf32, #tpu.memory_space<vmem_shared>> -> memref<10000x64xf32, #tpu.memory_space<vmem_shared>>
      tpu.enqueue_indirect_dma source(%arg18 : memref<128x64xf32, #tpu.memory_space<vmem>>) target(%dma_start3A_121 : memref<10000x64xf32, #tpu.memory_space<vmem_shared>>) offsets(%arg12 : memref<128xi32, #tpu.memory_space<vmem>>) semaphore(%arg37 : memref<!tpu.dma_semaphore, #tpu.memory_space<semaphore_mem>>) {add = true}
      %add3A_122 = arith.constant 6 : i32
      %add3A_123 = arith.addi %add3A_109, %add3A_122 : i32
      %lt3A_124 = arith.constant 78 : i32
      %lt3A_125 = arith.cmpi slt, %add3A_123, %lt3A_124 : i32
      %convert_element_type3A_126 = arith.extui %lt3A_125 : i1 to i32
      %cond3A_127 = arith.constant 0 : i32
      %cond3A_128 = arith.cmpi ne, %convert_element_type3A_126, %cond3A_127 : i32
      scf.if %cond3A_128 {
        %dma_wait3A_244 = arith.constant 0 : i32
        %dma_wait3A_245 = arith.constant 0 : i32
        %dma_wait3A_246 = tpu.memref_slice %arg24[%dma_wait3A_244, %dma_wait3A_245] : memref<10000x64xf32, #tpu.memory_space<vmem_shared>> -> memref<10000x64xf32, #tpu.memory_space<vmem_shared>>
        tpu.wait_indirect_dma semaphore(%arg37 : memref<!tpu.dma_semaphore, #tpu.memory_space<semaphore_mem>>) src(%arg18 : memref<128x64xf32, #tpu.memory_space<vmem>>) dst(%dma_wait3A_246 : memref<10000x64xf32, #tpu.memory_space<vmem_shared>>)
        %add3A_247 = arith.constant 6 : i32
        %add3A_248 = arith.addi %add3A_109, %add3A_247 : i32
        %mul3A_249 = arith.constant 128 : i32
        %mul3A_250 = arith.muli %add3A_248, %mul3A_249 : i32
        %add3A_251 = arith.addi %mul3A_2, %mul3A_250 : i32
        %dma_start3A_252 = tpu.memref_slice %arg4[%add3A_251] : memref<320000xi32, #tpu.memory_space<hbm>> -> memref<128xi32, #tpu.memory_space<hbm>>
        %dma_start3A_253 = tpu.memref_slice %arg4[%add3A_251] : memref<320000xi32, #tpu.memory_space<hbm>> -> memref<128xi32, #tpu.memory_space<hbm>>
        tpu.enqueue_dma source(%dma_start3A_253 : memref<128xi32, #tpu.memory_space<hbm>>) target(%arg12 : memref<128xi32, #tpu.memory_space<vmem>>) target_semaphore(%arg31 : memref<!tpu.dma_semaphore, #tpu.memory_space<semaphore_mem>>)
        %mul3A_254 = arith.constant 128 : i32
        %mul3A_255 = arith.muli %add3A_248, %mul3A_254 : i32
        %dma_start3A_256 = tpu.memref_slice %arg8[%mul3A_255] : memref<9984xi32, #tpu.memory_space<vmem>> -> memref<128xi32, #tpu.memory_space<vmem>>
        %dma_start3A_257 = arith.constant 0 : i32
        %dma_start3A_258 = arith.constant 0 : i32
        %dma_start3A_259 = tpu.memref_slice %arg2[%dma_start3A_257, %dma_start3A_258] : memref<10000x64xf32, #tpu.memory_space<hbm>> -> memref<10000x64xf32, #tpu.memory_space<hbm>>
        tpu.enqueue_indirect_dma source(%dma_start3A_259 : memref<10000x64xf32, #tpu.memory_space<hbm>>) target(%arg18 : memref<128x64xf32, #tpu.memory_space<vmem>>) offsets(%dma_start3A_256 : memref<128xi32, #tpu.memory_space<vmem>>) semaphore(%arg25 : memref<!tpu.dma_semaphore, #tpu.memory_space<semaphore_mem>>)
      } else {
      }
      %mul3A_129 = arith.constant 6 : i32
      %mul3A_130 = arith.muli %mul3A_129, %scan3A_105 : i32
      %add3A_131 = arith.constant 1 : i32
      %add3A_132 = arith.addi %mul3A_130, %add3A_131 : i32
      %mul3A_133 = arith.constant 128 : i32
      %mul3A_134 = arith.muli %add3A_132, %mul3A_133 : i32
      %dma_wait3A_135 = tpu.memref_slice %arg4[%mul3A_134] : memref<320000xi32, #tpu.memory_space<hbm>> -> memref<128xi32, #tpu.memory_space<hbm>>
      %dma_wait3A_136 = tpu.memref_slice %arg4[%mul3A_134] : memref<320000xi32, #tpu.memory_space<hbm>> -> memref<128xi32, #tpu.memory_space<hbm>>
      tpu.wait_dma2 semaphore(%arg32 : memref<!tpu.dma_semaphore, #tpu.memory_space<semaphore_mem>>) src(%dma_wait3A_136 : memref<128xi32, #tpu.memory_space<hbm>>) dst(%arg13 : memref<128xi32, #tpu.memory_space<vmem>>)
      %dma_wait3A_137 = arith.constant 0 : i32
      %dma_wait3A_138 = tpu.memref_slice %arg8[%dma_wait3A_137] : memref<9984xi32, #tpu.memory_space<vmem>> -> memref<128xi32, #tpu.memory_space<vmem>>
      %dma_wait3A_139 = arith.constant 0 : i32
      %dma_wait3A_140 = arith.constant 0 : i32
      %dma_wait3A_141 = tpu.memref_slice %arg2[%dma_wait3A_139, %dma_wait3A_140] : memref<10000x64xf32, #tpu.memory_space<hbm>> -> memref<10000x64xf32, #tpu.memory_space<hbm>>
      tpu.wait_indirect_dma semaphore(%arg26 : memref<!tpu.dma_semaphore, #tpu.memory_space<semaphore_mem>>) src(%dma_wait3A_141 : memref<10000x64xf32, #tpu.memory_space<hbm>>) dst(%arg19 : memref<128x64xf32, #tpu.memory_space<vmem>>)
      %dma_start3A_142 = arith.constant 0 : i32
      %dma_start3A_143 = arith.constant 0 : i32
      %dma_start3A_144 = tpu.memref_slice %arg24[%dma_start3A_142, %dma_start3A_143] : memref<10000x64xf32, #tpu.memory_space<vmem_shared>> -> memref<10000x64xf32, #tpu.memory_space<vmem_shared>>
      tpu.enqueue_indirect_dma source(%arg19 : memref<128x64xf32, #tpu.memory_space<vmem>>) target(%dma_start3A_144 : memref<10000x64xf32, #tpu.memory_space<vmem_shared>>) offsets(%arg13 : memref<128xi32, #tpu.memory_space<vmem>>) semaphore(%arg38 : memref<!tpu.dma_semaphore, #tpu.memory_space<semaphore_mem>>) {add = true}
      %add3A_145 = arith.constant 6 : i32
      %add3A_146 = arith.addi %add3A_132, %add3A_145 : i32
      %lt3A_147 = arith.constant 78 : i32
      %lt3A_148 = arith.cmpi slt, %add3A_146, %lt3A_147 : i32
      %convert_element_type3A_149 = arith.extui %lt3A_148 : i1 to i32
      %cond3A_150 = arith.constant 0 : i32
      %cond3A_151 = arith.cmpi ne, %convert_element_type3A_149, %cond3A_150 : i32
      scf.if %cond3A_151 {
        %dma_wait3A_244 = arith.constant 0 : i32
        %dma_wait3A_245 = arith.constant 0 : i32
        %dma_wait3A_246 = tpu.memref_slice %arg24[%dma_wait3A_244, %dma_wait3A_245] : memref<10000x64xf32, #tpu.memory_space<vmem_shared>> -> memref<10000x64xf32, #tpu.memory_space<vmem_shared>>
        tpu.wait_indirect_dma semaphore(%arg38 : memref<!tpu.dma_semaphore, #tpu.memory_space<semaphore_mem>>) src(%arg19 : memref<128x64xf32, #tpu.memory_space<vmem>>) dst(%dma_wait3A_246 : memref<10000x64xf32, #tpu.memory_space<vmem_shared>>)
        %add3A_247 = arith.constant 6 : i32
        %add3A_248 = arith.addi %add3A_132, %add3A_247 : i32
        %mul3A_249 = arith.constant 128 : i32
        %mul3A_250 = arith.muli %add3A_248, %mul3A_249 : i32
        %add3A_251 = arith.addi %mul3A_2, %mul3A_250 : i32
        %dma_start3A_252 = tpu.memref_slice %arg4[%add3A_251] : memref<320000xi32, #tpu.memory_space<hbm>> -> memref<128xi32, #tpu.memory_space<hbm>>
        %dma_start3A_253 = tpu.memref_slice %arg4[%add3A_251] : memref<320000xi32, #tpu.memory_space<hbm>> -> memref<128xi32, #tpu.memory_space<hbm>>
        tpu.enqueue_dma source(%dma_start3A_253 : memref<128xi32, #tpu.memory_space<hbm>>) target(%arg13 : memref<128xi32, #tpu.memory_space<vmem>>) target_semaphore(%arg32 : memref<!tpu.dma_semaphore, #tpu.memory_space<semaphore_mem>>)
        %mul3A_254 = arith.constant 128 : i32
        %mul3A_255 = arith.muli %add3A_248, %mul3A_254 : i32
        %dma_start3A_256 = tpu.memref_slice %arg8[%mul3A_255] : memref<9984xi32, #tpu.memory_space<vmem>> -> memref<128xi32, #tpu.memory_space<vmem>>
        %dma_start3A_257 = arith.constant 0 : i32
        %dma_start3A_258 = arith.constant 0 : i32
        %dma_start3A_259 = tpu.memref_slice %arg2[%dma_start3A_257, %dma_start3A_258] : memref<10000x64xf32, #tpu.memory_space<hbm>> -> memref<10000x64xf32, #tpu.memory_space<hbm>>
        tpu.enqueue_indirect_dma source(%dma_start3A_259 : memref<10000x64xf32, #tpu.memory_space<hbm>>) target(%arg19 : memref<128x64xf32, #tpu.memory_space<vmem>>) offsets(%dma_start3A_256 : memref<128xi32, #tpu.memory_space<vmem>>) semaphore(%arg26 : memref<!tpu.dma_semaphore, #tpu.memory_space<semaphore_mem>>)
      } else {
      }
      %mul3A_152 = arith.constant 6 : i32
      %mul3A_153 = arith.muli %mul3A_152, %scan3A_105 : i32
      %add3A_154 = arith.constant 2 : i32
      %add3A_155 = arith.addi %mul3A_153, %add3A_154 : i32
      %mul3A_156 = arith.constant 128 : i32
      %mul3A_157 = arith.muli %add3A_155, %mul3A_156 : i32
      %dma_wait3A_158 = tpu.memref_slice %arg4[%mul3A_157] : memref<320000xi32, #tpu.memory_space<hbm>> -> memref<128xi32, #tpu.memory_space<hbm>>
      %dma_wait3A_159 = tpu.memref_slice %arg4[%mul3A_157] : memref<320000xi32, #tpu.memory_space<hbm>> -> memref<128xi32, #tpu.memory_space<hbm>>
      tpu.wait_dma2 semaphore(%arg33 : memref<!tpu.dma_semaphore, #tpu.memory_space<semaphore_mem>>) src(%dma_wait3A_159 : memref<128xi32, #tpu.memory_space<hbm>>) dst(%arg14 : memref<128xi32, #tpu.memory_space<vmem>>)
      %dma_wait3A_160 = arith.constant 0 : i32
      %dma_wait3A_161 = tpu.memref_slice %arg8[%dma_wait3A_160] : memref<9984xi32, #tpu.memory_space<vmem>> -> memref<128xi32, #tpu.memory_space<vmem>>
      %dma_wait3A_162 = arith.constant 0 : i32
      %dma_wait3A_163 = arith.constant 0 : i32
      %dma_wait3A_164 = tpu.memref_slice %arg2[%dma_wait3A_162, %dma_wait3A_163] : memref<10000x64xf32, #tpu.memory_space<hbm>> -> memref<10000x64xf32, #tpu.memory_space<hbm>>
      tpu.wait_indirect_dma semaphore(%arg27 : memref<!tpu.dma_semaphore, #tpu.memory_space<semaphore_mem>>) src(%dma_wait3A_164 : memref<10000x64xf32, #tpu.memory_space<hbm>>) dst(%arg20 : memref<128x64xf32, #tpu.memory_space<vmem>>)
      %dma_start3A_165 = arith.constant 0 : i32
      %dma_start3A_166 = arith.constant 0 : i32
      %dma_start3A_167 = tpu.memref_slice %arg24[%dma_start3A_165, %dma_start3A_166] : memref<10000x64xf32, #tpu.memory_space<vmem_shared>> -> memref<10000x64xf32, #tpu.memory_space<vmem_shared>>
      tpu.enqueue_indirect_dma source(%arg20 : memref<128x64xf32, #tpu.memory_space<vmem>>) target(%dma_start3A_167 : memref<10000x64xf32, #tpu.memory_space<vmem_shared>>) offsets(%arg14 : memref<128xi32, #tpu.memory_space<vmem>>) semaphore(%arg39 : memref<!tpu.dma_semaphore, #tpu.memory_space<semaphore_mem>>) {add = true}
      %add3A_168 = arith.constant 6 : i32
      %add3A_169 = arith.addi %add3A_155, %add3A_168 : i32
      %lt3A_170 = arith.constant 78 : i32
      %lt3A_171 = arith.cmpi slt, %add3A_169, %lt3A_170 : i32
      %convert_element_type3A_172 = arith.extui %lt3A_171 : i1 to i32
      %cond3A_173 = arith.constant 0 : i32
      %cond3A_174 = arith.cmpi ne, %convert_element_type3A_172, %cond3A_173 : i32
      scf.if %cond3A_174 {
        %dma_wait3A_244 = arith.constant 0 : i32
        %dma_wait3A_245 = arith.constant 0 : i32
        %dma_wait3A_246 = tpu.memref_slice %arg24[%dma_wait3A_244, %dma_wait3A_245] : memref<10000x64xf32, #tpu.memory_space<vmem_shared>> -> memref<10000x64xf32, #tpu.memory_space<vmem_shared>>
        tpu.wait_indirect_dma semaphore(%arg39 : memref<!tpu.dma_semaphore, #tpu.memory_space<semaphore_mem>>) src(%arg20 : memref<128x64xf32, #tpu.memory_space<vmem>>) dst(%dma_wait3A_246 : memref<10000x64xf32, #tpu.memory_space<vmem_shared>>)
        %add3A_247 = arith.constant 6 : i32
        %add3A_248 = arith.addi %add3A_155, %add3A_247 : i32
        %mul3A_249 = arith.constant 128 : i32
        %mul3A_250 = arith.muli %add3A_248, %mul3A_249 : i32
        %add3A_251 = arith.addi %mul3A_2, %mul3A_250 : i32
        %dma_start3A_252 = tpu.memref_slice %arg4[%add3A_251] : memref<320000xi32, #tpu.memory_space<hbm>> -> memref<128xi32, #tpu.memory_space<hbm>>
        %dma_start3A_253 = tpu.memref_slice %arg4[%add3A_251] : memref<320000xi32, #tpu.memory_space<hbm>> -> memref<128xi32, #tpu.memory_space<hbm>>
        tpu.enqueue_dma source(%dma_start3A_253 : memref<128xi32, #tpu.memory_space<hbm>>) target(%arg14 : memref<128xi32, #tpu.memory_space<vmem>>) target_semaphore(%arg33 : memref<!tpu.dma_semaphore, #tpu.memory_space<semaphore_mem>>)
        %mul3A_254 = arith.constant 128 : i32
        %mul3A_255 = arith.muli %add3A_248, %mul3A_254 : i32
        %dma_start3A_256 = tpu.memref_slice %arg8[%mul3A_255] : memref<9984xi32, #tpu.memory_space<vmem>> -> memref<128xi32, #tpu.memory_space<vmem>>
        %dma_start3A_257 = arith.constant 0 : i32
        %dma_start3A_258 = arith.constant 0 : i32
        %dma_start3A_259 = tpu.memref_slice %arg2[%dma_start3A_257, %dma_start3A_258] : memref<10000x64xf32, #tpu.memory_space<hbm>> -> memref<10000x64xf32, #tpu.memory_space<hbm>>
        tpu.enqueue_indirect_dma source(%dma_start3A_259 : memref<10000x64xf32, #tpu.memory_space<hbm>>) target(%arg20 : memref<128x64xf32, #tpu.memory_space<vmem>>) offsets(%dma_start3A_256 : memref<128xi32, #tpu.memory_space<vmem>>) semaphore(%arg27 : memref<!tpu.dma_semaphore, #tpu.memory_space<semaphore_mem>>)
      } else {
      }
      %mul3A_175 = arith.constant 6 : i32
      %mul3A_176 = arith.muli %mul3A_175, %scan3A_105 : i32
      %add3A_177 = arith.constant 3 : i32
      %add3A_178 = arith.addi %mul3A_176, %add3A_177 : i32
      %mul3A_179 = arith.constant 128 : i32
      %mul3A_180 = arith.muli %add3A_178, %mul3A_179 : i32
      %dma_wait3A_181 = tpu.memref_slice %arg4[%mul3A_180] : memref<320000xi32, #tpu.memory_space<hbm>> -> memref<128xi32, #tpu.memory_space<hbm>>
      %dma_wait3A_182 = tpu.memref_slice %arg4[%mul3A_180] : memref<320000xi32, #tpu.memory_space<hbm>> -> memref<128xi32, #tpu.memory_space<hbm>>
      tpu.wait_dma2 semaphore(%arg34 : memref<!tpu.dma_semaphore, #tpu.memory_space<semaphore_mem>>) src(%dma_wait3A_182 : memref<128xi32, #tpu.memory_space<hbm>>) dst(%arg15 : memref<128xi32, #tpu.memory_space<vmem>>)
      %dma_wait3A_183 = arith.constant 0 : i32
      %dma_wait3A_184 = tpu.memref_slice %arg8[%dma_wait3A_183] : memref<9984xi32, #tpu.memory_space<vmem>> -> memref<128xi32, #tpu.memory_space<vmem>>
      %dma_wait3A_185 = arith.constant 0 : i32
      %dma_wait3A_186 = arith.constant 0 : i32
      %dma_wait3A_187 = tpu.memref_slice %arg2[%dma_wait3A_185, %dma_wait3A_186] : memref<10000x64xf32, #tpu.memory_space<hbm>> -> memref<10000x64xf32, #tpu.memory_space<hbm>>
      tpu.wait_indirect_dma semaphore(%arg28 : memref<!tpu.dma_semaphore, #tpu.memory_space<semaphore_mem>>) src(%dma_wait3A_187 : memref<10000x64xf32, #tpu.memory_space<hbm>>) dst(%arg21 : memref<128x64xf32, #tpu.memory_space<vmem>>)
      %dma_start3A_188 = arith.constant 0 : i32
      %dma_start3A_189 = arith.constant 0 : i32
      %dma_start3A_190 = tpu.memref_slice %arg24[%dma_start3A_188, %dma_start3A_189] : memref<10000x64xf32, #tpu.memory_space<vmem_shared>> -> memref<10000x64xf32, #tpu.memory_space<vmem_shared>>
      tpu.enqueue_indirect_dma source(%arg21 : memref<128x64xf32, #tpu.memory_space<vmem>>) target(%dma_start3A_190 : memref<10000x64xf32, #tpu.memory_space<vmem_shared>>) offsets(%arg15 : memref<128xi32, #tpu.memory_space<vmem>>) semaphore(%arg40 : memref<!tpu.dma_semaphore, #tpu.memory_space<semaphore_mem>>) {add = true}
      %add3A_191 = arith.constant 6 : i32
      %add3A_192 = arith.addi %add3A_178, %add3A_191 : i32
      %lt3A_193 = arith.constant 78 : i32
      %lt3A_194 = arith.cmpi slt, %add3A_192, %lt3A_193 : i32
      %convert_element_type3A_195 = arith.extui %lt3A_194 : i1 to i32
      %cond3A_196 = arith.constant 0 : i32
      %cond3A_197 = arith.cmpi ne, %convert_element_type3A_195, %cond3A_196 : i32
      scf.if %cond3A_197 {
        %dma_wait3A_244 = arith.constant 0 : i32
        %dma_wait3A_245 = arith.constant 0 : i32
        %dma_wait3A_246 = tpu.memref_slice %arg24[%dma_wait3A_244, %dma_wait3A_245] : memref<10000x64xf32, #tpu.memory_space<vmem_shared>> -> memref<10000x64xf32, #tpu.memory_space<vmem_shared>>
        tpu.wait_indirect_dma semaphore(%arg40 : memref<!tpu.dma_semaphore, #tpu.memory_space<semaphore_mem>>) src(%arg21 : memref<128x64xf32, #tpu.memory_space<vmem>>) dst(%dma_wait3A_246 : memref<10000x64xf32, #tpu.memory_space<vmem_shared>>)
        %add3A_247 = arith.constant 6 : i32
        %add3A_248 = arith.addi %add3A_178, %add3A_247 : i32
        %mul3A_249 = arith.constant 128 : i32
        %mul3A_250 = arith.muli %add3A_248, %mul3A_249 : i32
        %add3A_251 = arith.addi %mul3A_2, %mul3A_250 : i32
        %dma_start3A_252 = tpu.memref_slice %arg4[%add3A_251] : memref<320000xi32, #tpu.memory_space<hbm>> -> memref<128xi32, #tpu.memory_space<hbm>>
        %dma_start3A_253 = tpu.memref_slice %arg4[%add3A_251] : memref<320000xi32, #tpu.memory_space<hbm>> -> memref<128xi32, #tpu.memory_space<hbm>>
        tpu.enqueue_dma source(%dma_start3A_253 : memref<128xi32, #tpu.memory_space<hbm>>) target(%arg15 : memref<128xi32, #tpu.memory_space<vmem>>) target_semaphore(%arg34 : memref<!tpu.dma_semaphore, #tpu.memory_space<semaphore_mem>>)
        %mul3A_254 = arith.constant 128 : i32
        %mul3A_255 = arith.muli %add3A_248, %mul3A_254 : i32
        %dma_start3A_256 = tpu.memref_slice %arg8[%mul3A_255] : memref<9984xi32, #tpu.memory_space<vmem>> -> memref<128xi32, #tpu.memory_space<vmem>>
        %dma_start3A_257 = arith.constant 0 : i32
        %dma_start3A_258 = arith.constant 0 : i32
        %dma_start3A_259 = tpu.memref_slice %arg2[%dma_start3A_257, %dma_start3A_258] : memref<10000x64xf32, #tpu.memory_space<hbm>> -> memref<10000x64xf32, #tpu.memory_space<hbm>>
        tpu.enqueue_indirect_dma source(%dma_start3A_259 : memref<10000x64xf32, #tpu.memory_space<hbm>>) target(%arg21 : memref<128x64xf32, #tpu.memory_space<vmem>>) offsets(%dma_start3A_256 : memref<128xi32, #tpu.memory_space<vmem>>) semaphore(%arg28 : memref<!tpu.dma_semaphore, #tpu.memory_space<semaphore_mem>>)
      } else {
      }
      %mul3A_198 = arith.constant 6 : i32
      %mul3A_199 = arith.muli %mul3A_198, %scan3A_105 : i32
      %add3A_200 = arith.constant 4 : i32
      %add3A_201 = arith.addi %mul3A_199, %add3A_200 : i32
      %mul3A_202 = arith.constant 128 : i32
      %mul3A_203 = arith.muli %add3A_201, %mul3A_202 : i32
      %dma_wait3A_204 = tpu.memref_slice %arg4[%mul3A_203] : memref<320000xi32, #tpu.memory_space<hbm>> -> memref<128xi32, #tpu.memory_space<hbm>>
      %dma_wait3A_205 = tpu.memref_slice %arg4[%mul3A_203] : memref<320000xi32, #tpu.memory_space<hbm>> -> memref<128xi32, #tpu.memory_space<hbm>>
      tpu.wait_dma2 semaphore(%arg35 : memref<!tpu.dma_semaphore, #tpu.memory_space<semaphore_mem>>) src(%dma_wait3A_205 : memref<128xi32, #tpu.memory_space<hbm>>) dst(%arg16 : memref<128xi32, #tpu.memory_space<vmem>>)
      %dma_wait3A_206 = arith.constant 0 : i32
      %dma_wait3A_207 = tpu.memref_slice %arg8[%dma_wait3A_206] : memref<9984xi32, #tpu.memory_space<vmem>> -> memref<128xi32, #tpu.memory_space<vmem>>
      %dma_wait3A_208 = arith.constant 0 : i32
      %dma_wait3A_209 = arith.constant 0 : i32
      %dma_wait3A_210 = tpu.memref_slice %arg2[%dma_wait3A_208, %dma_wait3A_209] : memref<10000x64xf32, #tpu.memory_space<hbm>> -> memref<10000x64xf32, #tpu.memory_space<hbm>>
      tpu.wait_indirect_dma semaphore(%arg29 : memref<!tpu.dma_semaphore, #tpu.memory_space<semaphore_mem>>) src(%dma_wait3A_210 : memref<10000x64xf32, #tpu.memory_space<hbm>>) dst(%arg22 : memref<128x64xf32, #tpu.memory_space<vmem>>)
      %dma_start3A_211 = arith.constant 0 : i32
      %dma_start3A_212 = arith.constant 0 : i32
      %dma_start3A_213 = tpu.memref_slice %arg24[%dma_start3A_211, %dma_start3A_212] : memref<10000x64xf32, #tpu.memory_space<vmem_shared>> -> memref<10000x64xf32, #tpu.memory_space<vmem_shared>>
      tpu.enqueue_indirect_dma source(%arg22 : memref<128x64xf32, #tpu.memory_space<vmem>>) target(%dma_start3A_213 : memref<10000x64xf32, #tpu.memory_space<vmem_shared>>) offsets(%arg16 : memref<128xi32, #tpu.memory_space<vmem>>) semaphore(%arg41 : memref<!tpu.dma_semaphore, #tpu.memory_space<semaphore_mem>>) {add = true}
      %add3A_214 = arith.constant 6 : i32
      %add3A_215 = arith.addi %add3A_201, %add3A_214 : i32
      %lt3A_216 = arith.constant 78 : i32
      %lt3A_217 = arith.cmpi slt, %add3A_215, %lt3A_216 : i32
      %convert_element_type3A_218 = arith.extui %lt3A_217 : i1 to i32
      %cond3A_219 = arith.constant 0 : i32
      %cond3A_220 = arith.cmpi ne, %convert_element_type3A_218, %cond3A_219 : i32
      scf.if %cond3A_220 {
        %dma_wait3A_244 = arith.constant 0 : i32
        %dma_wait3A_245 = arith.constant 0 : i32
        %dma_wait3A_246 = tpu.memref_slice %arg24[%dma_wait3A_244, %dma_wait3A_245] : memref<10000x64xf32, #tpu.memory_space<vmem_shared>> -> memref<10000x64xf32, #tpu.memory_space<vmem_shared>>
        tpu.wait_indirect_dma semaphore(%arg41 : memref<!tpu.dma_semaphore, #tpu.memory_space<semaphore_mem>>) src(%arg22 : memref<128x64xf32, #tpu.memory_space<vmem>>) dst(%dma_wait3A_246 : memref<10000x64xf32, #tpu.memory_space<vmem_shared>>)
        %add3A_247 = arith.constant 6 : i32
        %add3A_248 = arith.addi %add3A_201, %add3A_247 : i32
        %mul3A_249 = arith.constant 128 : i32
        %mul3A_250 = arith.muli %add3A_248, %mul3A_249 : i32
        %add3A_251 = arith.addi %mul3A_2, %mul3A_250 : i32
        %dma_start3A_252 = tpu.memref_slice %arg4[%add3A_251] : memref<320000xi32, #tpu.memory_space<hbm>> -> memref<128xi32, #tpu.memory_space<hbm>>
        %dma_start3A_253 = tpu.memref_slice %arg4[%add3A_251] : memref<320000xi32, #tpu.memory_space<hbm>> -> memref<128xi32, #tpu.memory_space<hbm>>
        tpu.enqueue_dma source(%dma_start3A_253 : memref<128xi32, #tpu.memory_space<hbm>>) target(%arg16 : memref<128xi32, #tpu.memory_space<vmem>>) target_semaphore(%arg35 : memref<!tpu.dma_semaphore, #tpu.memory_space<semaphore_mem>>)
        %mul3A_254 = arith.constant 128 : i32
        %mul3A_255 = arith.muli %add3A_248, %mul3A_254 : i32
        %dma_start3A_256 = tpu.memref_slice %arg8[%mul3A_255] : memref<9984xi32, #tpu.memory_space<vmem>> -> memref<128xi32, #tpu.memory_space<vmem>>
        %dma_start3A_257 = arith.constant 0 : i32
        %dma_start3A_258 = arith.constant 0 : i32
        %dma_start3A_259 = tpu.memref_slice %arg2[%dma_start3A_257, %dma_start3A_258] : memref<10000x64xf32, #tpu.memory_space<hbm>> -> memref<10000x64xf32, #tpu.memory_space<hbm>>
        tpu.enqueue_indirect_dma source(%dma_start3A_259 : memref<10000x64xf32, #tpu.memory_space<hbm>>) target(%arg22 : memref<128x64xf32, #tpu.memory_space<vmem>>) offsets(%dma_start3A_256 : memref<128xi32, #tpu.memory_space<vmem>>) semaphore(%arg29 : memref<!tpu.dma_semaphore, #tpu.memory_space<semaphore_mem>>)
      } else {
      }
      %mul3A_221 = arith.constant 6 : i32
      %mul3A_222 = arith.muli %mul3A_221, %scan3A_105 : i32
      %add3A_223 = arith.constant 5 : i32
      %add3A_224 = arith.addi %mul3A_222, %add3A_223 : i32
      %mul3A_225 = arith.constant 128 : i32
      %mul3A_226 = arith.muli %add3A_224, %mul3A_225 : i32
      %dma_wait3A_227 = tpu.memref_slice %arg4[%mul3A_226] : memref<320000xi32, #tpu.memory_space<hbm>> -> memref<128xi32, #tpu.memory_space<hbm>>
      %dma_wait3A_228 = tpu.memref_slice %arg4[%mul3A_226] : memref<320000xi32, #tpu.memory_space<hbm>> -> memref<128xi32, #tpu.memory_space<hbm>>
      tpu.wait_dma2 semaphore(%arg36 : memref<!tpu.dma_semaphore, #tpu.memory_space<semaphore_mem>>) src(%dma_wait3A_228 : memref<128xi32, #tpu.memory_space<hbm>>) dst(%arg17 : memref<128xi32, #tpu.memory_space<vmem>>)
      %dma_wait3A_229 = arith.constant 0 : i32
      %dma_wait3A_230 = tpu.memref_slice %arg8[%dma_wait3A_229] : memref<9984xi32, #tpu.memory_space<vmem>> -> memref<128xi32, #tpu.memory_space<vmem>>
      %dma_wait3A_231 = arith.constant 0 : i32
      %dma_wait3A_232 = arith.constant 0 : i32
      %dma_wait3A_233 = tpu.memref_slice %arg2[%dma_wait3A_231, %dma_wait3A_232] : memref<10000x64xf32, #tpu.memory_space<hbm>> -> memref<10000x64xf32, #tpu.memory_space<hbm>>
      tpu.wait_indirect_dma semaphore(%arg30 : memref<!tpu.dma_semaphore, #tpu.memory_space<semaphore_mem>>) src(%dma_wait3A_233 : memref<10000x64xf32, #tpu.memory_space<hbm>>) dst(%arg23 : memref<128x64xf32, #tpu.memory_space<vmem>>)
      %dma_start3A_234 = arith.constant 0 : i32
      %dma_start3A_235 = arith.constant 0 : i32
      %dma_start3A_236 = tpu.memref_slice %arg24[%dma_start3A_234, %dma_start3A_235] : memref<10000x64xf32, #tpu.memory_space<vmem_shared>> -> memref<10000x64xf32, #tpu.memory_space<vmem_shared>>
      tpu.enqueue_indirect_dma source(%arg23 : memref<128x64xf32, #tpu.memory_space<vmem>>) target(%dma_start3A_236 : memref<10000x64xf32, #tpu.memory_space<vmem_shared>>) offsets(%arg17 : memref<128xi32, #tpu.memory_space<vmem>>) semaphore(%arg42 : memref<!tpu.dma_semaphore, #tpu.memory_space<semaphore_mem>>) {add = true}
      %add3A_237 = arith.constant 6 : i32
      %add3A_238 = arith.addi %add3A_224, %add3A_237 : i32
      %lt3A_239 = arith.constant 78 : i32
      %lt3A_240 = arith.cmpi slt, %add3A_238, %lt3A_239 : i32
      %convert_element_type3A_241 = arith.extui %lt3A_240 : i1 to i32
      %cond3A_242 = arith.constant 0 : i32
      %cond3A_243 = arith.cmpi ne, %convert_element_type3A_241, %cond3A_242 : i32
      scf.if %cond3A_243 {
        %dma_wait3A_244 = arith.constant 0 : i32
        %dma_wait3A_245 = arith.constant 0 : i32
        %dma_wait3A_246 = tpu.memref_slice %arg24[%dma_wait3A_244, %dma_wait3A_245] : memref<10000x64xf32, #tpu.memory_space<vmem_shared>> -> memref<10000x64xf32, #tpu.memory_space<vmem_shared>>
        tpu.wait_indirect_dma semaphore(%arg42 : memref<!tpu.dma_semaphore, #tpu.memory_space<semaphore_mem>>) src(%arg23 : memref<128x64xf32, #tpu.memory_space<vmem>>) dst(%dma_wait3A_246 : memref<10000x64xf32, #tpu.memory_space<vmem_shared>>)
        %add3A_247 = arith.constant 6 : i32
        %add3A_248 = arith.addi %add3A_224, %add3A_247 : i32
        %mul3A_249 = arith.constant 128 : i32
        %mul3A_250 = arith.muli %add3A_248, %mul3A_249 : i32
        %add3A_251 = arith.addi %mul3A_2, %mul3A_250 : i32
        %dma_start3A_252 = tpu.memref_slice %arg4[%add3A_251] : memref<320000xi32, #tpu.memory_space<hbm>> -> memref<128xi32, #tpu.memory_space<hbm>>
        %dma_start3A_253 = tpu.memref_slice %arg4[%add3A_251] : memref<320000xi32, #tpu.memory_space<hbm>> -> memref<128xi32, #tpu.memory_space<hbm>>
        tpu.enqueue_dma source(%dma_start3A_253 : memref<128xi32, #tpu.memory_space<hbm>>) target(%arg17 : memref<128xi32, #tpu.memory_space<vmem>>) target_semaphore(%arg36 : memref<!tpu.dma_semaphore, #tpu.memory_space<semaphore_mem>>)
        %mul3A_254 = arith.constant 128 : i32
        %mul3A_255 = arith.muli %add3A_248, %mul3A_254 : i32
        %dma_start3A_256 = tpu.memref_slice %arg8[%mul3A_255] : memref<9984xi32, #tpu.memory_space<vmem>> -> memref<128xi32, #tpu.memory_space<vmem>>
        %dma_start3A_257 = arith.constant 0 : i32
        %dma_start3A_258 = arith.constant 0 : i32
        %dma_start3A_259 = tpu.memref_slice %arg2[%dma_start3A_257, %dma_start3A_258] : memref<10000x64xf32, #tpu.memory_space<hbm>> -> memref<10000x64xf32, #tpu.memory_space<hbm>>
        tpu.enqueue_indirect_dma source(%dma_start3A_259 : memref<10000x64xf32, #tpu.memory_space<hbm>>) target(%arg23 : memref<128x64xf32, #tpu.memory_space<vmem>>) offsets(%dma_start3A_256 : memref<128xi32, #tpu.memory_space<vmem>>) semaphore(%arg30 : memref<!tpu.dma_semaphore, #tpu.memory_space<semaphore_mem>>)
      } else {
      }
    }
    %scan3A_62 = arith.constant 13 : i32
    %dma_wait3A = arith.constant 0 : i32
    %dma_wait3A_63 = arith.constant 0 : i32
    %dma_wait3A_64 = tpu.memref_slice %arg24[%dma_wait3A, %dma_wait3A_63] : memref<10000x64xf32, #tpu.memory_space<vmem_shared>> -> memref<10000x64xf32, #tpu.memory_space<vmem_shared>>
    tpu.wait_indirect_dma semaphore(%arg37 : memref<!tpu.dma_semaphore, #tpu.memory_space<semaphore_mem>>) src(%arg18 : memref<128x64xf32, #tpu.memory_space<vmem>>) dst(%dma_wait3A_64 : memref<10000x64xf32, #tpu.memory_space<vmem_shared>>)
    %dma_wait3A_65 = arith.constant 0 : i32
    %dma_wait3A_66 = arith.constant 0 : i32
    %dma_wait3A_67 = tpu.memref_slice %arg24[%dma_wait3A_65, %dma_wait3A_66] : memref<10000x64xf32, #tpu.memory_space<vmem_shared>> -> memref<10000x64xf32, #tpu.memory_space<vmem_shared>>
    tpu.wait_indirect_dma semaphore(%arg38 : memref<!tpu.dma_semaphore, #tpu.memory_space<semaphore_mem>>) src(%arg19 : memref<128x64xf32, #tpu.memory_space<vmem>>) dst(%dma_wait3A_67 : memref<10000x64xf32, #tpu.memory_space<vmem_shared>>)
    %dma_wait3A_68 = arith.constant 0 : i32
    %dma_wait3A_69 = arith.constant 0 : i32
    %dma_wait3A_70 = tpu.memref_slice %arg24[%dma_wait3A_68, %dma_wait3A_69] : memref<10000x64xf32, #tpu.memory_space<vmem_shared>> -> memref<10000x64xf32, #tpu.memory_space<vmem_shared>>
    tpu.wait_indirect_dma semaphore(%arg39 : memref<!tpu.dma_semaphore, #tpu.memory_space<semaphore_mem>>) src(%arg20 : memref<128x64xf32, #tpu.memory_space<vmem>>) dst(%dma_wait3A_70 : memref<10000x64xf32, #tpu.memory_space<vmem_shared>>)
    %dma_wait3A_71 = arith.constant 0 : i32
    %dma_wait3A_72 = arith.constant 0 : i32
    %dma_wait3A_73 = tpu.memref_slice %arg24[%dma_wait3A_71, %dma_wait3A_72] : memref<10000x64xf32, #tpu.memory_space<vmem_shared>> -> memref<10000x64xf32, #tpu.memory_space<vmem_shared>>
    tpu.wait_indirect_dma semaphore(%arg40 : memref<!tpu.dma_semaphore, #tpu.memory_space<semaphore_mem>>) src(%arg21 : memref<128x64xf32, #tpu.memory_space<vmem>>) dst(%dma_wait3A_73 : memref<10000x64xf32, #tpu.memory_space<vmem_shared>>)
    %dma_wait3A_74 = arith.constant 0 : i32
    %dma_wait3A_75 = arith.constant 0 : i32
    %dma_wait3A_76 = tpu.memref_slice %arg24[%dma_wait3A_74, %dma_wait3A_75] : memref<10000x64xf32, #tpu.memory_space<vmem_shared>> -> memref<10000x64xf32, #tpu.memory_space<vmem_shared>>
    tpu.wait_indirect_dma semaphore(%arg41 : memref<!tpu.dma_semaphore, #tpu.memory_space<semaphore_mem>>) src(%arg22 : memref<128x64xf32, #tpu.memory_space<vmem>>) dst(%dma_wait3A_76 : memref<10000x64xf32, #tpu.memory_space<vmem_shared>>)
    %dma_wait3A_77 = arith.constant 0 : i32
    %dma_wait3A_78 = arith.constant 0 : i32
    %dma_wait3A_79 = tpu.memref_slice %arg24[%dma_wait3A_77, %dma_wait3A_78] : memref<10000x64xf32, #tpu.memory_space<vmem_shared>> -> memref<10000x64xf32, #tpu.memory_space<vmem_shared>>
    tpu.wait_indirect_dma semaphore(%arg42 : memref<!tpu.dma_semaphore, #tpu.memory_space<semaphore_mem>>) src(%arg23 : memref<128x64xf32, #tpu.memory_space<vmem>>) dst(%dma_wait3A_79 : memref<10000x64xf32, #tpu.memory_space<vmem_shared>>)
    %add3A_80 = arith.constant 9984 : i32
    %add3A_81 = arith.addi %mul3A_2, %add3A_80 : i32
    "tpu.region"() ({
      %run_scoped3A = tpu.sem_alloc : memref<!tpu.dma_semaphore, #tpu.memory_space<semaphore_mem>>
      %dma_start3A_105 = tpu.memref_slice %arg3[%add3A_81] : memref<320000xi32, #tpu.memory_space<hbm>> -> memref<16xi32, #tpu.memory_space<hbm>>
      %dma_start3A_106 = tpu.memref_slice %arg3[%add3A_81] : memref<320000xi32, #tpu.memory_space<hbm>> -> memref<16xi32, #tpu.memory_space<hbm>>
      tpu.enqueue_dma source(%dma_start3A_106 : memref<16xi32, #tpu.memory_space<hbm>>) target(%arg9 : memref<16xi32, #tpu.memory_space<vmem>>) target_semaphore(%run_scoped3A : memref<!tpu.dma_semaphore, #tpu.memory_space<semaphore_mem>>)
      %dma_wait3A_107 = tpu.memref_slice %arg3[%add3A_81] : memref<320000xi32, #tpu.memory_space<hbm>> -> memref<16xi32, #tpu.memory_space<hbm>>
      %dma_wait3A_108 = tpu.memref_slice %arg3[%add3A_81] : memref<320000xi32, #tpu.memory_space<hbm>> -> memref<16xi32, #tpu.memory_space<hbm>>
      tpu.wait_dma2 semaphore(%run_scoped3A : memref<!tpu.dma_semaphore, #tpu.memory_space<semaphore_mem>>) src(%dma_wait3A_108 : memref<16xi32, #tpu.memory_space<hbm>>) dst(%arg9 : memref<16xi32, #tpu.memory_space<vmem>>)
      tpu.yield
    }) : () -> ()
    %add3A_82 = arith.constant 9984 : i32
    %add3A_83 = arith.addi %mul3A_2, %add3A_82 : i32
    "tpu.region"() ({
      %run_scoped3A = tpu.sem_alloc : memref<!tpu.dma_semaphore, #tpu.memory_space<semaphore_mem>>
      %dma_start3A_105 = tpu.memref_slice %arg4[%add3A_83] : memref<320000xi32, #tpu.memory_space<hbm>> -> memref<16xi32, #tpu.memory_space<hbm>>
      %dma_start3A_106 = tpu.memref_slice %arg4[%add3A_83] : memref<320000xi32, #tpu.memory_space<hbm>> -> memref<16xi32, #tpu.memory_space<hbm>>
      tpu.enqueue_dma source(%dma_start3A_106 : memref<16xi32, #tpu.memory_space<hbm>>) target(%arg10 : memref<16xi32, #tpu.memory_space<vmem>>) target_semaphore(%run_scoped3A : memref<!tpu.dma_semaphore, #tpu.memory_space<semaphore_mem>>)
      %dma_wait3A_107 = tpu.memref_slice %arg4[%add3A_83] : memref<320000xi32, #tpu.memory_space<hbm>> -> memref<16xi32, #tpu.memory_space<hbm>>
      %dma_wait3A_108 = tpu.memref_slice %arg4[%add3A_83] : memref<320000xi32, #tpu.memory_space<hbm>> -> memref<16xi32, #tpu.memory_space<hbm>>
      tpu.wait_dma2 semaphore(%run_scoped3A : memref<!tpu.dma_semaphore, #tpu.memory_space<semaphore_mem>>) src(%dma_wait3A_108 : memref<16xi32, #tpu.memory_space<hbm>>) dst(%arg10 : memref<16xi32, #tpu.memory_space<vmem>>)
      tpu.yield
    }) : () -> ()
    %dma_start3A_84 = arith.constant 0 : i32
    %dma_start3A_85 = arith.constant 0 : i32
    %dma_start3A_86 = tpu.memref_slice %arg2[%dma_start3A_84, %dma_start3A_85] : memref<10000x64xf32, #tpu.memory_space<hbm>> -> memref<10000x64xf32, #tpu.memory_space<hbm>>
    tpu.enqueue_indirect_dma source(%dma_start3A_86 : memref<10000x64xf32, #tpu.memory_space<hbm>>) target(%arg11 : memref<16x64xf32, #tpu.memory_space<vmem>>) offsets(%arg9 : memref<16xi32, #tpu.memory_space<vmem>>) semaphore(%arg25 : memref<!tpu.dma_semaphore, #tpu.memory_space<semaphore_mem>>)
    %dma_wait3A_87 = arith.constant 0 : i32
    %dma_wait3A_88 = arith.constant 0 : i32
    %dma_wait3A_89 = tpu.memref_slice %arg2[%dma_wait3A_87, %dma_wait3A_88] : memref<10000x64xf32, #tpu.memory_space<hbm>> -> memref<10000x64xf32, #tpu.memory_space<hbm>>
    tpu.wait_indirect_dma semaphore(%arg25 : memref<!tpu.dma_semaphore, #tpu.memory_space<semaphore_mem>>) src(%dma_wait3A_89 : memref<10000x64xf32, #tpu.memory_space<hbm>>) dst(%arg11 : memref<16x64xf32, #tpu.memory_space<vmem>>)
    "tpu.region"() ({
      %run_scoped3A = tpu.sem_alloc : memref<!tpu.dma_semaphore, #tpu.memory_space<semaphore_mem>>
      %dma_start3A_105 = arith.constant 0 : i32
      %dma_start3A_106 = arith.constant 0 : i32
      %dma_start3A_107 = tpu.memref_slice %arg24[%dma_start3A_105, %dma_start3A_106] : memref<10000x64xf32, #tpu.memory_space<vmem_shared>> -> memref<10000x64xf32, #tpu.memory_space<vmem_shared>>
      tpu.enqueue_indirect_dma source(%arg11 : memref<16x64xf32, #tpu.memory_space<vmem>>) target(%dma_start3A_107 : memref<10000x64xf32, #tpu.memory_space<vmem_shared>>) offsets(%arg10 : memref<16xi32, #tpu.memory_space<vmem>>) semaphore(%run_scoped3A : memref<!tpu.dma_semaphore, #tpu.memory_space<semaphore_mem>>) {add = true}
      %dma_wait3A_108 = arith.constant 0 : i32
      %dma_wait3A_109 = arith.constant 0 : i32
      %dma_wait3A_110 = tpu.memref_slice %arg24[%dma_wait3A_108, %dma_wait3A_109] : memref<10000x64xf32, #tpu.memory_space<vmem_shared>> -> memref<10000x64xf32, #tpu.memory_space<vmem_shared>>
      tpu.wait_indirect_dma semaphore(%run_scoped3A : memref<!tpu.dma_semaphore, #tpu.memory_space<semaphore_mem>>) src(%arg11 : memref<16x64xf32, #tpu.memory_space<vmem>>) dst(%dma_wait3A_110 : memref<10000x64xf32, #tpu.memory_space<vmem_shared>>)
      tpu.yield
    }) : () -> ()
    %barrier3A_90 = arith.constant 0 : index
    tpu.barrier barrier_id(%barrier3A_90)
    %lt3A_91 = arith.constant 10 : i32
    %lt3A_92 = arith.cmpi slt, %arg1, %lt3A_91 : i32
    %eq3A = arith.constant 0 : i32
    %eq3A_93 = arith.cmpi eq, %arg0, %eq3A : i32
    %and3A = arith.andi %lt3A_92, %eq3A_93 : i1
    %convert_element_type3A_94 = arith.extui %and3A : i1 to i32
    %cond3A_95 = arith.constant 0 : i32
    %cond3A_96 = arith.cmpi ne, %convert_element_type3A_94, %cond3A_95 : i32
    scf.if %cond3A_96 {
      %mul3A_105 = arith.constant 1000 : i32
      %mul3A_106 = arith.muli %arg1, %mul3A_105 : i32
      %mul3A_107 = arith.constant 1000 : i32
      %mul3A_108 = arith.muli %arg1, %mul3A_107 : i32
      "tpu.region"() ({
        %run_scoped3A = tpu.sem_alloc : memref<!tpu.dma_semaphore, #tpu.memory_space<semaphore_mem>>
        %dma_start3A_109 = arith.constant 0 : i32
        %dma_start3A_110 = tpu.memref_slice %arg6[%mul3A_108, %dma_start3A_109] : memref<10000x64xf32, #tpu.memory_space<hbm>> -> memref<1000x64xf32, #tpu.memory_space<hbm>>
        %dma_start3A_111 = arith.constant 0 : i32
        %dma_start3A_112 = tpu.memref_slice %arg24[%mul3A_106, %dma_start3A_111] : memref<10000x64xf32, #tpu.memory_space<vmem_shared>> -> memref<1000x64xf32, #tpu.memory_space<vmem_shared>>
        tpu.enqueue_dma source(%dma_start3A_112 : memref<1000x64xf32, #tpu.memory_space<vmem_shared>>) target(%dma_start3A_110 : memref<1000x64xf32, #tpu.memory_space<hbm>>) target_semaphore(%run_scoped3A : memref<!tpu.dma_semaphore, #tpu.memory_space<semaphore_mem>>)
        %dma_wait3A_113 = arith.constant 0 : i32
        %dma_wait3A_114 = tpu.memref_slice %arg6[%mul3A_108, %dma_wait3A_113] : memref<10000x64xf32, #tpu.memory_space<hbm>> -> memref<1000x64xf32, #tpu.memory_space<hbm>>
        %dma_wait3A_115 = arith.constant 0 : i32
        %dma_wait3A_116 = tpu.memref_slice %arg24[%mul3A_106, %dma_wait3A_115] : memref<10000x64xf32, #tpu.memory_space<vmem_shared>> -> memref<1000x64xf32, #tpu.memory_space<vmem_shared>>
        tpu.wait_dma2 semaphore(%run_scoped3A : memref<!tpu.dma_semaphore, #tpu.memory_space<semaphore_mem>>) src(%dma_wait3A_116 : memref<1000x64xf32, #tpu.memory_space<vmem_shared>>) dst(%dma_wait3A_114 : memref<1000x64xf32, #tpu.memory_space<hbm>>)
        tpu.yield
      }) : () -> ()
    } else {
    }
    %lt3A_97 = arith.constant 10 : i32
    %lt3A_98 = arith.cmpi slt, %arg1, %lt3A_97 : i32
    %eq3A_99 = arith.constant 1 : i32
    %eq3A_100 = arith.cmpi eq, %arg0, %eq3A_99 : i32
    %and3A_101 = arith.andi %lt3A_98, %eq3A_100 : i1
    %convert_element_type3A_102 = arith.extui %and3A_101 : i1 to i32
    %cond3A_103 = arith.constant 0 : i32
    %cond3A_104 = arith.cmpi ne, %convert_element_type3A_102, %cond3A_103 : i32
    scf.if %cond3A_104 {
      %mul3A_105 = arith.constant 1000 : i32
      %mul3A_106 = arith.muli %arg1, %mul3A_105 : i32
      %mul3A_107 = arith.constant 1000 : i32
      %mul3A_108 = arith.muli %arg1, %mul3A_107 : i32
      "tpu.region"() ({
        %run_scoped3A = tpu.sem_alloc : memref<!tpu.dma_semaphore, #tpu.memory_space<semaphore_mem>>
        %dma_start3A_109 = arith.constant 0 : i32
        %dma_start3A_110 = tpu.memref_slice %arg7[%mul3A_108, %dma_start3A_109] : memref<10000x64xf32, #tpu.memory_space<hbm>> -> memref<1000x64xf32, #tpu.memory_space<hbm>>
        %dma_start3A_111 = arith.constant 0 : i32
        %dma_start3A_112 = tpu.memref_slice %arg24[%mul3A_106, %dma_start3A_111] : memref<10000x64xf32, #tpu.memory_space<vmem_shared>> -> memref<1000x64xf32, #tpu.memory_space<vmem_shared>>
        tpu.enqueue_dma source(%dma_start3A_112 : memref<1000x64xf32, #tpu.memory_space<vmem_shared>>) target(%dma_start3A_110 : memref<1000x64xf32, #tpu.memory_space<hbm>>) target_semaphore(%run_scoped3A : memref<!tpu.dma_semaphore, #tpu.memory_space<semaphore_mem>>)
        %dma_wait3A_113 = arith.constant 0 : i32
        %dma_wait3A_114 = tpu.memref_slice %arg7[%mul3A_108, %dma_wait3A_113] : memref<10000x64xf32, #tpu.memory_space<hbm>> -> memref<1000x64xf32, #tpu.memory_space<hbm>>
        %dma_wait3A_115 = arith.constant 0 : i32
        %dma_wait3A_116 = tpu.memref_slice %arg24[%mul3A_106, %dma_wait3A_115] : memref<10000x64xf32, #tpu.memory_space<vmem_shared>> -> memref<1000x64xf32, #tpu.memory_space<vmem_shared>>
        tpu.wait_dma2 semaphore(%run_scoped3A : memref<!tpu.dma_semaphore, #tpu.memory_space<semaphore_mem>>) src(%dma_wait3A_116 : memref<1000x64xf32, #tpu.memory_space<vmem_shared>>) dst(%dma_wait3A_114 : memref<1000x64xf32, #tpu.memory_space<hbm>>)
        tpu.yield
      }) : () -> ()
    } else {
    }
    return
  }
}

#map = affine_map<(d0, d1) -> (0, 0)>
#map1 = affine_map<(d0, d1) -> (0)>
module attributes {stable_mosaic.version = 14 : i64} {
  func.func @_dec_body(%arg0: i32, %arg1: i32, %arg2: memref<10000x32xf32, #tpu.memory_space<hbm>>, %arg3: memref<10000x32xf32, #tpu.memory_space<hbm>>, %arg4: memref<320000xi32, #tpu.memory_space<hbm>>, %arg5: memref<320000xi32, #tpu.memory_space<hbm>>, %arg6: memref<320000x32xf32, #tpu.memory_space<hbm>>, %arg7: memref<320000x32xf32, #tpu.memory_space<hbm>>, %arg8: memref<9984xi32, #tpu.memory_space<vmem>>, %arg9: memref<9984xi32, #tpu.memory_space<vmem>>, %arg10: memref<16xi32, #tpu.memory_space<vmem>>, %arg11: memref<16xi32, #tpu.memory_space<vmem>>, %arg12: memref<16x32xf32, #tpu.memory_space<vmem>>, %arg13: memref<16x32xf32, #tpu.memory_space<vmem>>, %arg14: memref<128x32xf32, #tpu.memory_space<vmem>>, %arg15: memref<128x32xf32, #tpu.memory_space<vmem>>, %arg16: memref<128x32xf32, #tpu.memory_space<vmem>>, %arg17: memref<128x32xf32, #tpu.memory_space<vmem>>, %arg18: memref<128x32xf32, #tpu.memory_space<vmem>>, %arg19: memref<128x32xf32, #tpu.memory_space<vmem>>, %arg20: memref<128x32xf32, #tpu.memory_space<vmem>>, %arg21: memref<128x32xf32, #tpu.memory_space<vmem>>, %arg22: memref<128x32xf32, #tpu.memory_space<vmem>>, %arg23: memref<128x32xf32, #tpu.memory_space<vmem>>, %arg24: memref<128x32xf32, #tpu.memory_space<vmem>>, %arg25: memref<128x32xf32, #tpu.memory_space<vmem>>, %arg26: memref<!tpu.dma_semaphore, #tpu.memory_space<semaphore_mem>>, %arg27: memref<!tpu.dma_semaphore, #tpu.memory_space<semaphore_mem>>, %arg28: memref<!tpu.dma_semaphore, #tpu.memory_space<semaphore_mem>>, %arg29: memref<!tpu.dma_semaphore, #tpu.memory_space<semaphore_mem>>, %arg30: memref<!tpu.dma_semaphore, #tpu.memory_space<semaphore_mem>>, %arg31: memref<!tpu.dma_semaphore, #tpu.memory_space<semaphore_mem>>, %arg32: memref<!tpu.dma_semaphore, #tpu.memory_space<semaphore_mem>>, %arg33: memref<!tpu.dma_semaphore, #tpu.memory_space<semaphore_mem>>, %arg34: memref<!tpu.dma_semaphore, #tpu.memory_space<semaphore_mem>>, %arg35: memref<!tpu.dma_semaphore, #tpu.memory_space<semaphore_mem>>, %arg36: memref<!tpu.dma_semaphore, #tpu.memory_space<semaphore_mem>>, %arg37: memref<!tpu.dma_semaphore, #tpu.memory_space<semaphore_mem>>, %arg38: memref<!tpu.dma_semaphore, #tpu.memory_space<semaphore_mem>>, %arg39: memref<!tpu.dma_semaphore, #tpu.memory_space<semaphore_mem>>, %arg40: memref<!tpu.dma_semaphore, #tpu.memory_space<semaphore_mem>>, %arg41: memref<!tpu.dma_semaphore, #tpu.memory_space<semaphore_mem>>, %arg42: memref<!tpu.dma_semaphore, #tpu.memory_space<semaphore_mem>>, %arg43: memref<!tpu.dma_semaphore, #tpu.memory_space<semaphore_mem>>, %arg44: memref<!tpu.dma_semaphore, #tpu.memory_space<semaphore_mem>>, %arg45: memref<!tpu.dma_semaphore, #tpu.memory_space<semaphore_mem>>, %arg46: memref<!tpu.dma_semaphore, #tpu.memory_space<semaphore_mem>>, %arg47: memref<!tpu.dma_semaphore, #tpu.memory_space<semaphore_mem>>, %arg48: memref<!tpu.dma_semaphore, #tpu.memory_space<semaphore_mem>>, %arg49: memref<!tpu.dma_semaphore, #tpu.memory_space<semaphore_mem>>) attributes {dimension_semantics = [#tpu.dimension_semantics<core_parallel>, #tpu.dimension_semantics<subcore_parallel>], iteration_bounds = array<i64: 2, 16>, scalar_prefetch = 0 : i64, scratch_operands = 42 : i64, tpu.core_type = #tpu.core_type<sc_vector_subcore>, window_params = [{transform_indices = #map}, {transform_indices = #map}, {transform_indices = #map1}, {transform_indices = #map1}, {transform_indices = #map}, {transform_indices = #map}]} {
    %mul3A = arith.constant 16 : i32
    %mul3A_0 = arith.muli %arg0, %mul3A : i32
    %add3A = arith.addi %mul3A_0, %arg1 : i32
    %mul3A_1 = arith.constant 10000 : i32
    %mul3A_2 = arith.muli %add3A, %mul3A_1 : i32
    "tpu.region"() ({
      %run_scoped3A = tpu.sem_alloc : memref<!tpu.dma_semaphore, #tpu.memory_space<semaphore_mem>>
      %dma_start3A_134 = tpu.memref_slice %arg4[%mul3A_2] : memref<320000xi32, #tpu.memory_space<hbm>> -> memref<9984xi32, #tpu.memory_space<hbm>>
      %dma_start3A_135 = tpu.memref_slice %arg4[%mul3A_2] : memref<320000xi32, #tpu.memory_space<hbm>> -> memref<9984xi32, #tpu.memory_space<hbm>>
      tpu.enqueue_dma source(%dma_start3A_135 : memref<9984xi32, #tpu.memory_space<hbm>>) target(%arg8 : memref<9984xi32, #tpu.memory_space<vmem>>) target_semaphore(%run_scoped3A : memref<!tpu.dma_semaphore, #tpu.memory_space<semaphore_mem>>)
      %dma_wait3A_136 = tpu.memref_slice %arg4[%mul3A_2] : memref<320000xi32, #tpu.memory_space<hbm>> -> memref<9984xi32, #tpu.memory_space<hbm>>
      %dma_wait3A_137 = tpu.memref_slice %arg4[%mul3A_2] : memref<320000xi32, #tpu.memory_space<hbm>> -> memref<9984xi32, #tpu.memory_space<hbm>>
      tpu.wait_dma2 semaphore(%run_scoped3A : memref<!tpu.dma_semaphore, #tpu.memory_space<semaphore_mem>>) src(%dma_wait3A_137 : memref<9984xi32, #tpu.memory_space<hbm>>) dst(%arg8 : memref<9984xi32, #tpu.memory_space<vmem>>)
      tpu.yield
    }) : () -> ()
    "tpu.region"() ({
      %run_scoped3A = tpu.sem_alloc : memref<!tpu.dma_semaphore, #tpu.memory_space<semaphore_mem>>
      %dma_start3A_134 = tpu.memref_slice %arg5[%mul3A_2] : memref<320000xi32, #tpu.memory_space<hbm>> -> memref<9984xi32, #tpu.memory_space<hbm>>
      %dma_start3A_135 = tpu.memref_slice %arg5[%mul3A_2] : memref<320000xi32, #tpu.memory_space<hbm>> -> memref<9984xi32, #tpu.memory_space<hbm>>
      tpu.enqueue_dma source(%dma_start3A_135 : memref<9984xi32, #tpu.memory_space<hbm>>) target(%arg9 : memref<9984xi32, #tpu.memory_space<vmem>>) target_semaphore(%run_scoped3A : memref<!tpu.dma_semaphore, #tpu.memory_space<semaphore_mem>>)
      %dma_wait3A_136 = tpu.memref_slice %arg5[%mul3A_2] : memref<320000xi32, #tpu.memory_space<hbm>> -> memref<9984xi32, #tpu.memory_space<hbm>>
      %dma_wait3A_137 = tpu.memref_slice %arg5[%mul3A_2] : memref<320000xi32, #tpu.memory_space<hbm>> -> memref<9984xi32, #tpu.memory_space<hbm>>
      tpu.wait_dma2 semaphore(%run_scoped3A : memref<!tpu.dma_semaphore, #tpu.memory_space<semaphore_mem>>) src(%dma_wait3A_137 : memref<9984xi32, #tpu.memory_space<hbm>>) dst(%arg9 : memref<9984xi32, #tpu.memory_space<vmem>>)
      tpu.yield
    }) : () -> ()
    %dma_start3A = arith.constant 0 : i32
    %dma_start3A_3 = tpu.memref_slice %arg8[%dma_start3A] : memref<9984xi32, #tpu.memory_space<vmem>> -> memref<128xi32, #tpu.memory_space<vmem>>
    %dma_start3A_4 = arith.constant 0 : i32
    %dma_start3A_5 = arith.constant 0 : i32
    %dma_start3A_6 = tpu.memref_slice %arg2[%dma_start3A_4, %dma_start3A_5] : memref<10000x32xf32, #tpu.memory_space<hbm>> -> memref<10000x32xf32, #tpu.memory_space<hbm>>
    tpu.enqueue_indirect_dma source(%dma_start3A_6 : memref<10000x32xf32, #tpu.memory_space<hbm>>) target(%arg14 : memref<128x32xf32, #tpu.memory_space<vmem>>) offsets(%dma_start3A_3 : memref<128xi32, #tpu.memory_space<vmem>>) semaphore(%arg26 : memref<!tpu.dma_semaphore, #tpu.memory_space<semaphore_mem>>)
    %dma_start3A_7 = arith.constant 0 : i32
    %dma_start3A_8 = tpu.memref_slice %arg9[%dma_start3A_7] : memref<9984xi32, #tpu.memory_space<vmem>> -> memref<128xi32, #tpu.memory_space<vmem>>
    %dma_start3A_9 = arith.constant 0 : i32
    %dma_start3A_10 = arith.constant 0 : i32
    %dma_start3A_11 = tpu.memref_slice %arg3[%dma_start3A_9, %dma_start3A_10] : memref<10000x32xf32, #tpu.memory_space<hbm>> -> memref<10000x32xf32, #tpu.memory_space<hbm>>
    tpu.enqueue_indirect_dma source(%dma_start3A_11 : memref<10000x32xf32, #tpu.memory_space<hbm>>) target(%arg20 : memref<128x32xf32, #tpu.memory_space<vmem>>) offsets(%dma_start3A_8 : memref<128xi32, #tpu.memory_space<vmem>>) semaphore(%arg32 : memref<!tpu.dma_semaphore, #tpu.memory_space<semaphore_mem>>)
    %dma_start3A_12 = arith.constant 128 : i32
    %dma_start3A_13 = tpu.memref_slice %arg8[%dma_start3A_12] : memref<9984xi32, #tpu.memory_space<vmem>> -> memref<128xi32, #tpu.memory_space<vmem>>
    %dma_start3A_14 = arith.constant 0 : i32
    %dma_start3A_15 = arith.constant 0 : i32
    %dma_start3A_16 = tpu.memref_slice %arg2[%dma_start3A_14, %dma_start3A_15] : memref<10000x32xf32, #tpu.memory_space<hbm>> -> memref<10000x32xf32, #tpu.memory_space<hbm>>
    tpu.enqueue_indirect_dma source(%dma_start3A_16 : memref<10000x32xf32, #tpu.memory_space<hbm>>) target(%arg15 : memref<128x32xf32, #tpu.memory_space<vmem>>) offsets(%dma_start3A_13 : memref<128xi32, #tpu.memory_space<vmem>>) semaphore(%arg27 : memref<!tpu.dma_semaphore, #tpu.memory_space<semaphore_mem>>)
    %dma_start3A_17 = arith.constant 128 : i32
    %dma_start3A_18 = tpu.memref_slice %arg9[%dma_start3A_17] : memref<9984xi32, #tpu.memory_space<vmem>> -> memref<128xi32, #tpu.memory_space<vmem>>
    %dma_start3A_19 = arith.constant 0 : i32
    %dma_start3A_20 = arith.constant 0 : i32
    %dma_start3A_21 = tpu.memref_slice %arg3[%dma_start3A_19, %dma_start3A_20] : memref<10000x32xf32, #tpu.memory_space<hbm>> -> memref<10000x32xf32, #tpu.memory_space<hbm>>
    tpu.enqueue_indirect_dma source(%dma_start3A_21 : memref<10000x32xf32, #tpu.memory_space<hbm>>) target(%arg21 : memref<128x32xf32, #tpu.memory_space<vmem>>) offsets(%dma_start3A_18 : memref<128xi32, #tpu.memory_space<vmem>>) semaphore(%arg33 : memref<!tpu.dma_semaphore, #tpu.memory_space<semaphore_mem>>)
    %dma_start3A_22 = arith.constant 256 : i32
    %dma_start3A_23 = tpu.memref_slice %arg8[%dma_start3A_22] : memref<9984xi32, #tpu.memory_space<vmem>> -> memref<128xi32, #tpu.memory_space<vmem>>
    %dma_start3A_24 = arith.constant 0 : i32
    %dma_start3A_25 = arith.constant 0 : i32
    %dma_start3A_26 = tpu.memref_slice %arg2[%dma_start3A_24, %dma_start3A_25] : memref<10000x32xf32, #tpu.memory_space<hbm>> -> memref<10000x32xf32, #tpu.memory_space<hbm>>
    tpu.enqueue_indirect_dma source(%dma_start3A_26 : memref<10000x32xf32, #tpu.memory_space<hbm>>) target(%arg16 : memref<128x32xf32, #tpu.memory_space<vmem>>) offsets(%dma_start3A_23 : memref<128xi32, #tpu.memory_space<vmem>>) semaphore(%arg28 : memref<!tpu.dma_semaphore, #tpu.memory_space<semaphore_mem>>)
    %dma_start3A_27 = arith.constant 256 : i32
    %dma_start3A_28 = tpu.memref_slice %arg9[%dma_start3A_27] : memref<9984xi32, #tpu.memory_space<vmem>> -> memref<128xi32, #tpu.memory_space<vmem>>
    %dma_start3A_29 = arith.constant 0 : i32
    %dma_start3A_30 = arith.constant 0 : i32
    %dma_start3A_31 = tpu.memref_slice %arg3[%dma_start3A_29, %dma_start3A_30] : memref<10000x32xf32, #tpu.memory_space<hbm>> -> memref<10000x32xf32, #tpu.memory_space<hbm>>
    tpu.enqueue_indirect_dma source(%dma_start3A_31 : memref<10000x32xf32, #tpu.memory_space<hbm>>) target(%arg22 : memref<128x32xf32, #tpu.memory_space<vmem>>) offsets(%dma_start3A_28 : memref<128xi32, #tpu.memory_space<vmem>>) semaphore(%arg34 : memref<!tpu.dma_semaphore, #tpu.memory_space<semaphore_mem>>)
    %dma_start3A_32 = arith.constant 384 : i32
    %dma_start3A_33 = tpu.memref_slice %arg8[%dma_start3A_32] : memref<9984xi32, #tpu.memory_space<vmem>> -> memref<128xi32, #tpu.memory_space<vmem>>
    %dma_start3A_34 = arith.constant 0 : i32
    %dma_start3A_35 = arith.constant 0 : i32
    %dma_start3A_36 = tpu.memref_slice %arg2[%dma_start3A_34, %dma_start3A_35] : memref<10000x32xf32, #tpu.memory_space<hbm>> -> memref<10000x32xf32, #tpu.memory_space<hbm>>
    tpu.enqueue_indirect_dma source(%dma_start3A_36 : memref<10000x32xf32, #tpu.memory_space<hbm>>) target(%arg17 : memref<128x32xf32, #tpu.memory_space<vmem>>) offsets(%dma_start3A_33 : memref<128xi32, #tpu.memory_space<vmem>>) semaphore(%arg29 : memref<!tpu.dma_semaphore, #tpu.memory_space<semaphore_mem>>)
    %dma_start3A_37 = arith.constant 384 : i32
    %dma_start3A_38 = tpu.memref_slice %arg9[%dma_start3A_37] : memref<9984xi32, #tpu.memory_space<vmem>> -> memref<128xi32, #tpu.memory_space<vmem>>
    %dma_start3A_39 = arith.constant 0 : i32
    %dma_start3A_40 = arith.constant 0 : i32
    %dma_start3A_41 = tpu.memref_slice %arg3[%dma_start3A_39, %dma_start3A_40] : memref<10000x32xf32, #tpu.memory_space<hbm>> -> memref<10000x32xf32, #tpu.memory_space<hbm>>
    tpu.enqueue_indirect_dma source(%dma_start3A_41 : memref<10000x32xf32, #tpu.memory_space<hbm>>) target(%arg23 : memref<128x32xf32, #tpu.memory_space<vmem>>) offsets(%dma_start3A_38 : memref<128xi32, #tpu.memory_space<vmem>>) semaphore(%arg35 : memref<!tpu.dma_semaphore, #tpu.memory_space<semaphore_mem>>)
    %dma_start3A_42 = arith.constant 512 : i32
    %dma_start3A_43 = tpu.memref_slice %arg8[%dma_start3A_42] : memref<9984xi32, #tpu.memory_space<vmem>> -> memref<128xi32, #tpu.memory_space<vmem>>
    %dma_start3A_44 = arith.constant 0 : i32
    %dma_start3A_45 = arith.constant 0 : i32
    %dma_start3A_46 = tpu.memref_slice %arg2[%dma_start3A_44, %dma_start3A_45] : memref<10000x32xf32, #tpu.memory_space<hbm>> -> memref<10000x32xf32, #tpu.memory_space<hbm>>
    tpu.enqueue_indirect_dma source(%dma_start3A_46 : memref<10000x32xf32, #tpu.memory_space<hbm>>) target(%arg18 : memref<128x32xf32, #tpu.memory_space<vmem>>) offsets(%dma_start3A_43 : memref<128xi32, #tpu.memory_space<vmem>>) semaphore(%arg30 : memref<!tpu.dma_semaphore, #tpu.memory_space<semaphore_mem>>)
    %dma_start3A_47 = arith.constant 512 : i32
    %dma_start3A_48 = tpu.memref_slice %arg9[%dma_start3A_47] : memref<9984xi32, #tpu.memory_space<vmem>> -> memref<128xi32, #tpu.memory_space<vmem>>
    %dma_start3A_49 = arith.constant 0 : i32
    %dma_start3A_50 = arith.constant 0 : i32
    %dma_start3A_51 = tpu.memref_slice %arg3[%dma_start3A_49, %dma_start3A_50] : memref<10000x32xf32, #tpu.memory_space<hbm>> -> memref<10000x32xf32, #tpu.memory_space<hbm>>
    tpu.enqueue_indirect_dma source(%dma_start3A_51 : memref<10000x32xf32, #tpu.memory_space<hbm>>) target(%arg24 : memref<128x32xf32, #tpu.memory_space<vmem>>) offsets(%dma_start3A_48 : memref<128xi32, #tpu.memory_space<vmem>>) semaphore(%arg36 : memref<!tpu.dma_semaphore, #tpu.memory_space<semaphore_mem>>)
    %dma_start3A_52 = arith.constant 640 : i32
    %dma_start3A_53 = tpu.memref_slice %arg8[%dma_start3A_52] : memref<9984xi32, #tpu.memory_space<vmem>> -> memref<128xi32, #tpu.memory_space<vmem>>
    %dma_start3A_54 = arith.constant 0 : i32
    %dma_start3A_55 = arith.constant 0 : i32
    %dma_start3A_56 = tpu.memref_slice %arg2[%dma_start3A_54, %dma_start3A_55] : memref<10000x32xf32, #tpu.memory_space<hbm>> -> memref<10000x32xf32, #tpu.memory_space<hbm>>
    tpu.enqueue_indirect_dma source(%dma_start3A_56 : memref<10000x32xf32, #tpu.memory_space<hbm>>) target(%arg19 : memref<128x32xf32, #tpu.memory_space<vmem>>) offsets(%dma_start3A_53 : memref<128xi32, #tpu.memory_space<vmem>>) semaphore(%arg31 : memref<!tpu.dma_semaphore, #tpu.memory_space<semaphore_mem>>)
    %dma_start3A_57 = arith.constant 640 : i32
    %dma_start3A_58 = tpu.memref_slice %arg9[%dma_start3A_57] : memref<9984xi32, #tpu.memory_space<vmem>> -> memref<128xi32, #tpu.memory_space<vmem>>
    %dma_start3A_59 = arith.constant 0 : i32
    %dma_start3A_60 = arith.constant 0 : i32
    %dma_start3A_61 = tpu.memref_slice %arg3[%dma_start3A_59, %dma_start3A_60] : memref<10000x32xf32, #tpu.memory_space<hbm>> -> memref<10000x32xf32, #tpu.memory_space<hbm>>
    tpu.enqueue_indirect_dma source(%dma_start3A_61 : memref<10000x32xf32, #tpu.memory_space<hbm>>) target(%arg25 : memref<128x32xf32, #tpu.memory_space<vmem>>) offsets(%dma_start3A_58 : memref<128xi32, #tpu.memory_space<vmem>>) semaphore(%arg37 : memref<!tpu.dma_semaphore, #tpu.memory_space<semaphore_mem>>)
    %scan3A = arith.constant 0 : i32
    %scan3A_62 = arith.constant 0 : i32
    %scan3A_63 = arith.constant 13 : i32
    %scan3A_64 = arith.addi %scan3A_62, %scan3A_63 : i32
    %scan3A_65 = arith.constant 1 : i32
    scf.for %scan3A_134 = %scan3A_62 to %scan3A_64 step %scan3A_65  : i32 {
      %mul3A_135 = arith.constant 6 : i32
      %mul3A_136 = arith.muli %mul3A_135, %scan3A_134 : i32
      %add3A_137 = arith.constant 0 : i32
      %add3A_138 = arith.addi %mul3A_136, %add3A_137 : i32
      %dma_wait3A_139 = arith.constant 0 : i32
      %dma_wait3A_140 = tpu.memref_slice %arg8[%dma_wait3A_139] : memref<9984xi32, #tpu.memory_space<vmem>> -> memref<128xi32, #tpu.memory_space<vmem>>
      %dma_wait3A_141 = arith.constant 0 : i32
      %dma_wait3A_142 = arith.constant 0 : i32
      %dma_wait3A_143 = tpu.memref_slice %arg2[%dma_wait3A_141, %dma_wait3A_142] : memref<10000x32xf32, #tpu.memory_space<hbm>> -> memref<10000x32xf32, #tpu.memory_space<hbm>>
      tpu.wait_indirect_dma semaphore(%arg26 : memref<!tpu.dma_semaphore, #tpu.memory_space<semaphore_mem>>) src(%dma_wait3A_143 : memref<10000x32xf32, #tpu.memory_space<hbm>>) dst(%arg14 : memref<128x32xf32, #tpu.memory_space<vmem>>)
      %mul3A_144 = arith.constant 128 : i32
      %mul3A_145 = arith.muli %add3A_138, %mul3A_144 : i32
      %add3A_146 = arith.addi %mul3A_2, %mul3A_145 : i32
      %dma_start3A_147 = arith.constant 0 : i32
      %dma_start3A_148 = tpu.memref_slice %arg6[%add3A_146, %dma_start3A_147] : memref<320000x32xf32, #tpu.memory_space<hbm>> -> memref<128x32xf32, #tpu.memory_space<hbm>>
      %dma_start3A_149 = arith.constant 0 : i32
      %dma_start3A_150 = tpu.memref_slice %arg6[%add3A_146, %dma_start3A_149] : memref<320000x32xf32, #tpu.memory_space<hbm>> -> memref<128x32xf32, #tpu.memory_space<hbm>>
      tpu.enqueue_dma source(%arg14 : memref<128x32xf32, #tpu.memory_space<vmem>>) target(%dma_start3A_150 : memref<128x32xf32, #tpu.memory_space<hbm>>) target_semaphore(%arg38 : memref<!tpu.dma_semaphore, #tpu.memory_space<semaphore_mem>>)
      %dma_wait3A_151 = arith.constant 0 : i32
      %dma_wait3A_152 = tpu.memref_slice %arg9[%dma_wait3A_151] : memref<9984xi32, #tpu.memory_space<vmem>> -> memref<128xi32, #tpu.memory_space<vmem>>
      %dma_wait3A_153 = arith.constant 0 : i32
      %dma_wait3A_154 = arith.constant 0 : i32
      %dma_wait3A_155 = tpu.memref_slice %arg3[%dma_wait3A_153, %dma_wait3A_154] : memref<10000x32xf32, #tpu.memory_space<hbm>> -> memref<10000x32xf32, #tpu.memory_space<hbm>>
      tpu.wait_indirect_dma semaphore(%arg32 : memref<!tpu.dma_semaphore, #tpu.memory_space<semaphore_mem>>) src(%dma_wait3A_155 : memref<10000x32xf32, #tpu.memory_space<hbm>>) dst(%arg20 : memref<128x32xf32, #tpu.memory_space<vmem>>)
      %mul3A_156 = arith.constant 128 : i32
      %mul3A_157 = arith.muli %add3A_138, %mul3A_156 : i32
      %add3A_158 = arith.addi %mul3A_2, %mul3A_157 : i32
      %dma_start3A_159 = arith.constant 0 : i32
      %dma_start3A_160 = tpu.memref_slice %arg7[%add3A_158, %dma_start3A_159] : memref<320000x32xf32, #tpu.memory_space<hbm>> -> memref<128x32xf32, #tpu.memory_space<hbm>>
      %dma_start3A_161 = arith.constant 0 : i32
      %dma_start3A_162 = tpu.memref_slice %arg7[%add3A_158, %dma_start3A_161] : memref<320000x32xf32, #tpu.memory_space<hbm>> -> memref<128x32xf32, #tpu.memory_space<hbm>>
      tpu.enqueue_dma source(%arg20 : memref<128x32xf32, #tpu.memory_space<vmem>>) target(%dma_start3A_162 : memref<128x32xf32, #tpu.memory_space<hbm>>) target_semaphore(%arg44 : memref<!tpu.dma_semaphore, #tpu.memory_space<semaphore_mem>>)
      %add3A_163 = arith.constant 6 : i32
      %add3A_164 = arith.addi %add3A_138, %add3A_163 : i32
      %lt3A = arith.constant 78 : i32
      %lt3A_165 = arith.cmpi slt, %add3A_164, %lt3A : i32
      %convert_element_type3A = arith.extui %lt3A_165 : i1 to i32
      %cond3A = arith.constant 0 : i32
      %cond3A_166 = arith.cmpi ne, %convert_element_type3A, %cond3A : i32
      scf.if %cond3A_166 {
        %dma_wait3A_342 = arith.constant 0 : i32
        %dma_wait3A_343 = tpu.memref_slice %arg6[%mul3A_2, %dma_wait3A_342] : memref<320000x32xf32, #tpu.memory_space<hbm>> -> memref<128x32xf32, #tpu.memory_space<hbm>>
        %dma_wait3A_344 = arith.constant 0 : i32
        %dma_wait3A_345 = tpu.memref_slice %arg6[%mul3A_2, %dma_wait3A_344] : memref<320000x32xf32, #tpu.memory_space<hbm>> -> memref<128x32xf32, #tpu.memory_space<hbm>>
        tpu.wait_dma2 semaphore(%arg38 : memref<!tpu.dma_semaphore, #tpu.memory_space<semaphore_mem>>) src(%arg14 : memref<128x32xf32, #tpu.memory_space<vmem>>) dst(%dma_wait3A_345 : memref<128x32xf32, #tpu.memory_space<hbm>>)
        %dma_wait3A_346 = arith.constant 0 : i32
        %dma_wait3A_347 = tpu.memref_slice %arg7[%mul3A_2, %dma_wait3A_346] : memref<320000x32xf32, #tpu.memory_space<hbm>> -> memref<128x32xf32, #tpu.memory_space<hbm>>
        %dma_wait3A_348 = arith.constant 0 : i32
        %dma_wait3A_349 = tpu.memref_slice %arg7[%mul3A_2, %dma_wait3A_348] : memref<320000x32xf32, #tpu.memory_space<hbm>> -> memref<128x32xf32, #tpu.memory_space<hbm>>
        tpu.wait_dma2 semaphore(%arg44 : memref<!tpu.dma_semaphore, #tpu.memory_space<semaphore_mem>>) src(%arg20 : memref<128x32xf32, #tpu.memory_space<vmem>>) dst(%dma_wait3A_349 : memref<128x32xf32, #tpu.memory_space<hbm>>)
        %add3A_350 = arith.constant 6 : i32
        %add3A_351 = arith.addi %add3A_138, %add3A_350 : i32
        %mul3A_352 = arith.constant 128 : i32
        %mul3A_353 = arith.muli %add3A_351, %mul3A_352 : i32
        %dma_start3A_354 = tpu.memref_slice %arg8[%mul3A_353] : memref<9984xi32, #tpu.memory_space<vmem>> -> memref<128xi32, #tpu.memory_space<vmem>>
        %dma_start3A_355 = arith.constant 0 : i32
        %dma_start3A_356 = arith.constant 0 : i32
        %dma_start3A_357 = tpu.memref_slice %arg2[%dma_start3A_355, %dma_start3A_356] : memref<10000x32xf32, #tpu.memory_space<hbm>> -> memref<10000x32xf32, #tpu.memory_space<hbm>>
        tpu.enqueue_indirect_dma source(%dma_start3A_357 : memref<10000x32xf32, #tpu.memory_space<hbm>>) target(%arg14 : memref<128x32xf32, #tpu.memory_space<vmem>>) offsets(%dma_start3A_354 : memref<128xi32, #tpu.memory_space<vmem>>) semaphore(%arg26 : memref<!tpu.dma_semaphore, #tpu.memory_space<semaphore_mem>>)
        %mul3A_358 = arith.constant 128 : i32
        %mul3A_359 = arith.muli %add3A_351, %mul3A_358 : i32
        %dma_start3A_360 = tpu.memref_slice %arg9[%mul3A_359] : memref<9984xi32, #tpu.memory_space<vmem>> -> memref<128xi32, #tpu.memory_space<vmem>>
        %dma_start3A_361 = arith.constant 0 : i32
        %dma_start3A_362 = arith.constant 0 : i32
        %dma_start3A_363 = tpu.memref_slice %arg3[%dma_start3A_361, %dma_start3A_362] : memref<10000x32xf32, #tpu.memory_space<hbm>> -> memref<10000x32xf32, #tpu.memory_space<hbm>>
        tpu.enqueue_indirect_dma source(%dma_start3A_363 : memref<10000x32xf32, #tpu.memory_space<hbm>>) target(%arg20 : memref<128x32xf32, #tpu.memory_space<vmem>>) offsets(%dma_start3A_360 : memref<128xi32, #tpu.memory_space<vmem>>) semaphore(%arg32 : memref<!tpu.dma_semaphore, #tpu.memory_space<semaphore_mem>>)
      } else {
      }
      %mul3A_167 = arith.constant 6 : i32
      %mul3A_168 = arith.muli %mul3A_167, %scan3A_134 : i32
      %add3A_169 = arith.constant 1 : i32
      %add3A_170 = arith.addi %mul3A_168, %add3A_169 : i32
      %dma_wait3A_171 = arith.constant 0 : i32
      %dma_wait3A_172 = tpu.memref_slice %arg8[%dma_wait3A_171] : memref<9984xi32, #tpu.memory_space<vmem>> -> memref<128xi32, #tpu.memory_space<vmem>>
      %dma_wait3A_173 = arith.constant 0 : i32
      %dma_wait3A_174 = arith.constant 0 : i32
      %dma_wait3A_175 = tpu.memref_slice %arg2[%dma_wait3A_173, %dma_wait3A_174] : memref<10000x32xf32, #tpu.memory_space<hbm>> -> memref<10000x32xf32, #tpu.memory_space<hbm>>
      tpu.wait_indirect_dma semaphore(%arg27 : memref<!tpu.dma_semaphore, #tpu.memory_space<semaphore_mem>>) src(%dma_wait3A_175 : memref<10000x32xf32, #tpu.memory_space<hbm>>) dst(%arg15 : memref<128x32xf32, #tpu.memory_space<vmem>>)
      %mul3A_176 = arith.constant 128 : i32
      %mul3A_177 = arith.muli %add3A_170, %mul3A_176 : i32
      %add3A_178 = arith.addi %mul3A_2, %mul3A_177 : i32
      %dma_start3A_179 = arith.constant 0 : i32
      %dma_start3A_180 = tpu.memref_slice %arg6[%add3A_178, %dma_start3A_179] : memref<320000x32xf32, #tpu.memory_space<hbm>> -> memref<128x32xf32, #tpu.memory_space<hbm>>
      %dma_start3A_181 = arith.constant 0 : i32
      %dma_start3A_182 = tpu.memref_slice %arg6[%add3A_178, %dma_start3A_181] : memref<320000x32xf32, #tpu.memory_space<hbm>> -> memref<128x32xf32, #tpu.memory_space<hbm>>
      tpu.enqueue_dma source(%arg15 : memref<128x32xf32, #tpu.memory_space<vmem>>) target(%dma_start3A_182 : memref<128x32xf32, #tpu.memory_space<hbm>>) target_semaphore(%arg39 : memref<!tpu.dma_semaphore, #tpu.memory_space<semaphore_mem>>)
      %dma_wait3A_183 = arith.constant 0 : i32
      %dma_wait3A_184 = tpu.memref_slice %arg9[%dma_wait3A_183] : memref<9984xi32, #tpu.memory_space<vmem>> -> memref<128xi32, #tpu.memory_space<vmem>>
      %dma_wait3A_185 = arith.constant 0 : i32
      %dma_wait3A_186 = arith.constant 0 : i32
      %dma_wait3A_187 = tpu.memref_slice %arg3[%dma_wait3A_185, %dma_wait3A_186] : memref<10000x32xf32, #tpu.memory_space<hbm>> -> memref<10000x32xf32, #tpu.memory_space<hbm>>
      tpu.wait_indirect_dma semaphore(%arg33 : memref<!tpu.dma_semaphore, #tpu.memory_space<semaphore_mem>>) src(%dma_wait3A_187 : memref<10000x32xf32, #tpu.memory_space<hbm>>) dst(%arg21 : memref<128x32xf32, #tpu.memory_space<vmem>>)
      %mul3A_188 = arith.constant 128 : i32
      %mul3A_189 = arith.muli %add3A_170, %mul3A_188 : i32
      %add3A_190 = arith.addi %mul3A_2, %mul3A_189 : i32
      %dma_start3A_191 = arith.constant 0 : i32
      %dma_start3A_192 = tpu.memref_slice %arg7[%add3A_190, %dma_start3A_191] : memref<320000x32xf32, #tpu.memory_space<hbm>> -> memref<128x32xf32, #tpu.memory_space<hbm>>
      %dma_start3A_193 = arith.constant 0 : i32
      %dma_start3A_194 = tpu.memref_slice %arg7[%add3A_190, %dma_start3A_193] : memref<320000x32xf32, #tpu.memory_space<hbm>> -> memref<128x32xf32, #tpu.memory_space<hbm>>
      tpu.enqueue_dma source(%arg21 : memref<128x32xf32, #tpu.memory_space<vmem>>) target(%dma_start3A_194 : memref<128x32xf32, #tpu.memory_space<hbm>>) target_semaphore(%arg45 : memref<!tpu.dma_semaphore, #tpu.memory_space<semaphore_mem>>)
      %add3A_195 = arith.constant 6 : i32
      %add3A_196 = arith.addi %add3A_170, %add3A_195 : i32
      %lt3A_197 = arith.constant 78 : i32
      %lt3A_198 = arith.cmpi slt, %add3A_196, %lt3A_197 : i32
      %convert_element_type3A_199 = arith.extui %lt3A_198 : i1 to i32
      %cond3A_200 = arith.constant 0 : i32
      %cond3A_201 = arith.cmpi ne, %convert_element_type3A_199, %cond3A_200 : i32
      scf.if %cond3A_201 {
        %dma_wait3A_342 = arith.constant 0 : i32
        %dma_wait3A_343 = tpu.memref_slice %arg6[%mul3A_2, %dma_wait3A_342] : memref<320000x32xf32, #tpu.memory_space<hbm>> -> memref<128x32xf32, #tpu.memory_space<hbm>>
        %dma_wait3A_344 = arith.constant 0 : i32
        %dma_wait3A_345 = tpu.memref_slice %arg6[%mul3A_2, %dma_wait3A_344] : memref<320000x32xf32, #tpu.memory_space<hbm>> -> memref<128x32xf32, #tpu.memory_space<hbm>>
        tpu.wait_dma2 semaphore(%arg39 : memref<!tpu.dma_semaphore, #tpu.memory_space<semaphore_mem>>) src(%arg15 : memref<128x32xf32, #tpu.memory_space<vmem>>) dst(%dma_wait3A_345 : memref<128x32xf32, #tpu.memory_space<hbm>>)
        %dma_wait3A_346 = arith.constant 0 : i32
        %dma_wait3A_347 = tpu.memref_slice %arg7[%mul3A_2, %dma_wait3A_346] : memref<320000x32xf32, #tpu.memory_space<hbm>> -> memref<128x32xf32, #tpu.memory_space<hbm>>
        %dma_wait3A_348 = arith.constant 0 : i32
        %dma_wait3A_349 = tpu.memref_slice %arg7[%mul3A_2, %dma_wait3A_348] : memref<320000x32xf32, #tpu.memory_space<hbm>> -> memref<128x32xf32, #tpu.memory_space<hbm>>
        tpu.wait_dma2 semaphore(%arg45 : memref<!tpu.dma_semaphore, #tpu.memory_space<semaphore_mem>>) src(%arg21 : memref<128x32xf32, #tpu.memory_space<vmem>>) dst(%dma_wait3A_349 : memref<128x32xf32, #tpu.memory_space<hbm>>)
        %add3A_350 = arith.constant 6 : i32
        %add3A_351 = arith.addi %add3A_170, %add3A_350 : i32
        %mul3A_352 = arith.constant 128 : i32
        %mul3A_353 = arith.muli %add3A_351, %mul3A_352 : i32
        %dma_start3A_354 = tpu.memref_slice %arg8[%mul3A_353] : memref<9984xi32, #tpu.memory_space<vmem>> -> memref<128xi32, #tpu.memory_space<vmem>>
        %dma_start3A_355 = arith.constant 0 : i32
        %dma_start3A_356 = arith.constant 0 : i32
        %dma_start3A_357 = tpu.memref_slice %arg2[%dma_start3A_355, %dma_start3A_356] : memref<10000x32xf32, #tpu.memory_space<hbm>> -> memref<10000x32xf32, #tpu.memory_space<hbm>>
        tpu.enqueue_indirect_dma source(%dma_start3A_357 : memref<10000x32xf32, #tpu.memory_space<hbm>>) target(%arg15 : memref<128x32xf32, #tpu.memory_space<vmem>>) offsets(%dma_start3A_354 : memref<128xi32, #tpu.memory_space<vmem>>) semaphore(%arg27 : memref<!tpu.dma_semaphore, #tpu.memory_space<semaphore_mem>>)
        %mul3A_358 = arith.constant 128 : i32
        %mul3A_359 = arith.muli %add3A_351, %mul3A_358 : i32
        %dma_start3A_360 = tpu.memref_slice %arg9[%mul3A_359] : memref<9984xi32, #tpu.memory_space<vmem>> -> memref<128xi32, #tpu.memory_space<vmem>>
        %dma_start3A_361 = arith.constant 0 : i32
        %dma_start3A_362 = arith.constant 0 : i32
        %dma_start3A_363 = tpu.memref_slice %arg3[%dma_start3A_361, %dma_start3A_362] : memref<10000x32xf32, #tpu.memory_space<hbm>> -> memref<10000x32xf32, #tpu.memory_space<hbm>>
        tpu.enqueue_indirect_dma source(%dma_start3A_363 : memref<10000x32xf32, #tpu.memory_space<hbm>>) target(%arg21 : memref<128x32xf32, #tpu.memory_space<vmem>>) offsets(%dma_start3A_360 : memref<128xi32, #tpu.memory_space<vmem>>) semaphore(%arg33 : memref<!tpu.dma_semaphore, #tpu.memory_space<semaphore_mem>>)
      } else {
      }
      %mul3A_202 = arith.constant 6 : i32
      %mul3A_203 = arith.muli %mul3A_202, %scan3A_134 : i32
      %add3A_204 = arith.constant 2 : i32
      %add3A_205 = arith.addi %mul3A_203, %add3A_204 : i32
      %dma_wait3A_206 = arith.constant 0 : i32
      %dma_wait3A_207 = tpu.memref_slice %arg8[%dma_wait3A_206] : memref<9984xi32, #tpu.memory_space<vmem>> -> memref<128xi32, #tpu.memory_space<vmem>>
      %dma_wait3A_208 = arith.constant 0 : i32
      %dma_wait3A_209 = arith.constant 0 : i32
      %dma_wait3A_210 = tpu.memref_slice %arg2[%dma_wait3A_208, %dma_wait3A_209] : memref<10000x32xf32, #tpu.memory_space<hbm>> -> memref<10000x32xf32, #tpu.memory_space<hbm>>
      tpu.wait_indirect_dma semaphore(%arg28 : memref<!tpu.dma_semaphore, #tpu.memory_space<semaphore_mem>>) src(%dma_wait3A_210 : memref<10000x32xf32, #tpu.memory_space<hbm>>) dst(%arg16 : memref<128x32xf32, #tpu.memory_space<vmem>>)
      %mul3A_211 = arith.constant 128 : i32
      %mul3A_212 = arith.muli %add3A_205, %mul3A_211 : i32
      %add3A_213 = arith.addi %mul3A_2, %mul3A_212 : i32
      %dma_start3A_214 = arith.constant 0 : i32
      %dma_start3A_215 = tpu.memref_slice %arg6[%add3A_213, %dma_start3A_214] : memref<320000x32xf32, #tpu.memory_space<hbm>> -> memref<128x32xf32, #tpu.memory_space<hbm>>
      %dma_start3A_216 = arith.constant 0 : i32
      %dma_start3A_217 = tpu.memref_slice %arg6[%add3A_213, %dma_start3A_216] : memref<320000x32xf32, #tpu.memory_space<hbm>> -> memref<128x32xf32, #tpu.memory_space<hbm>>
      tpu.enqueue_dma source(%arg16 : memref<128x32xf32, #tpu.memory_space<vmem>>) target(%dma_start3A_217 : memref<128x32xf32, #tpu.memory_space<hbm>>) target_semaphore(%arg40 : memref<!tpu.dma_semaphore, #tpu.memory_space<semaphore_mem>>)
      %dma_wait3A_218 = arith.constant 0 : i32
      %dma_wait3A_219 = tpu.memref_slice %arg9[%dma_wait3A_218] : memref<9984xi32, #tpu.memory_space<vmem>> -> memref<128xi32, #tpu.memory_space<vmem>>
      %dma_wait3A_220 = arith.constant 0 : i32
      %dma_wait3A_221 = arith.constant 0 : i32
      %dma_wait3A_222 = tpu.memref_slice %arg3[%dma_wait3A_220, %dma_wait3A_221] : memref<10000x32xf32, #tpu.memory_space<hbm>> -> memref<10000x32xf32, #tpu.memory_space<hbm>>
      tpu.wait_indirect_dma semaphore(%arg34 : memref<!tpu.dma_semaphore, #tpu.memory_space<semaphore_mem>>) src(%dma_wait3A_222 : memref<10000x32xf32, #tpu.memory_space<hbm>>) dst(%arg22 : memref<128x32xf32, #tpu.memory_space<vmem>>)
      %mul3A_223 = arith.constant 128 : i32
      %mul3A_224 = arith.muli %add3A_205, %mul3A_223 : i32
      %add3A_225 = arith.addi %mul3A_2, %mul3A_224 : i32
      %dma_start3A_226 = arith.constant 0 : i32
      %dma_start3A_227 = tpu.memref_slice %arg7[%add3A_225, %dma_start3A_226] : memref<320000x32xf32, #tpu.memory_space<hbm>> -> memref<128x32xf32, #tpu.memory_space<hbm>>
      %dma_start3A_228 = arith.constant 0 : i32
      %dma_start3A_229 = tpu.memref_slice %arg7[%add3A_225, %dma_start3A_228] : memref<320000x32xf32, #tpu.memory_space<hbm>> -> memref<128x32xf32, #tpu.memory_space<hbm>>
      tpu.enqueue_dma source(%arg22 : memref<128x32xf32, #tpu.memory_space<vmem>>) target(%dma_start3A_229 : memref<128x32xf32, #tpu.memory_space<hbm>>) target_semaphore(%arg46 : memref<!tpu.dma_semaphore, #tpu.memory_space<semaphore_mem>>)
      %add3A_230 = arith.constant 6 : i32
      %add3A_231 = arith.addi %add3A_205, %add3A_230 : i32
      %lt3A_232 = arith.constant 78 : i32
      %lt3A_233 = arith.cmpi slt, %add3A_231, %lt3A_232 : i32
      %convert_element_type3A_234 = arith.extui %lt3A_233 : i1 to i32
      %cond3A_235 = arith.constant 0 : i32
      %cond3A_236 = arith.cmpi ne, %convert_element_type3A_234, %cond3A_235 : i32
      scf.if %cond3A_236 {
        %dma_wait3A_342 = arith.constant 0 : i32
        %dma_wait3A_343 = tpu.memref_slice %arg6[%mul3A_2, %dma_wait3A_342] : memref<320000x32xf32, #tpu.memory_space<hbm>> -> memref<128x32xf32, #tpu.memory_space<hbm>>
        %dma_wait3A_344 = arith.constant 0 : i32
        %dma_wait3A_345 = tpu.memref_slice %arg6[%mul3A_2, %dma_wait3A_344] : memref<320000x32xf32, #tpu.memory_space<hbm>> -> memref<128x32xf32, #tpu.memory_space<hbm>>
        tpu.wait_dma2 semaphore(%arg40 : memref<!tpu.dma_semaphore, #tpu.memory_space<semaphore_mem>>) src(%arg16 : memref<128x32xf32, #tpu.memory_space<vmem>>) dst(%dma_wait3A_345 : memref<128x32xf32, #tpu.memory_space<hbm>>)
        %dma_wait3A_346 = arith.constant 0 : i32
        %dma_wait3A_347 = tpu.memref_slice %arg7[%mul3A_2, %dma_wait3A_346] : memref<320000x32xf32, #tpu.memory_space<hbm>> -> memref<128x32xf32, #tpu.memory_space<hbm>>
        %dma_wait3A_348 = arith.constant 0 : i32
        %dma_wait3A_349 = tpu.memref_slice %arg7[%mul3A_2, %dma_wait3A_348] : memref<320000x32xf32, #tpu.memory_space<hbm>> -> memref<128x32xf32, #tpu.memory_space<hbm>>
        tpu.wait_dma2 semaphore(%arg46 : memref<!tpu.dma_semaphore, #tpu.memory_space<semaphore_mem>>) src(%arg22 : memref<128x32xf32, #tpu.memory_space<vmem>>) dst(%dma_wait3A_349 : memref<128x32xf32, #tpu.memory_space<hbm>>)
        %add3A_350 = arith.constant 6 : i32
        %add3A_351 = arith.addi %add3A_205, %add3A_350 : i32
        %mul3A_352 = arith.constant 128 : i32
        %mul3A_353 = arith.muli %add3A_351, %mul3A_352 : i32
        %dma_start3A_354 = tpu.memref_slice %arg8[%mul3A_353] : memref<9984xi32, #tpu.memory_space<vmem>> -> memref<128xi32, #tpu.memory_space<vmem>>
        %dma_start3A_355 = arith.constant 0 : i32
        %dma_start3A_356 = arith.constant 0 : i32
        %dma_start3A_357 = tpu.memref_slice %arg2[%dma_start3A_355, %dma_start3A_356] : memref<10000x32xf32, #tpu.memory_space<hbm>> -> memref<10000x32xf32, #tpu.memory_space<hbm>>
        tpu.enqueue_indirect_dma source(%dma_start3A_357 : memref<10000x32xf32, #tpu.memory_space<hbm>>) target(%arg16 : memref<128x32xf32, #tpu.memory_space<vmem>>) offsets(%dma_start3A_354 : memref<128xi32, #tpu.memory_space<vmem>>) semaphore(%arg28 : memref<!tpu.dma_semaphore, #tpu.memory_space<semaphore_mem>>)
        %mul3A_358 = arith.constant 128 : i32
        %mul3A_359 = arith.muli %add3A_351, %mul3A_358 : i32
        %dma_start3A_360 = tpu.memref_slice %arg9[%mul3A_359] : memref<9984xi32, #tpu.memory_space<vmem>> -> memref<128xi32, #tpu.memory_space<vmem>>
        %dma_start3A_361 = arith.constant 0 : i32
        %dma_start3A_362 = arith.constant 0 : i32
        %dma_start3A_363 = tpu.memref_slice %arg3[%dma_start3A_361, %dma_start3A_362] : memref<10000x32xf32, #tpu.memory_space<hbm>> -> memref<10000x32xf32, #tpu.memory_space<hbm>>
        tpu.enqueue_indirect_dma source(%dma_start3A_363 : memref<10000x32xf32, #tpu.memory_space<hbm>>) target(%arg22 : memref<128x32xf32, #tpu.memory_space<vmem>>) offsets(%dma_start3A_360 : memref<128xi32, #tpu.memory_space<vmem>>) semaphore(%arg34 : memref<!tpu.dma_semaphore, #tpu.memory_space<semaphore_mem>>)
      } else {
      }
      %mul3A_237 = arith.constant 6 : i32
      %mul3A_238 = arith.muli %mul3A_237, %scan3A_134 : i32
      %add3A_239 = arith.constant 3 : i32
      %add3A_240 = arith.addi %mul3A_238, %add3A_239 : i32
      %dma_wait3A_241 = arith.constant 0 : i32
      %dma_wait3A_242 = tpu.memref_slice %arg8[%dma_wait3A_241] : memref<9984xi32, #tpu.memory_space<vmem>> -> memref<128xi32, #tpu.memory_space<vmem>>
      %dma_wait3A_243 = arith.constant 0 : i32
      %dma_wait3A_244 = arith.constant 0 : i32
      %dma_wait3A_245 = tpu.memref_slice %arg2[%dma_wait3A_243, %dma_wait3A_244] : memref<10000x32xf32, #tpu.memory_space<hbm>> -> memref<10000x32xf32, #tpu.memory_space<hbm>>
      tpu.wait_indirect_dma semaphore(%arg29 : memref<!tpu.dma_semaphore, #tpu.memory_space<semaphore_mem>>) src(%dma_wait3A_245 : memref<10000x32xf32, #tpu.memory_space<hbm>>) dst(%arg17 : memref<128x32xf32, #tpu.memory_space<vmem>>)
      %mul3A_246 = arith.constant 128 : i32
      %mul3A_247 = arith.muli %add3A_240, %mul3A_246 : i32
      %add3A_248 = arith.addi %mul3A_2, %mul3A_247 : i32
      %dma_start3A_249 = arith.constant 0 : i32
      %dma_start3A_250 = tpu.memref_slice %arg6[%add3A_248, %dma_start3A_249] : memref<320000x32xf32, #tpu.memory_space<hbm>> -> memref<128x32xf32, #tpu.memory_space<hbm>>
      %dma_start3A_251 = arith.constant 0 : i32
      %dma_start3A_252 = tpu.memref_slice %arg6[%add3A_248, %dma_start3A_251] : memref<320000x32xf32, #tpu.memory_space<hbm>> -> memref<128x32xf32, #tpu.memory_space<hbm>>
      tpu.enqueue_dma source(%arg17 : memref<128x32xf32, #tpu.memory_space<vmem>>) target(%dma_start3A_252 : memref<128x32xf32, #tpu.memory_space<hbm>>) target_semaphore(%arg41 : memref<!tpu.dma_semaphore, #tpu.memory_space<semaphore_mem>>)
      %dma_wait3A_253 = arith.constant 0 : i32
      %dma_wait3A_254 = tpu.memref_slice %arg9[%dma_wait3A_253] : memref<9984xi32, #tpu.memory_space<vmem>> -> memref<128xi32, #tpu.memory_space<vmem>>
      %dma_wait3A_255 = arith.constant 0 : i32
      %dma_wait3A_256 = arith.constant 0 : i32
      %dma_wait3A_257 = tpu.memref_slice %arg3[%dma_wait3A_255, %dma_wait3A_256] : memref<10000x32xf32, #tpu.memory_space<hbm>> -> memref<10000x32xf32, #tpu.memory_space<hbm>>
      tpu.wait_indirect_dma semaphore(%arg35 : memref<!tpu.dma_semaphore, #tpu.memory_space<semaphore_mem>>) src(%dma_wait3A_257 : memref<10000x32xf32, #tpu.memory_space<hbm>>) dst(%arg23 : memref<128x32xf32, #tpu.memory_space<vmem>>)
      %mul3A_258 = arith.constant 128 : i32
      %mul3A_259 = arith.muli %add3A_240, %mul3A_258 : i32
      %add3A_260 = arith.addi %mul3A_2, %mul3A_259 : i32
      %dma_start3A_261 = arith.constant 0 : i32
      %dma_start3A_262 = tpu.memref_slice %arg7[%add3A_260, %dma_start3A_261] : memref<320000x32xf32, #tpu.memory_space<hbm>> -> memref<128x32xf32, #tpu.memory_space<hbm>>
      %dma_start3A_263 = arith.constant 0 : i32
      %dma_start3A_264 = tpu.memref_slice %arg7[%add3A_260, %dma_start3A_263] : memref<320000x32xf32, #tpu.memory_space<hbm>> -> memref<128x32xf32, #tpu.memory_space<hbm>>
      tpu.enqueue_dma source(%arg23 : memref<128x32xf32, #tpu.memory_space<vmem>>) target(%dma_start3A_264 : memref<128x32xf32, #tpu.memory_space<hbm>>) target_semaphore(%arg47 : memref<!tpu.dma_semaphore, #tpu.memory_space<semaphore_mem>>)
      %add3A_265 = arith.constant 6 : i32
      %add3A_266 = arith.addi %add3A_240, %add3A_265 : i32
      %lt3A_267 = arith.constant 78 : i32
      %lt3A_268 = arith.cmpi slt, %add3A_266, %lt3A_267 : i32
      %convert_element_type3A_269 = arith.extui %lt3A_268 : i1 to i32
      %cond3A_270 = arith.constant 0 : i32
      %cond3A_271 = arith.cmpi ne, %convert_element_type3A_269, %cond3A_270 : i32
      scf.if %cond3A_271 {
        %dma_wait3A_342 = arith.constant 0 : i32
        %dma_wait3A_343 = tpu.memref_slice %arg6[%mul3A_2, %dma_wait3A_342] : memref<320000x32xf32, #tpu.memory_space<hbm>> -> memref<128x32xf32, #tpu.memory_space<hbm>>
        %dma_wait3A_344 = arith.constant 0 : i32
        %dma_wait3A_345 = tpu.memref_slice %arg6[%mul3A_2, %dma_wait3A_344] : memref<320000x32xf32, #tpu.memory_space<hbm>> -> memref<128x32xf32, #tpu.memory_space<hbm>>
        tpu.wait_dma2 semaphore(%arg41 : memref<!tpu.dma_semaphore, #tpu.memory_space<semaphore_mem>>) src(%arg17 : memref<128x32xf32, #tpu.memory_space<vmem>>) dst(%dma_wait3A_345 : memref<128x32xf32, #tpu.memory_space<hbm>>)
        %dma_wait3A_346 = arith.constant 0 : i32
        %dma_wait3A_347 = tpu.memref_slice %arg7[%mul3A_2, %dma_wait3A_346] : memref<320000x32xf32, #tpu.memory_space<hbm>> -> memref<128x32xf32, #tpu.memory_space<hbm>>
        %dma_wait3A_348 = arith.constant 0 : i32
        %dma_wait3A_349 = tpu.memref_slice %arg7[%mul3A_2, %dma_wait3A_348] : memref<320000x32xf32, #tpu.memory_space<hbm>> -> memref<128x32xf32, #tpu.memory_space<hbm>>
        tpu.wait_dma2 semaphore(%arg47 : memref<!tpu.dma_semaphore, #tpu.memory_space<semaphore_mem>>) src(%arg23 : memref<128x32xf32, #tpu.memory_space<vmem>>) dst(%dma_wait3A_349 : memref<128x32xf32, #tpu.memory_space<hbm>>)
        %add3A_350 = arith.constant 6 : i32
        %add3A_351 = arith.addi %add3A_240, %add3A_350 : i32
        %mul3A_352 = arith.constant 128 : i32
        %mul3A_353 = arith.muli %add3A_351, %mul3A_352 : i32
        %dma_start3A_354 = tpu.memref_slice %arg8[%mul3A_353] : memref<9984xi32, #tpu.memory_space<vmem>> -> memref<128xi32, #tpu.memory_space<vmem>>
        %dma_start3A_355 = arith.constant 0 : i32
        %dma_start3A_356 = arith.constant 0 : i32
        %dma_start3A_357 = tpu.memref_slice %arg2[%dma_start3A_355, %dma_start3A_356] : memref<10000x32xf32, #tpu.memory_space<hbm>> -> memref<10000x32xf32, #tpu.memory_space<hbm>>
        tpu.enqueue_indirect_dma source(%dma_start3A_357 : memref<10000x32xf32, #tpu.memory_space<hbm>>) target(%arg17 : memref<128x32xf32, #tpu.memory_space<vmem>>) offsets(%dma_start3A_354 : memref<128xi32, #tpu.memory_space<vmem>>) semaphore(%arg29 : memref<!tpu.dma_semaphore, #tpu.memory_space<semaphore_mem>>)
        %mul3A_358 = arith.constant 128 : i32
        %mul3A_359 = arith.muli %add3A_351, %mul3A_358 : i32
        %dma_start3A_360 = tpu.memref_slice %arg9[%mul3A_359] : memref<9984xi32, #tpu.memory_space<vmem>> -> memref<128xi32, #tpu.memory_space<vmem>>
        %dma_start3A_361 = arith.constant 0 : i32
        %dma_start3A_362 = arith.constant 0 : i32
        %dma_start3A_363 = tpu.memref_slice %arg3[%dma_start3A_361, %dma_start3A_362] : memref<10000x32xf32, #tpu.memory_space<hbm>> -> memref<10000x32xf32, #tpu.memory_space<hbm>>
        tpu.enqueue_indirect_dma source(%dma_start3A_363 : memref<10000x32xf32, #tpu.memory_space<hbm>>) target(%arg23 : memref<128x32xf32, #tpu.memory_space<vmem>>) offsets(%dma_start3A_360 : memref<128xi32, #tpu.memory_space<vmem>>) semaphore(%arg35 : memref<!tpu.dma_semaphore, #tpu.memory_space<semaphore_mem>>)
      } else {
      }
      %mul3A_272 = arith.constant 6 : i32
      %mul3A_273 = arith.muli %mul3A_272, %scan3A_134 : i32
      %add3A_274 = arith.constant 4 : i32
      %add3A_275 = arith.addi %mul3A_273, %add3A_274 : i32
      %dma_wait3A_276 = arith.constant 0 : i32
      %dma_wait3A_277 = tpu.memref_slice %arg8[%dma_wait3A_276] : memref<9984xi32, #tpu.memory_space<vmem>> -> memref<128xi32, #tpu.memory_space<vmem>>
      %dma_wait3A_278 = arith.constant 0 : i32
      %dma_wait3A_279 = arith.constant 0 : i32
      %dma_wait3A_280 = tpu.memref_slice %arg2[%dma_wait3A_278, %dma_wait3A_279] : memref<10000x32xf32, #tpu.memory_space<hbm>> -> memref<10000x32xf32, #tpu.memory_space<hbm>>
      tpu.wait_indirect_dma semaphore(%arg30 : memref<!tpu.dma_semaphore, #tpu.memory_space<semaphore_mem>>) src(%dma_wait3A_280 : memref<10000x32xf32, #tpu.memory_space<hbm>>) dst(%arg18 : memref<128x32xf32, #tpu.memory_space<vmem>>)
      %mul3A_281 = arith.constant 128 : i32
      %mul3A_282 = arith.muli %add3A_275, %mul3A_281 : i32
      %add3A_283 = arith.addi %mul3A_2, %mul3A_282 : i32
      %dma_start3A_284 = arith.constant 0 : i32
      %dma_start3A_285 = tpu.memref_slice %arg6[%add3A_283, %dma_start3A_284] : memref<320000x32xf32, #tpu.memory_space<hbm>> -> memref<128x32xf32, #tpu.memory_space<hbm>>
      %dma_start3A_286 = arith.constant 0 : i32
      %dma_start3A_287 = tpu.memref_slice %arg6[%add3A_283, %dma_start3A_286] : memref<320000x32xf32, #tpu.memory_space<hbm>> -> memref<128x32xf32, #tpu.memory_space<hbm>>
      tpu.enqueue_dma source(%arg18 : memref<128x32xf32, #tpu.memory_space<vmem>>) target(%dma_start3A_287 : memref<128x32xf32, #tpu.memory_space<hbm>>) target_semaphore(%arg42 : memref<!tpu.dma_semaphore, #tpu.memory_space<semaphore_mem>>)
      %dma_wait3A_288 = arith.constant 0 : i32
      %dma_wait3A_289 = tpu.memref_slice %arg9[%dma_wait3A_288] : memref<9984xi32, #tpu.memory_space<vmem>> -> memref<128xi32, #tpu.memory_space<vmem>>
      %dma_wait3A_290 = arith.constant 0 : i32
      %dma_wait3A_291 = arith.constant 0 : i32
      %dma_wait3A_292 = tpu.memref_slice %arg3[%dma_wait3A_290, %dma_wait3A_291] : memref<10000x32xf32, #tpu.memory_space<hbm>> -> memref<10000x32xf32, #tpu.memory_space<hbm>>
      tpu.wait_indirect_dma semaphore(%arg36 : memref<!tpu.dma_semaphore, #tpu.memory_space<semaphore_mem>>) src(%dma_wait3A_292 : memref<10000x32xf32, #tpu.memory_space<hbm>>) dst(%arg24 : memref<128x32xf32, #tpu.memory_space<vmem>>)
      %mul3A_293 = arith.constant 128 : i32
      %mul3A_294 = arith.muli %add3A_275, %mul3A_293 : i32
      %add3A_295 = arith.addi %mul3A_2, %mul3A_294 : i32
      %dma_start3A_296 = arith.constant 0 : i32
      %dma_start3A_297 = tpu.memref_slice %arg7[%add3A_295, %dma_start3A_296] : memref<320000x32xf32, #tpu.memory_space<hbm>> -> memref<128x32xf32, #tpu.memory_space<hbm>>
      %dma_start3A_298 = arith.constant 0 : i32
      %dma_start3A_299 = tpu.memref_slice %arg7[%add3A_295, %dma_start3A_298] : memref<320000x32xf32, #tpu.memory_space<hbm>> -> memref<128x32xf32, #tpu.memory_space<hbm>>
      tpu.enqueue_dma source(%arg24 : memref<128x32xf32, #tpu.memory_space<vmem>>) target(%dma_start3A_299 : memref<128x32xf32, #tpu.memory_space<hbm>>) target_semaphore(%arg48 : memref<!tpu.dma_semaphore, #tpu.memory_space<semaphore_mem>>)
      %add3A_300 = arith.constant 6 : i32
      %add3A_301 = arith.addi %add3A_275, %add3A_300 : i32
      %lt3A_302 = arith.constant 78 : i32
      %lt3A_303 = arith.cmpi slt, %add3A_301, %lt3A_302 : i32
      %convert_element_type3A_304 = arith.extui %lt3A_303 : i1 to i32
      %cond3A_305 = arith.constant 0 : i32
      %cond3A_306 = arith.cmpi ne, %convert_element_type3A_304, %cond3A_305 : i32
      scf.if %cond3A_306 {
        %dma_wait3A_342 = arith.constant 0 : i32
        %dma_wait3A_343 = tpu.memref_slice %arg6[%mul3A_2, %dma_wait3A_342] : memref<320000x32xf32, #tpu.memory_space<hbm>> -> memref<128x32xf32, #tpu.memory_space<hbm>>
        %dma_wait3A_344 = arith.constant 0 : i32
        %dma_wait3A_345 = tpu.memref_slice %arg6[%mul3A_2, %dma_wait3A_344] : memref<320000x32xf32, #tpu.memory_space<hbm>> -> memref<128x32xf32, #tpu.memory_space<hbm>>
        tpu.wait_dma2 semaphore(%arg42 : memref<!tpu.dma_semaphore, #tpu.memory_space<semaphore_mem>>) src(%arg18 : memref<128x32xf32, #tpu.memory_space<vmem>>) dst(%dma_wait3A_345 : memref<128x32xf32, #tpu.memory_space<hbm>>)
        %dma_wait3A_346 = arith.constant 0 : i32
        %dma_wait3A_347 = tpu.memref_slice %arg7[%mul3A_2, %dma_wait3A_346] : memref<320000x32xf32, #tpu.memory_space<hbm>> -> memref<128x32xf32, #tpu.memory_space<hbm>>
        %dma_wait3A_348 = arith.constant 0 : i32
        %dma_wait3A_349 = tpu.memref_slice %arg7[%mul3A_2, %dma_wait3A_348] : memref<320000x32xf32, #tpu.memory_space<hbm>> -> memref<128x32xf32, #tpu.memory_space<hbm>>
        tpu.wait_dma2 semaphore(%arg48 : memref<!tpu.dma_semaphore, #tpu.memory_space<semaphore_mem>>) src(%arg24 : memref<128x32xf32, #tpu.memory_space<vmem>>) dst(%dma_wait3A_349 : memref<128x32xf32, #tpu.memory_space<hbm>>)
        %add3A_350 = arith.constant 6 : i32
        %add3A_351 = arith.addi %add3A_275, %add3A_350 : i32
        %mul3A_352 = arith.constant 128 : i32
        %mul3A_353 = arith.muli %add3A_351, %mul3A_352 : i32
        %dma_start3A_354 = tpu.memref_slice %arg8[%mul3A_353] : memref<9984xi32, #tpu.memory_space<vmem>> -> memref<128xi32, #tpu.memory_space<vmem>>
        %dma_start3A_355 = arith.constant 0 : i32
        %dma_start3A_356 = arith.constant 0 : i32
        %dma_start3A_357 = tpu.memref_slice %arg2[%dma_start3A_355, %dma_start3A_356] : memref<10000x32xf32, #tpu.memory_space<hbm>> -> memref<10000x32xf32, #tpu.memory_space<hbm>>
        tpu.enqueue_indirect_dma source(%dma_start3A_357 : memref<10000x32xf32, #tpu.memory_space<hbm>>) target(%arg18 : memref<128x32xf32, #tpu.memory_space<vmem>>) offsets(%dma_start3A_354 : memref<128xi32, #tpu.memory_space<vmem>>) semaphore(%arg30 : memref<!tpu.dma_semaphore, #tpu.memory_space<semaphore_mem>>)
        %mul3A_358 = arith.constant 128 : i32
        %mul3A_359 = arith.muli %add3A_351, %mul3A_358 : i32
        %dma_start3A_360 = tpu.memref_slice %arg9[%mul3A_359] : memref<9984xi32, #tpu.memory_space<vmem>> -> memref<128xi32, #tpu.memory_space<vmem>>
        %dma_start3A_361 = arith.constant 0 : i32
        %dma_start3A_362 = arith.constant 0 : i32
        %dma_start3A_363 = tpu.memref_slice %arg3[%dma_start3A_361, %dma_start3A_362] : memref<10000x32xf32, #tpu.memory_space<hbm>> -> memref<10000x32xf32, #tpu.memory_space<hbm>>
        tpu.enqueue_indirect_dma source(%dma_start3A_363 : memref<10000x32xf32, #tpu.memory_space<hbm>>) target(%arg24 : memref<128x32xf32, #tpu.memory_space<vmem>>) offsets(%dma_start3A_360 : memref<128xi32, #tpu.memory_space<vmem>>) semaphore(%arg36 : memref<!tpu.dma_semaphore, #tpu.memory_space<semaphore_mem>>)
      } else {
      }
      %mul3A_307 = arith.constant 6 : i32
      %mul3A_308 = arith.muli %mul3A_307, %scan3A_134 : i32
      %add3A_309 = arith.constant 5 : i32
      %add3A_310 = arith.addi %mul3A_308, %add3A_309 : i32
      %dma_wait3A_311 = arith.constant 0 : i32
      %dma_wait3A_312 = tpu.memref_slice %arg8[%dma_wait3A_311] : memref<9984xi32, #tpu.memory_space<vmem>> -> memref<128xi32, #tpu.memory_space<vmem>>
      %dma_wait3A_313 = arith.constant 0 : i32
      %dma_wait3A_314 = arith.constant 0 : i32
      %dma_wait3A_315 = tpu.memref_slice %arg2[%dma_wait3A_313, %dma_wait3A_314] : memref<10000x32xf32, #tpu.memory_space<hbm>> -> memref<10000x32xf32, #tpu.memory_space<hbm>>
      tpu.wait_indirect_dma semaphore(%arg31 : memref<!tpu.dma_semaphore, #tpu.memory_space<semaphore_mem>>) src(%dma_wait3A_315 : memref<10000x32xf32, #tpu.memory_space<hbm>>) dst(%arg19 : memref<128x32xf32, #tpu.memory_space<vmem>>)
      %mul3A_316 = arith.constant 128 : i32
      %mul3A_317 = arith.muli %add3A_310, %mul3A_316 : i32
      %add3A_318 = arith.addi %mul3A_2, %mul3A_317 : i32
      %dma_start3A_319 = arith.constant 0 : i32
      %dma_start3A_320 = tpu.memref_slice %arg6[%add3A_318, %dma_start3A_319] : memref<320000x32xf32, #tpu.memory_space<hbm>> -> memref<128x32xf32, #tpu.memory_space<hbm>>
      %dma_start3A_321 = arith.constant 0 : i32
      %dma_start3A_322 = tpu.memref_slice %arg6[%add3A_318, %dma_start3A_321] : memref<320000x32xf32, #tpu.memory_space<hbm>> -> memref<128x32xf32, #tpu.memory_space<hbm>>
      tpu.enqueue_dma source(%arg19 : memref<128x32xf32, #tpu.memory_space<vmem>>) target(%dma_start3A_322 : memref<128x32xf32, #tpu.memory_space<hbm>>) target_semaphore(%arg43 : memref<!tpu.dma_semaphore, #tpu.memory_space<semaphore_mem>>)
      %dma_wait3A_323 = arith.constant 0 : i32
      %dma_wait3A_324 = tpu.memref_slice %arg9[%dma_wait3A_323] : memref<9984xi32, #tpu.memory_space<vmem>> -> memref<128xi32, #tpu.memory_space<vmem>>
      %dma_wait3A_325 = arith.constant 0 : i32
      %dma_wait3A_326 = arith.constant 0 : i32
      %dma_wait3A_327 = tpu.memref_slice %arg3[%dma_wait3A_325, %dma_wait3A_326] : memref<10000x32xf32, #tpu.memory_space<hbm>> -> memref<10000x32xf32, #tpu.memory_space<hbm>>
      tpu.wait_indirect_dma semaphore(%arg37 : memref<!tpu.dma_semaphore, #tpu.memory_space<semaphore_mem>>) src(%dma_wait3A_327 : memref<10000x32xf32, #tpu.memory_space<hbm>>) dst(%arg25 : memref<128x32xf32, #tpu.memory_space<vmem>>)
      %mul3A_328 = arith.constant 128 : i32
      %mul3A_329 = arith.muli %add3A_310, %mul3A_328 : i32
      %add3A_330 = arith.addi %mul3A_2, %mul3A_329 : i32
      %dma_start3A_331 = arith.constant 0 : i32
      %dma_start3A_332 = tpu.memref_slice %arg7[%add3A_330, %dma_start3A_331] : memref<320000x32xf32, #tpu.memory_space<hbm>> -> memref<128x32xf32, #tpu.memory_space<hbm>>
      %dma_start3A_333 = arith.constant 0 : i32
      %dma_start3A_334 = tpu.memref_slice %arg7[%add3A_330, %dma_start3A_333] : memref<320000x32xf32, #tpu.memory_space<hbm>> -> memref<128x32xf32, #tpu.memory_space<hbm>>
      tpu.enqueue_dma source(%arg25 : memref<128x32xf32, #tpu.memory_space<vmem>>) target(%dma_start3A_334 : memref<128x32xf32, #tpu.memory_space<hbm>>) target_semaphore(%arg49 : memref<!tpu.dma_semaphore, #tpu.memory_space<semaphore_mem>>)
      %add3A_335 = arith.constant 6 : i32
      %add3A_336 = arith.addi %add3A_310, %add3A_335 : i32
      %lt3A_337 = arith.constant 78 : i32
      %lt3A_338 = arith.cmpi slt, %add3A_336, %lt3A_337 : i32
      %convert_element_type3A_339 = arith.extui %lt3A_338 : i1 to i32
      %cond3A_340 = arith.constant 0 : i32
      %cond3A_341 = arith.cmpi ne, %convert_element_type3A_339, %cond3A_340 : i32
      scf.if %cond3A_341 {
        %dma_wait3A_342 = arith.constant 0 : i32
        %dma_wait3A_343 = tpu.memref_slice %arg6[%mul3A_2, %dma_wait3A_342] : memref<320000x32xf32, #tpu.memory_space<hbm>> -> memref<128x32xf32, #tpu.memory_space<hbm>>
        %dma_wait3A_344 = arith.constant 0 : i32
        %dma_wait3A_345 = tpu.memref_slice %arg6[%mul3A_2, %dma_wait3A_344] : memref<320000x32xf32, #tpu.memory_space<hbm>> -> memref<128x32xf32, #tpu.memory_space<hbm>>
        tpu.wait_dma2 semaphore(%arg43 : memref<!tpu.dma_semaphore, #tpu.memory_space<semaphore_mem>>) src(%arg19 : memref<128x32xf32, #tpu.memory_space<vmem>>) dst(%dma_wait3A_345 : memref<128x32xf32, #tpu.memory_space<hbm>>)
        %dma_wait3A_346 = arith.constant 0 : i32
        %dma_wait3A_347 = tpu.memref_slice %arg7[%mul3A_2, %dma_wait3A_346] : memref<320000x32xf32, #tpu.memory_space<hbm>> -> memref<128x32xf32, #tpu.memory_space<hbm>>
        %dma_wait3A_348 = arith.constant 0 : i32
        %dma_wait3A_349 = tpu.memref_slice %arg7[%mul3A_2, %dma_wait3A_348] : memref<320000x32xf32, #tpu.memory_space<hbm>> -> memref<128x32xf32, #tpu.memory_space<hbm>>
        tpu.wait_dma2 semaphore(%arg49 : memref<!tpu.dma_semaphore, #tpu.memory_space<semaphore_mem>>) src(%arg25 : memref<128x32xf32, #tpu.memory_space<vmem>>) dst(%dma_wait3A_349 : memref<128x32xf32, #tpu.memory_space<hbm>>)
        %add3A_350 = arith.constant 6 : i32
        %add3A_351 = arith.addi %add3A_310, %add3A_350 : i32
        %mul3A_352 = arith.constant 128 : i32
        %mul3A_353 = arith.muli %add3A_351, %mul3A_352 : i32
        %dma_start3A_354 = tpu.memref_slice %arg8[%mul3A_353] : memref<9984xi32, #tpu.memory_space<vmem>> -> memref<128xi32, #tpu.memory_space<vmem>>
        %dma_start3A_355 = arith.constant 0 : i32
        %dma_start3A_356 = arith.constant 0 : i32
        %dma_start3A_357 = tpu.memref_slice %arg2[%dma_start3A_355, %dma_start3A_356] : memref<10000x32xf32, #tpu.memory_space<hbm>> -> memref<10000x32xf32, #tpu.memory_space<hbm>>
        tpu.enqueue_indirect_dma source(%dma_start3A_357 : memref<10000x32xf32, #tpu.memory_space<hbm>>) target(%arg19 : memref<128x32xf32, #tpu.memory_space<vmem>>) offsets(%dma_start3A_354 : memref<128xi32, #tpu.memory_space<vmem>>) semaphore(%arg31 : memref<!tpu.dma_semaphore, #tpu.memory_space<semaphore_mem>>)
        %mul3A_358 = arith.constant 128 : i32
        %mul3A_359 = arith.muli %add3A_351, %mul3A_358 : i32
        %dma_start3A_360 = tpu.memref_slice %arg9[%mul3A_359] : memref<9984xi32, #tpu.memory_space<vmem>> -> memref<128xi32, #tpu.memory_space<vmem>>
        %dma_start3A_361 = arith.constant 0 : i32
        %dma_start3A_362 = arith.constant 0 : i32
        %dma_start3A_363 = tpu.memref_slice %arg3[%dma_start3A_361, %dma_start3A_362] : memref<10000x32xf32, #tpu.memory_space<hbm>> -> memref<10000x32xf32, #tpu.memory_space<hbm>>
        tpu.enqueue_indirect_dma source(%dma_start3A_363 : memref<10000x32xf32, #tpu.memory_space<hbm>>) target(%arg25 : memref<128x32xf32, #tpu.memory_space<vmem>>) offsets(%dma_start3A_360 : memref<128xi32, #tpu.memory_space<vmem>>) semaphore(%arg37 : memref<!tpu.dma_semaphore, #tpu.memory_space<semaphore_mem>>)
      } else {
      }
    }
    %scan3A_66 = arith.constant 13 : i32
    %dma_wait3A = arith.constant 0 : i32
    %dma_wait3A_67 = tpu.memref_slice %arg6[%mul3A_2, %dma_wait3A] : memref<320000x32xf32, #tpu.memory_space<hbm>> -> memref<128x32xf32, #tpu.memory_space<hbm>>
    %dma_wait3A_68 = arith.constant 0 : i32
    %dma_wait3A_69 = tpu.memref_slice %arg6[%mul3A_2, %dma_wait3A_68] : memref<320000x32xf32, #tpu.memory_space<hbm>> -> memref<128x32xf32, #tpu.memory_space<hbm>>
    tpu.wait_dma2 semaphore(%arg38 : memref<!tpu.dma_semaphore, #tpu.memory_space<semaphore_mem>>) src(%arg14 : memref<128x32xf32, #tpu.memory_space<vmem>>) dst(%dma_wait3A_69 : memref<128x32xf32, #tpu.memory_space<hbm>>)
    %dma_wait3A_70 = arith.constant 0 : i32
    %dma_wait3A_71 = tpu.memref_slice %arg7[%mul3A_2, %dma_wait3A_70] : memref<320000x32xf32, #tpu.memory_space<hbm>> -> memref<128x32xf32, #tpu.memory_space<hbm>>
    %dma_wait3A_72 = arith.constant 0 : i32
    %dma_wait3A_73 = tpu.memref_slice %arg7[%mul3A_2, %dma_wait3A_72] : memref<320000x32xf32, #tpu.memory_space<hbm>> -> memref<128x32xf32, #tpu.memory_space<hbm>>
    tpu.wait_dma2 semaphore(%arg44 : memref<!tpu.dma_semaphore, #tpu.memory_space<semaphore_mem>>) src(%arg20 : memref<128x32xf32, #tpu.memory_space<vmem>>) dst(%dma_wait3A_73 : memref<128x32xf32, #tpu.memory_space<hbm>>)
    %dma_wait3A_74 = arith.constant 0 : i32
    %dma_wait3A_75 = tpu.memref_slice %arg6[%mul3A_2, %dma_wait3A_74] : memref<320000x32xf32, #tpu.memory_space<hbm>> -> memref<128x32xf32, #tpu.memory_space<hbm>>
    %dma_wait3A_76 = arith.constant 0 : i32
    %dma_wait3A_77 = tpu.memref_slice %arg6[%mul3A_2, %dma_wait3A_76] : memref<320000x32xf32, #tpu.memory_space<hbm>> -> memref<128x32xf32, #tpu.memory_space<hbm>>
    tpu.wait_dma2 semaphore(%arg39 : memref<!tpu.dma_semaphore, #tpu.memory_space<semaphore_mem>>) src(%arg15 : memref<128x32xf32, #tpu.memory_space<vmem>>) dst(%dma_wait3A_77 : memref<128x32xf32, #tpu.memory_space<hbm>>)
    %dma_wait3A_78 = arith.constant 0 : i32
    %dma_wait3A_79 = tpu.memref_slice %arg7[%mul3A_2, %dma_wait3A_78] : memref<320000x32xf32, #tpu.memory_space<hbm>> -> memref<128x32xf32, #tpu.memory_space<hbm>>
    %dma_wait3A_80 = arith.constant 0 : i32
    %dma_wait3A_81 = tpu.memref_slice %arg7[%mul3A_2, %dma_wait3A_80] : memref<320000x32xf32, #tpu.memory_space<hbm>> -> memref<128x32xf32, #tpu.memory_space<hbm>>
    tpu.wait_dma2 semaphore(%arg45 : memref<!tpu.dma_semaphore, #tpu.memory_space<semaphore_mem>>) src(%arg21 : memref<128x32xf32, #tpu.memory_space<vmem>>) dst(%dma_wait3A_81 : memref<128x32xf32, #tpu.memory_space<hbm>>)
    %dma_wait3A_82 = arith.constant 0 : i32
    %dma_wait3A_83 = tpu.memref_slice %arg6[%mul3A_2, %dma_wait3A_82] : memref<320000x32xf32, #tpu.memory_space<hbm>> -> memref<128x32xf32, #tpu.memory_space<hbm>>
    %dma_wait3A_84 = arith.constant 0 : i32
    %dma_wait3A_85 = tpu.memref_slice %arg6[%mul3A_2, %dma_wait3A_84] : memref<320000x32xf32, #tpu.memory_space<hbm>> -> memref<128x32xf32, #tpu.memory_space<hbm>>
    tpu.wait_dma2 semaphore(%arg40 : memref<!tpu.dma_semaphore, #tpu.memory_space<semaphore_mem>>) src(%arg16 : memref<128x32xf32, #tpu.memory_space<vmem>>) dst(%dma_wait3A_85 : memref<128x32xf32, #tpu.memory_space<hbm>>)
    %dma_wait3A_86 = arith.constant 0 : i32
    %dma_wait3A_87 = tpu.memref_slice %arg7[%mul3A_2, %dma_wait3A_86] : memref<320000x32xf32, #tpu.memory_space<hbm>> -> memref<128x32xf32, #tpu.memory_space<hbm>>
    %dma_wait3A_88 = arith.constant 0 : i32
    %dma_wait3A_89 = tpu.memref_slice %arg7[%mul3A_2, %dma_wait3A_88] : memref<320000x32xf32, #tpu.memory_space<hbm>> -> memref<128x32xf32, #tpu.memory_space<hbm>>
    tpu.wait_dma2 semaphore(%arg46 : memref<!tpu.dma_semaphore, #tpu.memory_space<semaphore_mem>>) src(%arg22 : memref<128x32xf32, #tpu.memory_space<vmem>>) dst(%dma_wait3A_89 : memref<128x32xf32, #tpu.memory_space<hbm>>)
    %dma_wait3A_90 = arith.constant 0 : i32
    %dma_wait3A_91 = tpu.memref_slice %arg6[%mul3A_2, %dma_wait3A_90] : memref<320000x32xf32, #tpu.memory_space<hbm>> -> memref<128x32xf32, #tpu.memory_space<hbm>>
    %dma_wait3A_92 = arith.constant 0 : i32
    %dma_wait3A_93 = tpu.memref_slice %arg6[%mul3A_2, %dma_wait3A_92] : memref<320000x32xf32, #tpu.memory_space<hbm>> -> memref<128x32xf32, #tpu.memory_space<hbm>>
    tpu.wait_dma2 semaphore(%arg41 : memref<!tpu.dma_semaphore, #tpu.memory_space<semaphore_mem>>) src(%arg17 : memref<128x32xf32, #tpu.memory_space<vmem>>) dst(%dma_wait3A_93 : memref<128x32xf32, #tpu.memory_space<hbm>>)
    %dma_wait3A_94 = arith.constant 0 : i32
    %dma_wait3A_95 = tpu.memref_slice %arg7[%mul3A_2, %dma_wait3A_94] : memref<320000x32xf32, #tpu.memory_space<hbm>> -> memref<128x32xf32, #tpu.memory_space<hbm>>
    %dma_wait3A_96 = arith.constant 0 : i32
    %dma_wait3A_97 = tpu.memref_slice %arg7[%mul3A_2, %dma_wait3A_96] : memref<320000x32xf32, #tpu.memory_space<hbm>> -> memref<128x32xf32, #tpu.memory_space<hbm>>
    tpu.wait_dma2 semaphore(%arg47 : memref<!tpu.dma_semaphore, #tpu.memory_space<semaphore_mem>>) src(%arg23 : memref<128x32xf32, #tpu.memory_space<vmem>>) dst(%dma_wait3A_97 : memref<128x32xf32, #tpu.memory_space<hbm>>)
    %dma_wait3A_98 = arith.constant 0 : i32
    %dma_wait3A_99 = tpu.memref_slice %arg6[%mul3A_2, %dma_wait3A_98] : memref<320000x32xf32, #tpu.memory_space<hbm>> -> memref<128x32xf32, #tpu.memory_space<hbm>>
    %dma_wait3A_100 = arith.constant 0 : i32
    %dma_wait3A_101 = tpu.memref_slice %arg6[%mul3A_2, %dma_wait3A_100] : memref<320000x32xf32, #tpu.memory_space<hbm>> -> memref<128x32xf32, #tpu.memory_space<hbm>>
    tpu.wait_dma2 semaphore(%arg42 : memref<!tpu.dma_semaphore, #tpu.memory_space<semaphore_mem>>) src(%arg18 : memref<128x32xf32, #tpu.memory_space<vmem>>) dst(%dma_wait3A_101 : memref<128x32xf32, #tpu.memory_space<hbm>>)
    %dma_wait3A_102 = arith.constant 0 : i32
    %dma_wait3A_103 = tpu.memref_slice %arg7[%mul3A_2, %dma_wait3A_102] : memref<320000x32xf32, #tpu.memory_space<hbm>> -> memref<128x32xf32, #tpu.memory_space<hbm>>
    %dma_wait3A_104 = arith.constant 0 : i32
    %dma_wait3A_105 = tpu.memref_slice %arg7[%mul3A_2, %dma_wait3A_104] : memref<320000x32xf32, #tpu.memory_space<hbm>> -> memref<128x32xf32, #tpu.memory_space<hbm>>
    tpu.wait_dma2 semaphore(%arg48 : memref<!tpu.dma_semaphore, #tpu.memory_space<semaphore_mem>>) src(%arg24 : memref<128x32xf32, #tpu.memory_space<vmem>>) dst(%dma_wait3A_105 : memref<128x32xf32, #tpu.memory_space<hbm>>)
    %dma_wait3A_106 = arith.constant 0 : i32
    %dma_wait3A_107 = tpu.memref_slice %arg6[%mul3A_2, %dma_wait3A_106] : memref<320000x32xf32, #tpu.memory_space<hbm>> -> memref<128x32xf32, #tpu.memory_space<hbm>>
    %dma_wait3A_108 = arith.constant 0 : i32
    %dma_wait3A_109 = tpu.memref_slice %arg6[%mul3A_2, %dma_wait3A_108] : memref<320000x32xf32, #tpu.memory_space<hbm>> -> memref<128x32xf32, #tpu.memory_space<hbm>>
    tpu.wait_dma2 semaphore(%arg43 : memref<!tpu.dma_semaphore, #tpu.memory_space<semaphore_mem>>) src(%arg19 : memref<128x32xf32, #tpu.memory_space<vmem>>) dst(%dma_wait3A_109 : memref<128x32xf32, #tpu.memory_space<hbm>>)
    %dma_wait3A_110 = arith.constant 0 : i32
    %dma_wait3A_111 = tpu.memref_slice %arg7[%mul3A_2, %dma_wait3A_110] : memref<320000x32xf32, #tpu.memory_space<hbm>> -> memref<128x32xf32, #tpu.memory_space<hbm>>
    %dma_wait3A_112 = arith.constant 0 : i32
    %dma_wait3A_113 = tpu.memref_slice %arg7[%mul3A_2, %dma_wait3A_112] : memref<320000x32xf32, #tpu.memory_space<hbm>> -> memref<128x32xf32, #tpu.memory_space<hbm>>
    tpu.wait_dma2 semaphore(%arg49 : memref<!tpu.dma_semaphore, #tpu.memory_space<semaphore_mem>>) src(%arg25 : memref<128x32xf32, #tpu.memory_space<vmem>>) dst(%dma_wait3A_113 : memref<128x32xf32, #tpu.memory_space<hbm>>)
    %add3A_114 = arith.constant 9984 : i32
    %add3A_115 = arith.addi %mul3A_2, %add3A_114 : i32
    "tpu.region"() ({
      %run_scoped3A = tpu.sem_alloc : memref<!tpu.dma_semaphore, #tpu.memory_space<semaphore_mem>>
      %dma_start3A_134 = tpu.memref_slice %arg4[%add3A_115] : memref<320000xi32, #tpu.memory_space<hbm>> -> memref<16xi32, #tpu.memory_space<hbm>>
      %dma_start3A_135 = tpu.memref_slice %arg4[%add3A_115] : memref<320000xi32, #tpu.memory_space<hbm>> -> memref<16xi32, #tpu.memory_space<hbm>>
      tpu.enqueue_dma source(%dma_start3A_135 : memref<16xi32, #tpu.memory_space<hbm>>) target(%arg10 : memref<16xi32, #tpu.memory_space<vmem>>) target_semaphore(%run_scoped3A : memref<!tpu.dma_semaphore, #tpu.memory_space<semaphore_mem>>)
      %dma_wait3A_136 = tpu.memref_slice %arg4[%add3A_115] : memref<320000xi32, #tpu.memory_space<hbm>> -> memref<16xi32, #tpu.memory_space<hbm>>
      %dma_wait3A_137 = tpu.memref_slice %arg4[%add3A_115] : memref<320000xi32, #tpu.memory_space<hbm>> -> memref<16xi32, #tpu.memory_space<hbm>>
      tpu.wait_dma2 semaphore(%run_scoped3A : memref<!tpu.dma_semaphore, #tpu.memory_space<semaphore_mem>>) src(%dma_wait3A_137 : memref<16xi32, #tpu.memory_space<hbm>>) dst(%arg10 : memref<16xi32, #tpu.memory_space<vmem>>)
      tpu.yield
    }) : () -> ()
    %add3A_116 = arith.constant 9984 : i32
    %add3A_117 = arith.addi %mul3A_2, %add3A_116 : i32
    "tpu.region"() ({
      %run_scoped3A = tpu.sem_alloc : memref<!tpu.dma_semaphore, #tpu.memory_space<semaphore_mem>>
      %dma_start3A_134 = tpu.memref_slice %arg5[%add3A_117] : memref<320000xi32, #tpu.memory_space<hbm>> -> memref<16xi32, #tpu.memory_space<hbm>>
      %dma_start3A_135 = tpu.memref_slice %arg5[%add3A_117] : memref<320000xi32, #tpu.memory_space<hbm>> -> memref<16xi32, #tpu.memory_space<hbm>>
      tpu.enqueue_dma source(%dma_start3A_135 : memref<16xi32, #tpu.memory_space<hbm>>) target(%arg11 : memref<16xi32, #tpu.memory_space<vmem>>) target_semaphore(%run_scoped3A : memref<!tpu.dma_semaphore, #tpu.memory_space<semaphore_mem>>)
      %dma_wait3A_136 = tpu.memref_slice %arg5[%add3A_117] : memref<320000xi32, #tpu.memory_space<hbm>> -> memref<16xi32, #tpu.memory_space<hbm>>
      %dma_wait3A_137 = tpu.memref_slice %arg5[%add3A_117] : memref<320000xi32, #tpu.memory_space<hbm>> -> memref<16xi32, #tpu.memory_space<hbm>>
      tpu.wait_dma2 semaphore(%run_scoped3A : memref<!tpu.dma_semaphore, #tpu.memory_space<semaphore_mem>>) src(%dma_wait3A_137 : memref<16xi32, #tpu.memory_space<hbm>>) dst(%arg11 : memref<16xi32, #tpu.memory_space<vmem>>)
      tpu.yield
    }) : () -> ()
    %dma_start3A_118 = arith.constant 0 : i32
    %dma_start3A_119 = arith.constant 0 : i32
    %dma_start3A_120 = tpu.memref_slice %arg2[%dma_start3A_118, %dma_start3A_119] : memref<10000x32xf32, #tpu.memory_space<hbm>> -> memref<10000x32xf32, #tpu.memory_space<hbm>>
    tpu.enqueue_indirect_dma source(%dma_start3A_120 : memref<10000x32xf32, #tpu.memory_space<hbm>>) target(%arg12 : memref<16x32xf32, #tpu.memory_space<vmem>>) offsets(%arg10 : memref<16xi32, #tpu.memory_space<vmem>>) semaphore(%arg26 : memref<!tpu.dma_semaphore, #tpu.memory_space<semaphore_mem>>)
    %dma_start3A_121 = arith.constant 0 : i32
    %dma_start3A_122 = arith.constant 0 : i32
    %dma_start3A_123 = tpu.memref_slice %arg3[%dma_start3A_121, %dma_start3A_122] : memref<10000x32xf32, #tpu.memory_space<hbm>> -> memref<10000x32xf32, #tpu.memory_space<hbm>>
    tpu.enqueue_indirect_dma source(%dma_start3A_123 : memref<10000x32xf32, #tpu.memory_space<hbm>>) target(%arg13 : memref<16x32xf32, #tpu.memory_space<vmem>>) offsets(%arg11 : memref<16xi32, #tpu.memory_space<vmem>>) semaphore(%arg32 : memref<!tpu.dma_semaphore, #tpu.memory_space<semaphore_mem>>)
    %dma_wait3A_124 = arith.constant 0 : i32
    %dma_wait3A_125 = arith.constant 0 : i32
    %dma_wait3A_126 = tpu.memref_slice %arg2[%dma_wait3A_124, %dma_wait3A_125] : memref<10000x32xf32, #tpu.memory_space<hbm>> -> memref<10000x32xf32, #tpu.memory_space<hbm>>
    tpu.wait_indirect_dma semaphore(%arg26 : memref<!tpu.dma_semaphore, #tpu.memory_space<semaphore_mem>>) src(%dma_wait3A_126 : memref<10000x32xf32, #tpu.memory_space<hbm>>) dst(%arg12 : memref<16x32xf32, #tpu.memory_space<vmem>>)
    %add3A_127 = arith.constant 9984 : i32
    %add3A_128 = arith.addi %mul3A_2, %add3A_127 : i32
    "tpu.region"() ({
      %run_scoped3A = tpu.sem_alloc : memref<!tpu.dma_semaphore, #tpu.memory_space<semaphore_mem>>
      %dma_start3A_134 = arith.constant 0 : i32
      %dma_start3A_135 = tpu.memref_slice %arg6[%add3A_128, %dma_start3A_134] : memref<320000x32xf32, #tpu.memory_space<hbm>> -> memref<16x32xf32, #tpu.memory_space<hbm>>
      %dma_start3A_136 = arith.constant 0 : i32
      %dma_start3A_137 = tpu.memref_slice %arg6[%add3A_128, %dma_start3A_136] : memref<320000x32xf32, #tpu.memory_space<hbm>> -> memref<16x32xf32, #tpu.memory_space<hbm>>
      tpu.enqueue_dma source(%arg12 : memref<16x32xf32, #tpu.memory_space<vmem>>) target(%dma_start3A_137 : memref<16x32xf32, #tpu.memory_space<hbm>>) target_semaphore(%run_scoped3A : memref<!tpu.dma_semaphore, #tpu.memory_space<semaphore_mem>>)
      %dma_wait3A_138 = arith.constant 0 : i32
      %dma_wait3A_139 = tpu.memref_slice %arg6[%add3A_128, %dma_wait3A_138] : memref<320000x32xf32, #tpu.memory_space<hbm>> -> memref<16x32xf32, #tpu.memory_space<hbm>>
      %dma_wait3A_140 = arith.constant 0 : i32
      %dma_wait3A_141 = tpu.memref_slice %arg6[%add3A_128, %dma_wait3A_140] : memref<320000x32xf32, #tpu.memory_space<hbm>> -> memref<16x32xf32, #tpu.memory_space<hbm>>
      tpu.wait_dma2 semaphore(%run_scoped3A : memref<!tpu.dma_semaphore, #tpu.memory_space<semaphore_mem>>) src(%arg12 : memref<16x32xf32, #tpu.memory_space<vmem>>) dst(%dma_wait3A_141 : memref<16x32xf32, #tpu.memory_space<hbm>>)
      tpu.yield
    }) : () -> ()
    %dma_wait3A_129 = arith.constant 0 : i32
    %dma_wait3A_130 = arith.constant 0 : i32
    %dma_wait3A_131 = tpu.memref_slice %arg3[%dma_wait3A_129, %dma_wait3A_130] : memref<10000x32xf32, #tpu.memory_space<hbm>> -> memref<10000x32xf32, #tpu.memory_space<hbm>>
    tpu.wait_indirect_dma semaphore(%arg32 : memref<!tpu.dma_semaphore, #tpu.memory_space<semaphore_mem>>) src(%dma_wait3A_131 : memref<10000x32xf32, #tpu.memory_space<hbm>>) dst(%arg13 : memref<16x32xf32, #tpu.memory_space<vmem>>)
    %add3A_132 = arith.constant 9984 : i32
    %add3A_133 = arith.addi %mul3A_2, %add3A_132 : i32
    "tpu.region"() ({
      %run_scoped3A = tpu.sem_alloc : memref<!tpu.dma_semaphore, #tpu.memory_space<semaphore_mem>>
      %dma_start3A_134 = arith.constant 0 : i32
      %dma_start3A_135 = tpu.memref_slice %arg7[%add3A_133, %dma_start3A_134] : memref<320000x32xf32, #tpu.memory_space<hbm>> -> memref<16x32xf32, #tpu.memory_space<hbm>>
      %dma_start3A_136 = arith.constant 0 : i32
      %dma_start3A_137 = tpu.memref_slice %arg7[%add3A_133, %dma_start3A_136] : memref<320000x32xf32, #tpu.memory_space<hbm>> -> memref<16x32xf32, #tpu.memory_space<hbm>>
      tpu.enqueue_dma source(%arg13 : memref<16x32xf32, #tpu.memory_space<vmem>>) target(%dma_start3A_137 : memref<16x32xf32, #tpu.memory_space<hbm>>) target_semaphore(%run_scoped3A : memref<!tpu.dma_semaphore, #tpu.memory_space<semaphore_mem>>)
      %dma_wait3A_138 = arith.constant 0 : i32
      %dma_wait3A_139 = tpu.memref_slice %arg7[%add3A_133, %dma_wait3A_138] : memref<320000x32xf32, #tpu.memory_space<hbm>> -> memref<16x32xf32, #tpu.memory_space<hbm>>
      %dma_wait3A_140 = arith.constant 0 : i32
      %dma_wait3A_141 = tpu.memref_slice %arg7[%add3A_133, %dma_wait3A_140] : memref<320000x32xf32, #tpu.memory_space<hbm>> -> memref<16x32xf32, #tpu.memory_space<hbm>>
      tpu.wait_dma2 semaphore(%run_scoped3A : memref<!tpu.dma_semaphore, #tpu.memory_space<semaphore_mem>>) src(%arg13 : memref<16x32xf32, #tpu.memory_space<vmem>>) dst(%dma_wait3A_141 : memref<16x32xf32, #tpu.memory_space<hbm>>)
      tpu.yield
    }) : () -> ()
    return
  }
}

module attributes {stable_mosaic.version = 14 : i64} {
  func.func @_tc1_body(%arg0: i32, %arg1: memref<2000x128xf32, #tpu.memory_space<vmem>>, %arg2: memref<128x64xf32, #tpu.memory_space<vmem>>, %arg3: memref<2000x1xf32, #tpu.memory_space<vmem>>, %arg4: memref<2000x1xf32, #tpu.memory_space<vmem>>, %arg5: memref<2000x64xf32, #tpu.memory_space<vmem>>, %arg6: memref<2000x1xf32, #tpu.memory_space<vmem>>) attributes {dimension_semantics = [#tpu.dimension_semantics<arbitrary>], iteration_bounds = array<i64: 5>, scalar_prefetch = 0 : i64, scratch_operands = 0 : i64, tpu.core_type = #tpu.core_type<tc>, window_params = [{transform_indices = @transform_0, window_bounds = array<i64: 2000, 128>}, {pipeline_mode = #tpu.pipeline_mode<synchronous>, transform_indices = @transform_1, window_bounds = array<i64: 128, 64>}, {transform_indices = @transform_2, window_bounds = array<i64: 2000, 1>}, {transform_indices = @transform_3, window_bounds = array<i64: 2000, 1>}, {transform_indices = @transform_4, window_bounds = array<i64: 2000, 64>}, {transform_indices = @transform_5, window_bounds = array<i64: 2000, 1>}]} {
    %get3A = arith.constant 0 : index
    %get3A_0 = arith.constant 0 : index
    %get3A_1 = vector.load %arg3[%get3A, %get3A_0] : memref<2000x1xf32, #tpu.memory_space<vmem>>, vector<2000x1xf32>
    %get3A_2 = arith.constant 0 : index
    %get3A_3 = arith.constant 0 : index
    %get3A_4 = vector.load %arg4[%get3A_2, %get3A_3] : memref<2000x1xf32, #tpu.memory_space<vmem>>, vector<2000x1xf32>
    %add3A = arith.addf %get3A_1, %get3A_4 : vector<2000x1xf32>
    %add3A_5 = arith.constant 1.000000e+00 : f32
    %add3A_6 = vector.broadcast %add3A_5 : f32 to vector<2000x1xf32>
    %add3A_7 = arith.addf %add3A, %add3A_6 : vector<2000x1xf32>
    %rsqrt3A = math.rsqrt %add3A_7 : vector<2000x1xf32>
    %get3A_8 = arith.constant 0 : index
    %get3A_9 = arith.constant 0 : index
    %get3A_10 = vector.load %arg1[%get3A_8, %get3A_9] : memref<2000x128xf32, #tpu.memory_space<vmem>>, vector<2000x128xf32>
    %get3A_11 = arith.constant 0 : index
    %get3A_12 = arith.constant 0 : index
    %get3A_13 = vector.load %arg2[%get3A_11, %get3A_12] : memref<128x64xf32, #tpu.memory_space<vmem>>, vector<128x64xf32>
    %dot_general3A = arith.constant dense<0.000000e+00> : vector<2000x64xf32>
    %dot_general3A_14 = tpu.matmul %get3A_10, %get3A_13, %dot_general3A {dimension_numbers = #tpu.dot_dimension_numbers<[1], [0], [0], [1], [0, 0, 1, 1], [], []>, transpose_lhs_hint = false} : vector<2000x128xf32>, vector<128x64xf32>, vector<2000x64xf32> -> vector<2000x64xf32>
    %mul3A = vector.broadcast %rsqrt3A : vector<2000x1xf32> to vector<2000x64xf32>
    %mul3A_15 = arith.mulf %dot_general3A_14, %mul3A : vector<2000x64xf32>
    %swap3A = arith.constant 0 : index
    %swap3A_16 = arith.constant 0 : index
    %swap3A_17 = vector.load %arg5[%swap3A, %swap3A_16] : memref<2000x64xf32, #tpu.memory_space<vmem>>, vector<2000x64xf32>
    tpu.vector_store %arg5[%swap3A, %swap3A_16], %mul3A_15 {strides = array<i32>} : memref<2000x64xf32, #tpu.memory_space<vmem>>, vector<2000x64xf32>,
    %swap3A_18 = arith.constant 0 : index
    %swap3A_19 = arith.constant 0 : index
    %swap3A_20 = vector.load %arg6[%swap3A_18, %swap3A_19] : memref<2000x1xf32, #tpu.memory_space<vmem>>, vector<2000x1xf32>
    tpu.vector_store %arg6[%swap3A_18, %swap3A_19], %rsqrt3A {strides = array<i32>} : memref<2000x1xf32, #tpu.memory_space<vmem>>, vector<2000x1xf32>,
    return
  }
  func.func @transform_0(%arg0: i32) -> (i32, i32) {
    %c0_i32 = arith.constant 0 : i32
    %c0_i32_0 = arith.constant 0 : i32
    return %arg0, %c0_i32 : i32, i32
  }
  func.func @transform_1(%arg0: i32) -> (i32, i32) {
    %c0_i32 = arith.constant 0 : i32
    %c0_i32_0 = arith.constant 0 : i32
    %c0_i32_1 = arith.constant 0 : i32
    return %c0_i32, %c0_i32_0 : i32, i32
  }
  func.func @transform_2(%arg0: i32) -> (i32, i32) {
    %c0_i32 = arith.constant 0 : i32
    %c0_i32_0 = arith.constant 0 : i32
    return %arg0, %c0_i32 : i32, i32
  }
  func.func @transform_3(%arg0: i32) -> (i32, i32) {
    %c0_i32 = arith.constant 0 : i32
    %c0_i32_0 = arith.constant 0 : i32
    return %arg0, %c0_i32 : i32, i32
  }
  func.func @transform_4(%arg0: i32) -> (i32, i32) {
    %c0_i32 = arith.constant 0 : i32
    %c0_i32_0 = arith.constant 0 : i32
    return %arg0, %c0_i32 : i32, i32
  }
  func.func @transform_5(%arg0: i32) -> (i32, i32) {
    %c0_i32 = arith.constant 0 : i32
    %c0_i32_0 = arith.constant 0 : i32
    return %arg0, %c0_i32 : i32, i32
  }
}

module attributes {stable_mosaic.version = 14 : i64} {
  func.func @_tc2_body(%arg0: i32, %arg1: memref<2000x64xf32, #tpu.memory_space<vmem>>, %arg2: memref<2000x64xf32, #tpu.memory_space<vmem>>, %arg3: memref<2000x64xf32, #tpu.memory_space<vmem>>, %arg4: memref<2000x1xf32, #tpu.memory_space<vmem>>, %arg5: memref<64x64xf32, #tpu.memory_space<vmem>>, %arg6: memref<1x64xf32, #tpu.memory_space<vmem>>, %arg7: memref<1x64xf32, #tpu.memory_space<vmem>>, %arg8: memref<1x64xf32, #tpu.memory_space<vmem>>, %arg9: memref<2000x64xf32, #tpu.memory_space<vmem>>) attributes {dimension_semantics = [#tpu.dimension_semantics<arbitrary>], iteration_bounds = array<i64: 5>, scalar_prefetch = 0 : i64, scratch_operands = 0 : i64, tpu.core_type = #tpu.core_type<tc>, window_params = [{transform_indices = @transform_0, window_bounds = array<i64: 2000, 64>}, {transform_indices = @transform_1, window_bounds = array<i64: 2000, 64>}, {transform_indices = @transform_2, window_bounds = array<i64: 2000, 64>}, {transform_indices = @transform_3, window_bounds = array<i64: 2000, 1>}, {pipeline_mode = #tpu.pipeline_mode<synchronous>, transform_indices = @transform_4, window_bounds = array<i64: 64, 64>}, {pipeline_mode = #tpu.pipeline_mode<synchronous>, transform_indices = @transform_5, window_bounds = array<i64: 1, 64>}, {pipeline_mode = #tpu.pipeline_mode<synchronous>, transform_indices = @transform_6, window_bounds = array<i64: 1, 64>}, {pipeline_mode = #tpu.pipeline_mode<synchronous>, transform_indices = @transform_7, window_bounds = array<i64: 1, 64>}, {transform_indices = @transform_8, window_bounds = array<i64: 2000, 64>}]} {
    %get3A = arith.constant 0 : index
    %get3A_0 = arith.constant 0 : index
    %get3A_1 = vector.load %arg1[%get3A, %get3A_0] : memref<2000x64xf32, #tpu.memory_space<vmem>>, vector<2000x64xf32>
    %get3A_2 = arith.constant 0 : index
    %get3A_3 = arith.constant 0 : index
    %get3A_4 = vector.load %arg2[%get3A_2, %get3A_3] : memref<2000x64xf32, #tpu.memory_space<vmem>>, vector<2000x64xf32>
    %get3A_5 = arith.constant 0 : index
    %get3A_6 = arith.constant 0 : index
    %get3A_7 = vector.load %arg3[%get3A_5, %get3A_6] : memref<2000x64xf32, #tpu.memory_space<vmem>>, vector<2000x64xf32>
    %get3A_8 = arith.constant 0 : index
    %get3A_9 = arith.constant 0 : index
    %get3A_10 = vector.load %arg4[%get3A_8, %get3A_9] : memref<2000x1xf32, #tpu.memory_space<vmem>>, vector<2000x1xf32>
    %get3A_11 = arith.constant 0 : index
    %get3A_12 = arith.constant 0 : index
    %get3A_13 = vector.load %arg6[%get3A_11, %get3A_12] : memref<1x64xf32, #tpu.memory_space<vmem>>, vector<1x64xf32>
    %get3A_14 = arith.constant 0 : index
    %get3A_15 = arith.constant 0 : index
    %get3A_16 = vector.load %arg7[%get3A_14, %get3A_15] : memref<1x64xf32, #tpu.memory_space<vmem>>, vector<1x64xf32>
    %get3A_17 = arith.constant 0 : index
    %get3A_18 = arith.constant 0 : index
    %get3A_19 = vector.load %arg8[%get3A_17, %get3A_18] : memref<1x64xf32, #tpu.memory_space<vmem>>, vector<1x64xf32>
    %add3A = arith.addf %get3A_1, %get3A_4 : vector<2000x64xf32>
    %add3A_20 = arith.addf %add3A, %get3A_7 : vector<2000x64xf32>
    %mul3A = vector.broadcast %get3A_10 : vector<2000x1xf32> to vector<2000x64xf32>
    %mul3A_21 = arith.mulf %mul3A, %add3A_20 : vector<2000x64xf32>
    %add3A_22 = vector.broadcast %get3A_13 : vector<1x64xf32> to vector<2000x64xf32>
    %add3A_23 = arith.addf %mul3A_21, %add3A_22 : vector<2000x64xf32>
    %reduce_sum3A = arith.constant dense<0.000000e+00> : vector<2000xf32>
    %reduce_sum3A_24 = vector.multi_reduction <add>, %add3A_23, %reduce_sum3A [1] : vector<2000x64xf32> to vector<2000xf32>
    %broadcast_in_dim3A = vector.shape_cast %reduce_sum3A_24 : vector<2000xf32> to vector<2000x1xf32>
    %div3A = arith.constant 6.400000e+01 : f32
    %div3A_25 = vector.broadcast %div3A : f32 to vector<2000x1xf32>
    %div3A_26 = arith.divf %broadcast_in_dim3A, %div3A_25 : vector<2000x1xf32>
    %sub3A = vector.broadcast %div3A_26 : vector<2000x1xf32> to vector<2000x64xf32>
    %sub3A_27 = arith.subf %add3A_23, %sub3A : vector<2000x64xf32>
    %mul3A_28 = arith.mulf %sub3A_27, %sub3A_27 : vector<2000x64xf32>
    %reduce_sum3A_29 = arith.constant dense<0.000000e+00> : vector<2000xf32>
    %reduce_sum3A_30 = vector.multi_reduction <add>, %mul3A_28, %reduce_sum3A_29 [1] : vector<2000x64xf32> to vector<2000xf32>
    %broadcast_in_dim3A_31 = vector.shape_cast %reduce_sum3A_30 : vector<2000xf32> to vector<2000x1xf32>
    %div3A_32 = arith.constant 6.400000e+01 : f32
    %div3A_33 = vector.broadcast %div3A_32 : f32 to vector<2000x1xf32>
    %div3A_34 = arith.divf %broadcast_in_dim3A_31, %div3A_33 : vector<2000x1xf32>
    %add3A_35 = arith.constant 9.99999974E-6 : f32
    %add3A_36 = vector.broadcast %add3A_35 : f32 to vector<2000x1xf32>
    %add3A_37 = arith.addf %div3A_34, %add3A_36 : vector<2000x1xf32>
    %rsqrt3A = math.rsqrt %add3A_37 : vector<2000x1xf32>
    %mul3A_38 = vector.broadcast %rsqrt3A : vector<2000x1xf32> to vector<2000x64xf32>
    %mul3A_39 = arith.mulf %sub3A_27, %mul3A_38 : vector<2000x64xf32>
    %mul3A_40 = vector.broadcast %get3A_16 : vector<1x64xf32> to vector<2000x64xf32>
    %mul3A_41 = arith.mulf %mul3A_39, %mul3A_40 : vector<2000x64xf32>
    %add3A_42 = vector.broadcast %get3A_19 : vector<1x64xf32> to vector<2000x64xf32>
    %add3A_43 = arith.addf %mul3A_41, %add3A_42 : vector<2000x64xf32>
    %max3A = arith.constant 0.000000e+00 : f32
    %max3A_44 = vector.broadcast %max3A : f32 to vector<2000x64xf32>
    %max3A_45 = arith.maximumf %add3A_43, %max3A_44 : vector<2000x64xf32>
    %get3A_46 = arith.constant 0 : index
    %get3A_47 = arith.constant 0 : index
    %get3A_48 = vector.load %arg5[%get3A_46, %get3A_47] : memref<64x64xf32, #tpu.memory_space<vmem>>, vector<64x64xf32>
    %dot_general3A = arith.constant dense<0.000000e+00> : vector<2000x64xf32>
    %dot_general3A_49 = tpu.matmul %max3A_45, %get3A_48, %dot_general3A {dimension_numbers = #tpu.dot_dimension_numbers<[1], [0], [0], [1], [0, 0, 1, 1], [], []>, transpose_lhs_hint = false} : vector<2000x64xf32>, vector<64x64xf32>, vector<2000x64xf32> -> vector<2000x64xf32>
    %get3A_50 = arith.constant 0 : index
    %get3A_51 = arith.constant 0 : index
    %get3A_52 = vector.load %arg4[%get3A_50, %get3A_51] : memref<2000x1xf32, #tpu.memory_space<vmem>>, vector<2000x1xf32>
    %mul3A_53 = vector.broadcast %get3A_52 : vector<2000x1xf32> to vector<2000x64xf32>
    %mul3A_54 = arith.mulf %dot_general3A_49, %mul3A_53 : vector<2000x64xf32>
    %swap3A = arith.constant 0 : index
    %swap3A_55 = arith.constant 0 : index
    %swap3A_56 = vector.load %arg9[%swap3A, %swap3A_55] : memref<2000x64xf32, #tpu.memory_space<vmem>>, vector<2000x64xf32>
    tpu.vector_store %arg9[%swap3A, %swap3A_55], %mul3A_54 {strides = array<i32>} : memref<2000x64xf32, #tpu.memory_space<vmem>>, vector<2000x64xf32>,
    return
  }
  func.func @transform_0(%arg0: i32) -> (i32, i32) {
    %c0_i32 = arith.constant 0 : i32
    %c0_i32_0 = arith.constant 0 : i32
    return %arg0, %c0_i32 : i32, i32
  }
  func.func @transform_1(%arg0: i32) -> (i32, i32) {
    %c0_i32 = arith.constant 0 : i32
    %c0_i32_0 = arith.constant 0 : i32
    return %arg0, %c0_i32 : i32, i32
  }
  func.func @transform_2(%arg0: i32) -> (i32, i32) {
    %c0_i32 = arith.constant 0 : i32
    %c0_i32_0 = arith.constant 0 : i32
    return %arg0, %c0_i32 : i32, i32
  }
  func.func @transform_3(%arg0: i32) -> (i32, i32) {
    %c0_i32 = arith.constant 0 : i32
    %c0_i32_0 = arith.constant 0 : i32
    return %arg0, %c0_i32 : i32, i32
  }
  func.func @transform_4(%arg0: i32) -> (i32, i32) {
    %c0_i32 = arith.constant 0 : i32
    %c0_i32_0 = arith.constant 0 : i32
    %c0_i32_1 = arith.constant 0 : i32
    return %c0_i32, %c0_i32_0 : i32, i32
  }
  func.func @transform_5(%arg0: i32) -> (i32, i32) {
    %c0_i32 = arith.constant 0 : i32
    %c0_i32_0 = arith.constant 0 : i32
    %c0_i32_1 = arith.constant 0 : i32
    return %c0_i32, %c0_i32_0 : i32, i32
  }
  func.func @transform_6(%arg0: i32) -> (i32, i32) {
    %c0_i32 = arith.constant 0 : i32
    %c0_i32_0 = arith.constant 0 : i32
    %c0_i32_1 = arith.constant 0 : i32
    return %c0_i32, %c0_i32_0 : i32, i32
  }
  func.func @transform_7(%arg0: i32) -> (i32, i32) {
    %c0_i32 = arith.constant 0 : i32
    %c0_i32_0 = arith.constant 0 : i32
    %c0_i32_1 = arith.constant 0 : i32
    return %c0_i32, %c0_i32_0 : i32, i32
  }
  func.func @transform_8(%arg0: i32) -> (i32, i32) {
    %c0_i32 = arith.constant 0 : i32
    %c0_i32_0 = arith.constant 0 : i32
    return %arg0, %c0_i32 : i32, i32
  }
}

module attributes {stable_mosaic.version = 14 : i64} {
  func.func @_tc3_body(%arg0: i32, %arg1: memref<2048x64xf32, #tpu.memory_space<vmem>>, %arg2: memref<2048x64xf32, #tpu.memory_space<vmem>>, %arg3: memref<2048x64xf32, #tpu.memory_space<vmem>>, %arg4: memref<2048x1xf32, #tpu.memory_space<vmem>>, %arg5: memref<64x32xf32, #tpu.memory_space<vmem>>, %arg6: memref<64x32xf32, #tpu.memory_space<vmem>>, %arg7: memref<1x64xf32, #tpu.memory_space<vmem>>, %arg8: memref<1x64xf32, #tpu.memory_space<vmem>>, %arg9: memref<1x64xf32, #tpu.memory_space<vmem>>, %arg10: memref<2048x32xf32, #tpu.memory_space<vmem>>, %arg11: memref<2048x32xf32, #tpu.memory_space<vmem>>) attributes {dimension_semantics = [#tpu.dimension_semantics<arbitrary>], iteration_bounds = array<i64: 5>, scalar_prefetch = 0 : i64, scratch_operands = 0 : i64, tpu.core_type = #tpu.core_type<tc>, window_params = [{transform_indices = @transform_0, window_bounds = array<i64: 2048, 64>}, {transform_indices = @transform_1, window_bounds = array<i64: 2048, 64>}, {transform_indices = @transform_2, window_bounds = array<i64: 2048, 64>}, {transform_indices = @transform_3, window_bounds = array<i64: 2048, 1>}, {pipeline_mode = #tpu.pipeline_mode<synchronous>, transform_indices = @transform_4, window_bounds = array<i64: 64, 32>}, {pipeline_mode = #tpu.pipeline_mode<synchronous>, transform_indices = @transform_5, window_bounds = array<i64: 64, 32>}, {pipeline_mode = #tpu.pipeline_mode<synchronous>, transform_indices = @transform_6, window_bounds = array<i64: 1, 64>}, {pipeline_mode = #tpu.pipeline_mode<synchronous>, transform_indices = @transform_7, window_bounds = array<i64: 1, 64>}, {pipeline_mode = #tpu.pipeline_mode<synchronous>, transform_indices = @transform_8, window_bounds = array<i64: 1, 64>}, {transform_indices = @transform_9, window_bounds = array<i64: 2048, 32>}, {transform_indices = @transform_10, window_bounds = array<i64: 2048, 32>}]} {
    %get3A = arith.constant 0 : index
    %get3A_0 = arith.constant 0 : index
    %get3A_1 = vector.load %arg1[%get3A, %get3A_0] : memref<2048x64xf32, #tpu.memory_space<vmem>>, vector<2048x64xf32>
    %get3A_2 = arith.constant 0 : index
    %get3A_3 = arith.constant 0 : index
    %get3A_4 = vector.load %arg2[%get3A_2, %get3A_3] : memref<2048x64xf32, #tpu.memory_space<vmem>>, vector<2048x64xf32>
    %get3A_5 = arith.constant 0 : index
    %get3A_6 = arith.constant 0 : index
    %get3A_7 = vector.load %arg3[%get3A_5, %get3A_6] : memref<2048x64xf32, #tpu.memory_space<vmem>>, vector<2048x64xf32>
    %get3A_8 = arith.constant 0 : index
    %get3A_9 = arith.constant 0 : index
    %get3A_10 = vector.load %arg4[%get3A_8, %get3A_9] : memref<2048x1xf32, #tpu.memory_space<vmem>>, vector<2048x1xf32>
    %get3A_11 = arith.constant 0 : index
    %get3A_12 = arith.constant 0 : index
    %get3A_13 = vector.load %arg7[%get3A_11, %get3A_12] : memref<1x64xf32, #tpu.memory_space<vmem>>, vector<1x64xf32>
    %get3A_14 = arith.constant 0 : index
    %get3A_15 = arith.constant 0 : index
    %get3A_16 = vector.load %arg8[%get3A_14, %get3A_15] : memref<1x64xf32, #tpu.memory_space<vmem>>, vector<1x64xf32>
    %get3A_17 = arith.constant 0 : index
    %get3A_18 = arith.constant 0 : index
    %get3A_19 = vector.load %arg9[%get3A_17, %get3A_18] : memref<1x64xf32, #tpu.memory_space<vmem>>, vector<1x64xf32>
    %add3A = arith.addf %get3A_1, %get3A_4 : vector<2048x64xf32>
    %add3A_20 = arith.addf %add3A, %get3A_7 : vector<2048x64xf32>
    %mul3A = vector.broadcast %get3A_10 : vector<2048x1xf32> to vector<2048x64xf32>
    %mul3A_21 = arith.mulf %mul3A, %add3A_20 : vector<2048x64xf32>
    %add3A_22 = vector.broadcast %get3A_13 : vector<1x64xf32> to vector<2048x64xf32>
    %add3A_23 = arith.addf %mul3A_21, %add3A_22 : vector<2048x64xf32>
    %reduce_sum3A = arith.constant dense<0.000000e+00> : vector<2048xf32>
    %reduce_sum3A_24 = vector.multi_reduction <add>, %add3A_23, %reduce_sum3A [1] : vector<2048x64xf32> to vector<2048xf32>
    %broadcast_in_dim3A = vector.shape_cast %reduce_sum3A_24 : vector<2048xf32> to vector<2048x1xf32>
    %div3A = arith.constant 6.400000e+01 : f32
    %div3A_25 = vector.broadcast %div3A : f32 to vector<2048x1xf32>
    %div3A_26 = arith.divf %broadcast_in_dim3A, %div3A_25 : vector<2048x1xf32>
    %sub3A = vector.broadcast %div3A_26 : vector<2048x1xf32> to vector<2048x64xf32>
    %sub3A_27 = arith.subf %add3A_23, %sub3A : vector<2048x64xf32>
    %mul3A_28 = arith.mulf %sub3A_27, %sub3A_27 : vector<2048x64xf32>
    %reduce_sum3A_29 = arith.constant dense<0.000000e+00> : vector<2048xf32>
    %reduce_sum3A_30 = vector.multi_reduction <add>, %mul3A_28, %reduce_sum3A_29 [1] : vector<2048x64xf32> to vector<2048xf32>
    %broadcast_in_dim3A_31 = vector.shape_cast %reduce_sum3A_30 : vector<2048xf32> to vector<2048x1xf32>
    %div3A_32 = arith.constant 6.400000e+01 : f32
    %div3A_33 = vector.broadcast %div3A_32 : f32 to vector<2048x1xf32>
    %div3A_34 = arith.divf %broadcast_in_dim3A_31, %div3A_33 : vector<2048x1xf32>
    %add3A_35 = arith.constant 9.99999974E-6 : f32
    %add3A_36 = vector.broadcast %add3A_35 : f32 to vector<2048x1xf32>
    %add3A_37 = arith.addf %div3A_34, %add3A_36 : vector<2048x1xf32>
    %rsqrt3A = math.rsqrt %add3A_37 : vector<2048x1xf32>
    %mul3A_38 = vector.broadcast %rsqrt3A : vector<2048x1xf32> to vector<2048x64xf32>
    %mul3A_39 = arith.mulf %sub3A_27, %mul3A_38 : vector<2048x64xf32>
    %mul3A_40 = vector.broadcast %get3A_16 : vector<1x64xf32> to vector<2048x64xf32>
    %mul3A_41 = arith.mulf %mul3A_39, %mul3A_40 : vector<2048x64xf32>
    %add3A_42 = vector.broadcast %get3A_19 : vector<1x64xf32> to vector<2048x64xf32>
    %add3A_43 = arith.addf %mul3A_41, %add3A_42 : vector<2048x64xf32>
    %max3A = arith.constant 0.000000e+00 : f32
    %max3A_44 = vector.broadcast %max3A : f32 to vector<2048x64xf32>
    %max3A_45 = arith.maximumf %add3A_43, %max3A_44 : vector<2048x64xf32>
    %get3A_46 = arith.constant 0 : index
    %get3A_47 = arith.constant 0 : index
    %get3A_48 = vector.load %arg5[%get3A_46, %get3A_47] : memref<64x32xf32, #tpu.memory_space<vmem>>, vector<64x32xf32>
    %dot_general3A = arith.constant dense<0.000000e+00> : vector<2048x32xf32>
    %dot_general3A_49 = tpu.matmul %max3A_45, %get3A_48, %dot_general3A {dimension_numbers = #tpu.dot_dimension_numbers<[1], [0], [0], [1], [0, 0, 1, 1], [], []>, transpose_lhs_hint = false} : vector<2048x64xf32>, vector<64x32xf32>, vector<2048x32xf32> -> vector<2048x32xf32>
    %get3A_50 = arith.constant 0 : index
    %get3A_51 = arith.constant 0 : index
    %get3A_52 = vector.load %arg6[%get3A_50, %get3A_51] : memref<64x32xf32, #tpu.memory_space<vmem>>, vector<64x32xf32>
    %dot_general3A_53 = arith.constant dense<0.000000e+00> : vector<2048x32xf32>
    %dot_general3A_54 = tpu.matmul %max3A_45, %get3A_52, %dot_general3A_53 {dimension_numbers = #tpu.dot_dimension_numbers<[1], [0], [0], [1], [0, 0, 1, 1], [], []>, transpose_lhs_hint = false} : vector<2048x64xf32>, vector<64x32xf32>, vector<2048x32xf32> -> vector<2048x32xf32>
    %swap3A = arith.constant 0 : index
    %swap3A_55 = arith.constant 0 : index
    %swap3A_56 = vector.load %arg10[%swap3A, %swap3A_55] : memref<2048x32xf32, #tpu.memory_space<vmem>>, vector<2048x32xf32>
    tpu.vector_store %arg10[%swap3A, %swap3A_55], %dot_general3A_49 {strides = array<i32>} : memref<2048x32xf32, #tpu.memory_space<vmem>>, vector<2048x32xf32>,
    %swap3A_57 = arith.constant 0 : index
    %swap3A_58 = arith.constant 0 : index
    %swap3A_59 = vector.load %arg11[%swap3A_57, %swap3A_58] : memref<2048x32xf32, #tpu.memory_space<vmem>>, vector<2048x32xf32>
    tpu.vector_store %arg11[%swap3A_57, %swap3A_58], %dot_general3A_54 {strides = array<i32>} : memref<2048x32xf32, #tpu.memory_space<vmem>>, vector<2048x32xf32>,
    return
  }
  func.func @transform_0(%arg0: i32) -> (i32, i32) {
    %c0_i32 = arith.constant 0 : i32
    %c0_i32_0 = arith.constant 0 : i32
    return %arg0, %c0_i32 : i32, i32
  }
  func.func @transform_1(%arg0: i32) -> (i32, i32) {
    %c0_i32 = arith.constant 0 : i32
    %c0_i32_0 = arith.constant 0 : i32
    return %arg0, %c0_i32 : i32, i32
  }
  func.func @transform_2(%arg0: i32) -> (i32, i32) {
    %c0_i32 = arith.constant 0 : i32
    %c0_i32_0 = arith.constant 0 : i32
    return %arg0, %c0_i32 : i32, i32
  }
  func.func @transform_3(%arg0: i32) -> (i32, i32) {
    %c0_i32 = arith.constant 0 : i32
    %c0_i32_0 = arith.constant 0 : i32
    return %arg0, %c0_i32 : i32, i32
  }
  func.func @transform_4(%arg0: i32) -> (i32, i32) {
    %c0_i32 = arith.constant 0 : i32
    %c0_i32_0 = arith.constant 0 : i32
    %c0_i32_1 = arith.constant 0 : i32
    return %c0_i32, %c0_i32_0 : i32, i32
  }
  func.func @transform_5(%arg0: i32) -> (i32, i32) {
    %c0_i32 = arith.constant 0 : i32
    %c0_i32_0 = arith.constant 0 : i32
    %c0_i32_1 = arith.constant 0 : i32
    return %c0_i32, %c0_i32_0 : i32, i32
  }
  func.func @transform_6(%arg0: i32) -> (i32, i32) {
    %c0_i32 = arith.constant 0 : i32
    %c0_i32_0 = arith.constant 0 : i32
    %c0_i32_1 = arith.constant 0 : i32
    return %c0_i32, %c0_i32_0 : i32, i32
  }
  func.func @transform_7(%arg0: i32) -> (i32, i32) {
    %c0_i32 = arith.constant 0 : i32
    %c0_i32_0 = arith.constant 0 : i32
    %c0_i32_1 = arith.constant 0 : i32
    return %c0_i32, %c0_i32_0 : i32, i32
  }
  func.func @transform_8(%arg0: i32) -> (i32, i32) {
    %c0_i32 = arith.constant 0 : i32
    %c0_i32_0 = arith.constant 0 : i32
    %c0_i32_1 = arith.constant 0 : i32
    return %c0_i32, %c0_i32_0 : i32, i32
  }
  func.func @transform_9(%arg0: i32) -> (i32, i32) {
    %c0_i32 = arith.constant 0 : i32
    %c0_i32_0 = arith.constant 0 : i32
    return %arg0, %c0_i32 : i32, i32
  }
  func.func @transform_10(%arg0: i32) -> (i32, i32) {
    %c0_i32 = arith.constant 0 : i32
    %c0_i32_0 = arith.constant 0 : i32
    return %arg0, %c0_i32 : i32, i32
  }
}

module attributes {stable_mosaic.version = 14 : i64} {
  func.func @_tc4_body(%arg0: i32, %arg1: memref<4000x128xf32, #tpu.memory_space<vmem>>, %arg2: memref<4000x128xf32, #tpu.memory_space<vmem>>, %arg3: memref<4000x64xf32, #tpu.memory_space<vmem>>, %arg4: memref<64x128xf32, #tpu.memory_space<vmem>>, %arg5: memref<1x128xf32, #tpu.memory_space<vmem>>, %arg6: memref<128x64xf32, #tpu.memory_space<vmem>>, %arg7: memref<1x64xf32, #tpu.memory_space<vmem>>, %arg8: memref<64x4xf32, #tpu.memory_space<vmem>>, %arg9: memref<1x4xf32, #tpu.memory_space<vmem>>, %arg10: memref<4000x4xf32, #tpu.memory_space<vmem>>) attributes {dimension_semantics = [#tpu.dimension_semantics<arbitrary>], iteration_bounds = array<i64: 20>, scalar_prefetch = 0 : i64, scratch_operands = 0 : i64, tpu.core_type = #tpu.core_type<tc>, window_params = [{transform_indices = @transform_0, window_bounds = array<i64: 4000, 128>}, {transform_indices = @transform_1, window_bounds = array<i64: 4000, 128>}, {transform_indices = @transform_2, window_bounds = array<i64: 4000, 64>}, {pipeline_mode = #tpu.pipeline_mode<synchronous>, transform_indices = @transform_3, window_bounds = array<i64: 64, 128>}, {pipeline_mode = #tpu.pipeline_mode<synchronous>, transform_indices = @transform_4, window_bounds = array<i64: 1, 128>}, {pipeline_mode = #tpu.pipeline_mode<synchronous>, transform_indices = @transform_5, window_bounds = array<i64: 128, 64>}, {pipeline_mode = #tpu.pipeline_mode<synchronous>, transform_indices = @transform_6, window_bounds = array<i64: 1, 64>}, {pipeline_mode = #tpu.pipeline_mode<synchronous>, transform_indices = @transform_7, window_bounds = array<i64: 64, 4>}, {pipeline_mode = #tpu.pipeline_mode<synchronous>, transform_indices = @transform_8, window_bounds = array<i64: 1, 4>}, {transform_indices = @transform_9, window_bounds = array<i64: 4000, 4>}]} {
    %get3A = arith.constant 0 : index
    %get3A_0 = arith.constant 0 : index
    %get3A_1 = vector.load %arg3[%get3A, %get3A_0] : memref<4000x64xf32, #tpu.memory_space<vmem>>, vector<4000x64xf32>
    %get3A_2 = arith.constant 0 : index
    %get3A_3 = arith.constant 0 : index
    %get3A_4 = vector.load %arg4[%get3A_2, %get3A_3] : memref<64x128xf32, #tpu.memory_space<vmem>>, vector<64x128xf32>
    %dot_general3A = arith.constant dense<0.000000e+00> : vector<4000x128xf32>
    %dot_general3A_5 = tpu.matmul %get3A_1, %get3A_4, %dot_general3A {dimension_numbers = #tpu.dot_dimension_numbers<[1], [0], [0], [1], [0, 0, 1, 1], [], []>, transpose_lhs_hint = false} : vector<4000x64xf32>, vector<64x128xf32>, vector<4000x128xf32> -> vector<4000x128xf32>
    %get3A_6 = arith.constant 0 : index
    %get3A_7 = arith.constant 0 : index
    %get3A_8 = vector.load %arg1[%get3A_6, %get3A_7] : memref<4000x128xf32, #tpu.memory_space<vmem>>, vector<4000x128xf32>
    %get3A_9 = arith.constant 0 : index
    %get3A_10 = arith.constant 0 : index
    %get3A_11 = vector.load %arg2[%get3A_9, %get3A_10] : memref<4000x128xf32, #tpu.memory_space<vmem>>, vector<4000x128xf32>
    %add3A = arith.addf %get3A_8, %get3A_11 : vector<4000x128xf32>
    %add3A_12 = arith.addf %add3A, %dot_general3A_5 : vector<4000x128xf32>
    %get3A_13 = arith.constant 0 : index
    %get3A_14 = arith.constant 0 : index
    %get3A_15 = vector.load %arg5[%get3A_13, %get3A_14] : memref<1x128xf32, #tpu.memory_space<vmem>>, vector<1x128xf32>
    %add3A_16 = vector.broadcast %get3A_15 : vector<1x128xf32> to vector<4000x128xf32>
    %add3A_17 = arith.addf %add3A_12, %add3A_16 : vector<4000x128xf32>
    %max3A = arith.constant 0.000000e+00 : f32
    %max3A_18 = vector.broadcast %max3A : f32 to vector<4000x128xf32>
    %max3A_19 = arith.maximumf %add3A_17, %max3A_18 : vector<4000x128xf32>
    %get3A_20 = arith.constant 0 : index
    %get3A_21 = arith.constant 0 : index
    %get3A_22 = vector.load %arg6[%get3A_20, %get3A_21] : memref<128x64xf32, #tpu.memory_space<vmem>>, vector<128x64xf32>
    %dot_general3A_23 = arith.constant dense<0.000000e+00> : vector<4000x64xf32>
    %dot_general3A_24 = tpu.matmul %max3A_19, %get3A_22, %dot_general3A_23 {dimension_numbers = #tpu.dot_dimension_numbers<[1], [0], [0], [1], [0, 0, 1, 1], [], []>, transpose_lhs_hint = false} : vector<4000x128xf32>, vector<128x64xf32>, vector<4000x64xf32> -> vector<4000x64xf32>
    %get3A_25 = arith.constant 0 : index
    %get3A_26 = arith.constant 0 : index
    %get3A_27 = vector.load %arg7[%get3A_25, %get3A_26] : memref<1x64xf32, #tpu.memory_space<vmem>>, vector<1x64xf32>
    %add3A_28 = vector.broadcast %get3A_27 : vector<1x64xf32> to vector<4000x64xf32>
    %add3A_29 = arith.addf %dot_general3A_24, %add3A_28 : vector<4000x64xf32>
    %max3A_30 = arith.constant 0.000000e+00 : f32
    %max3A_31 = vector.broadcast %max3A_30 : f32 to vector<4000x64xf32>
    %max3A_32 = arith.maximumf %add3A_29, %max3A_31 : vector<4000x64xf32>
    %get3A_33 = arith.constant 0 : index
    %get3A_34 = arith.constant 0 : index
    %get3A_35 = vector.load %arg8[%get3A_33, %get3A_34] : memref<64x4xf32, #tpu.memory_space<vmem>>, vector<64x4xf32>
    %dot_general3A_36 = arith.constant dense<0.000000e+00> : vector<4000x4xf32>
    %dot_general3A_37 = tpu.matmul %max3A_32, %get3A_35, %dot_general3A_36 {dimension_numbers = #tpu.dot_dimension_numbers<[1], [0], [0], [1], [0, 0, 1, 1], [], []>, transpose_lhs_hint = false} : vector<4000x64xf32>, vector<64x4xf32>, vector<4000x4xf32> -> vector<4000x4xf32>
    %get3A_38 = arith.constant 0 : index
    %get3A_39 = arith.constant 0 : index
    %get3A_40 = vector.load %arg9[%get3A_38, %get3A_39] : memref<1x4xf32, #tpu.memory_space<vmem>>, vector<1x4xf32>
    %add3A_41 = vector.broadcast %get3A_40 : vector<1x4xf32> to vector<4000x4xf32>
    %add3A_42 = arith.addf %dot_general3A_37, %add3A_41 : vector<4000x4xf32>
    %swap3A = arith.constant 0 : index
    %swap3A_43 = arith.constant 0 : index
    %swap3A_44 = vector.load %arg10[%swap3A, %swap3A_43] : memref<4000x4xf32, #tpu.memory_space<vmem>>, vector<4000x4xf32>
    tpu.vector_store %arg10[%swap3A, %swap3A_43], %add3A_42 {strides = array<i32>} : memref<4000x4xf32, #tpu.memory_space<vmem>>, vector<4000x4xf32>,
    return
  }
  func.func @transform_0(%arg0: i32) -> (i32, i32) {
    %c0_i32 = arith.constant 0 : i32
    %c0_i32_0 = arith.constant 0 : i32
    return %arg0, %c0_i32 : i32, i32
  }
  func.func @transform_1(%arg0: i32) -> (i32, i32) {
    %c0_i32 = arith.constant 0 : i32
    %c0_i32_0 = arith.constant 0 : i32
    return %arg0, %c0_i32 : i32, i32
  }
  func.func @transform_2(%arg0: i32) -> (i32, i32) {
    %c0_i32 = arith.constant 0 : i32
    %c0_i32_0 = arith.constant 0 : i32
    return %arg0, %c0_i32 : i32, i32
  }
  func.func @transform_3(%arg0: i32) -> (i32, i32) {
    %c0_i32 = arith.constant 0 : i32
    %c0_i32_0 = arith.constant 0 : i32
    %c0_i32_1 = arith.constant 0 : i32
    return %c0_i32, %c0_i32_0 : i32, i32
  }
  func.func @transform_4(%arg0: i32) -> (i32, i32) {
    %c0_i32 = arith.constant 0 : i32
    %c0_i32_0 = arith.constant 0 : i32
    %c0_i32_1 = arith.constant 0 : i32
    return %c0_i32, %c0_i32_0 : i32, i32
  }
  func.func @transform_5(%arg0: i32) -> (i32, i32) {
    %c0_i32 = arith.constant 0 : i32
    %c0_i32_0 = arith.constant 0 : i32
    %c0_i32_1 = arith.constant 0 : i32
    return %c0_i32, %c0_i32_0 : i32, i32
  }
  func.func @transform_6(%arg0: i32) -> (i32, i32) {
    %c0_i32 = arith.constant 0 : i32
    %c0_i32_0 = arith.constant 0 : i32
    %c0_i32_1 = arith.constant 0 : i32
    return %c0_i32, %c0_i32_0 : i32, i32
  }
  func.func @transform_7(%arg0: i32) -> (i32, i32) {
    %c0_i32 = arith.constant 0 : i32
    %c0_i32_0 = arith.constant 0 : i32
    %c0_i32_1 = arith.constant 0 : i32
    return %c0_i32, %c0_i32_0 : i32, i32
  }
  func.func @transform_8(%arg0: i32) -> (i32, i32) {
    %c0_i32 = arith.constant 0 : i32
    %c0_i32_0 = arith.constant 0 : i32
    %c0_i32_1 = arith.constant 0 : i32
    return %c0_i32, %c0_i32_0 : i32, i32
  }
  func.func @transform_9(%arg0: i32) -> (i32, i32) {
    %c0_i32 = arith.constant 0 : i32
    %c0_i32_0 = arith.constant 0 : i32
    return %arg0, %c0_i32 : i32, i32
  }
}

</mosaic_0001>

<sc_bundles>
// kernel: kernel.12.cloned.1.call-start
scs
__scs_entry_jumppad:
0x0: {  	(pc) =	sbr.rel $0x88, $3  }
0x1: {  	(tag) =	ssettag $0x0;
	lr =	simm.s32 $0x1  }
0x2: {  	[smem:$0x3F8C] =	sst lr;
	_ =	strace $0xD0000000  }
0x3: {  	_ = 	snop  }
0x4: {  	_ = 	snop  }
0x5: {  	_ = 	snop  }
0x6: {  	_ = 	snop  }
0x7: {  	_ = 	snop  }
__scs_overlays_trampoline_lowered:
0x8: {  	[smem:$0x3F9B] =	sst s0  }
0x9: {  	[smem:$0x3F9C] =	sst s1  }
0xa: {  	[smem:$0x3F9D] =	sst s2  }
0xb: {  	[smem:$0x3F9E] =	sst s3  }
0xc: {  	[smem:$0x3F9F] =	sst s4  }
0xd: {  	[smem:$0x3FA0] =	sst s5  }
0xe: {  	[smem:$0x3FA1] =	sst s6  }
0xf: {  	[smem:$0x3FA2] =	sst s7  }
0x10: {  	[smem:$0x3FA3] =	sst s8  }
0x11: {  	[smem:$0x3FA4] =	sst s9;
	s0 =	simm.s32 @!p0 $0x0  }
0x12: {  	s1 =	sld [smem:$0x3F8A];
	s0 =	simm.s32 @p0 $0x1  }
0x13: {  	[smem:$0x3FA5] =	sst s0;
	s0 =	simm.s32 @!p1 $0x0  }
0x14: {  	s2 =	sld [smem:$0x3F89];
	s0 =	simm.s32 @p1 $0x1  }
0x15: {  	[smem:$0x3FA6] =	sst s0;
	s0 =	simm.s32 @!p2 $0x0  }
0x16: {  	s3 =	sld [smem:$0x3FDB];
	s0 =	simm.s32 @p2 $0x1  }
0x17: {  	s4 =	simm.s32 $0x1BF5;
	[smem:$0x3FA8] =	sst s0  }
0x18: {  	s0 =	sld [smem:$0x3F8B];
	_ =	swait.ge [sflag:s4], $0x0  }
0x19: {  	s7 =	sld [smem:$0x3F8C]  }
0x1a: {  	s8 =	sadd.s32 $0xFFFFE003, lr  }
0x1b: {  	s9 =	sadd.s32 $0xFFFFFEF7, lr;
	s5 =	simm.s32 $0xFFFFFFFF;
	p2 =	slt.u32 s8, $0xFFFFF086  }
0x1c: {  	p1 =	slt.u32 s9, $0xF7A;
	s5 =	simm.s32 @!p2 $0x0  }
0x1d: {  	s5 =	simm.s32 @p1 $0x1;
	p0 =	seq.s32 s7, s2  }
0x1e: {  	s7 =	smul.u32 @!p0 $0xF7A, s2;
	p2 =	seq.s32 @!p0 s5, $0x0  }
0x1f: {  	s9 =	smul.u32 $0xF7A, s1;
	s8 =	simm.s32 @!p0 $0x1BF5;
	p2 =	por !p2, p0  }
0x20: {  	[sflag:s8] =	ssyncset.s32 @!p0 $0xFFFFF086;
	s6 =	sadd.s32 @!p0 s3, s7;
	s7 =	simm.s32 @!p0 $0x108  }
0x21: {  	s3 =	sadd.s32 s3, s9;
	s6 =	sadd.s32 @!p0 $0x88, s6;
	s7 =	simm.s32 @p2 $0x1082  }
0x22: {  	[simem:s7], [sflag:s8] =	dma.local @!p0 [hbm:s6], $0xF7A  }
0x23: {  	s9 =	sor.u32 $0xD0000000, s2;
	s6 =	simm.s32 $0x108;
	_ =	swait.ge @!p0 [sflag:s8], $0x0  }
0x24: {  	s3 =	sadd.s32 $0x88, s3;
	s6 =	simm.s32 @!p1 $0x1082;
	[sflag:s4] =	ssyncset.s32 $0xFFFFF086  }
0x25: {  	[simem:s6], [sflag:s4] =	dma.local [hbm:s3], $0xF7A  }
0x26: {  	[smem:$0x3F8C] =	sst s1;
	(tag) =	ssettag s2;
	_ =	strace s9  }
0x27: {  	s1 =	sld [smem:$0x3F9C]  }
0x28: {  	s2 =	sld [smem:$0x3F9D]  }
0x29: {  	s4 =	sld [smem:$0x3F9F]  }
0x2a: {  	p0 =	seq.s32 s5, $0x0;
	s5 =	sld [smem:$0x3FA0]  }
0x2b: {  	s6 =	sld [smem:$0x3FA1]  }
0x2c: {  	s7 =	sld [smem:$0x3FA2]  }
0x2d: {  	s3 =	simm.s32 $0x108;
	s8 =	sld [smem:$0x3FA3]  }
0x2e: {  	s3 =	simm.s32 @!p0 $0x1082;
	s9 =	sld [smem:$0x3FA4]  }
0x2f: {  	lr =	sadd.s32 s0, s3;
	s0 =	sld [smem:$0x3F9B]  }
0x30: {  	s3 =	sld [smem:$0x3F9E]  }
0x31: {  	[smem:$0x3FA7] =	sst s10  }
0x32: {  	s10 =	sld [smem:$0x3FA5];
	_ =	sdelay $0x3  }
0x33: {  	p0 =	seq.s32 s10, $0x1;
	s10 =	sld [smem:$0x3FA7];
	_ =	sdelay $0x3  }
0x34: {  	[smem:$0x3FA7] =	sst s10  }
0x35: {  	s10 =	sld [smem:$0x3FA6];
	_ =	sdelay $0x3  }
0x36: {  	p1 =	seq.s32 s10, $0x1;
	s10 =	sld [smem:$0x3FA7];
	_ =	sdelay $0x3  }
0x37: {  	[smem:$0x3FA7] =	sst s10  }
0x38: {  	s10 =	sld [smem:$0x3FA8]  }
0x39: {  	_ = 	snop;
	(pc) =	sbr.ind lr, $3  }
0x3a: {  	_ = 	snop  }
0x3b: {  	_ = 	snop  }
0x3c: {  	p2 =	seq.s32 s10, $0x1;
	s10 =	sld [smem:$0x3FA7]  }
0x3d: {  	_ =	shalt  }
0x3e: {  	_ =	shalt  }
0x3f: {  	_ =	shalt  }
0x40: {  	_ =	shalt  }
0x41: {  	_ =	shalt  }
0x42: {  	_ =	shalt  }
0x43: {  	_ =	shalt  }
0x44: {  	_ =	shalt  }
0x45: {  	_ =	shalt  }
0x46: {  	_ =	shalt  }
0x47: {  	_ =	shalt  }
0x48: {  	_ =	shalt  }
0x49: {  	_ =	shalt  }
0x4a: {  	_ =	shalt  }
0x4b: {  	_ =	shalt  }
0x4c: {  	_ =	shalt  }
0x4d: {  	_ =	shalt  }
0x4e: {  	_ =	shalt  }
0x4f: {  	_ =	shalt  }
0x50: {  	_ =	shalt  }
0x51: {  	_ =	shalt  }
0x52: {  	_ =	shalt  }
0x53: {  	_ =	shalt  }
0x54: {  	_ =	shalt  }
0x55: {  	_ =	shalt  }
0x56: {  	_ =	shalt  }
0x57: {  	_ =	shalt  }
0x58: {  	_ =	shalt  }
0x59: {  	_ =	shalt  }
0x5a: {  	_ =	shalt  }
0x5b: {  	_ =	shalt  }
0x5c: {  	_ =	shalt  }
0x5d: {  	_ =	shalt  }
0x5e: {  	_ =	shalt  }
0x5f: {  	_ =	shalt  }
0x60: {  	_ =	shalt  }
0x61: {  	_ =	shalt  }
0x62: {  	_ =	shalt  }
0x63: {  	_ =	shalt  }
0x64: {  	_ =	shalt  }
0x65: {  	_ =	shalt  }
0x66: {  	_ =	shalt  }
0x67: {  	_ =	shalt  }
0x68: {  	_ =	shalt  }
0x69: {  	_ =	shalt  }
0x6a: {  	_ =	shalt  }
0x6b: {  	_ =	shalt  }
0x6c: {  	_ =	shalt  }
0x6d: {  	_ =	shalt  }
0x6e: {  	_ =	shalt  }
0x6f: {  	_ =	shalt  }
0x70: {  	_ =	shalt  }
0x71: {  	_ =	shalt  }
0x72: {  	_ =	shalt  }
0x73: {  	_ =	shalt  }
0x74: {  	_ =	shalt  }
0x75: {  	_ =	shalt  }
0x76: {  	_ =	shalt  }
0x77: {  	_ =	shalt  }
0x78: {  	_ =	shalt  }
0x79: {  	_ =	shalt  }
0x7a: {  	_ =	shalt  }
0x7b: {  	_ =	shalt  }
0x7c: {  	_ =	shalt  }
0x7d: {  	_ =	shalt  }
0x7e: {  	_ =	shalt  }
0x7f: {  	_ =	shalt  }
0x80: {  	_ =	shalt  }
0x81: {  	_ =	shalt  }
0x82: {  	_ =	shalt  }
0x83: {  	_ =	shalt  }
0x84: {  	_ =	shalt  }
0x85: {  	_ =	shalt  }
0x86: {  	_ =	shalt  }
0x87: {  	_ =	shalt  }
.Lfunc_end0:
.L_simem_size_0:
called_computation_lowered:
.L_overlay_start_0:
0x88: {  	s2 =	sld [smem:$0x3FD9]  }
0x89: {  	s3 =	sld [smem:$0x3FFE];
	_ =	sdelay $0x1  }
0x8a: {  	s1 =	srdreg.scid  }
0x8b: {  	s0 =	sand.u32 $0x1, s1  }
0x8c: {  	s16 =	sshll.u32 s0, $0xA;
	s2 =	sadd.s32 s3, s2  }
0x8d: {  	s2 =	sadd.s32 s2, s16  }
0x8e: {  	[smem:$0x3FB3] =	sst s2  }
0x8f: {  	_ = 	snop  }
0x90: {  	(tm) =	ssettm $0x1  }
0x91: {  	s17 =	sld [smem:$0x3FFB];
	_ =	sdelay $0x3  }
0x92: {  	_ =	strace s17  }
0x93: {  	s2 =	sld [smem:$0x3FFC];
	_ =	sdelay $0x3  }
0x94: {  	_ =	strace s2  }
0x95: {  	s2 =	sld [smem:$0x3FFD];
	_ =	sdelay $0x3  }
0x96: {  	_ =	strace s2  }
0x97: {  	_ =	strace $0x8FFFFFFF  }
0x98: {  	s18 =	sld [smem:$0x3FDB];
	_ =	sdelay $0x1  }
0x99: {  	s19 =	simm.s32 $_scs_section_size  }
0x9a: {  	s4 =	simm.s32 $_size__tile_overlayer_lowered;
	s5 =	simm.s32 $_tile_overlayer_lowered  }
0x9b: {  	s22 =	simm.s32 $0x1BFF;
	s21 =	sshll.u32 s5, $0x1;
	s2 =	sadd.s32 s19, s18  }
0x9c: {  	s6 =	simm.s32 $0x0;
	s20 =	sshll.u32 s4, $0x1;
	s4 =	sadd.s32 s21, s2  }
0x9d: {  	[timem:s6], [sflag:s22] =	dma.local [hbm:s4], s20  }
0x9e: {  	_ =	swait.ge [sflag:s22], s20  }
0x9f: {  	s3 =	ssub.s32 $0x0, s20;
	[sflag:s22] =	ssyncset.done $0x0  }
0xa0: {  	[sflag:s22] =	ssyncadd.s32 s3;
	_ =	sdelay $0x1  }
0xa1: {  	s23 =	simm.s32 $0x1B8B  }
0xa2: {  	_ =	swait.ge [sflag:s23], $0x1  }
0xa3: {  	[sflag:s23] =	ssyncset.done $0x0  }
0xa4: {  	s25 =	simm.s32 $0x1B8E;
	s24 =	sld [smem:$0x3FFE];
	[sflag:s23] =	ssyncadd.s32 $0xFFFFFFFF  }
0xa5: {  	s26 =	simm.s32 $execute0_lowered;
	[smem:$0x3FD2] =	sst s25  }
0xa6: {  	s4 =	sshll.u32 s26, $0x1;
	_ =	strace $0x80000046;
	[dreg:$0x1] =	wrdreg $0xFFFFFFFF  }
0xa7: {  	s28 =	simm.s32 $_size_execute0_lowered;
	s2 =	sadd.s32 s2, s4;
	[dreg:$0x0] =	wrdreg $0x0  }
0xa8: {  	s4 =	sshll.u32 s28, $0x1;
	[dreg:$0x2] =	wrdreg s2  }
0xa9: {  	[dreg:$0x3] =	wrdreg s4  }
0xaa: {  	[dreg:$0x4] =	wrdreg $0xC0  }
0xab: {  	_ =	task [dreg:s6], $0x5FFFF  }
0xac: {  	[dreg:$0x1] =	wrdreg $0xFFFFFFFF  }
0xad: {  	[dreg:$0x0] =	wrdreg $0x60  }
0xae: {  	[dreg:$0x2] =	wrdreg s24  }
0xaf: {  	[dreg:$0x3] =	wrdreg $0x7100  }
0xb0: {  	[dreg:$0x4] =	wrdreg $0x9  }
0xb1: {  	_ =	task.clear_ibuf [dreg:s6], $0x5FFFF;
	_ =	strace $0x90000046  }
0xb2: {  	s29 =	simm.s32 $0x9;
	_ =	strace $0x80000048  }
0xb3: {  	_ =	swait.ge [sflag:s29], $0x1  }
0xb4: {  	[sflag:s29] =	ssyncadd.s32 $0xFFFFFFFF  }
0xb5: {  	_ =	strace $0x90000048  }
0xb6: {  	_ =	sfence  }
0xb7: {  	s30 =	sld [smem:$0x0];
	_ =	sdelay $0x2  }
0xb8: {  	s31 =	sshll.u32 s1, $0xD;
	s1 =	sshrl.u32 s1, $0x2  }
0xb9: {  	s3 =	sand.u32 $0x4000, s31;
	s1 =	sadd.s32 s1, s30  }
0xba: {  	s0 =	sor.u32 s3, s0;
	s1 =	sshll.u32 s1, $0x11  }
0xbb: {  	s0 =	sor.u32 s1, s0  }
0xbc: {  	s0 =	sadd.s32 $0x8F2B, s0  }
0xbd: {  	[sflag:s0] =	ssyncadd.remote.s32 $0x1  }
0xbe: {  	_ =	sfence.sel $0xFFFF  }
0xbf: {  	[dreg:$0x0] =	wrdreg $0xFFFFFFFF;
	(pc) =	sbr.abs _section_cstart, $3  }
0xc0: {  	[dreg:$0x1] =	wrdreg $0xFFFFFFFF  }
0xc1: {  	_ =	task.clear_ibuf [dreg:s6], $0x2FFFF;
	_ =	strace $0x9FFFFFFF  }
0xc2: {  	(tm) =	ssettm $0x7FFFFFFF  }
0xc3: {  	_ =	shalt  }
tec
execute0_lowered:
.L_overlay_start_1:
0x0: {  	(tag) =	ssettag $0x1  }
0x1: {  	s0 =	rddreg [dreg:$0x0]  }
0x2: {  	s2 =	rddreg [dreg:$0x1]  }
0x3: {  	s3 =	simm.s32 $0x0;
	s10 =	stileid.u32;
	s1 =	srdreg.scid  }
0x4: {  	s29 =	simm.s32 $0x510;
	s31 =	simm.s32 $0x610;
	s5 =	smul.u32 $0x1F40, s10  }
0x5: {  	s28 =	simm.s32 $0x80;
	s30 =	simm.s32 $0x3;
	s8 =	smul.u32 $0x3E8, s10  }
0x6: {  	[smem:$0x7FF] =	sst s3;
	s1 =	sand.u32 $0x1, s1;
	s18 =	smul.u32 $0x2710, s10  }
0x7: {  	s4 =	sadd.s32 $0x7000, s0;
	s11 =	sadd.s32 $0x13600, s0;
	s20 =	smul.u32 $0x7D00, s10  }
0x8: {  	p0 =	sgt.u32 s10, $0x9;
	_ =	strace $0x80000047;
	s6 =	sshll.u32 s1, $0x4  }
0x9: {  	s9 =	ssub.s32 $0x2, s1;
	[dreg:$0x3] =	wrdreg s11;
	s13 =	smul.u32 $0x2710, s1  }
0xa: {  	s1 =	smul.u32 $0x27100, s1;
	s7 =	sshrl.u32 s5, $0x3;
	s6 =	sor.u32 s10, s6  }
0xb: {  	s11 =	sshrl.u32 s9, $0x1;
	s5 =	sadd.s32 s5, s2;
	s22 =	sshrl.u32 s20, $0x2  }
0xc: {  	s7 =	sadd.s32 s7, s0;
	s6 =	smul.u32 $0x2710, s6;
	s0 =	sadd.s32 s8, s0  }
0xd: {  	s8 =	ssub.s32 s9, s11;
	s21 =	sadd.s32 s18, s1;
	s1 =	sadd.s32 s22, s2  }
0xe: {  	s22 =	simm.s32 $0x10;
	s7 =	sadd.s32 $0x10E00, s7;
	s0 =	sadd.s32 s13, s0  }
0xf: {  	s23 =	sadd.s32 $0x580, s21;
	s8 =	smax.u32 s8, $0x1;
	s24 =	sadd.s32 $0x480, s21  }
0x10: {  	s25 =	sadd.s32 $0x400, s21;
	s26 =	sadd.s32 $0x380, s21;
	s13 =	simm.s32 $0xC  }
0x11: {  	s6 =	sshrl.u32 s6, $0x3;
	[dreg:$0x4] =	wrdreg s7;
	s0 =	sadd.s32 $0x13800, s0  }
0x12: {  	s7 =	sadd.s32 $0x500, s21;
	[dreg:$0xd] =	wrdreg s8;
	s8 =	sshrl.u32 s26, $0x3  }
0x13: {  	s26 =	simm.s32 $0x410;
	s12 =	sadd.s32 s4, s6;
	[dreg:$0xc] =	wrdreg s0  }
0x14: {  	s6 =	sshrl.u32 s23, $0x3;
	s0 =	sadd.s32 $0x300, s21;
	[dreg:$0x5] =	wrdreg s12  }
0x15: {  	s7 =	sshrl.u32 s7, $0x3;
	s14 =	sadd.s32 $0x10, s12;
	[dreg:$0xe] =	wrdreg s0  }
0x16: {  	s20 =	sadd.s32 s8, s4;
	s15 =	sadd.s32 $0x20, s12;
	[dreg:$0x6] =	wrdreg s14  }
0x17: {  	s23 =	simm.s32 $0xD;
	s16 =	sadd.s32 $0x30, s12;
	[dreg:$0x7] =	wrdreg s15  }
0x18: {  	s17 =	sadd.s32 $0x40, s12;
	s19 =	sadd.s32 $0x50, s12;
	[dreg:$0x8] =	wrdreg s16  }
0x19: {  	s9 =	sadd.s32 $0x4E0, s12;
	s0 =	sshrl.u32 @!p0 s5, $0x3;
	[dreg:$0x9] =	wrdreg s17  }
0x1a: {  	s5 =	simm.s32 $0x5;
	s12 =	simm.s32 $0xB;
	[dreg:$0xa] =	wrdreg s19  }
.Ltmp0:
0x1b: {  	[dreg:$0xb] =	wrdreg s9;
	s16 =	sadd.s32 s6, s4;
	(pc) =	sbr.rel .LBB2_1-.Ltmp0, $4  }
0x1c: {  	s17 =	sadd.s32 s7, s4;
	s6 =	sshrl.u32 s24, $0x3;
	s7 =	sshrl.u32 s25, $0x3  }
0x1d: {  	[dreg:$0xf] =	wrdreg s0;
	s0 =	sshrl.u32 @!p0 s1, $0x3;
	s1 =	simm.s32 $0x1  }
0x1e: {  	s14 =	simm.s32 $0x0;
	s18 =	sadd.s32 s6, s4;
	s19 =	sadd.s32 s7, s4  }
0x1f: {  	[dreg:$0x10] =	wrdreg s0;
	s0 =	simm.s32 $0x690;
	s6 =	simm.s32 $0x6  }
.LBB2_4:
0x20: {  	_ =	swait.ge [sflag:s6], $0x80  }
0x21: {  	[sflag:s6] =	ssyncset.done $0x0  }
0x22: {  	s7 =	simm.s32 $0x7;
	[sflag:s6] =	ssyncadd.s32 $0xFFFFFF80  }
0x23: {  	[spmem:s2] =	stream.indirect.scatter.add.f32 [tilespmem:s22], [sflag:$0xC], $0x8, s0, s28, $0xb8;
	[tilespmem:$0x1A98] =	vst v63  }
0x24: {  	_ =	swait.ge [sflag:s7], $0x400  }
0x25: {  	[sflag:s7] =	ssyncset.done $0x0  }
0x26: {  	s11 =	simm.s32 $0x8;
	[sflag:s7] =	ssyncadd.s32 $0xFFFFFC00  }
0x27: {  	_ =	swait.ge [sflag:s11], $0x400  }
0x28: {  	[sflag:s11] =	ssyncset.done $0x0  }
0x29: {  	s15 =	simm.s32 $0x9;
	[sflag:s11] =	ssyncadd.s32 $0xFFFFFC00  }
0x2a: {  	_ =	swait.ge [sflag:s15], $0x400  }
0x2b: {  	[sflag:s15] =	ssyncset.done $0x0  }
0x2c: {  	s21 =	simm.s32 $0xA;
	[sflag:s15] =	ssyncadd.s32 $0xFFFFFC00  }
0x2d: {  	_ =	swait.ge [sflag:s21], $0x400  }
0x2e: {  	[sflag:s21] =	ssyncset.done $0x0  }
0x2f: {  	[sflag:s21] =	ssyncadd.s32 $0xFFFFFC00  }
0x30: {  	_ =	swait.ge [sflag:s12], $0x400  }
0x31: {  	[sflag:s12] =	ssyncset.done $0x0  }
0x32: {  	[sflag:s12] =	ssyncadd.s32 $0xFFFFFC00  }
0x33: {  	_ =	swait.ge [sflag:s13], $0x400  }
0x34: {  	[sflag:s13] =	ssyncset.done $0x0  }
0x35: {  	s24 =	rddreg [dreg:$0xb];
	[sflag:s13] =	ssyncadd.s32 $0xFFFFFC00  }
0x36: {  	[tilespmem:s3], [sflag:$0xD] =	stream.linear.gather [hbm4b:s24+s3], $0x10, $0x38;
	[tilespmem:$0x1A98] =	vst v63  }
0x37: {  	_ =	swait.ge [sflag:s23], $0x10  }
0x38: {  	[sflag:s23] =	ssyncset.done $0x0  }
0x39: {  	[sflag:s23] =	ssyncadd.s32 $0xFFFFFFF0  }
0x3a: {  	[spmem:s2] =	stream.indirect.scatter.add.f32 [tilespmem:s22], [sflag:$0xD], $0x8, s3, s22, $0xb8;
	[tilespmem:$0x1A98] =	vst v63  }
0x3b: {  	_ =	swait.ge [sflag:s23], $0x80  }
0x3c: {  	[sflag:s23] =	ssyncset.done $0x0  }
0x3d: {  	[sflag:s23] =	ssyncadd.s32 $0xFFFFFF80  }
0x3e: {  	[bflag:$0x0] =	sbarrier.arrive $0xFFFF  }
0x3f: {  	s7 =	rddreg [dreg:$0xc]  }
0x40: {  	s8 =	rddreg [dreg:$0x10]  }
0x41: {  	s9 =	rddreg [dreg:$0x11]  }
0x42: {  	[hbm:s7], [sflag:s9] =	dma.local @!p0 [spmem:s8], $0x3E8  }
0x43: {  	s7 =	simm.s32 @!p0 $0xD  }
0x44: {  	_ =	swait.ge @!p0 [sflag:s7], $0x3E8  }
0x45: {  	s14 =	sadd.s32 $0x1, s14;
	s25 =	rddreg [dreg:$0xd]  }
0x46: {  	p1 =	sne.s32 s14, s25  }
.Ltmp1:
0x47: {  	_ = 	snop;
	(pc) =	sbr.rel @!p1 .LBB2_5-.Ltmp1, $3  }
0x48: {  	_ =	sdelay $0x1  }
0x49: {  	[sflag:s7] =	ssyncset.done @!p0 $0x0  }
0x4a: {  	[sflag:s7] =	ssyncadd.s32 @!p0 $0xFFFFFC18  }
.LBB2_1:
0x4b: {  	s7 =	rddreg [dreg:$0x3]  }
0x4c: {  	[tilespmem:s22], [sflag:$0xD] =	stream.linear.gather [hbm4b:s7+s3], $0x400, $0x38;
	[tilespmem:$0x1A98] =	vst v63  }
0x4d: {  	s7 =	stileid.u32  }
0x4e: {  	_ =	swait.ge [sflag:s23], $0x400;
	s7 =	sshll.u32 @!p0 s7, $0x6  }
0x4f: {  	s9 =	sor.u32 @!p0 $0x1C0D, s7;
	s7 =	rddreg [dreg:$0x4]  }
0x50: {  	[sflag:s23] =	ssyncset.done $0x0;
	s8 =	rddreg [dreg:$0xf]  }
0x51: {  	[sflag:s23] =	ssyncadd.s32 $0xFFFFFC00;
	[dreg:$0x11] =	wrdreg s9  }
0x52: {  	[spmem:s8], [sflag:s9] =	dma.local @!p0 [hbm:s7], $0x3E8  }
0x53: {  	s7 =	simm.s32 @!p0 $0xD  }
0x54: {  	_ =	swait.ge @!p0 [sflag:s7], $0x3E8  }
0x55: {  	[sflag:s7] =	ssyncset.done @!p0 $0x0  }
0x56: {  	[sflag:s7] =	ssyncadd.s32 @!p0 $0xFFFFFC18  }
0x57: {  	[bflag:$0x0] =	sbarrier.arrive $0xFFFF  }
0x58: {  	s8 =	rddreg [dreg:$0x5]  }
0x59: {  	s9 =	rddreg [dreg:$0x6]  }
0x5a: {  	[tilespmem:s26], [sflag:$0x1] =	stream.linear.gather [hbm4b:s8+s3], $0x80, $0x38;
	[tilespmem:$0x1A98] =	vst v63  }
0x5b: {  	s10 =	simm.s32 $0x490;
	s11 =	rddreg [dreg:$0x7]  }
0x5c: {  	[tilespmem:s10], [sflag:$0x2] =	stream.linear.gather [hbm4b:s9+s3], $0x80, $0x38;
	[tilespmem:$0x1A98] =	vst v63  }
0x5d: {  	s15 =	rddreg [dreg:$0x8]  }
0x5e: {  	[tilespmem:s29], [sflag:$0x3] =	stream.linear.gather [hbm4b:s11+s3], $0x80, $0x38;
	[tilespmem:$0x1A98] =	vst v63  }
0x5f: {  	s21 =	simm.s32 $0x590;
	s24 =	rddreg [dreg:$0x9]  }
0x60: {  	[tilespmem:s21], [sflag:$0x4] =	stream.linear.gather [hbm4b:s15+s3], $0x80, $0x38;
	[tilespmem:$0x1A98] =	vst v63  }
0x61: {  	s25 =	rddreg [dreg:$0xa]  }
0x62: {  	[tilespmem:s31], [sflag:$0x5] =	stream.linear.gather [hbm4b:s24+s3], $0x80, $0x38;
	[tilespmem:$0x1A98] =	vst v63  }
0x63: {  	s7 =	simm.s32 $0x0;
	s21 =	rddreg [dreg:$0xe]  }
0x64: {  	[tilespmem:s0], [sflag:$0x6] =	stream.linear.gather [hbm4b:s25+s3], $0x80, $0x38;
	[tilespmem:$0x1A98] =	vst v63  }
.LBB2_2:
0x65: {  	_ =	swait.ge [sflag:s1], $0x80  }
0x66: {  	p1 =	seq.s32 s7, $0x480;
	[sflag:s1] =	ssyncset.done $0x0  }
0x67: {  	s24 =	simm.s32 @p1 $0x2;
	[sflag:s1] =	ssyncadd.s32 $0xFFFFFF80  }
0x68: {  	[spmem:s2] =	stream.indirect.scatter.add.f32 [tilespmem:s22], [sflag:$0x7], $0x8, s26, s28, $0xb8;
	[tilespmem:$0x1A98] =	vst v63  }
0x69: {  	_ =	swait.ge @p1 [sflag:s24], $0x80  }
0x6a: {  	s25 =	simm.s32 @p1 $0x490;
	[sflag:s24] =	ssyncset.done @p1 $0x0  }
0x6b: {  	s8 =	simm.s32 @p1 $0x10;
	[sflag:s24] =	ssyncadd.s32 @p1 $0xFFFFFF80;
	s24 =	simm.s32 @p1 $0x80  }
0x6c: {  	[spmem:s2] =	stream.indirect.scatter.add.f32 @p1 [tilespmem:s8], [sflag:$0x8], $0x8, s25, s24, $0xb8;
	[tilespmem:$0x1A98] =	vst v63  }
0x6d: {  	s25 =	simm.s32 @!p1 $0x7  }
0x6e: {  	_ =	swait.ge @!p1 [sflag:s25], $0x400  }
0x6f: {  	[sflag:s25] =	ssyncset.done @!p1 $0x0  }
0x70: {  	[sflag:s25] =	ssyncadd.s32 @!p1 $0xFFFFFC00;
	s25 =	sshrl.u32 @!p1 s21, $0x3  }
0x71: {  	s9 =	simm.s32 @!p1 $0x0;
	s10 =	simm.s32 @!p1 $0x410;
	s25 =	sadd.s32 @!p1 s4, s25  }
0x72: {  	[tilespmem:s10], [sflag:$0x1] =	stream.linear.gather @!p1 [hbm4b:s25+s9], $0x80, $0x38;
	[tilespmem:$0x1A98] =	vst v63  }
0x73: {  	s10 =	simm.s32 @!p1 $0x2  }
0x74: {  	_ =	swait.ge @!p1 [sflag:s10], $0x80  }
0x75: {  	s11 =	simm.s32 @!p1 $0x10;
	s15 =	simm.s32 @!p1 $0x8;
	[sflag:s10] =	ssyncset.done @!p1 $0x0  }
0x76: {  	s25 =	simm.s32 @!p1 $0x490;
	[sflag:s10] =	ssyncadd.s32 @!p1 $0xFFFFFF80;
	s10 =	simm.s32 @!p1 $0x80  }
0x77: {  	[spmem:s2] =	stream.indirect.scatter.add.f32 @!p1 [tilespmem:s11], [sflag:$0x8], $0x8, s25, s10, $0xb8;
	[tilespmem:$0x1A98] =	vst v63  }
0x78: {  	_ =	swait.ge @!p1 [sflag:s15], $0x400  }
0x79: {  	[sflag:s15] =	ssyncset.done @!p1 $0x0  }
0x7a: {  	[sflag:s15] =	ssyncadd.s32 @!p1 $0xFFFFFC00;
	s15 =	sadd.s32 @!p1 s7, s20  }
0x7b: {  	[tilespmem:s25], [sflag:$0x2] =	stream.linear.gather @!p1 [hbm4b:s15+s9], $0x80, $0x38;
	[tilespmem:$0x1A98] =	vst v63  }
0x7c: {  	_ =	swait.ge [sflag:s30], $0x80  }
0x7d: {  	[sflag:s30] =	ssyncset.done $0x0  }
0x7e: {  	s15 =	simm.s32 @p1 $0x4;
	[sflag:s30] =	ssyncadd.s32 $0xFFFFFF80  }
0x7f: {  	[spmem:s2] =	stream.indirect.scatter.add.f32 [tilespmem:s22], [sflag:$0x9], $0x8, s29, s28, $0xb8;
	[tilespmem:$0x1A98] =	vst v63  }
0x80: {  	_ =	swait.ge @p1 [sflag:s15], $0x80  }
0x81: {  	[sflag:s15] =	ssyncset.done @p1 $0x0  }
0x82: {  	[sflag:s15] =	ssyncadd.s32 @p1 $0xFFFFFF80;
	s15 =	simm.s32 @p1 $0x590  }
0x83: {  	[spmem:s2] =	stream.indirect.scatter.add.f32 @p1 [tilespmem:s8], [sflag:$0xA], $0x8, s15, s24, $0xb8;
	[tilespmem:$0x1A98] =	vst v63  }
0x84: {  	s8 =	simm.s32 @!p1 $0x9  }
0x85: {  	_ =	swait.ge @!p1 [sflag:s8], $0x400  }
0x86: {  	[sflag:s8] =	ssyncset.done @!p1 $0x0  }
0x87: {  	s15 =	simm.s32 @!p1 $0x510;
	[sflag:s8] =	ssyncadd.s32 @!p1 $0xFFFFFC00;
	s8 =	sadd.s32 @!p1 s7, s19  }
0x88: {  	[tilespmem:s15], [sflag:$0x3] =	stream.linear.gather @!p1 [hbm4b:s8+s9], $0x80, $0x38;
	[tilespmem:$0x1A98] =	vst v63  }
0x89: {  	s8 =	simm.s32 @!p1 $0x4  }
0x8a: {  	_ =	swait.ge @!p1 [sflag:s8], $0x80  }
0x8b: {  	[sflag:s8] =	ssyncset.done @!p1 $0x0  }
0x8c: {  	[sflag:s8] =	ssyncadd.s32 @!p1 $0xFFFFFF80;
	s8 =	simm.s32 @!p1 $0x590  }
0x8d: {  	[spmem:s2] =	stream.indirect.scatter.add.f32 @!p1 [tilespmem:s11], [sflag:$0xA], $0x8, s8, s10, $0xb8;
	[tilespmem:$0x1A98] =	vst v63  }
0x8e: {  	s10 =	simm.s32 @!p1 $0xA  }
0x8f: {  	_ =	swait.ge @!p1 [sflag:s10], $0x400  }
0x90: {  	[sflag:s10] =	ssyncset.done @!p1 $0x0  }
0x91: {  	[sflag:s10] =	ssyncadd.s32 @!p1 $0xFFFFFC00;
	s10 =	sadd.s32 @!p1 s7, s18  }
0x92: {  	[tilespmem:s8], [sflag:$0x4] =	stream.linear.gather @!p1 [hbm4b:s10+s9], $0x80, $0x38;
	[tilespmem:$0x1A98] =	vst v63  }
.Ltmp2:
0x93: {  	_ = 	snop;
	(pc) =	sbr.rel @p1 .LBB2_4-.Ltmp2, $4  }
0x94: {  	_ =	swait.ge [sflag:s5], $0x80  }
0x95: {  	[sflag:s5] =	ssyncset.done $0x0  }
0x96: {  	[sflag:s5] =	ssyncadd.s32 $0xFFFFFF80  }
0x97: {  	[spmem:s2] =	stream.indirect.scatter.add.f32 [tilespmem:s22], [sflag:$0xB], $0x8, s31, s28, $0xb8;
	[tilespmem:$0x1A98] =	vst v63  }
0x98: {  	_ =	swait.ge [sflag:s12], $0x400  }
0x99: {  	[sflag:s12] =	ssyncset.done $0x0  }
0x9a: {  	s8 =	sadd.s32 s7, s17;
	[sflag:s12] =	ssyncadd.s32 $0xFFFFFC00  }
0x9b: {  	[tilespmem:s31], [sflag:$0x5] =	stream.linear.gather [hbm4b:s8+s3], $0x80, $0x38;
	[tilespmem:$0x1A98] =	vst v63  }
0x9c: {  	_ =	swait.ge [sflag:s6], $0x80  }
0x9d: {  	[sflag:s6] =	ssyncset.done $0x0  }
0x9e: {  	[sflag:s6] =	ssyncadd.s32 $0xFFFFFF80  }
0x9f: {  	[spmem:s2] =	stream.indirect.scatter.add.f32 [tilespmem:s22], [sflag:$0xC], $0x8, s0, s28, $0xb8;
	[tilespmem:$0x1A98] =	vst v63  }
.Ltmp3:
0xa0: {  	_ = 	snop;
	(pc) =	sbr.rel .LBB2_2-.Ltmp3, $4  }
0xa1: {  	_ =	swait.ge [sflag:s13], $0x400  }
0xa2: {  	s25 =	sadd.s32 s7, s16;
	[sflag:s13] =	ssyncset.done $0x0  }
0xa3: {  	s7 =	sadd.s32 $0x60, s7;
	s21 =	sadd.s32 $0x300, s21;
	[sflag:s13] =	ssyncadd.s32 $0xFFFFFC00  }
0xa4: {  	[tilespmem:s0], [sflag:$0x6] =	stream.linear.gather [hbm4b:s25+s3], $0x80, $0x38;
	[tilespmem:$0x1A98] =	vst v63  }
.LBB2_5:
0xa5: {  	_ =	sfence.sel $0x180000  }
0xa6: {  	[bflag:$0x0] =	sbarrier.arrive $0xFFFF  }
0xa7: {  	_ =	strace $0x90000047  }
0xa8: {  	s0 =	stileid.u32;
	[bflag:$0x2] =	sbarrier.arrive $0xFFFF  }
0xa9: {  	p0 =	sne.s32 s0, $0x0;
	s0 =	rddreg [dreg:$0x2]  }
0xaa: {  	s0 =	sadd.s32 @!p0 $0x100000, s0  }
0xab: {  	[sflag:s0] =	ssyncadd.tile.s32 @!p0 $0x1;
	_ =	shalt  }
.Lfunc_end2:
_tile_overlayer_lowered:
.L_overlay_start_2:
0xac: {  	(tag) =	ssettag $0x2  }
0xad: {  	s0 =	rddreg [dreg:$0x0];
	s2 =	stileid.u32  }
0xae: {  	s1 =	rddreg [dreg:$0x1];
	p0 =	sne.s32 s2, $0x0  }
0xaf: {  	s3 =	rddreg [dreg:$0x2];
	[bflag:$0x3] =	sbarrier.arrive $0xFFFF;
	s2 =	simm.s32 @!p0 $0x1C0D  }
0xb0: {  	[timem:s3], [sflag:s2] =	dma.local @!p0 [hbm:s0], s1  }
0xb1: {  	s0 =	simm.s32 @!p0 $0xD  }
0xb2: {  	_ =	swait.ge @!p0 [sflag:s0], s1  }
0xb3: {  	s1 =	ssub.s32 @!p0 $0x0, s1;
	[sflag:s0] =	ssyncset.done @!p0 $0x0  }
0xb4: {  	[sflag:s0] =	ssyncadd.s32 @!p0 s1  }
0xb5: {  	[bflag:$0x3] =	sbarrier.arrive $0xFFFF  }
0xb6: {  	_ =	shalt  }

// kernel: kernel.15.cloned.1.call-start
scs
__scs_entry_jumppad:
0x0: {  	(pc) =	sbr.rel $0x88, $3  }
0x1: {  	(tag) =	ssettag $0x0;
	lr =	simm.s32 $0x1  }
0x2: {  	[smem:$0x3F8C] =	sst lr;
	_ =	strace $0xD0000000  }
0x3: {  	_ = 	snop  }
0x4: {  	_ = 	snop  }
0x5: {  	_ = 	snop  }
0x6: {  	_ = 	snop  }
0x7: {  	_ = 	snop  }
__scs_overlays_trampoline_lowered:
0x8: {  	[smem:$0x3F9B] =	sst s0  }
0x9: {  	[smem:$0x3F9C] =	sst s1  }
0xa: {  	[smem:$0x3F9D] =	sst s2  }
0xb: {  	[smem:$0x3F9E] =	sst s3  }
0xc: {  	[smem:$0x3F9F] =	sst s4  }
0xd: {  	[smem:$0x3FA0] =	sst s5  }
0xe: {  	[smem:$0x3FA1] =	sst s6  }
0xf: {  	[smem:$0x3FA2] =	sst s7  }
0x10: {  	[smem:$0x3FA3] =	sst s8  }
0x11: {  	[smem:$0x3FA4] =	sst s9;
	s0 =	simm.s32 @!p0 $0x0  }
0x12: {  	s1 =	sld [smem:$0x3F8A];
	s0 =	simm.s32 @p0 $0x1  }
0x13: {  	[smem:$0x3FA5] =	sst s0;
	s0 =	simm.s32 @!p1 $0x0  }
0x14: {  	s2 =	sld [smem:$0x3F89];
	s0 =	simm.s32 @p1 $0x1  }
0x15: {  	[smem:$0x3FA6] =	sst s0;
	s0 =	simm.s32 @!p2 $0x0  }
0x16: {  	s3 =	sld [smem:$0x3FDB];
	s0 =	simm.s32 @p2 $0x1  }
0x17: {  	s4 =	simm.s32 $0x1BF5;
	[smem:$0x3FA8] =	sst s0  }
0x18: {  	s0 =	sld [smem:$0x3F8B];
	_ =	swait.ge [sflag:s4], $0x0  }
0x19: {  	s7 =	sld [smem:$0x3F8C]  }
0x1a: {  	s8 =	sadd.s32 $0xFFFFE003, lr  }
0x1b: {  	s9 =	sadd.s32 $0xFFFFFEF7, lr;
	s5 =	simm.s32 $0xFFFFFFFF;
	p2 =	slt.u32 s8, $0xFFFFF086  }
0x1c: {  	p1 =	slt.u32 s9, $0xF7A;
	s5 =	simm.s32 @!p2 $0x0  }
0x1d: {  	s5 =	simm.s32 @p1 $0x1;
	p0 =	seq.s32 s7, s2  }
0x1e: {  	s7 =	smul.u32 @!p0 $0xF7A, s2;
	p2 =	seq.s32 @!p0 s5, $0x0  }
0x1f: {  	s9 =	smul.u32 $0xF7A, s1;
	s8 =	simm.s32 @!p0 $0x1BF5;
	p2 =	por !p2, p0  }
0x20: {  	[sflag:s8] =	ssyncset.s32 @!p0 $0xFFFFF086;
	s6 =	sadd.s32 @!p0 s3, s7;
	s7 =	simm.s32 @!p0 $0x108  }
0x21: {  	s3 =	sadd.s32 s3, s9;
	s6 =	sadd.s32 @!p0 $0x88, s6;
	s7 =	simm.s32 @p2 $0x1082  }
0x22: {  	[simem:s7], [sflag:s8] =	dma.local @!p0 [hbm:s6], $0xF7A  }
0x23: {  	s9 =	sor.u32 $0xD0000000, s2;
	s6 =	simm.s32 $0x108;
	_ =	swait.ge @!p0 [sflag:s8], $0x0  }
0x24: {  	s3 =	sadd.s32 $0x88, s3;
	s6 =	simm.s32 @!p1 $0x1082;
	[sflag:s4] =	ssyncset.s32 $0xFFFFF086  }
0x25: {  	[simem:s6], [sflag:s4] =	dma.local [hbm:s3], $0xF7A  }
0x26: {  	[smem:$0x3F8C] =	sst s1;
	(tag) =	ssettag s2;
	_ =	strace s9  }
0x27: {  	s1 =	sld [smem:$0x3F9C]  }
0x28: {  	s2 =	sld [smem:$0x3F9D]  }
0x29: {  	s4 =	sld [smem:$0x3F9F]  }
0x2a: {  	p0 =	seq.s32 s5, $0x0;
	s5 =	sld [smem:$0x3FA0]  }
0x2b: {  	s6 =	sld [smem:$0x3FA1]  }
0x2c: {  	s7 =	sld [smem:$0x3FA2]  }
0x2d: {  	s3 =	simm.s32 $0x108;
	s8 =	sld [smem:$0x3FA3]  }
0x2e: {  	s3 =	simm.s32 @!p0 $0x1082;
	s9 =	sld [smem:$0x3FA4]  }
0x2f: {  	lr =	sadd.s32 s0, s3;
	s0 =	sld [smem:$0x3F9B]  }
0x30: {  	s3 =	sld [smem:$0x3F9E]  }
0x31: {  	[smem:$0x3FA7] =	sst s10  }
0x32: {  	s10 =	sld [smem:$0x3FA5];
	_ =	sdelay $0x3  }
0x33: {  	p0 =	seq.s32 s10, $0x1;
	s10 =	sld [smem:$0x3FA7];
	_ =	sdelay $0x3  }
0x34: {  	[smem:$0x3FA7] =	sst s10  }
0x35: {  	s10 =	sld [smem:$0x3FA6];
	_ =	sdelay $0x3  }
0x36: {  	p1 =	seq.s32 s10, $0x1;
	s10 =	sld [smem:$0x3FA7];
	_ =	sdelay $0x3  }
0x37: {  	[smem:$0x3FA7] =	sst s10  }
0x38: {  	s10 =	sld [smem:$0x3FA8]  }
0x39: {  	_ = 	snop;
	(pc) =	sbr.ind lr, $3  }
0x3a: {  	_ = 	snop  }
0x3b: {  	_ = 	snop  }
0x3c: {  	p2 =	seq.s32 s10, $0x1;
	s10 =	sld [smem:$0x3FA7]  }
0x3d: {  	_ =	shalt  }
0x3e: {  	_ =	shalt  }
0x3f: {  	_ =	shalt  }
0x40: {  	_ =	shalt  }
0x41: {  	_ =	shalt  }
0x42: {  	_ =	shalt  }
0x43: {  	_ =	shalt  }
0x44: {  	_ =	shalt  }
0x45: {  	_ =	shalt  }
0x46: {  	_ =	shalt  }
0x47: {  	_ =	shalt  }
0x48: {  	_ =	shalt  }
0x49: {  	_ =	shalt  }
0x4a: {  	_ =	shalt  }
0x4b: {  	_ =	shalt  }
0x4c: {  	_ =	shalt  }
0x4d: {  	_ =	shalt  }
0x4e: {  	_ =	shalt  }
0x4f: {  	_ =	shalt  }
0x50: {  	_ =	shalt  }
0x51: {  	_ =	shalt  }
0x52: {  	_ =	shalt  }
0x53: {  	_ =	shalt  }
0x54: {  	_ =	shalt  }
0x55: {  	_ =	shalt  }
0x56: {  	_ =	shalt  }
0x57: {  	_ =	shalt  }
0x58: {  	_ =	shalt  }
0x59: {  	_ =	shalt  }
0x5a: {  	_ =	shalt  }
0x5b: {  	_ =	shalt  }
0x5c: {  	_ =	shalt  }
0x5d: {  	_ =	shalt  }
0x5e: {  	_ =	shalt  }
0x5f: {  	_ =	shalt  }
0x60: {  	_ =	shalt  }
0x61: {  	_ =	shalt  }
0x62: {  	_ =	shalt  }
0x63: {  	_ =	shalt  }
0x64: {  	_ =	shalt  }
0x65: {  	_ =	shalt  }
0x66: {  	_ =	shalt  }
0x67: {  	_ =	shalt  }
0x68: {  	_ =	shalt  }
0x69: {  	_ =	shalt  }
0x6a: {  	_ =	shalt  }
0x6b: {  	_ =	shalt  }
0x6c: {  	_ =	shalt  }
0x6d: {  	_ =	shalt  }
0x6e: {  	_ =	shalt  }
0x6f: {  	_ =	shalt  }
0x70: {  	_ =	shalt  }
0x71: {  	_ =	shalt  }
0x72: {  	_ =	shalt  }
0x73: {  	_ =	shalt  }
0x74: {  	_ =	shalt  }
0x75: {  	_ =	shalt  }
0x76: {  	_ =	shalt  }
0x77: {  	_ =	shalt  }
0x78: {  	_ =	shalt  }
0x79: {  	_ =	shalt  }
0x7a: {  	_ =	shalt  }
0x7b: {  	_ =	shalt  }
0x7c: {  	_ =	shalt  }
0x7d: {  	_ =	shalt  }
0x7e: {  	_ =	shalt  }
0x7f: {  	_ =	shalt  }
0x80: {  	_ =	shalt  }
0x81: {  	_ =	shalt  }
0x82: {  	_ =	shalt  }
0x83: {  	_ =	shalt  }
0x84: {  	_ =	shalt  }
0x85: {  	_ =	shalt  }
0x86: {  	_ =	shalt  }
0x87: {  	_ =	shalt  }
.Lfunc_end0:
.L_simem_size_0:
called_computation.1_lowered:
.L_overlay_start_0:
0x88: {  	s2 =	sld [smem:$0x3FD9]  }
0x89: {  	s3 =	sld [smem:$0x3FFE];
	_ =	sdelay $0x1  }
0x8a: {  	s1 =	srdreg.scid  }
0x8b: {  	s0 =	sand.u32 $0x1, s1  }
0x8c: {  	s17 =	sshll.u32 s0, $0xA;
	s2 =	sadd.s32 s3, s2  }
0x8d: {  	s2 =	sadd.s32 s2, s17  }
0x8e: {  	[smem:$0x3FB3] =	sst s2  }
0x8f: {  	_ = 	snop  }
0x90: {  	s2 =	sld [smem:$0x3FD0];
	(tm) =	ssettm $0x1  }
0x91: {  	s18 =	sld [smem:$0x3FFB];
	_ =	sdelay $0x3  }
0x92: {  	_ =	strace s18  }
0x93: {  	s3 =	sld [smem:$0x3FFC];
	_ =	sdelay $0x3  }
0x94: {  	_ =	strace s3  }
0x95: {  	s3 =	sld [smem:$0x3FFD];
	_ =	sdelay $0x3  }
0x96: {  	_ =	strace s3  }
0x97: {  	_ =	strace $0x8FFFFFFF  }
0x98: {  	s19 =	sld [smem:$0x3FDB];
	_ =	sdelay $0x1  }
0x99: {  	s4 =	simm.s32 $_scs_section_size  }
0x9a: {  	s5 =	simm.s32 $_size__tile_overlayer_lowered;
	s6 =	simm.s32 $_tile_overlayer_lowered  }
0x9b: {  	s22 =	simm.s32 $0x1BFF;
	s21 =	sshll.u32 s6, $0x1;
	s3 =	sadd.s32 s4, s19  }
0x9c: {  	s7 =	simm.s32 $0x0;
	s20 =	sshll.u32 s5, $0x1;
	s5 =	sadd.s32 s21, s3  }
0x9d: {  	[timem:s7], [sflag:s22] =	dma.local [hbm:s5], s20  }
0x9e: {  	_ =	swait.ge [sflag:s22], s20  }
0x9f: {  	s4 =	ssub.s32 $0x0, s20;
	[sflag:s22] =	ssyncset.done $0x0  }
0xa0: {  	[sflag:s22] =	ssyncadd.s32 s4;
	_ =	sdelay $0x1  }
0xa1: {  	s23 =	simm.s32 $0x1B8B  }
0xa2: {  	_ =	swait.ge [sflag:s23], $0x1  }
0xa3: {  	[sflag:s23] =	ssyncset.done $0x0  }
0xa4: {  	s25 =	simm.s32 $0x1B8E;
	s24 =	sld [smem:$0x3FFE];
	[sflag:s23] =	ssyncadd.s32 $0xFFFFFFFF  }
0xa5: {  	s26 =	simm.s32 $execute0_lowered;
	[smem:$0x3FD2] =	sst s25  }
0xa6: {  	s5 =	sshll.u32 s26, $0x1;
	_ =	strace $0x80000049;
	[dreg:$0x1] =	wrdreg $0xFFFFFFFF  }
0xa7: {  	s28 =	simm.s32 $_size_execute0_lowered;
	s3 =	sadd.s32 s3, s5;
	[dreg:$0x0] =	wrdreg $0x0  }
0xa8: {  	s5 =	sshll.u32 s28, $0x1;
	[dreg:$0x2] =	wrdreg s3  }
0xa9: {  	[dreg:$0x3] =	wrdreg s5  }
0xaa: {  	[dreg:$0x4] =	wrdreg $0xC0  }
0xab: {  	_ =	task [dreg:s7], $0x5FFFF  }
0xac: {  	[dreg:$0x1] =	wrdreg $0xFFFFFFFF  }
0xad: {  	[dreg:$0x0] =	wrdreg $0x60  }
0xae: {  	[dreg:$0x2] =	wrdreg s24  }
0xaf: {  	[dreg:$0x3] =	wrdreg s2  }
0xb0: {  	[dreg:$0x4] =	wrdreg $0xEE200  }
0xb1: {  	[dreg:$0x5] =	wrdreg $0x9  }
0xb2: {  	_ =	task.clear_ibuf [dreg:s7], $0x6FFFF;
	_ =	strace $0x90000049  }
0xb3: {  	s29 =	simm.s32 $0x9;
	_ =	strace $0x8000004B  }
0xb4: {  	_ =	swait.ge [sflag:s29], $0x1  }
0xb5: {  	[sflag:s29] =	ssyncadd.s32 $0xFFFFFFFF  }
0xb6: {  	_ =	strace $0x9000004B  }
0xb7: {  	_ =	sfence  }
0xb8: {  	s30 =	sld [smem:$0x0];
	_ =	sdelay $0x2  }
0xb9: {  	s31 =	sshll.u32 s1, $0xD;
	s1 =	sshrl.u32 s1, $0x2  }
0xba: {  	s3 =	sand.u32 $0x4000, s31;
	s1 =	sadd.s32 s1, s30  }
0xbb: {  	s0 =	sor.u32 s3, s0;
	s1 =	sshll.u32 s1, $0x11  }
0xbc: {  	s0 =	sor.u32 s1, s0  }
0xbd: {  	s0 =	sadd.s32 $0x8F2B, s0  }
0xbe: {  	[sflag:s0] =	ssyncadd.remote.s32 $0x1  }
0xbf: {  	_ =	sfence.sel $0xFFFF  }
0xc0: {  	[dreg:$0x0] =	wrdreg $0xFFFFFFFF;
	(pc) =	sbr.abs _section_cstart, $3  }
0xc1: {  	[dreg:$0x1] =	wrdreg $0xFFFFFFFF  }
0xc2: {  	_ =	task.clear_ibuf [dreg:s7], $0x2FFFF;
	_ =	strace $0x9FFFFFFF  }
0xc3: {  	(tm) =	ssettm $0x7FFFFFFF  }
tec
execute0_lowered:
.L_overlay_start_1:
0x0: {  	(tag) =	ssettag $0x1  }
0x1: {  	s0 =	rddreg [dreg:$0x0]  }
0x2: {  	s2 =	rddreg [dreg:$0x1]  }
0x3: {  	s1 =	rddreg [dreg:$0x2]  }
0x4: {  	s4 =	srdreg.scid;
	s20 =	simm.s32 $0x0;
	s3 =	stileid.u32  }
0x5: {  	s29 =	simm.s32 $0x80;
	s6 =	sand.u32 $0x1, s4;
	s7 =	smul.u32 $0xFA00, s3  }
0x6: {  	[smem:$0x7FF] =	sst s20;
	p1 =	slt.u32 s3, $0xA;
	s15 =	smul.u32 $0x2710, s3  }
0x7: {  	s4 =	sshll.u32 s6, $0x4;
	_ =	strace $0x8000004A;
	s8 =	ssub.s32 $0x2, s6  }
0x8: {  	s14 =	smul.u32 $0x27100, s6;
	p0 =	seq.s32 s6, $0x0;
	p2 =	seq.s32 s6, $0x1  }
0x9: {  	s5 =	sor.u32 s3, s4;
	s4 =	sadd.s32 $0x38000, s0;
	s10 =	sshrl.u32 s7, $0x3  }
0xa: {  	s11 =	sshrl.u32 s8, $0x1;
	s21 =	sadd.s32 s7, s1;
	s9 =	smul.u32 $0x2710, s5  }
0xb: {  	s5 =	sadd.s32 $0x7000, s0;
	s0 =	sadd.s32 s10, s0;
	[dreg:$0x5] =	wrdreg s21  }
0xc: {  	p0 =	por !p1, !p0;
	s10 =	sadd.s32 $0x4BA00, s0;
	[dreg:$0x4] =	wrdreg s5  }
0xd: {  	p1 =	por !p1, !p2;
	s16 =	sadd.s32 $0x72E00, s0;
	[dreg:$0x7] =	wrdreg s10  }
0xe: {  	s8 =	ssub.s32 s8, s11;
	s0 =	sadd.s32 $0x5F400, s0;
	[dreg:$0x10] =	wrdreg s16  }
0xf: {  	s22 =	smax.u32 s8, $0x1;
	s9 =	sshrl.u32 s9, $0x3;
	[dreg:$0x11] =	wrdreg s0  }
0x10: {  	p2 =	sgt.u32 s3, $0x9;
	[dreg:$0x12] =	wrdreg s22;
	s28 =	sadd.s32 s2, s9  }
0x11: {  	p0 =	por !p0, !p0;
	s26 =	sadd.s32 s5, s9;
	[dreg:$0x8] =	wrdreg s28  }
0x12: {  	p1 =	por !p1, !p1;
	s30 =	sadd.s32 $0x10, s26;
	[dreg:$0x6] =	wrdreg s26  }
0x13: {  	s8 =	simm.s32 $0x2D20;
	s31 =	sadd.s32 $0x20, s26;
	[dreg:$0x9] =	wrdreg s30  }
0x14: {  	s10 =	simm.s32 $0x2DA0;
	s11 =	sadd.s32 $0x30, s26;
	[dreg:$0xa] =	wrdreg s31  }
0x15: {  	s16 =	simm.s32 $0xB;
	s12 =	sadd.s32 $0x40, s26;
	[dreg:$0xb] =	wrdreg s11  }
0x16: {  	s13 =	sadd.s32 $0x4E0, s9;
	s7 =	sadd.s32 $0x50, s26;
	[dreg:$0xc] =	wrdreg s12  }
0x17: {  	s9 =	simm.s32 $0xAE20;
	s2 =	sadd.s32 s2, s13;
	[dreg:$0xd] =	wrdreg s7  }
0x18: {  	[dreg:$0xe] =	wrdreg s2;
	s7 =	sadd.s32 s5, s13;
	s2 =	sadd.s32 s15, s14  }
0x19: {  	s11 =	simm.s32 $0xCE20;
	s12 =	simm.s32 $0x7;
	s13 =	simm.s32 $0x1  }
0x1a: {  	s14 =	simm.s32 $0x9;
	s15 =	simm.s32 $0x3;
	[dreg:$0xf] =	wrdreg s7  }
0x1b: {  	s17 =	sadd.s32 $0x580, s2;
	s19 =	sadd.s32 $0x500, s2;
	s24 =	sadd.s32 $0x480, s2  }
0x1c: {  	s25 =	sadd.s32 $0x400, s2;
	s26 =	sadd.s32 $0x380, s2;
	s31 =	sadd.s32 $0x300, s2  }
0x1d: {  	s7 =	simm.s32 $0x13;
	s18 =	sshrl.u32 s17, $0x3;
	s23 =	sshrl.u32 s19, $0x3  }
0x1e: {  	s6 =	sshrl.u32 s25, $0x3;
	s30 =	sshrl.u32 s26, $0x3;
	[dreg:$0x18] =	wrdreg s31  }
0x1f: {  	s17 =	simm.s32 $0x5;
	s19 =	simm.s32 $0x6;
	s0 =	sadd.s32 s18, s5  }
.Ltmp0:
0x20: {  	[dreg:$0x13] =	wrdreg s0;
	s0 =	sadd.s32 s23, s5;
	(pc) =	sbr.rel .LBB2_1-.Ltmp0, $4  }
0x21: {  	s28 =	sadd.s32 s6, s5;
	[dreg:$0x14] =	wrdreg s0;
	s0 =	sshrl.u32 s24, $0x3  }
0x22: {  	s25 =	simm.s32 $0x12;
	[dreg:$0x16] =	wrdreg s28;
	s0 =	sadd.s32 s0, s5  }
0x23: {  	s18 =	simm.s32 $0xC;
	[dreg:$0x15] =	wrdreg s0;
	s0 =	sadd.s32 s30, s5  }
0x24: {  	s24 =	simm.s32 $0x11;
	s5 =	simm.s32 $0x0;
	[dreg:$0x17] =	wrdreg s0  }
.LBB2_4:
0x25: {  	_ =	swait.ge [sflag:s18], $0x80  }
0x26: {  	[sflag:s18] =	ssyncset.done $0x0  }
0x27: {  	[sflag:s18] =	ssyncadd.s32 $0xFFFFFF80  }
0x28: {  	_ =	swait.ge [sflag:s19], $0x2000  }
0x29: {  	[sflag:s19] =	ssyncset.done $0x0  }
0x2a: {  	s0 =	simm.s32 $0xD;
	[sflag:s19] =	ssyncadd.s32 $0xFFFFE000  }
0x2b: {  	[spmem:s1] =	stream.indirect.scatter.add.f32 [tilespmem:s11], [sflag:$0x12], $0x40, s10, s29, $0xb8;
	[tilespmem:$0x18A60] =	vst v63  }
0x2c: {  	_ =	swait.ge [sflag:s0], $0x2000  }
0x2d: {  	[sflag:s0] =	ssyncset.done $0x0  }
0x2e: {  	s21 =	simm.s32 $0xE;
	[sflag:s0] =	ssyncadd.s32 $0xFFFFE000  }
0x2f: {  	_ =	swait.ge [sflag:s21], $0x2000  }
0x30: {  	[sflag:s21] =	ssyncset.done $0x0  }
0x31: {  	s22 =	simm.s32 $0xF;
	[sflag:s21] =	ssyncadd.s32 $0xFFFFE000  }
0x32: {  	_ =	swait.ge [sflag:s22], $0x2000  }
0x33: {  	[sflag:s22] =	ssyncset.done $0x0  }
0x34: {  	s2 =	simm.s32 $0x10;
	[sflag:s22] =	ssyncadd.s32 $0xFFFFE000  }
0x35: {  	_ =	swait.ge [sflag:s2], $0x2000  }
0x36: {  	[sflag:s2] =	ssyncset.done $0x0  }
0x37: {  	[sflag:s2] =	ssyncadd.s32 $0xFFFFE000  }
0x38: {  	_ =	swait.ge [sflag:s24], $0x2000  }
0x39: {  	[sflag:s24] =	ssyncset.done $0x0  }
0x3a: {  	[sflag:s24] =	ssyncadd.s32 $0xFFFFE000  }
0x3b: {  	_ =	swait.ge [sflag:s25], $0x2000  }
0x3c: {  	s20 =	simm.s32 $0x0;
	s3 =	simm.s32 $0x2700;
	[sflag:s25] =	ssyncset.done $0x0  }
0x3d: {  	s7 =	simm.s32 $0x13;
	s23 =	rddreg [dreg:$0xe];
	[sflag:s25] =	ssyncadd.s32 $0xFFFFE000  }
0x3e: {  	[tilespmem:s3], [sflag:$0x13] =	stream.linear.gather [hbm4b:s23+s20], $0x10, $0x38;
	[tilespmem:$0x18A60] =	vst v63  }
0x3f: {  	_ =	swait.ge [sflag:s7], $0x10  }
0x40: {  	[sflag:s7] =	ssyncset.done $0x0  }
0x41: {  	s5 =	simm.s32 $0x2710;
	s26 =	rddreg [dreg:$0xf];
	[sflag:s7] =	ssyncadd.s32 $0xFFFFFFF0  }
0x42: {  	[tilespmem:s5], [sflag:$0x13] =	stream.linear.gather [hbm4b:s26+s20], $0x10, $0x38;
	[tilespmem:$0x18A60] =	vst v63  }
0x43: {  	_ =	swait.ge [sflag:s7], $0x10  }
0x44: {  	[sflag:s7] =	ssyncset.done $0x0  }
0x45: {  	s28 =	simm.s32 $0x2720;
	[sflag:s7] =	ssyncadd.s32 $0xFFFFFFF0  }
0x46: {  	[tilespmem:s28], [sflag:$0x1] =	stream.indirect.gather [hbm4b:s4+s2], $0x40, s3, s2, $0xb8;
	[tilespmem:$0x18A60] =	vst v63  }
0x47: {  	_ =	swait.ge [sflag:s13], $0x400  }
0x48: {  	[sflag:s13] =	ssyncset.done $0x0  }
0x49: {  	[sflag:s13] =	ssyncadd.s32 $0xFFFFFC00  }
0x4a: {  	[spmem:s1] =	stream.indirect.scatter.add.f32 [tilespmem:s28], [sflag:$0x13], $0x40, s5, s2, $0xb8;
	[tilespmem:$0x18A60] =	vst v63  }
0x4b: {  	_ =	swait.ge [sflag:s7], $0x400  }
0x4c: {  	[sflag:s7] =	ssyncset.done $0x0  }
0x4d: {  	[sflag:s7] =	ssyncadd.s32 $0xFFFFFC00  }
0x4e: {  	s3 =	stileid.u32;
	[bflag:$0x0] =	sbarrier.arrive $0xFFFF  }
0x4f: {  	s0 =	sshll.u32 @p0 s3, $0x6;
	s21 =	rddreg [dreg:$0x5]  }
0x50: {  	s0 =	sor.u32 @p0 $0x1C13, s0;
	s5 =	rddreg [dreg:$0x10];
	s2 =	sshrl.u32 @p0 s21, $0x3  }
0x51: {  	[hbm:s5], [sflag:s0] =	dma.local @p0 [spmem:s2], $0x1F40  }
0x52: {  	s0 =	simm.s32 @p0 $0x13  }
0x53: {  	_ =	swait.ge @p0 [sflag:s0], $0x1F40  }
0x54: {  	s2 =	sshll.u32 @p1 s3, $0x6;
	[sflag:s0] =	ssyncset.done @p0 $0x0;
	s5 =	rddreg [dreg:$0x11]  }
0x55: {  	[sflag:s0] =	ssyncadd.s32 @p0 $0xFFFFE0C0;
	s0 =	sor.u32 @p1 $0x1C13, s2;
	s2 =	sshrl.u32 @p1 s21, $0x3  }
0x56: {  	[hbm:s5], [sflag:s0] =	dma.local @p1 [spmem:s2], $0x1F40  }
0x57: {  	s0 =	simm.s32 @p1 $0x13  }
0x58: {  	_ =	swait.ge @p1 [sflag:s0], $0x1F40  }
0x59: {  	s30 =	rddreg [dreg:$0x19]  }
0x5a: {  	s31 =	rddreg [dreg:$0x12];
	s5 =	sadd.s32 $0x1, s30  }
0x5b: {  	p3 =	sne.s32 s5, s31  }
.Ltmp1:
0x5c: {  	_ = 	snop;
	(pc) =	sbr.rel @!p3 .LBB2_5-.Ltmp1, $3  }
0x5d: {  	_ =	sdelay $0x1  }
0x5e: {  	[sflag:s0] =	ssyncset.done @p1 $0x0  }
0x5f: {  	[sflag:s0] =	ssyncadd.s32 @p1 $0xFFFFE0C0  }
.LBB2_1:
0x60: {  	[dreg:$0x19] =	wrdreg s5;
	s2 =	sshll.u32 @!p2 s3, $0x6  }
0x61: {  	s6 =	sshrl.u32 @!p2 s21, $0x3;
	s0 =	rddreg [dreg:$0x7];
	s2 =	sor.u32 @!p2 $0x1C13, s2  }
0x62: {  	[spmem:s6], [sflag:s2] =	dma.local @!p2 [hbm:s0], $0x1F40  }
0x63: {  	s2 =	simm.s32 @!p2 $0x13  }
0x64: {  	_ =	swait.ge @!p2 [sflag:s2], $0x1F40  }
0x65: {  	[sflag:s2] =	ssyncset.done @!p2 $0x0  }
0x66: {  	[sflag:s2] =	ssyncadd.s32 @!p2 $0xFFFFE0C0  }
0x67: {  	[bflag:$0x0] =	sbarrier.arrive $0xFFFF  }
0x68: {  	s21 =	rddreg [dreg:$0x8]  }
0x69: {  	[tilespmem:s20], [sflag:$0x13] =	stream.linear.gather [hbm4b:s21+s20], $0x2700, $0x38;
	[tilespmem:$0x18A60] =	vst v63  }
0x6a: {  	_ =	swait.ge [sflag:s7], $0x2700  }
0x6b: {  	[sflag:s7] =	ssyncset.done $0x0  }
0x6c: {  	s23 =	simm.s32 $0x2B20;
	s22 =	rddreg [dreg:$0x6];
	[sflag:s7] =	ssyncadd.s32 $0xFFFFD900  }
0x6d: {  	[tilespmem:s23], [sflag:$0x7] =	stream.linear.gather [hbm4b:s22+s20], $0x80, $0x38;
	[tilespmem:$0x18A60] =	vst v63  }
0x6e: {  	s26 =	simm.s32 $0x2E20;
	s28 =	rddreg [dreg:$0x9]  }
0x6f: {  	[tilespmem:s26], [sflag:$0x1] =	stream.indirect.gather [hbm4b:s4+s29], $0x40, s20, s29, $0xb8;
	[tilespmem:$0x18A60] =	vst v63  }
0x70: {  	s30 =	simm.s32 $0x2BA0;
	s2 =	rddreg [dreg:$0xa]  }
0x71: {  	[tilespmem:s30], [sflag:$0x8] =	stream.linear.gather [hbm4b:s28+s20], $0x80, $0x38;
	[tilespmem:$0x18A60] =	vst v63  }
0x72: {  	s31 =	simm.s32 $0x4E20;
	s7 =	rddreg [dreg:$0xb]  }
0x73: {  	[tilespmem:s31], [sflag:$0x2] =	stream.indirect.gather [hbm4b:s4+s29], $0x40, s29, s29, $0xb8;
	[tilespmem:$0x18A60] =	vst v63  }
0x74: {  	s3 =	simm.s32 $0x2C20;
	s26 =	rddreg [dreg:$0xc]  }
0x75: {  	[tilespmem:s3], [sflag:$0x9] =	stream.linear.gather [hbm4b:s2+s20], $0x80, $0x38;
	[tilespmem:$0x18A60] =	vst v63  }
0x76: {  	s5 =	simm.s32 $0x100;
	s6 =	simm.s32 $0x6E20;
	s30 =	rddreg [dreg:$0xd]  }
0x77: {  	[tilespmem:s6], [sflag:$0x3] =	stream.indirect.gather [hbm4b:s4+s29], $0x40, s5, s29, $0xb8;
	[tilespmem:$0x18A60] =	vst v63  }
0x78: {  	s21 =	simm.s32 $0x2CA0;
	s2 =	rddreg [dreg:$0x18]  }
0x79: {  	[tilespmem:s21], [sflag:$0xA] =	stream.linear.gather [hbm4b:s7+s20], $0x80, $0x38;
	[tilespmem:$0x18A60] =	vst v63  }
0x7a: {  	s22 =	simm.s32 $0x180;
	s23 =	simm.s32 $0x8E20;
	s6 =	rddreg [dreg:$0x14]  }
0x7b: {  	[tilespmem:s23], [sflag:$0x4] =	stream.indirect.gather [hbm4b:s4+s29], $0x40, s22, s29, $0xb8;
	[tilespmem:$0x18A60] =	vst v63  }
0x7c: {  	s21 =	rddreg [dreg:$0x16]  }
0x7d: {  	[tilespmem:s8], [sflag:$0xB] =	stream.linear.gather [hbm4b:s26+s20], $0x80, $0x38;
	[tilespmem:$0x18A60] =	vst v63  }
0x7e: {  	s28 =	simm.s32 $0x200;
	s22 =	rddreg [dreg:$0x15]  }
0x7f: {  	[tilespmem:s9], [sflag:$0x5] =	stream.indirect.gather [hbm4b:s4+s29], $0x40, s28, s29, $0xb8;
	[tilespmem:$0x18A60] =	vst v63  }
0x80: {  	s26 =	rddreg [dreg:$0x13]  }
0x81: {  	[tilespmem:s10], [sflag:$0xC] =	stream.linear.gather [hbm4b:s30+s20], $0x80, $0x38;
	[tilespmem:$0x18A60] =	vst v63  }
0x82: {  	s31 =	simm.s32 $0x280;
	s23 =	simm.s32 $0x0;
	s20 =	rddreg [dreg:$0x17]  }
0x83: {  	[tilespmem:s11], [sflag:$0x6] =	stream.indirect.gather [hbm4b:s4+s29], $0x40, s31, s29, $0xb8;
	[tilespmem:$0x18A60] =	vst v63  }
.LBB2_2:
0x84: {  	_ =	swait.ge [sflag:s12], $0x80  }
0x85: {  	[sflag:s12] =	ssyncset.done $0x0  }
0x86: {  	[sflag:s12] =	ssyncadd.s32 $0xFFFFFF80  }
0x87: {  	_ =	swait.ge [sflag:s13], $0x2000  }
0x88: {  	s0 =	simm.s32 $0x2B20;
	p3 =	seq.s32 s23, $0x9000;
	[sflag:s13] =	ssyncset.done $0x0  }
0x89: {  	s3 =	simm.s32 $0x2E20;
	s7 =	simm.s32 @p3 $0x8;
	[sflag:s13] =	ssyncadd.s32 $0xFFFFE000  }
0x8a: {  	[spmem:s1] =	stream.indirect.scatter.add.f32 [tilespmem:s3], [sflag:$0xD], $0x40, s0, s29, $0xb8;
	[tilespmem:$0x18A60] =	vst v63  }
0x8b: {  	_ =	swait.ge @p3 [sflag:s7], $0x80  }
0x8c: {  	[sflag:s7] =	ssyncset.done @p3 $0x0  }
0x8d: {  	[sflag:s7] =	ssyncadd.s32 @p3 $0xFFFFFF80;
	s7 =	simm.s32 @p3 $0x2  }
0x8e: {  	_ =	swait.ge @p3 [sflag:s7], $0x2000  }
0x8f: {  	s31 =	simm.s32 @p3 $0x80;
	[sflag:s7] =	ssyncset.done @p3 $0x0  }
0x90: {  	s28 =	simm.s32 @p3 $0x4E20;
	[sflag:s7] =	ssyncadd.s32 @p3 $0xFFFFE000;
	s7 =	simm.s32 @p3 $0x2BA0  }
0x91: {  	[spmem:s1] =	stream.indirect.scatter.add.f32 @p3 [tilespmem:s28], [sflag:$0xE], $0x40, s7, s31, $0xb8;
	[tilespmem:$0x18A60] =	vst v63  }
0x92: {  	s7 =	simm.s32 @!p3 $0xD  }
0x93: {  	_ =	swait.ge @!p3 [sflag:s7], $0x2000  }
0x94: {  	[sflag:s7] =	ssyncset.done @!p3 $0x0  }
0x95: {  	s0 =	rddreg [dreg:$0x4];
	[sflag:s7] =	ssyncadd.s32 @!p3 $0xFFFFE000;
	s7 =	sshrl.u32 @!p3 s2, $0x3  }
0x96: {  	s30 =	simm.s32 @!p3 $0x2B20;
	s28 =	sadd.s32 @!p3 s0, s7;
	s7 =	simm.s32 @!p3 $0x0  }
0x97: {  	[tilespmem:s30], [sflag:$0x7] =	stream.linear.gather @!p3 [hbm4b:s28+s7], $0x80, $0x38;
	[tilespmem:$0x18A60] =	vst v63  }
0x98: {  	s28 =	sshra.s32 @!p3 s23, $0x2  }
0x99: {  	s5 =	simm.s32 @!p3 $0x2E20;
	s30 =	simm.s32 @!p3 $0x80;
	s0 =	sadd.s32 @!p3 $0x300, s28  }
0x9a: {  	[tilespmem:s5], [sflag:$0x1] =	stream.indirect.gather @!p3 [hbm4b:s4+s30], $0x40, s0, s30, $0xb8;
	[tilespmem:$0x18A60] =	vst v63  }
0x9b: {  	s0 =	simm.s32 @!p3 $0x8  }
0x9c: {  	_ =	swait.ge @!p3 [sflag:s0], $0x80  }
0x9d: {  	[sflag:s0] =	ssyncset.done @!p3 $0x0  }
0x9e: {  	[sflag:s0] =	ssyncadd.s32 @!p3 $0xFFFFFF80;
	s0 =	simm.s32 @!p3 $0x2  }
0x9f: {  	_ =	swait.ge @!p3 [sflag:s0], $0x2000  }
0xa0: {  	s3 =	simm.s32 @!p3 $0xE;
	[sflag:s0] =	ssyncset.done @!p3 $0x0  }
0xa1: {  	s5 =	simm.s32 @!p3 $0x4E20;
	[sflag:s0] =	ssyncadd.s32 @!p3 $0xFFFFE000;
	s0 =	simm.s32 @!p3 $0x2BA0  }
0xa2: {  	[spmem:s1] =	stream.indirect.scatter.add.f32 @!p3 [tilespmem:s5], [sflag:$0xE], $0x40, s0, s30, $0xb8;
	[tilespmem:$0x18A60] =	vst v63  }
0xa3: {  	_ =	swait.ge @!p3 [sflag:s3], $0x2000  }
0xa4: {  	[sflag:s3] =	ssyncset.done @!p3 $0x0  }
0xa5: {  	[sflag:s3] =	ssyncadd.s32 @!p3 $0xFFFFE000  }
0xa6: {  	[tilespmem:s0], [sflag:$0x8] =	stream.linear.gather @!p3 [hbm4b:s20+s7], $0x80, $0x38;
	[tilespmem:$0x18A60] =	vst v63  }
0xa7: {  	s0 =	sadd.s32 @!p3 $0x380, s28  }
0xa8: {  	[tilespmem:s5], [sflag:$0x2] =	stream.indirect.gather @!p3 [hbm4b:s4+s30], $0x40, s0, s30, $0xb8;
	[tilespmem:$0x18A60] =	vst v63  }
0xa9: {  	_ =	swait.ge [sflag:s14], $0x80  }
0xaa: {  	[sflag:s14] =	ssyncset.done $0x0  }
0xab: {  	[sflag:s14] =	ssyncadd.s32 $0xFFFFFF80  }
0xac: {  	_ =	swait.ge [sflag:s15], $0x2000  }
0xad: {  	s3 =	simm.s32 $0x2C20;
	[sflag:s15] =	ssyncset.done $0x0  }
0xae: {  	s5 =	simm.s32 $0x6E20;
	s0 =	simm.s32 @p3 $0xA;
	[sflag:s15] =	ssyncadd.s32 $0xFFFFE000  }
0xaf: {  	[spmem:s1] =	stream.indirect.scatter.add.f32 [tilespmem:s5], [sflag:$0xF], $0x40, s3, s29, $0xb8;
	[tilespmem:$0x18A60] =	vst v63  }
0xb0: {  	_ =	swait.ge @p3 [sflag:s0], $0x80  }
0xb1: {  	[sflag:s0] =	ssyncset.done @p3 $0x0  }
0xb2: {  	[sflag:s0] =	ssyncadd.s32 @p3 $0xFFFFFF80;
	s0 =	simm.s32 @p3 $0x4  }
0xb3: {  	_ =	swait.ge @p3 [sflag:s0], $0x2000  }
0xb4: {  	[sflag:s0] =	ssyncset.done @p3 $0x0  }
0xb5: {  	s3 =	simm.s32 @p3 $0x8E20;
	[sflag:s0] =	ssyncadd.s32 @p3 $0xFFFFE000;
	s0 =	simm.s32 @p3 $0x2CA0  }
0xb6: {  	[spmem:s1] =	stream.indirect.scatter.add.f32 @p3 [tilespmem:s3], [sflag:$0x10], $0x40, s0, s31, $0xb8;
	[tilespmem:$0x18A60] =	vst v63  }
0xb7: {  	s0 =	simm.s32 @!p3 $0xF  }
0xb8: {  	_ =	swait.ge @!p3 [sflag:s0], $0x2000  }
0xb9: {  	[sflag:s0] =	ssyncset.done @!p3 $0x0  }
0xba: {  	[sflag:s0] =	ssyncadd.s32 @!p3 $0xFFFFE000;
	s0 =	simm.s32 @!p3 $0x2C20  }
0xbb: {  	[tilespmem:s0], [sflag:$0x9] =	stream.linear.gather @!p3 [hbm4b:s21+s7], $0x80, $0x38;
	[tilespmem:$0x18A60] =	vst v63  }
0xbc: {  	s3 =	simm.s32 @!p3 $0x6E20;
	s0 =	sadd.s32 @!p3 $0x400, s28  }
0xbd: {  	[tilespmem:s3], [sflag:$0x3] =	stream.indirect.gather @!p3 [hbm4b:s4+s30], $0x40, s0, s30, $0xb8;
	[tilespmem:$0x18A60] =	vst v63  }
0xbe: {  	s0 =	simm.s32 @!p3 $0xA  }
0xbf: {  	_ =	swait.ge @!p3 [sflag:s0], $0x80  }
0xc0: {  	[sflag:s0] =	ssyncset.done @!p3 $0x0  }
0xc1: {  	[sflag:s0] =	ssyncadd.s32 @!p3 $0xFFFFFF80;
	s0 =	simm.s32 @!p3 $0x4  }
0xc2: {  	_ =	swait.ge @!p3 [sflag:s0], $0x2000  }
0xc3: {  	s5 =	simm.s32 @!p3 $0x10;
	[sflag:s0] =	ssyncset.done @!p3 $0x0  }
0xc4: {  	s3 =	simm.s32 @!p3 $0x8E20;
	[sflag:s0] =	ssyncadd.s32 @!p3 $0xFFFFE000;
	s0 =	simm.s32 @!p3 $0x2CA0  }
0xc5: {  	[spmem:s1] =	stream.indirect.scatter.add.f32 @!p3 [tilespmem:s3], [sflag:$0x10], $0x40, s0, s30, $0xb8;
	[tilespmem:$0x18A60] =	vst v63  }
0xc6: {  	_ =	swait.ge @!p3 [sflag:s5], $0x2000  }
0xc7: {  	[sflag:s5] =	ssyncset.done @!p3 $0x0  }
0xc8: {  	[sflag:s5] =	ssyncadd.s32 @!p3 $0xFFFFE000  }
0xc9: {  	[tilespmem:s0], [sflag:$0xA] =	stream.linear.gather @!p3 [hbm4b:s22+s7], $0x80, $0x38;
	[tilespmem:$0x18A60] =	vst v63  }
0xca: {  	s0 =	sadd.s32 @!p3 $0x480, s28  }
0xcb: {  	[tilespmem:s3], [sflag:$0x4] =	stream.indirect.gather @!p3 [hbm4b:s4+s30], $0x40, s0, s30, $0xb8;
	[tilespmem:$0x18A60] =	vst v63  }
0xcc: {  	_ =	swait.ge [sflag:s16], $0x80  }
0xcd: {  	[sflag:s16] =	ssyncset.done $0x0  }
.Ltmp2:
0xce: {  	[sflag:s16] =	ssyncadd.s32 $0xFFFFFF80;
	(pc) =	sbr.rel @p3 .LBB2_4-.Ltmp2, $4  }
0xcf: {  	_ =	swait.ge [sflag:s17], $0x2000  }
0xd0: {  	[sflag:s17] =	ssyncset.done $0x0  }
0xd1: {  	[sflag:s17] =	ssyncadd.s32 $0xFFFFE000  }
0xd2: {  	[spmem:s1] =	stream.indirect.scatter.add.f32 [tilespmem:s9], [sflag:$0x11], $0x40, s8, s29, $0xb8;
	[tilespmem:$0x18A60] =	vst v63  }
0xd3: {  	_ =	swait.ge [sflag:s24], $0x2000  }
0xd4: {  	[sflag:s24] =	ssyncset.done $0x0  }
0xd5: {  	s5 =	simm.s32 $0x0;
	s0 =	sshra.s32 s23, $0x2;
	[sflag:s24] =	ssyncadd.s32 $0xFFFFE000  }
0xd6: {  	[tilespmem:s8], [sflag:$0xB] =	stream.linear.gather [hbm4b:s6+s5], $0x80, $0x38;
	[tilespmem:$0x18A60] =	vst v63  }
0xd7: {  	s3 =	sadd.s32 $0x500, s0  }
0xd8: {  	[tilespmem:s9], [sflag:$0x5] =	stream.indirect.gather [hbm4b:s4+s29], $0x40, s3, s29, $0xb8;
	[tilespmem:$0x18A60] =	vst v63  }
0xd9: {  	_ =	swait.ge [sflag:s18], $0x80  }
0xda: {  	[sflag:s18] =	ssyncset.done $0x0  }
0xdb: {  	[sflag:s18] =	ssyncadd.s32 $0xFFFFFF80  }
0xdc: {  	_ =	swait.ge [sflag:s19], $0x2000  }
0xdd: {  	[sflag:s19] =	ssyncset.done $0x0  }
0xde: {  	[sflag:s19] =	ssyncadd.s32 $0xFFFFE000  }
0xdf: {  	[spmem:s1] =	stream.indirect.scatter.add.f32 [tilespmem:s11], [sflag:$0x12], $0x40, s10, s29, $0xb8;
	[tilespmem:$0x18A60] =	vst v63  }
0xe0: {  	s23 =	sadd.s32 $0xC00, s23;
	s22 =	sadd.s32 $0x60, s22;
	_ =	swait.ge [sflag:s25], $0x2000  }
.Ltmp3:
0xe1: {  	s21 =	sadd.s32 $0x60, s21;
	[sflag:s25] =	ssyncset.done $0x0;
	(pc) =	sbr.rel .LBB2_2-.Ltmp3, $4  }
0xe2: {  	s20 =	sadd.s32 $0x60, s20;
	s2 =	sadd.s32 $0x300, s2;
	[sflag:s25] =	ssyncadd.s32 $0xFFFFE000  }
0xe3: {  	[tilespmem:s10], [sflag:$0xC] =	stream.linear.gather [hbm4b:s26+s5], $0x80, $0x38;
	[tilespmem:$0x18A60] =	vst v63  }
0xe4: {  	s0 =	sadd.s32 $0x580, s0;
	s6 =	sadd.s32 $0x60, s6;
	s26 =	sadd.s32 $0x60, s26  }
0xe5: {  	[tilespmem:s11], [sflag:$0x6] =	stream.indirect.gather [hbm4b:s4+s29], $0x40, s0, s29, $0xb8;
	[tilespmem:$0x18A60] =	vst v63  }
.LBB2_5:
0xe6: {  	_ =	sfence.sel $0x180000  }
0xe7: {  	[bflag:$0x0] =	sbarrier.arrive $0xFFFF  }
0xe8: {  	_ =	strace $0x9000004A  }
0xe9: {  	[bflag:$0x2] =	sbarrier.arrive $0xFFFF  }
0xea: {  	p0 =	sne.s32 s3, $0x0;
	s0 =	rddreg [dreg:$0x3]  }
0xeb: {  	s0 =	sadd.s32 @!p0 $0x100000, s0  }
0xec: {  	[sflag:s0] =	ssyncadd.tile.s32 @!p0 $0x1;
	_ =	shalt  }
.Lfunc_end2:
_tile_overlayer_lowered:
.L_overlay_start_2:
0xed: {  	(tag) =	ssettag $0x2  }
0xee: {  	s0 =	rddreg [dreg:$0x0];
	s2 =	stileid.u32  }
0xef: {  	s1 =	rddreg [dreg:$0x1];
	p0 =	sne.s32 s2, $0x0  }
0xf0: {  	s3 =	rddreg [dreg:$0x2];
	[bflag:$0x3] =	sbarrier.arrive $0xFFFF;
	s2 =	simm.s32 @!p0 $0x1C13  }
0xf1: {  	[timem:s3], [sflag:s2] =	dma.local @!p0 [hbm:s0], s1  }
0xf2: {  	s0 =	simm.s32 @!p0 $0x13  }
0xf3: {  	_ =	swait.ge @!p0 [sflag:s0], s1  }
0xf4: {  	s1 =	ssub.s32 @!p0 $0x0, s1;
	[sflag:s0] =	ssyncset.done @!p0 $0x0  }
0xf5: {  	[sflag:s0] =	ssyncadd.s32 @!p0 s1  }
0xf6: {  	[bflag:$0x3] =	sbarrier.arrive $0xFFFF  }
0xf7: {  	_ =	shalt  }

// kernel: kernel.18.cloned.1.call-start
scs
__scs_entry_jumppad:
0x0: {  	(pc) =	sbr.rel $0x88, $3  }
0x1: {  	(tag) =	ssettag $0x0;
	lr =	simm.s32 $0x1  }
0x2: {  	[smem:$0x3F8C] =	sst lr;
	_ =	strace $0xD0000000  }
0x3: {  	_ = 	snop  }
0x4: {  	_ = 	snop  }
0x5: {  	_ = 	snop  }
0x6: {  	_ = 	snop  }
0x7: {  	_ = 	snop  }
__scs_overlays_trampoline_lowered:
0x8: {  	[smem:$0x3F9B] =	sst s0  }
0x9: {  	[smem:$0x3F9C] =	sst s1  }
0xa: {  	[smem:$0x3F9D] =	sst s2  }
0xb: {  	[smem:$0x3F9E] =	sst s3  }
0xc: {  	[smem:$0x3F9F] =	sst s4  }
0xd: {  	[smem:$0x3FA0] =	sst s5  }
0xe: {  	[smem:$0x3FA1] =	sst s6  }
0xf: {  	[smem:$0x3FA2] =	sst s7  }
0x10: {  	[smem:$0x3FA3] =	sst s8  }
0x11: {  	[smem:$0x3FA4] =	sst s9;
	s0 =	simm.s32 @!p0 $0x0  }
0x12: {  	s1 =	sld [smem:$0x3F8A];
	s0 =	simm.s32 @p0 $0x1  }
0x13: {  	[smem:$0x3FA5] =	sst s0;
	s0 =	simm.s32 @!p1 $0x0  }
0x14: {  	s2 =	sld [smem:$0x3F89];
	s0 =	simm.s32 @p1 $0x1  }
0x15: {  	[smem:$0x3FA6] =	sst s0;
	s0 =	simm.s32 @!p2 $0x0  }
0x16: {  	s3 =	sld [smem:$0x3FDB];
	s0 =	simm.s32 @p2 $0x1  }
0x17: {  	s4 =	simm.s32 $0x1BF5;
	[smem:$0x3FA8] =	sst s0  }
0x18: {  	s0 =	sld [smem:$0x3F8B];
	_ =	swait.ge [sflag:s4], $0x0  }
0x19: {  	s7 =	sld [smem:$0x3F8C]  }
0x1a: {  	s8 =	sadd.s32 $0xFFFFE003, lr  }
0x1b: {  	s9 =	sadd.s32 $0xFFFFFEF7, lr;
	s5 =	simm.s32 $0xFFFFFFFF;
	p2 =	slt.u32 s8, $0xFFFFF086  }
0x1c: {  	p1 =	slt.u32 s9, $0xF7A;
	s5 =	simm.s32 @!p2 $0x0  }
0x1d: {  	s5 =	simm.s32 @p1 $0x1;
	p0 =	seq.s32 s7, s2  }
0x1e: {  	s7 =	smul.u32 @!p0 $0xF7A, s2;
	p2 =	seq.s32 @!p0 s5, $0x0  }
0x1f: {  	s9 =	smul.u32 $0xF7A, s1;
	s8 =	simm.s32 @!p0 $0x1BF5;
	p2 =	por !p2, p0  }
0x20: {  	[sflag:s8] =	ssyncset.s32 @!p0 $0xFFFFF086;
	s6 =	sadd.s32 @!p0 s3, s7;
	s7 =	simm.s32 @!p0 $0x108  }
0x21: {  	s3 =	sadd.s32 s3, s9;
	s6 =	sadd.s32 @!p0 $0x88, s6;
	s7 =	simm.s32 @p2 $0x1082  }
0x22: {  	[simem:s7], [sflag:s8] =	dma.local @!p0 [hbm:s6], $0xF7A  }
0x23: {  	s9 =	sor.u32 $0xD0000000, s2;
	s6 =	simm.s32 $0x108;
	_ =	swait.ge @!p0 [sflag:s8], $0x0  }
0x24: {  	s3 =	sadd.s32 $0x88, s3;
	s6 =	simm.s32 @!p1 $0x1082;
	[sflag:s4] =	ssyncset.s32 $0xFFFFF086  }
0x25: {  	[simem:s6], [sflag:s4] =	dma.local [hbm:s3], $0xF7A  }
0x26: {  	[smem:$0x3F8C] =	sst s1;
	(tag) =	ssettag s2;
	_ =	strace s9  }
0x27: {  	s1 =	sld [smem:$0x3F9C]  }
0x28: {  	s2 =	sld [smem:$0x3F9D]  }
0x29: {  	s4 =	sld [smem:$0x3F9F]  }
0x2a: {  	p0 =	seq.s32 s5, $0x0;
	s5 =	sld [smem:$0x3FA0]  }
0x2b: {  	s6 =	sld [smem:$0x3FA1]  }
0x2c: {  	s7 =	sld [smem:$0x3FA2]  }
0x2d: {  	s3 =	simm.s32 $0x108;
	s8 =	sld [smem:$0x3FA3]  }
0x2e: {  	s3 =	simm.s32 @!p0 $0x1082;
	s9 =	sld [smem:$0x3FA4]  }
0x2f: {  	lr =	sadd.s32 s0, s3;
	s0 =	sld [smem:$0x3F9B]  }
0x30: {  	s3 =	sld [smem:$0x3F9E]  }
0x31: {  	[smem:$0x3FA7] =	sst s10  }
0x32: {  	s10 =	sld [smem:$0x3FA5];
	_ =	sdelay $0x3  }
0x33: {  	p0 =	seq.s32 s10, $0x1;
	s10 =	sld [smem:$0x3FA7];
	_ =	sdelay $0x3  }
0x34: {  	[smem:$0x3FA7] =	sst s10  }
0x35: {  	s10 =	sld [smem:$0x3FA6];
	_ =	sdelay $0x3  }
0x36: {  	p1 =	seq.s32 s10, $0x1;
	s10 =	sld [smem:$0x3FA7];
	_ =	sdelay $0x3  }
0x37: {  	[smem:$0x3FA7] =	sst s10  }
0x38: {  	s10 =	sld [smem:$0x3FA8]  }
0x39: {  	_ = 	snop;
	(pc) =	sbr.ind lr, $3  }
0x3a: {  	_ = 	snop  }
0x3b: {  	_ = 	snop  }
0x3c: {  	p2 =	seq.s32 s10, $0x1;
	s10 =	sld [smem:$0x3FA7]  }
0x3d: {  	_ =	shalt  }
0x3e: {  	_ =	shalt  }
0x3f: {  	_ =	shalt  }
0x40: {  	_ =	shalt  }
0x41: {  	_ =	shalt  }
0x42: {  	_ =	shalt  }
0x43: {  	_ =	shalt  }
0x44: {  	_ =	shalt  }
0x45: {  	_ =	shalt  }
0x46: {  	_ =	shalt  }
0x47: {  	_ =	shalt  }
0x48: {  	_ =	shalt  }
0x49: {  	_ =	shalt  }
0x4a: {  	_ =	shalt  }
0x4b: {  	_ =	shalt  }
0x4c: {  	_ =	shalt  }
0x4d: {  	_ =	shalt  }
0x4e: {  	_ =	shalt  }
0x4f: {  	_ =	shalt  }
0x50: {  	_ =	shalt  }
0x51: {  	_ =	shalt  }
0x52: {  	_ =	shalt  }
0x53: {  	_ =	shalt  }
0x54: {  	_ =	shalt  }
0x55: {  	_ =	shalt  }
0x56: {  	_ =	shalt  }
0x57: {  	_ =	shalt  }
0x58: {  	_ =	shalt  }
0x59: {  	_ =	shalt  }
0x5a: {  	_ =	shalt  }
0x5b: {  	_ =	shalt  }
0x5c: {  	_ =	shalt  }
0x5d: {  	_ =	shalt  }
0x5e: {  	_ =	shalt  }
0x5f: {  	_ =	shalt  }
0x60: {  	_ =	shalt  }
0x61: {  	_ =	shalt  }
0x62: {  	_ =	shalt  }
0x63: {  	_ =	shalt  }
0x64: {  	_ =	shalt  }
0x65: {  	_ =	shalt  }
0x66: {  	_ =	shalt  }
0x67: {  	_ =	shalt  }
0x68: {  	_ =	shalt  }
0x69: {  	_ =	shalt  }
0x6a: {  	_ =	shalt  }
0x6b: {  	_ =	shalt  }
0x6c: {  	_ =	shalt  }
0x6d: {  	_ =	shalt  }
0x6e: {  	_ =	shalt  }
0x6f: {  	_ =	shalt  }
0x70: {  	_ =	shalt  }
0x71: {  	_ =	shalt  }
0x72: {  	_ =	shalt  }
0x73: {  	_ =	shalt  }
0x74: {  	_ =	shalt  }
0x75: {  	_ =	shalt  }
0x76: {  	_ =	shalt  }
0x77: {  	_ =	shalt  }
0x78: {  	_ =	shalt  }
0x79: {  	_ =	shalt  }
0x7a: {  	_ =	shalt  }
0x7b: {  	_ =	shalt  }
0x7c: {  	_ =	shalt  }
0x7d: {  	_ =	shalt  }
0x7e: {  	_ =	shalt  }
0x7f: {  	_ =	shalt  }
0x80: {  	_ =	shalt  }
0x81: {  	_ =	shalt  }
0x82: {  	_ =	shalt  }
0x83: {  	_ =	shalt  }
0x84: {  	_ =	shalt  }
0x85: {  	_ =	shalt  }
0x86: {  	_ =	shalt  }
0x87: {  	_ =	shalt  }
.Lfunc_end0:
.L_simem_size_0:
called_computation.2_lowered:
.L_overlay_start_0:
0x88: {  	s2 =	sld [smem:$0x3FD9]  }
0x89: {  	s3 =	sld [smem:$0x3FFE];
	_ =	sdelay $0x1  }
0x8a: {  	s1 =	srdreg.scid  }
0x8b: {  	s0 =	sand.u32 $0x1, s1  }
0x8c: {  	s17 =	sshll.u32 s0, $0xA;
	s2 =	sadd.s32 s3, s2  }
0x8d: {  	s2 =	sadd.s32 s2, s17  }
0x8e: {  	[smem:$0x3FB3] =	sst s2  }
0x8f: {  	_ = 	snop  }
0x90: {  	s2 =	sld [smem:$0x3FD0];
	(tm) =	ssettm $0x1  }
0x91: {  	s18 =	sld [smem:$0x3FFB];
	_ =	sdelay $0x3  }
0x92: {  	_ =	strace s18  }
0x93: {  	s3 =	sld [smem:$0x3FFC];
	_ =	sdelay $0x3  }
0x94: {  	_ =	strace s3  }
0x95: {  	s3 =	sld [smem:$0x3FFD];
	_ =	sdelay $0x3  }
0x96: {  	_ =	strace s3  }
0x97: {  	_ =	strace $0x8FFFFFFF  }
0x98: {  	s19 =	sld [smem:$0x3FDB];
	_ =	sdelay $0x1  }
0x99: {  	s4 =	simm.s32 $_scs_section_size  }
0x9a: {  	s5 =	simm.s32 $_size__tile_overlayer_lowered;
	s6 =	simm.s32 $_tile_overlayer_lowered  }
0x9b: {  	s22 =	simm.s32 $0x1BFF;
	s21 =	sshll.u32 s6, $0x1;
	s3 =	sadd.s32 s4, s19  }
0x9c: {  	s7 =	simm.s32 $0x0;
	s20 =	sshll.u32 s5, $0x1;
	s5 =	sadd.s32 s21, s3  }
0x9d: {  	[timem:s7], [sflag:s22] =	dma.local [hbm:s5], s20  }
0x9e: {  	_ =	swait.ge [sflag:s22], s20  }
0x9f: {  	s4 =	ssub.s32 $0x0, s20;
	[sflag:s22] =	ssyncset.done $0x0  }
0xa0: {  	[sflag:s22] =	ssyncadd.s32 s4;
	_ =	sdelay $0x1  }
0xa1: {  	s23 =	simm.s32 $0x1B8B  }
0xa2: {  	_ =	swait.ge [sflag:s23], $0x1  }
0xa3: {  	[sflag:s23] =	ssyncset.done $0x0  }
0xa4: {  	s25 =	simm.s32 $0x1B8E;
	s24 =	sld [smem:$0x3FFE];
	[sflag:s23] =	ssyncadd.s32 $0xFFFFFFFF  }
0xa5: {  	s26 =	simm.s32 $execute0_lowered;
	[smem:$0x3FD2] =	sst s25  }
0xa6: {  	s5 =	sshll.u32 s26, $0x1;
	_ =	strace $0x8000004C;
	[dreg:$0x1] =	wrdreg $0xFFFFFFFF  }
0xa7: {  	s28 =	simm.s32 $_size_execute0_lowered;
	s3 =	sadd.s32 s3, s5;
	[dreg:$0x0] =	wrdreg $0x0  }
0xa8: {  	s5 =	sshll.u32 s28, $0x1;
	[dreg:$0x2] =	wrdreg s3  }
0xa9: {  	[dreg:$0x3] =	wrdreg s5  }
0xaa: {  	[dreg:$0x4] =	wrdreg $0xC0  }
0xab: {  	_ =	task [dreg:s7], $0x5FFFF  }
0xac: {  	[dreg:$0x1] =	wrdreg $0xFFFFFFFF  }
0xad: {  	[dreg:$0x0] =	wrdreg $0x60  }
0xae: {  	[dreg:$0x2] =	wrdreg s24  }
0xaf: {  	[dreg:$0x3] =	wrdreg s2  }
0xb0: {  	[dreg:$0x4] =	wrdreg $0xEE200  }
0xb1: {  	[dreg:$0x5] =	wrdreg $0x9  }
0xb2: {  	_ =	task.clear_ibuf [dreg:s7], $0x6FFFF;
	_ =	strace $0x9000004C  }
0xb3: {  	s29 =	simm.s32 $0x9;
	_ =	strace $0x8000004E  }
0xb4: {  	_ =	swait.ge [sflag:s29], $0x1  }
0xb5: {  	[sflag:s29] =	ssyncadd.s32 $0xFFFFFFFF  }
0xb6: {  	_ =	strace $0x9000004E  }
0xb7: {  	_ =	sfence  }
0xb8: {  	s30 =	sld [smem:$0x0];
	_ =	sdelay $0x2  }
0xb9: {  	s31 =	sshll.u32 s1, $0xD;
	s1 =	sshrl.u32 s1, $0x2  }
0xba: {  	s3 =	sand.u32 $0x4000, s31;
	s1 =	sadd.s32 s1, s30  }
0xbb: {  	s0 =	sor.u32 s3, s0;
	s1 =	sshll.u32 s1, $0x11  }
0xbc: {  	s0 =	sor.u32 s1, s0  }
0xbd: {  	s0 =	sadd.s32 $0x8F2B, s0  }
0xbe: {  	[sflag:s0] =	ssyncadd.remote.s32 $0x1  }
0xbf: {  	_ =	sfence.sel $0xFFFF  }
0xc0: {  	[dreg:$0x0] =	wrdreg $0xFFFFFFFF;
	(pc) =	sbr.abs _section_cstart, $3  }
0xc1: {  	[dreg:$0x1] =	wrdreg $0xFFFFFFFF  }
0xc2: {  	_ =	task.clear_ibuf [dreg:s7], $0x2FFFF;
	_ =	strace $0x9FFFFFFF  }
0xc3: {  	(tm) =	ssettm $0x7FFFFFFF  }
tec
execute0_lowered:
.L_overlay_start_1:
0x0: {  	(tag) =	ssettag $0x1  }
0x1: {  	s0 =	rddreg [dreg:$0x0]  }
0x2: {  	s2 =	rddreg [dreg:$0x1]  }
0x3: {  	s1 =	rddreg [dreg:$0x2]  }
0x4: {  	s4 =	srdreg.scid;
	s20 =	simm.s32 $0x0;
	s3 =	stileid.u32  }
0x5: {  	s29 =	simm.s32 $0x80;
	s6 =	sand.u32 $0x1, s4;
	s7 =	smul.u32 $0xFA00, s3  }
0x6: {  	[smem:$0x7FF] =	sst s20;
	p1 =	slt.u32 s3, $0xA;
	s15 =	smul.u32 $0x2710, s3  }
0x7: {  	s4 =	sshll.u32 s6, $0x4;
	_ =	strace $0x8000004D;
	s8 =	ssub.s32 $0x2, s6  }
0x8: {  	s14 =	smul.u32 $0x27100, s6;
	p0 =	seq.s32 s6, $0x0;
	p2 =	seq.s32 s6, $0x1  }
0x9: {  	s5 =	sor.u32 s3, s4;
	s4 =	sadd.s32 $0x38000, s0;
	s10 =	sshrl.u32 s7, $0x3  }
0xa: {  	s11 =	sshrl.u32 s8, $0x1;
	s21 =	sadd.s32 s7, s1;
	s9 =	smul.u32 $0x2710, s5  }
0xb: {  	s5 =	sadd.s32 $0x7000, s0;
	s0 =	sadd.s32 s10, s0;
	[dreg:$0x5] =	wrdreg s21  }
0xc: {  	p0 =	por !p1, !p0;
	s10 =	sadd.s32 $0x4BA00, s0;
	[dreg:$0x4] =	wrdreg s5  }
0xd: {  	p1 =	por !p1, !p2;
	s16 =	sadd.s32 $0x72E00, s0;
	[dreg:$0x7] =	wrdreg s10  }
0xe: {  	s8 =	ssub.s32 s8, s11;
	s0 =	sadd.s32 $0x5F400, s0;
	[dreg:$0x10] =	wrdreg s16  }
0xf: {  	s22 =	smax.u32 s8, $0x1;
	s9 =	sshrl.u32 s9, $0x3;
	[dreg:$0x11] =	wrdreg s0  }
0x10: {  	p2 =	sgt.u32 s3, $0x9;
	[dreg:$0x12] =	wrdreg s22;
	s28 =	sadd.s32 s2, s9  }
0x11: {  	p0 =	por !p0, !p0;
	s26 =	sadd.s32 s5, s9;
	[dreg:$0x8] =	wrdreg s28  }
0x12: {  	p1 =	por !p1, !p1;
	s30 =	sadd.s32 $0x10, s26;
	[dreg:$0x6] =	wrdreg s26  }
0x13: {  	s8 =	simm.s32 $0x2D20;
	s31 =	sadd.s32 $0x20, s26;
	[dreg:$0x9] =	wrdreg s30  }
0x14: {  	s10 =	simm.s32 $0x2DA0;
	s11 =	sadd.s32 $0x30, s26;
	[dreg:$0xa] =	wrdreg s31  }
0x15: {  	s16 =	simm.s32 $0xB;
	s12 =	sadd.s32 $0x40, s26;
	[dreg:$0xb] =	wrdreg s11  }
0x16: {  	s13 =	sadd.s32 $0x4E0, s9;
	s7 =	sadd.s32 $0x50, s26;
	[dreg:$0xc] =	wrdreg s12  }
0x17: {  	s9 =	simm.s32 $0xAE20;
	s2 =	sadd.s32 s2, s13;
	[dreg:$0xd] =	wrdreg s7  }
0x18: {  	[dreg:$0xe] =	wrdreg s2;
	s7 =	sadd.s32 s5, s13;
	s2 =	sadd.s32 s15, s14  }
0x19: {  	s11 =	simm.s32 $0xCE20;
	s12 =	simm.s32 $0x7;
	s13 =	simm.s32 $0x1  }
0x1a: {  	s14 =	simm.s32 $0x9;
	s15 =	simm.s32 $0x3;
	[dreg:$0xf] =	wrdreg s7  }
0x1b: {  	s17 =	sadd.s32 $0x580, s2;
	s19 =	sadd.s32 $0x500, s2;
	s24 =	sadd.s32 $0x480, s2  }
0x1c: {  	s25 =	sadd.s32 $0x400, s2;
	s26 =	sadd.s32 $0x380, s2;
	s31 =	sadd.s32 $0x300, s2  }
0x1d: {  	s7 =	simm.s32 $0x13;
	s18 =	sshrl.u32 s17, $0x3;
	s23 =	sshrl.u32 s19, $0x3  }
0x1e: {  	s6 =	sshrl.u32 s25, $0x3;
	s30 =	sshrl.u32 s26, $0x3;
	[dreg:$0x18] =	wrdreg s31  }
0x1f: {  	s17 =	simm.s32 $0x5;
	s19 =	simm.s32 $0x6;
	s0 =	sadd.s32 s18, s5  }
.Ltmp0:
0x20: {  	[dreg:$0x13] =	wrdreg s0;
	s0 =	sadd.s32 s23, s5;
	(pc) =	sbr.rel .LBB2_1-.Ltmp0, $4  }
0x21: {  	s28 =	sadd.s32 s6, s5;
	[dreg:$0x14] =	wrdreg s0;
	s0 =	sshrl.u32 s24, $0x3  }
0x22: {  	s25 =	simm.s32 $0x12;
	[dreg:$0x16] =	wrdreg s28;
	s0 =	sadd.s32 s0, s5  }
0x23: {  	s18 =	simm.s32 $0xC;
	[dreg:$0x15] =	wrdreg s0;
	s0 =	sadd.s32 s30, s5  }
0x24: {  	s24 =	simm.s32 $0x11;
	s5 =	simm.s32 $0x0;
	[dreg:$0x17] =	wrdreg s0  }
.LBB2_4:
0x25: {  	_ =	swait.ge [sflag:s18], $0x80  }
0x26: {  	[sflag:s18] =	ssyncset.done $0x0  }
0x27: {  	[sflag:s18] =	ssyncadd.s32 $0xFFFFFF80  }
0x28: {  	_ =	swait.ge [sflag:s19], $0x2000  }
0x29: {  	[sflag:s19] =	ssyncset.done $0x0  }
0x2a: {  	s0 =	simm.s32 $0xD;
	[sflag:s19] =	ssyncadd.s32 $0xFFFFE000  }
0x2b: {  	[spmem:s1] =	stream.indirect.scatter.add.f32 [tilespmem:s11], [sflag:$0x12], $0x40, s10, s29, $0xb8;
	[tilespmem:$0x18A60] =	vst v63  }
0x2c: {  	_ =	swait.ge [sflag:s0], $0x2000  }
0x2d: {  	[sflag:s0] =	ssyncset.done $0x0  }
0x2e: {  	s21 =	simm.s32 $0xE;
	[sflag:s0] =	ssyncadd.s32 $0xFFFFE000  }
0x2f: {  	_ =	swait.ge [sflag:s21], $0x2000  }
0x30: {  	[sflag:s21] =	ssyncset.done $0x0  }
0x31: {  	s22 =	simm.s32 $0xF;
	[sflag:s21] =	ssyncadd.s32 $0xFFFFE000  }
0x32: {  	_ =	swait.ge [sflag:s22], $0x2000  }
0x33: {  	[sflag:s22] =	ssyncset.done $0x0  }
0x34: {  	s2 =	simm.s32 $0x10;
	[sflag:s22] =	ssyncadd.s32 $0xFFFFE000  }
0x35: {  	_ =	swait.ge [sflag:s2], $0x2000  }
0x36: {  	[sflag:s2] =	ssyncset.done $0x0  }
0x37: {  	[sflag:s2] =	ssyncadd.s32 $0xFFFFE000  }
0x38: {  	_ =	swait.ge [sflag:s24], $0x2000  }
0x39: {  	[sflag:s24] =	ssyncset.done $0x0  }
0x3a: {  	[sflag:s24] =	ssyncadd.s32 $0xFFFFE000  }
0x3b: {  	_ =	swait.ge [sflag:s25], $0x2000  }
0x3c: {  	s20 =	simm.s32 $0x0;
	s3 =	simm.s32 $0x2700;
	[sflag:s25] =	ssyncset.done $0x0  }
0x3d: {  	s7 =	simm.s32 $0x13;
	s23 =	rddreg [dreg:$0xe];
	[sflag:s25] =	ssyncadd.s32 $0xFFFFE000  }
0x3e: {  	[tilespmem:s3], [sflag:$0x13] =	stream.linear.gather [hbm4b:s23+s20], $0x10, $0x38;
	[tilespmem:$0x18A60] =	vst v63  }
0x3f: {  	_ =	swait.ge [sflag:s7], $0x10  }
0x40: {  	[sflag:s7] =	ssyncset.done $0x0  }
0x41: {  	s5 =	simm.s32 $0x2710;
	s26 =	rddreg [dreg:$0xf];
	[sflag:s7] =	ssyncadd.s32 $0xFFFFFFF0  }
0x42: {  	[tilespmem:s5], [sflag:$0x13] =	stream.linear.gather [hbm4b:s26+s20], $0x10, $0x38;
	[tilespmem:$0x18A60] =	vst v63  }
0x43: {  	_ =	swait.ge [sflag:s7], $0x10  }
0x44: {  	[sflag:s7] =	ssyncset.done $0x0  }
0x45: {  	s28 =	simm.s32 $0x2720;
	[sflag:s7] =	ssyncadd.s32 $0xFFFFFFF0  }
0x46: {  	[tilespmem:s28], [sflag:$0x1] =	stream.indirect.gather [hbm4b:s4+s2], $0x40, s3, s2, $0xb8;
	[tilespmem:$0x18A60] =	vst v63  }
0x47: {  	_ =	swait.ge [sflag:s13], $0x400  }
0x48: {  	[sflag:s13] =	ssyncset.done $0x0  }
0x49: {  	[sflag:s13] =	ssyncadd.s32 $0xFFFFFC00  }
0x4a: {  	[spmem:s1] =	stream.indirect.scatter.add.f32 [tilespmem:s28], [sflag:$0x13], $0x40, s5, s2, $0xb8;
	[tilespmem:$0x18A60] =	vst v63  }
0x4b: {  	_ =	swait.ge [sflag:s7], $0x400  }
0x4c: {  	[sflag:s7] =	ssyncset.done $0x0  }
0x4d: {  	[sflag:s7] =	ssyncadd.s32 $0xFFFFFC00  }
0x4e: {  	s3 =	stileid.u32;
	[bflag:$0x0] =	sbarrier.arrive $0xFFFF  }
0x4f: {  	s0 =	sshll.u32 @p0 s3, $0x6;
	s21 =	rddreg [dreg:$0x5]  }
0x50: {  	s0 =	sor.u32 @p0 $0x1C13, s0;
	s5 =	rddreg [dreg:$0x10];
	s2 =	sshrl.u32 @p0 s21, $0x3  }
0x51: {  	[hbm:s5], [sflag:s0] =	dma.local @p0 [spmem:s2], $0x1F40  }
0x52: {  	s0 =	simm.s32 @p0 $0x13  }
0x53: {  	_ =	swait.ge @p0 [sflag:s0], $0x1F40  }
0x54: {  	s2 =	sshll.u32 @p1 s3, $0x6;
	[sflag:s0] =	ssyncset.done @p0 $0x0;
	s5 =	rddreg [dreg:$0x11]  }
0x55: {  	[sflag:s0] =	ssyncadd.s32 @p0 $0xFFFFE0C0;
	s0 =	sor.u32 @p1 $0x1C13, s2;
	s2 =	sshrl.u32 @p1 s21, $0x3  }
0x56: {  	[hbm:s5], [sflag:s0] =	dma.local @p1 [spmem:s2], $0x1F40  }
0x57: {  	s0 =	simm.s32 @p1 $0x13  }
0x58: {  	_ =	swait.ge @p1 [sflag:s0], $0x1F40  }
0x59: {  	s30 =	rddreg [dreg:$0x19]  }
0x5a: {  	s31 =	rddreg [dreg:$0x12];
	s5 =	sadd.s32 $0x1, s30  }
0x5b: {  	p3 =	sne.s32 s5, s31  }
.Ltmp1:
0x5c: {  	_ = 	snop;
	(pc) =	sbr.rel @!p3 .LBB2_5-.Ltmp1, $3  }
0x5d: {  	_ =	sdelay $0x1  }
0x5e: {  	[sflag:s0] =	ssyncset.done @p1 $0x0  }
0x5f: {  	[sflag:s0] =	ssyncadd.s32 @p1 $0xFFFFE0C0  }
.LBB2_1:
0x60: {  	[dreg:$0x19] =	wrdreg s5;
	s2 =	sshll.u32 @!p2 s3, $0x6  }
0x61: {  	s6 =	sshrl.u32 @!p2 s21, $0x3;
	s0 =	rddreg [dreg:$0x7];
	s2 =	sor.u32 @!p2 $0x1C13, s2  }
0x62: {  	[spmem:s6], [sflag:s2] =	dma.local @!p2 [hbm:s0], $0x1F40  }
0x63: {  	s2 =	simm.s32 @!p2 $0x13  }
0x64: {  	_ =	swait.ge @!p2 [sflag:s2], $0x1F40  }
0x65: {  	[sflag:s2] =	ssyncset.done @!p2 $0x0  }
0x66: {  	[sflag:s2] =	ssyncadd.s32 @!p2 $0xFFFFE0C0  }
0x67: {  	[bflag:$0x0] =	sbarrier.arrive $0xFFFF  }
0x68: {  	s21 =	rddreg [dreg:$0x8]  }
0x69: {  	[tilespmem:s20], [sflag:$0x13] =	stream.linear.gather [hbm4b:s21+s20], $0x2700, $0x38;
	[tilespmem:$0x18A60] =	vst v63  }
0x6a: {  	_ =	swait.ge [sflag:s7], $0x2700  }
0x6b: {  	[sflag:s7] =	ssyncset.done $0x0  }
0x6c: {  	s23 =	simm.s32 $0x2B20;
	s22 =	rddreg [dreg:$0x6];
	[sflag:s7] =	ssyncadd.s32 $0xFFFFD900  }
0x6d: {  	[tilespmem:s23], [sflag:$0x7] =	stream.linear.gather [hbm4b:s22+s20], $0x80, $0x38;
	[tilespmem:$0x18A60] =	vst v63  }
0x6e: {  	s26 =	simm.s32 $0x2E20;
	s28 =	rddreg [dreg:$0x9]  }
0x6f: {  	[tilespmem:s26], [sflag:$0x1] =	stream.indirect.gather [hbm4b:s4+s29], $0x40, s20, s29, $0xb8;
	[tilespmem:$0x18A60] =	vst v63  }
0x70: {  	s30 =	simm.s32 $0x2BA0;
	s2 =	rddreg [dreg:$0xa]  }
0x71: {  	[tilespmem:s30], [sflag:$0x8] =	stream.linear.gather [hbm4b:s28+s20], $0x80, $0x38;
	[tilespmem:$0x18A60] =	vst v63  }
0x72: {  	s31 =	simm.s32 $0x4E20;
	s7 =	rddreg [dreg:$0xb]  }
0x73: {  	[tilespmem:s31], [sflag:$0x2] =	stream.indirect.gather [hbm4b:s4+s29], $0x40, s29, s29, $0xb8;
	[tilespmem:$0x18A60] =	vst v63  }
0x74: {  	s3 =	simm.s32 $0x2C20;
	s26 =	rddreg [dreg:$0xc]  }
0x75: {  	[tilespmem:s3], [sflag:$0x9] =	stream.linear.gather [hbm4b:s2+s20], $0x80, $0x38;
	[tilespmem:$0x18A60] =	vst v63  }
0x76: {  	s5 =	simm.s32 $0x100;
	s6 =	simm.s32 $0x6E20;
	s30 =	rddreg [dreg:$0xd]  }
0x77: {  	[tilespmem:s6], [sflag:$0x3] =	stream.indirect.gather [hbm4b:s4+s29], $0x40, s5, s29, $0xb8;
	[tilespmem:$0x18A60] =	vst v63  }
0x78: {  	s21 =	simm.s32 $0x2CA0;
	s2 =	rddreg [dreg:$0x18]  }
0x79: {  	[tilespmem:s21], [sflag:$0xA] =	stream.linear.gather [hbm4b:s7+s20], $0x80, $0x38;
	[tilespmem:$0x18A60] =	vst v63  }
0x7a: {  	s22 =	simm.s32 $0x180;
	s23 =	simm.s32 $0x8E20;
	s6 =	rddreg [dreg:$0x14]  }
0x7b: {  	[tilespmem:s23], [sflag:$0x4] =	stream.indirect.gather [hbm4b:s4+s29], $0x40, s22, s29, $0xb8;
	[tilespmem:$0x18A60] =	vst v63  }
0x7c: {  	s21 =	rddreg [dreg:$0x16]  }
0x7d: {  	[tilespmem:s8], [sflag:$0xB] =	stream.linear.gather [hbm4b:s26+s20], $0x80, $0x38;
	[tilespmem:$0x18A60] =	vst v63  }
0x7e: {  	s28 =	simm.s32 $0x200;
	s22 =	rddreg [dreg:$0x15]  }
0x7f: {  	[tilespmem:s9], [sflag:$0x5] =	stream.indirect.gather [hbm4b:s4+s29], $0x40, s28, s29, $0xb8;
	[tilespmem:$0x18A60] =	vst v63  }
0x80: {  	s26 =	rddreg [dreg:$0x13]  }
0x81: {  	[tilespmem:s10], [sflag:$0xC] =	stream.linear.gather [hbm4b:s30+s20], $0x80, $0x38;
	[tilespmem:$0x18A60] =	vst v63  }
0x82: {  	s31 =	simm.s32 $0x280;
	s23 =	simm.s32 $0x0;
	s20 =	rddreg [dreg:$0x17]  }
0x83: {  	[tilespmem:s11], [sflag:$0x6] =	stream.indirect.gather [hbm4b:s4+s29], $0x40, s31, s29, $0xb8;
	[tilespmem:$0x18A60] =	vst v63  }
.LBB2_2:
0x84: {  	_ =	swait.ge [sflag:s12], $0x80  }
0x85: {  	[sflag:s12] =	ssyncset.done $0x0  }
0x86: {  	[sflag:s12] =	ssyncadd.s32 $0xFFFFFF80  }
0x87: {  	_ =	swait.ge [sflag:s13], $0x2000  }
0x88: {  	s0 =	simm.s32 $0x2B20;
	p3 =	seq.s32 s23, $0x9000;
	[sflag:s13] =	ssyncset.done $0x0  }
0x89: {  	s3 =	simm.s32 $0x2E20;
	s7 =	simm.s32 @p3 $0x8;
	[sflag:s13] =	ssyncadd.s32 $0xFFFFE000  }
0x8a: {  	[spmem:s1] =	stream.indirect.scatter.add.f32 [tilespmem:s3], [sflag:$0xD], $0x40, s0, s29, $0xb8;
	[tilespmem:$0x18A60] =	vst v63  }
0x8b: {  	_ =	swait.ge @p3 [sflag:s7], $0x80  }
0x8c: {  	[sflag:s7] =	ssyncset.done @p3 $0x0  }
0x8d: {  	[sflag:s7] =	ssyncadd.s32 @p3 $0xFFFFFF80;
	s7 =	simm.s32 @p3 $0x2  }
0x8e: {  	_ =	swait.ge @p3 [sflag:s7], $0x2000  }
0x8f: {  	s31 =	simm.s32 @p3 $0x80;
	[sflag:s7] =	ssyncset.done @p3 $0x0  }
0x90: {  	s28 =	simm.s32 @p3 $0x4E20;
	[sflag:s7] =	ssyncadd.s32 @p3 $0xFFFFE000;
	s7 =	simm.s32 @p3 $0x2BA0  }
0x91: {  	[spmem:s1] =	stream.indirect.scatter.add.f32 @p3 [tilespmem:s28], [sflag:$0xE], $0x40, s7, s31, $0xb8;
	[tilespmem:$0x18A60] =	vst v63  }
0x92: {  	s7 =	simm.s32 @!p3 $0xD  }
0x93: {  	_ =	swait.ge @!p3 [sflag:s7], $0x2000  }
0x94: {  	[sflag:s7] =	ssyncset.done @!p3 $0x0  }
0x95: {  	s0 =	rddreg [dreg:$0x4];
	[sflag:s7] =	ssyncadd.s32 @!p3 $0xFFFFE000;
	s7 =	sshrl.u32 @!p3 s2, $0x3  }
0x96: {  	s30 =	simm.s32 @!p3 $0x2B20;
	s28 =	sadd.s32 @!p3 s0, s7;
	s7 =	simm.s32 @!p3 $0x0  }
0x97: {  	[tilespmem:s30], [sflag:$0x7] =	stream.linear.gather @!p3 [hbm4b:s28+s7], $0x80, $0x38;
	[tilespmem:$0x18A60] =	vst v63  }
0x98: {  	s28 =	sshra.s32 @!p3 s23, $0x2  }
0x99: {  	s5 =	simm.s32 @!p3 $0x2E20;
	s30 =	simm.s32 @!p3 $0x80;
	s0 =	sadd.s32 @!p3 $0x300, s28  }
0x9a: {  	[tilespmem:s5], [sflag:$0x1] =	stream.indirect.gather @!p3 [hbm4b:s4+s30], $0x40, s0, s30, $0xb8;
	[tilespmem:$0x18A60] =	vst v63  }
0x9b: {  	s0 =	simm.s32 @!p3 $0x8  }
0x9c: {  	_ =	swait.ge @!p3 [sflag:s0], $0x80  }
0x9d: {  	[sflag:s0] =	ssyncset.done @!p3 $0x0  }
0x9e: {  	[sflag:s0] =	ssyncadd.s32 @!p3 $0xFFFFFF80;
	s0 =	simm.s32 @!p3 $0x2  }
0x9f: {  	_ =	swait.ge @!p3 [sflag:s0], $0x2000  }
0xa0: {  	s3 =	simm.s32 @!p3 $0xE;
	[sflag:s0] =	ssyncset.done @!p3 $0x0  }
0xa1: {  	s5 =	simm.s32 @!p3 $0x4E20;
	[sflag:s0] =	ssyncadd.s32 @!p3 $0xFFFFE000;
	s0 =	simm.s32 @!p3 $0x2BA0  }
0xa2: {  	[spmem:s1] =	stream.indirect.scatter.add.f32 @!p3 [tilespmem:s5], [sflag:$0xE], $0x40, s0, s30, $0xb8;
	[tilespmem:$0x18A60] =	vst v63  }
0xa3: {  	_ =	swait.ge @!p3 [sflag:s3], $0x2000  }
0xa4: {  	[sflag:s3] =	ssyncset.done @!p3 $0x0  }
0xa5: {  	[sflag:s3] =	ssyncadd.s32 @!p3 $0xFFFFE000  }
0xa6: {  	[tilespmem:s0], [sflag:$0x8] =	stream.linear.gather @!p3 [hbm4b:s20+s7], $0x80, $0x38;
	[tilespmem:$0x18A60] =	vst v63  }
0xa7: {  	s0 =	sadd.s32 @!p3 $0x380, s28  }
0xa8: {  	[tilespmem:s5], [sflag:$0x2] =	stream.indirect.gather @!p3 [hbm4b:s4+s30], $0x40, s0, s30, $0xb8;
	[tilespmem:$0x18A60] =	vst v63  }
0xa9: {  	_ =	swait.ge [sflag:s14], $0x80  }
0xaa: {  	[sflag:s14] =	ssyncset.done $0x0  }
0xab: {  	[sflag:s14] =	ssyncadd.s32 $0xFFFFFF80  }
0xac: {  	_ =	swait.ge [sflag:s15], $0x2000  }
0xad: {  	s3 =	simm.s32 $0x2C20;
	[sflag:s15] =	ssyncset.done $0x0  }
0xae: {  	s5 =	simm.s32 $0x6E20;
	s0 =	simm.s32 @p3 $0xA;
	[sflag:s15] =	ssyncadd.s32 $0xFFFFE000  }
0xaf: {  	[spmem:s1] =	stream.indirect.scatter.add.f32 [tilespmem:s5], [sflag:$0xF], $0x40, s3, s29, $0xb8;
	[tilespmem:$0x18A60] =	vst v63  }
0xb0: {  	_ =	swait.ge @p3 [sflag:s0], $0x80  }
0xb1: {  	[sflag:s0] =	ssyncset.done @p3 $0x0  }
0xb2: {  	[sflag:s0] =	ssyncadd.s32 @p3 $0xFFFFFF80;
	s0 =	simm.s32 @p3 $0x4  }
0xb3: {  	_ =	swait.ge @p3 [sflag:s0], $0x2000  }
0xb4: {  	[sflag:s0] =	ssyncset.done @p3 $0x0  }
0xb5: {  	s3 =	simm.s32 @p3 $0x8E20;
	[sflag:s0] =	ssyncadd.s32 @p3 $0xFFFFE000;
	s0 =	simm.s32 @p3 $0x2CA0  }
0xb6: {  	[spmem:s1] =	stream.indirect.scatter.add.f32 @p3 [tilespmem:s3], [sflag:$0x10], $0x40, s0, s31, $0xb8;
	[tilespmem:$0x18A60] =	vst v63  }
0xb7: {  	s0 =	simm.s32 @!p3 $0xF  }
0xb8: {  	_ =	swait.ge @!p3 [sflag:s0], $0x2000  }
0xb9: {  	[sflag:s0] =	ssyncset.done @!p3 $0x0  }
0xba: {  	[sflag:s0] =	ssyncadd.s32 @!p3 $0xFFFFE000;
	s0 =	simm.s32 @!p3 $0x2C20  }
0xbb: {  	[tilespmem:s0], [sflag:$0x9] =	stream.linear.gather @!p3 [hbm4b:s21+s7], $0x80, $0x38;
	[tilespmem:$0x18A60] =	vst v63  }
0xbc: {  	s3 =	simm.s32 @!p3 $0x6E20;
	s0 =	sadd.s32 @!p3 $0x400, s28  }
0xbd: {  	[tilespmem:s3], [sflag:$0x3] =	stream.indirect.gather @!p3 [hbm4b:s4+s30], $0x40, s0, s30, $0xb8;
	[tilespmem:$0x18A60] =	vst v63  }
0xbe: {  	s0 =	simm.s32 @!p3 $0xA  }
0xbf: {  	_ =	swait.ge @!p3 [sflag:s0], $0x80  }
0xc0: {  	[sflag:s0] =	ssyncset.done @!p3 $0x0  }
0xc1: {  	[sflag:s0] =	ssyncadd.s32 @!p3 $0xFFFFFF80;
	s0 =	simm.s32 @!p3 $0x4  }
0xc2: {  	_ =	swait.ge @!p3 [sflag:s0], $0x2000  }
0xc3: {  	s5 =	simm.s32 @!p3 $0x10;
	[sflag:s0] =	ssyncset.done @!p3 $0x0  }
0xc4: {  	s3 =	simm.s32 @!p3 $0x8E20;
	[sflag:s0] =	ssyncadd.s32 @!p3 $0xFFFFE000;
	s0 =	simm.s32 @!p3 $0x2CA0  }
0xc5: {  	[spmem:s1] =	stream.indirect.scatter.add.f32 @!p3 [tilespmem:s3], [sflag:$0x10], $0x40, s0, s30, $0xb8;
	[tilespmem:$0x18A60] =	vst v63  }
0xc6: {  	_ =	swait.ge @!p3 [sflag:s5], $0x2000  }
0xc7: {  	[sflag:s5] =	ssyncset.done @!p3 $0x0  }
0xc8: {  	[sflag:s5] =	ssyncadd.s32 @!p3 $0xFFFFE000  }
0xc9: {  	[tilespmem:s0], [sflag:$0xA] =	stream.linear.gather @!p3 [hbm4b:s22+s7], $0x80, $0x38;
	[tilespmem:$0x18A60] =	vst v63  }
0xca: {  	s0 =	sadd.s32 @!p3 $0x480, s28  }
0xcb: {  	[tilespmem:s3], [sflag:$0x4] =	stream.indirect.gather @!p3 [hbm4b:s4+s30], $0x40, s0, s30, $0xb8;
	[tilespmem:$0x18A60] =	vst v63  }
0xcc: {  	_ =	swait.ge [sflag:s16], $0x80  }
0xcd: {  	[sflag:s16] =	ssyncset.done $0x0  }
.Ltmp2:
0xce: {  	[sflag:s16] =	ssyncadd.s32 $0xFFFFFF80;
	(pc) =	sbr.rel @p3 .LBB2_4-.Ltmp2, $4  }
0xcf: {  	_ =	swait.ge [sflag:s17], $0x2000  }
0xd0: {  	[sflag:s17] =	ssyncset.done $0x0  }
0xd1: {  	[sflag:s17] =	ssyncadd.s32 $0xFFFFE000  }
0xd2: {  	[spmem:s1] =	stream.indirect.scatter.add.f32 [tilespmem:s9], [sflag:$0x11], $0x40, s8, s29, $0xb8;
	[tilespmem:$0x18A60] =	vst v63  }
0xd3: {  	_ =	swait.ge [sflag:s24], $0x2000  }
0xd4: {  	[sflag:s24] =	ssyncset.done $0x0  }
0xd5: {  	s5 =	simm.s32 $0x0;
	s0 =	sshra.s32 s23, $0x2;
	[sflag:s24] =	ssyncadd.s32 $0xFFFFE000  }
0xd6: {  	[tilespmem:s8], [sflag:$0xB] =	stream.linear.gather [hbm4b:s6+s5], $0x80, $0x38;
	[tilespmem:$0x18A60] =	vst v63  }
0xd7: {  	s3 =	sadd.s32 $0x500, s0  }
0xd8: {  	[tilespmem:s9], [sflag:$0x5] =	stream.indirect.gather [hbm4b:s4+s29], $0x40, s3, s29, $0xb8;
	[tilespmem:$0x18A60] =	vst v63  }
0xd9: {  	_ =	swait.ge [sflag:s18], $0x80  }
0xda: {  	[sflag:s18] =	ssyncset.done $0x0  }
0xdb: {  	[sflag:s18] =	ssyncadd.s32 $0xFFFFFF80  }
0xdc: {  	_ =	swait.ge [sflag:s19], $0x2000  }
0xdd: {  	[sflag:s19] =	ssyncset.done $0x0  }
0xde: {  	[sflag:s19] =	ssyncadd.s32 $0xFFFFE000  }
0xdf: {  	[spmem:s1] =	stream.indirect.scatter.add.f32 [tilespmem:s11], [sflag:$0x12], $0x40, s10, s29, $0xb8;
	[tilespmem:$0x18A60] =	vst v63  }
0xe0: {  	s23 =	sadd.s32 $0xC00, s23;
	s22 =	sadd.s32 $0x60, s22;
	_ =	swait.ge [sflag:s25], $0x2000  }
.Ltmp3:
0xe1: {  	s21 =	sadd.s32 $0x60, s21;
	[sflag:s25] =	ssyncset.done $0x0;
	(pc) =	sbr.rel .LBB2_2-.Ltmp3, $4  }
0xe2: {  	s20 =	sadd.s32 $0x60, s20;
	s2 =	sadd.s32 $0x300, s2;
	[sflag:s25] =	ssyncadd.s32 $0xFFFFE000  }
0xe3: {  	[tilespmem:s10], [sflag:$0xC] =	stream.linear.gather [hbm4b:s26+s5], $0x80, $0x38;
	[tilespmem:$0x18A60] =	vst v63  }
0xe4: {  	s0 =	sadd.s32 $0x580, s0;
	s6 =	sadd.s32 $0x60, s6;
	s26 =	sadd.s32 $0x60, s26  }
0xe5: {  	[tilespmem:s11], [sflag:$0x6] =	stream.indirect.gather [hbm4b:s4+s29], $0x40, s0, s29, $0xb8;
	[tilespmem:$0x18A60] =	vst v63  }
.LBB2_5:
0xe6: {  	_ =	sfence.sel $0x180000  }
0xe7: {  	[bflag:$0x0] =	sbarrier.arrive $0xFFFF  }
0xe8: {  	_ =	strace $0x9000004D  }
0xe9: {  	[bflag:$0x2] =	sbarrier.arrive $0xFFFF  }
0xea: {  	p0 =	sne.s32 s3, $0x0;
	s0 =	rddreg [dreg:$0x3]  }
0xeb: {  	s0 =	sadd.s32 @!p0 $0x100000, s0  }
0xec: {  	[sflag:s0] =	ssyncadd.tile.s32 @!p0 $0x1;
	_ =	shalt  }
.Lfunc_end2:
_tile_overlayer_lowered:
.L_overlay_start_2:
0xed: {  	(tag) =	ssettag $0x2  }
0xee: {  	s0 =	rddreg [dreg:$0x0];
	s2 =	stileid.u32  }
0xef: {  	s1 =	rddreg [dreg:$0x1];
	p0 =	sne.s32 s2, $0x0  }
0xf0: {  	s3 =	rddreg [dreg:$0x2];
	[bflag:$0x3] =	sbarrier.arrive $0xFFFF;
	s2 =	simm.s32 @!p0 $0x1C13  }
0xf1: {  	[timem:s3], [sflag:s2] =	dma.local @!p0 [hbm:s0], s1  }
0xf2: {  	s0 =	simm.s32 @!p0 $0x13  }
0xf3: {  	_ =	swait.ge @!p0 [sflag:s0], s1  }
0xf4: {  	s1 =	ssub.s32 @!p0 $0x0, s1;
	[sflag:s0] =	ssyncset.done @!p0 $0x0  }
0xf5: {  	[sflag:s0] =	ssyncadd.s32 @!p0 s1  }
0xf6: {  	[bflag:$0x3] =	sbarrier.arrive $0xFFFF  }
0xf7: {  	_ =	shalt  }

// kernel: kernel.21.cloned.1.call-start
scs
__scs_entry_jumppad:
0x0: {  	(pc) =	sbr.rel $0x88, $3  }
0x1: {  	(tag) =	ssettag $0x0;
	lr =	simm.s32 $0x1  }
0x2: {  	[smem:$0x3F8C] =	sst lr;
	_ =	strace $0xD0000000  }
0x3: {  	_ = 	snop  }
0x4: {  	_ = 	snop  }
0x5: {  	_ = 	snop  }
0x6: {  	_ = 	snop  }
0x7: {  	_ = 	snop  }
__scs_overlays_trampoline_lowered:
0x8: {  	[smem:$0x3F9B] =	sst s0  }
0x9: {  	[smem:$0x3F9C] =	sst s1  }
0xa: {  	[smem:$0x3F9D] =	sst s2  }
0xb: {  	[smem:$0x3F9E] =	sst s3  }
0xc: {  	[smem:$0x3F9F] =	sst s4  }
0xd: {  	[smem:$0x3FA0] =	sst s5  }
0xe: {  	[smem:$0x3FA1] =	sst s6  }
0xf: {  	[smem:$0x3FA2] =	sst s7  }
0x10: {  	[smem:$0x3FA3] =	sst s8  }
0x11: {  	[smem:$0x3FA4] =	sst s9;
	s0 =	simm.s32 @!p0 $0x0  }
0x12: {  	s1 =	sld [smem:$0x3F8A];
	s0 =	simm.s32 @p0 $0x1  }
0x13: {  	[smem:$0x3FA5] =	sst s0;
	s0 =	simm.s32 @!p1 $0x0  }
0x14: {  	s2 =	sld [smem:$0x3F89];
	s0 =	simm.s32 @p1 $0x1  }
0x15: {  	[smem:$0x3FA6] =	sst s0;
	s0 =	simm.s32 @!p2 $0x0  }
0x16: {  	s3 =	sld [smem:$0x3FDB];
	s0 =	simm.s32 @p2 $0x1  }
0x17: {  	s4 =	simm.s32 $0x1BF5;
	[smem:$0x3FA8] =	sst s0  }
0x18: {  	s0 =	sld [smem:$0x3F8B];
	_ =	swait.ge [sflag:s4], $0x0  }
0x19: {  	s7 =	sld [smem:$0x3F8C]  }
0x1a: {  	s8 =	sadd.s32 $0xFFFFE003, lr  }
0x1b: {  	s9 =	sadd.s32 $0xFFFFFEF7, lr;
	s5 =	simm.s32 $0xFFFFFFFF;
	p2 =	slt.u32 s8, $0xFFFFF086  }
0x1c: {  	p1 =	slt.u32 s9, $0xF7A;
	s5 =	simm.s32 @!p2 $0x0  }
0x1d: {  	s5 =	simm.s32 @p1 $0x1;
	p0 =	seq.s32 s7, s2  }
0x1e: {  	s7 =	smul.u32 @!p0 $0xF7A, s2;
	p2 =	seq.s32 @!p0 s5, $0x0  }
0x1f: {  	s9 =	smul.u32 $0xF7A, s1;
	s8 =	simm.s32 @!p0 $0x1BF5;
	p2 =	por !p2, p0  }
0x20: {  	[sflag:s8] =	ssyncset.s32 @!p0 $0xFFFFF086;
	s6 =	sadd.s32 @!p0 s3, s7;
	s7 =	simm.s32 @!p0 $0x108  }
0x21: {  	s3 =	sadd.s32 s3, s9;
	s6 =	sadd.s32 @!p0 $0x88, s6;
	s7 =	simm.s32 @p2 $0x1082  }
0x22: {  	[simem:s7], [sflag:s8] =	dma.local @!p0 [hbm:s6], $0xF7A  }
0x23: {  	s9 =	sor.u32 $0xD0000000, s2;
	s6 =	simm.s32 $0x108;
	_ =	swait.ge @!p0 [sflag:s8], $0x0  }
0x24: {  	s3 =	sadd.s32 $0x88, s3;
	s6 =	simm.s32 @!p1 $0x1082;
	[sflag:s4] =	ssyncset.s32 $0xFFFFF086  }
0x25: {  	[simem:s6], [sflag:s4] =	dma.local [hbm:s3], $0xF7A  }
0x26: {  	[smem:$0x3F8C] =	sst s1;
	(tag) =	ssettag s2;
	_ =	strace s9  }
0x27: {  	s1 =	sld [smem:$0x3F9C]  }
0x28: {  	s2 =	sld [smem:$0x3F9D]  }
0x29: {  	s4 =	sld [smem:$0x3F9F]  }
0x2a: {  	p0 =	seq.s32 s5, $0x0;
	s5 =	sld [smem:$0x3FA0]  }
0x2b: {  	s6 =	sld [smem:$0x3FA1]  }
0x2c: {  	s7 =	sld [smem:$0x3FA2]  }
0x2d: {  	s3 =	simm.s32 $0x108;
	s8 =	sld [smem:$0x3FA3]  }
0x2e: {  	s3 =	simm.s32 @!p0 $0x1082;
	s9 =	sld [smem:$0x3FA4]  }
0x2f: {  	lr =	sadd.s32 s0, s3;
	s0 =	sld [smem:$0x3F9B]  }
0x30: {  	s3 =	sld [smem:$0x3F9E]  }
0x31: {  	[smem:$0x3FA7] =	sst s10  }
0x32: {  	s10 =	sld [smem:$0x3FA5];
	_ =	sdelay $0x3  }
0x33: {  	p0 =	seq.s32 s10, $0x1;
	s10 =	sld [smem:$0x3FA7];
	_ =	sdelay $0x3  }
0x34: {  	[smem:$0x3FA7] =	sst s10  }
0x35: {  	s10 =	sld [smem:$0x3FA6];
	_ =	sdelay $0x3  }
0x36: {  	p1 =	seq.s32 s10, $0x1;
	s10 =	sld [smem:$0x3FA7];
	_ =	sdelay $0x3  }
0x37: {  	[smem:$0x3FA7] =	sst s10  }
0x38: {  	s10 =	sld [smem:$0x3FA8]  }
0x39: {  	_ = 	snop;
	(pc) =	sbr.ind lr, $3  }
0x3a: {  	_ = 	snop  }
0x3b: {  	_ = 	snop  }
0x3c: {  	p2 =	seq.s32 s10, $0x1;
	s10 =	sld [smem:$0x3FA7]  }
0x3d: {  	_ =	shalt  }
0x3e: {  	_ =	shalt  }
0x3f: {  	_ =	shalt  }
0x40: {  	_ =	shalt  }
0x41: {  	_ =	shalt  }
0x42: {  	_ =	shalt  }
0x43: {  	_ =	shalt  }
0x44: {  	_ =	shalt  }
0x45: {  	_ =	shalt  }
0x46: {  	_ =	shalt  }
0x47: {  	_ =	shalt  }
0x48: {  	_ =	shalt  }
0x49: {  	_ =	shalt  }
0x4a: {  	_ =	shalt  }
0x4b: {  	_ =	shalt  }
0x4c: {  	_ =	shalt  }
0x4d: {  	_ =	shalt  }
0x4e: {  	_ =	shalt  }
0x4f: {  	_ =	shalt  }
0x50: {  	_ =	shalt  }
0x51: {  	_ =	shalt  }
0x52: {  	_ =	shalt  }
0x53: {  	_ =	shalt  }
0x54: {  	_ =	shalt  }
0x55: {  	_ =	shalt  }
0x56: {  	_ =	shalt  }
0x57: {  	_ =	shalt  }
0x58: {  	_ =	shalt  }
0x59: {  	_ =	shalt  }
0x5a: {  	_ =	shalt  }
0x5b: {  	_ =	shalt  }
0x5c: {  	_ =	shalt  }
0x5d: {  	_ =	shalt  }
0x5e: {  	_ =	shalt  }
0x5f: {  	_ =	shalt  }
0x60: {  	_ =	shalt  }
0x61: {  	_ =	shalt  }
0x62: {  	_ =	shalt  }
0x63: {  	_ =	shalt  }
0x64: {  	_ =	shalt  }
0x65: {  	_ =	shalt  }
0x66: {  	_ =	shalt  }
0x67: {  	_ =	shalt  }
0x68: {  	_ =	shalt  }
0x69: {  	_ =	shalt  }
0x6a: {  	_ =	shalt  }
0x6b: {  	_ =	shalt  }
0x6c: {  	_ =	shalt  }
0x6d: {  	_ =	shalt  }
0x6e: {  	_ =	shalt  }
0x6f: {  	_ =	shalt  }
0x70: {  	_ =	shalt  }
0x71: {  	_ =	shalt  }
0x72: {  	_ =	shalt  }
0x73: {  	_ =	shalt  }
0x74: {  	_ =	shalt  }
0x75: {  	_ =	shalt  }
0x76: {  	_ =	shalt  }
0x77: {  	_ =	shalt  }
0x78: {  	_ =	shalt  }
0x79: {  	_ =	shalt  }
0x7a: {  	_ =	shalt  }
0x7b: {  	_ =	shalt  }
0x7c: {  	_ =	shalt  }
0x7d: {  	_ =	shalt  }
0x7e: {  	_ =	shalt  }
0x7f: {  	_ =	shalt  }
0x80: {  	_ =	shalt  }
0x81: {  	_ =	shalt  }
0x82: {  	_ =	shalt  }
0x83: {  	_ =	shalt  }
0x84: {  	_ =	shalt  }
0x85: {  	_ =	shalt  }
0x86: {  	_ =	shalt  }
0x87: {  	_ =	shalt  }
.Lfunc_end0:
.L_simem_size_0:
called_computation.3_lowered:
.L_overlay_start_0:
0x88: {  	s2 =	sld [smem:$0x3FD9]  }
0x89: {  	s3 =	sld [smem:$0x3FFE];
	_ =	sdelay $0x1  }
0x8a: {  	s1 =	srdreg.scid  }
0x8b: {  	s0 =	sand.u32 $0x1, s1  }
0x8c: {  	s17 =	sshll.u32 s0, $0xA;
	s2 =	sadd.s32 s3, s2  }
0x8d: {  	s2 =	sadd.s32 s2, s17  }
0x8e: {  	[smem:$0x3FB3] =	sst s2  }
0x8f: {  	_ = 	snop  }
0x90: {  	s2 =	sld [smem:$0x3FD0];
	(tm) =	ssettm $0x1  }
0x91: {  	s18 =	sld [smem:$0x3FFB];
	_ =	sdelay $0x3  }
0x92: {  	_ =	strace s18  }
0x93: {  	s3 =	sld [smem:$0x3FFC];
	_ =	sdelay $0x3  }
0x94: {  	_ =	strace s3  }
0x95: {  	s3 =	sld [smem:$0x3FFD];
	_ =	sdelay $0x3  }
0x96: {  	_ =	strace s3  }
0x97: {  	_ =	strace $0x8FFFFFFF  }
0x98: {  	s19 =	sld [smem:$0x3FDB];
	_ =	sdelay $0x1  }
0x99: {  	s4 =	simm.s32 $_scs_section_size  }
0x9a: {  	s5 =	simm.s32 $_size__tile_overlayer_lowered;
	s6 =	simm.s32 $_tile_overlayer_lowered  }
0x9b: {  	s22 =	simm.s32 $0x1BFF;
	s21 =	sshll.u32 s6, $0x1;
	s3 =	sadd.s32 s4, s19  }
0x9c: {  	s7 =	simm.s32 $0x0;
	s20 =	sshll.u32 s5, $0x1;
	s5 =	sadd.s32 s21, s3  }
0x9d: {  	[timem:s7], [sflag:s22] =	dma.local [hbm:s5], s20  }
0x9e: {  	_ =	swait.ge [sflag:s22], s20  }
0x9f: {  	s4 =	ssub.s32 $0x0, s20;
	[sflag:s22] =	ssyncset.done $0x0  }
0xa0: {  	[sflag:s22] =	ssyncadd.s32 s4;
	_ =	sdelay $0x1  }
0xa1: {  	s23 =	simm.s32 $0x1B8B  }
0xa2: {  	_ =	swait.ge [sflag:s23], $0x1  }
0xa3: {  	[sflag:s23] =	ssyncset.done $0x0  }
0xa4: {  	s25 =	simm.s32 $0x1B8E;
	s24 =	sld [smem:$0x3FFE];
	[sflag:s23] =	ssyncadd.s32 $0xFFFFFFFF  }
0xa5: {  	s26 =	simm.s32 $execute0_lowered;
	[smem:$0x3FD2] =	sst s25  }
0xa6: {  	s5 =	sshll.u32 s26, $0x1;
	_ =	strace $0x8000004F;
	[dreg:$0x1] =	wrdreg $0xFFFFFFFF  }
0xa7: {  	s28 =	simm.s32 $_size_execute0_lowered;
	s3 =	sadd.s32 s3, s5;
	[dreg:$0x0] =	wrdreg $0x0  }
0xa8: {  	s5 =	sshll.u32 s28, $0x1;
	[dreg:$0x2] =	wrdreg s3  }
0xa9: {  	[dreg:$0x3] =	wrdreg s5  }
0xaa: {  	[dreg:$0x4] =	wrdreg $0xC0  }
0xab: {  	_ =	task [dreg:s7], $0x5FFFF  }
0xac: {  	[dreg:$0x1] =	wrdreg $0xFFFFFFFF  }
0xad: {  	[dreg:$0x0] =	wrdreg $0x60  }
0xae: {  	[dreg:$0x2] =	wrdreg s24  }
0xaf: {  	[dreg:$0x3] =	wrdreg s2  }
0xb0: {  	[dreg:$0x4] =	wrdreg $0xEE200  }
0xb1: {  	[dreg:$0x5] =	wrdreg $0x9  }
0xb2: {  	_ =	task.clear_ibuf [dreg:s7], $0x6FFFF;
	_ =	strace $0x9000004F  }
0xb3: {  	s29 =	simm.s32 $0x9;
	_ =	strace $0x80000051  }
0xb4: {  	_ =	swait.ge [sflag:s29], $0x1  }
0xb5: {  	[sflag:s29] =	ssyncadd.s32 $0xFFFFFFFF  }
0xb6: {  	_ =	strace $0x90000051  }
0xb7: {  	_ =	sfence  }
0xb8: {  	s30 =	sld [smem:$0x0];
	_ =	sdelay $0x2  }
0xb9: {  	s31 =	sshll.u32 s1, $0xD;
	s1 =	sshrl.u32 s1, $0x2  }
0xba: {  	s3 =	sand.u32 $0x4000, s31;
	s1 =	sadd.s32 s1, s30  }
0xbb: {  	s0 =	sor.u32 s3, s0;
	s1 =	sshll.u32 s1, $0x11  }
0xbc: {  	s0 =	sor.u32 s1, s0  }
0xbd: {  	s0 =	sadd.s32 $0x8F2B, s0  }
0xbe: {  	[sflag:s0] =	ssyncadd.remote.s32 $0x1  }
0xbf: {  	_ =	sfence.sel $0xFFFF  }
0xc0: {  	[dreg:$0x0] =	wrdreg $0xFFFFFFFF;
	(pc) =	sbr.abs _section_cstart, $3  }
0xc1: {  	[dreg:$0x1] =	wrdreg $0xFFFFFFFF  }
0xc2: {  	_ =	task.clear_ibuf [dreg:s7], $0x2FFFF;
	_ =	strace $0x9FFFFFFF  }
0xc3: {  	(tm) =	ssettm $0x7FFFFFFF  }
tec
execute0_lowered:
.L_overlay_start_1:
0x0: {  	(tag) =	ssettag $0x1  }
0x1: {  	s0 =	rddreg [dreg:$0x0]  }
0x2: {  	s2 =	rddreg [dreg:$0x1]  }
0x3: {  	s1 =	rddreg [dreg:$0x2]  }
0x4: {  	s4 =	srdreg.scid;
	s20 =	simm.s32 $0x0;
	s3 =	stileid.u32  }
0x5: {  	s29 =	simm.s32 $0x80;
	s6 =	sand.u32 $0x1, s4;
	s7 =	smul.u32 $0xFA00, s3  }
0x6: {  	[smem:$0x7FF] =	sst s20;
	p1 =	slt.u32 s3, $0xA;
	s15 =	smul.u32 $0x2710, s3  }
0x7: {  	s4 =	sshll.u32 s6, $0x4;
	_ =	strace $0x80000050;
	s8 =	ssub.s32 $0x2, s6  }
0x8: {  	s14 =	smul.u32 $0x27100, s6;
	p0 =	seq.s32 s6, $0x0;
	p2 =	seq.s32 s6, $0x1  }
0x9: {  	s5 =	sor.u32 s3, s4;
	s4 =	sadd.s32 $0x38000, s0;
	s10 =	sshrl.u32 s7, $0x3  }
0xa: {  	s11 =	sshrl.u32 s8, $0x1;
	s21 =	sadd.s32 s7, s1;
	s9 =	smul.u32 $0x2710, s5  }
0xb: {  	s5 =	sadd.s32 $0x7000, s0;
	s0 =	sadd.s32 s10, s0;
	[dreg:$0x5] =	wrdreg s21  }
0xc: {  	p0 =	por !p1, !p0;
	s10 =	sadd.s32 $0x4BA00, s0;
	[dreg:$0x4] =	wrdreg s5  }
0xd: {  	p1 =	por !p1, !p2;
	s16 =	sadd.s32 $0x86600, s0;
	[dreg:$0x7] =	wrdreg s10  }
0xe: {  	s8 =	ssub.s32 s8, s11;
	s0 =	sadd.s32 $0x9A000, s0;
	[dreg:$0x10] =	wrdreg s16  }
0xf: {  	s22 =	smax.u32 s8, $0x1;
	s9 =	sshrl.u32 s9, $0x3;
	[dreg:$0x11] =	wrdreg s0  }
0x10: {  	p2 =	sgt.u32 s3, $0x9;
	[dreg:$0x12] =	wrdreg s22;
	s28 =	sadd.s32 s2, s9  }
0x11: {  	p0 =	por !p0, !p0;
	s26 =	sadd.s32 s5, s9;
	[dreg:$0x8] =	wrdreg s28  }
0x12: {  	p1 =	por !p1, !p1;
	s30 =	sadd.s32 $0x10, s26;
	[dreg:$0x6] =	wrdreg s26  }
0x13: {  	s8 =	simm.s32 $0x2D20;
	s31 =	sadd.s32 $0x20, s26;
	[dreg:$0x9] =	wrdreg s30  }
0x14: {  	s10 =	simm.s32 $0x2DA0;
	s11 =	sadd.s32 $0x30, s26;
	[dreg:$0xa] =	wrdreg s31  }
0x15: {  	s16 =	simm.s32 $0xB;
	s12 =	sadd.s32 $0x40, s26;
	[dreg:$0xb] =	wrdreg s11  }
0x16: {  	s13 =	sadd.s32 $0x4E0, s9;
	s7 =	sadd.s32 $0x50, s26;
	[dreg:$0xc] =	wrdreg s12  }
0x17: {  	s9 =	simm.s32 $0xAE20;
	s2 =	sadd.s32 s2, s13;
	[dreg:$0xd] =	wrdreg s7  }
0x18: {  	[dreg:$0xe] =	wrdreg s2;
	s7 =	sadd.s32 s5, s13;
	s2 =	sadd.s32 s15, s14  }
0x19: {  	s11 =	simm.s32 $0xCE20;
	s12 =	simm.s32 $0x7;
	s13 =	simm.s32 $0x1  }
0x1a: {  	s14 =	simm.s32 $0x9;
	s15 =	simm.s32 $0x3;
	[dreg:$0xf] =	wrdreg s7  }
0x1b: {  	s17 =	sadd.s32 $0x580, s2;
	s19 =	sadd.s32 $0x500, s2;
	s24 =	sadd.s32 $0x480, s2  }
0x1c: {  	s25 =	sadd.s32 $0x400, s2;
	s26 =	sadd.s32 $0x380, s2;
	s31 =	sadd.s32 $0x300, s2  }
0x1d: {  	s7 =	simm.s32 $0x13;
	s18 =	sshrl.u32 s17, $0x3;
	s23 =	sshrl.u32 s19, $0x3  }
0x1e: {  	s6 =	sshrl.u32 s25, $0x3;
	s30 =	sshrl.u32 s26, $0x3;
	[dreg:$0x18] =	wrdreg s31  }
0x1f: {  	s17 =	simm.s32 $0x5;
	s19 =	simm.s32 $0x6;
	s0 =	sadd.s32 s18, s5  }
.Ltmp0:
0x20: {  	[dreg:$0x13] =	wrdreg s0;
	s0 =	sadd.s32 s23, s5;
	(pc) =	sbr.rel .LBB2_1-.Ltmp0, $4  }
0x21: {  	s28 =	sadd.s32 s6, s5;
	[dreg:$0x14] =	wrdreg s0;
	s0 =	sshrl.u32 s24, $0x3  }
0x22: {  	s25 =	simm.s32 $0x12;
	[dreg:$0x16] =	wrdreg s28;
	s0 =	sadd.s32 s0, s5  }
0x23: {  	s18 =	simm.s32 $0xC;
	[dreg:$0x15] =	wrdreg s0;
	s0 =	sadd.s32 s30, s5  }
0x24: {  	s24 =	simm.s32 $0x11;
	s5 =	simm.s32 $0x0;
	[dreg:$0x17] =	wrdreg s0  }
.LBB2_4:
0x25: {  	_ =	swait.ge [sflag:s18], $0x80  }
0x26: {  	[sflag:s18] =	ssyncset.done $0x0  }
0x27: {  	[sflag:s18] =	ssyncadd.s32 $0xFFFFFF80  }
0x28: {  	_ =	swait.ge [sflag:s19], $0x2000  }
0x29: {  	[sflag:s19] =	ssyncset.done $0x0  }
0x2a: {  	s0 =	simm.s32 $0xD;
	[sflag:s19] =	ssyncadd.s32 $0xFFFFE000  }
0x2b: {  	[spmem:s1] =	stream.indirect.scatter.add.f32 [tilespmem:s11], [sflag:$0x12], $0x40, s10, s29, $0xb8;
	[tilespmem:$0x18A60] =	vst v63  }
0x2c: {  	_ =	swait.ge [sflag:s0], $0x2000  }
0x2d: {  	[sflag:s0] =	ssyncset.done $0x0  }
0x2e: {  	s21 =	simm.s32 $0xE;
	[sflag:s0] =	ssyncadd.s32 $0xFFFFE000  }
0x2f: {  	_ =	swait.ge [sflag:s21], $0x2000  }
0x30: {  	[sflag:s21] =	ssyncset.done $0x0  }
0x31: {  	s22 =	simm.s32 $0xF;
	[sflag:s21] =	ssyncadd.s32 $0xFFFFE000  }
0x32: {  	_ =	swait.ge [sflag:s22], $0x2000  }
0x33: {  	[sflag:s22] =	ssyncset.done $0x0  }
0x34: {  	s2 =	simm.s32 $0x10;
	[sflag:s22] =	ssyncadd.s32 $0xFFFFE000  }
0x35: {  	_ =	swait.ge [sflag:s2], $0x2000  }
0x36: {  	[sflag:s2] =	ssyncset.done $0x0  }
0x37: {  	[sflag:s2] =	ssyncadd.s32 $0xFFFFE000  }
0x38: {  	_ =	swait.ge [sflag:s24], $0x2000  }
0x39: {  	[sflag:s24] =	ssyncset.done $0x0  }
0x3a: {  	[sflag:s24] =	ssyncadd.s32 $0xFFFFE000  }
0x3b: {  	_ =	swait.ge [sflag:s25], $0x2000  }
0x3c: {  	s20 =	simm.s32 $0x0;
	s3 =	simm.s32 $0x2700;
	[sflag:s25] =	ssyncset.done $0x0  }
0x3d: {  	s7 =	simm.s32 $0x13;
	s23 =	rddreg [dreg:$0xe];
	[sflag:s25] =	ssyncadd.s32 $0xFFFFE000  }
0x3e: {  	[tilespmem:s3], [sflag:$0x13] =	stream.linear.gather [hbm4b:s23+s20], $0x10, $0x38;
	[tilespmem:$0x18A60] =	vst v63  }
0x3f: {  	_ =	swait.ge [sflag:s7], $0x10  }
0x40: {  	[sflag:s7] =	ssyncset.done $0x0  }
0x41: {  	s5 =	simm.s32 $0x2710;
	s26 =	rddreg [dreg:$0xf];
	[sflag:s7] =	ssyncadd.s32 $0xFFFFFFF0  }
0x42: {  	[tilespmem:s5], [sflag:$0x13] =	stream.linear.gather [hbm4b:s26+s20], $0x10, $0x38;
	[tilespmem:$0x18A60] =	vst v63  }
0x43: {  	_ =	swait.ge [sflag:s7], $0x10  }
0x44: {  	[sflag:s7] =	ssyncset.done $0x0  }
0x45: {  	s28 =	simm.s32 $0x2720;
	[sflag:s7] =	ssyncadd.s32 $0xFFFFFFF0  }
0x46: {  	[tilespmem:s28], [sflag:$0x1] =	stream.indirect.gather [hbm4b:s4+s2], $0x40, s3, s2, $0xb8;
	[tilespmem:$0x18A60] =	vst v63  }
0x47: {  	_ =	swait.ge [sflag:s13], $0x400  }
0x48: {  	[sflag:s13] =	ssyncset.done $0x0  }
0x49: {  	[sflag:s13] =	ssyncadd.s32 $0xFFFFFC00  }
0x4a: {  	[spmem:s1] =	stream.indirect.scatter.add.f32 [tilespmem:s28], [sflag:$0x13], $0x40, s5, s2, $0xb8;
	[tilespmem:$0x18A60] =	vst v63  }
0x4b: {  	_ =	swait.ge [sflag:s7], $0x400  }
0x4c: {  	[sflag:s7] =	ssyncset.done $0x0  }
0x4d: {  	[sflag:s7] =	ssyncadd.s32 $0xFFFFFC00  }
0x4e: {  	s3 =	stileid.u32;
	[bflag:$0x0] =	sbarrier.arrive $0xFFFF  }
0x4f: {  	s0 =	sshll.u32 @p0 s3, $0x6;
	s21 =	rddreg [dreg:$0x5]  }
0x50: {  	s0 =	sor.u32 @p0 $0x1C13, s0;
	s5 =	rddreg [dreg:$0x10];
	s2 =	sshrl.u32 @p0 s21, $0x3  }
0x51: {  	[hbm:s5], [sflag:s0] =	dma.local @p0 [spmem:s2], $0x1F40  }
0x52: {  	s0 =	simm.s32 @p0 $0x13  }
0x53: {  	_ =	swait.ge @p0 [sflag:s0], $0x1F40  }
0x54: {  	s2 =	sshll.u32 @p1 s3, $0x6;
	[sflag:s0] =	ssyncset.done @p0 $0x0;
	s5 =	rddreg [dreg:$0x11]  }
0x55: {  	[sflag:s0] =	ssyncadd.s32 @p0 $0xFFFFE0C0;
	s0 =	sor.u32 @p1 $0x1C13, s2;
	s2 =	sshrl.u32 @p1 s21, $0x3  }
0x56: {  	[hbm:s5], [sflag:s0] =	dma.local @p1 [spmem:s2], $0x1F40  }
0x57: {  	s0 =	simm.s32 @p1 $0x13  }
0x58: {  	_ =	swait.ge @p1 [sflag:s0], $0x1F40  }
0x59: {  	s30 =	rddreg [dreg:$0x19]  }
0x5a: {  	s31 =	rddreg [dreg:$0x12];
	s5 =	sadd.s32 $0x1, s30  }
0x5b: {  	p3 =	sne.s32 s5, s31  }
.Ltmp1:
0x5c: {  	_ = 	snop;
	(pc) =	sbr.rel @!p3 .LBB2_5-.Ltmp1, $3  }
0x5d: {  	_ =	sdelay $0x1  }
0x5e: {  	[sflag:s0] =	ssyncset.done @p1 $0x0  }
0x5f: {  	[sflag:s0] =	ssyncadd.s32 @p1 $0xFFFFE0C0  }
.LBB2_1:
0x60: {  	[dreg:$0x19] =	wrdreg s5;
	s2 =	sshll.u32 @!p2 s3, $0x6  }
0x61: {  	s6 =	sshrl.u32 @!p2 s21, $0x3;
	s0 =	rddreg [dreg:$0x7];
	s2 =	sor.u32 @!p2 $0x1C13, s2  }
0x62: {  	[spmem:s6], [sflag:s2] =	dma.local @!p2 [hbm:s0], $0x1F40  }
0x63: {  	s2 =	simm.s32 @!p2 $0x13  }
0x64: {  	_ =	swait.ge @!p2 [sflag:s2], $0x1F40  }
0x65: {  	[sflag:s2] =	ssyncset.done @!p2 $0x0  }
0x66: {  	[sflag:s2] =	ssyncadd.s32 @!p2 $0xFFFFE0C0  }
0x67: {  	[bflag:$0x0] =	sbarrier.arrive $0xFFFF  }
0x68: {  	s21 =	rddreg [dreg:$0x8]  }
0x69: {  	[tilespmem:s20], [sflag:$0x13] =	stream.linear.gather [hbm4b:s21+s20], $0x2700, $0x38;
	[tilespmem:$0x18A60] =	vst v63  }
0x6a: {  	_ =	swait.ge [sflag:s7], $0x2700  }
0x6b: {  	[sflag:s7] =	ssyncset.done $0x0  }
0x6c: {  	s23 =	simm.s32 $0x2B20;
	s22 =	rddreg [dreg:$0x6];
	[sflag:s7] =	ssyncadd.s32 $0xFFFFD900  }
0x6d: {  	[tilespmem:s23], [sflag:$0x7] =	stream.linear.gather [hbm4b:s22+s20], $0x80, $0x38;
	[tilespmem:$0x18A60] =	vst v63  }
0x6e: {  	s26 =	simm.s32 $0x2E20;
	s28 =	rddreg [dreg:$0x9]  }
0x6f: {  	[tilespmem:s26], [sflag:$0x1] =	stream.indirect.gather [hbm4b:s4+s29], $0x40, s20, s29, $0xb8;
	[tilespmem:$0x18A60] =	vst v63  }
0x70: {  	s30 =	simm.s32 $0x2BA0;
	s2 =	rddreg [dreg:$0xa]  }
0x71: {  	[tilespmem:s30], [sflag:$0x8] =	stream.linear.gather [hbm4b:s28+s20], $0x80, $0x38;
	[tilespmem:$0x18A60] =	vst v63  }
0x72: {  	s31 =	simm.s32 $0x4E20;
	s7 =	rddreg [dreg:$0xb]  }
0x73: {  	[tilespmem:s31], [sflag:$0x2] =	stream.indirect.gather [hbm4b:s4+s29], $0x40, s29, s29, $0xb8;
	[tilespmem:$0x18A60] =	vst v63  }
0x74: {  	s3 =	simm.s32 $0x2C20;
	s26 =	rddreg [dreg:$0xc]  }
0x75: {  	[tilespmem:s3], [sflag:$0x9] =	stream.linear.gather [hbm4b:s2+s20], $0x80, $0x38;
	[tilespmem:$0x18A60] =	vst v63  }
0x76: {  	s5 =	simm.s32 $0x100;
	s6 =	simm.s32 $0x6E20;
	s30 =	rddreg [dreg:$0xd]  }
0x77: {  	[tilespmem:s6], [sflag:$0x3] =	stream.indirect.gather [hbm4b:s4+s29], $0x40, s5, s29, $0xb8;
	[tilespmem:$0x18A60] =	vst v63  }
0x78: {  	s21 =	simm.s32 $0x2CA0;
	s2 =	rddreg [dreg:$0x18]  }
0x79: {  	[tilespmem:s21], [sflag:$0xA] =	stream.linear.gather [hbm4b:s7+s20], $0x80, $0x38;
	[tilespmem:$0x18A60] =	vst v63  }
0x7a: {  	s22 =	simm.s32 $0x180;
	s23 =	simm.s32 $0x8E20;
	s6 =	rddreg [dreg:$0x14]  }
0x7b: {  	[tilespmem:s23], [sflag:$0x4] =	stream.indirect.gather [hbm4b:s4+s29], $0x40, s22, s29, $0xb8;
	[tilespmem:$0x18A60] =	vst v63  }
0x7c: {  	s21 =	rddreg [dreg:$0x16]  }
0x7d: {  	[tilespmem:s8], [sflag:$0xB] =	stream.linear.gather [hbm4b:s26+s20], $0x80, $0x38;
	[tilespmem:$0x18A60] =	vst v63  }
0x7e: {  	s28 =	simm.s32 $0x200;
	s22 =	rddreg [dreg:$0x15]  }
0x7f: {  	[tilespmem:s9], [sflag:$0x5] =	stream.indirect.gather [hbm4b:s4+s29], $0x40, s28, s29, $0xb8;
	[tilespmem:$0x18A60] =	vst v63  }
0x80: {  	s26 =	rddreg [dreg:$0x13]  }
0x81: {  	[tilespmem:s10], [sflag:$0xC] =	stream.linear.gather [hbm4b:s30+s20], $0x80, $0x38;
	[tilespmem:$0x18A60] =	vst v63  }
0x82: {  	s31 =	simm.s32 $0x280;
	s23 =	simm.s32 $0x0;
	s20 =	rddreg [dreg:$0x17]  }
0x83: {  	[tilespmem:s11], [sflag:$0x6] =	stream.indirect.gather [hbm4b:s4+s29], $0x40, s31, s29, $0xb8;
	[tilespmem:$0x18A60] =	vst v63  }
.LBB2_2:
0x84: {  	_ =	swait.ge [sflag:s12], $0x80  }
0x85: {  	[sflag:s12] =	ssyncset.done $0x0  }
0x86: {  	[sflag:s12] =	ssyncadd.s32 $0xFFFFFF80  }
0x87: {  	_ =	swait.ge [sflag:s13], $0x2000  }
0x88: {  	s0 =	simm.s32 $0x2B20;
	p3 =	seq.s32 s23, $0x9000;
	[sflag:s13] =	ssyncset.done $0x0  }
0x89: {  	s3 =	simm.s32 $0x2E20;
	s7 =	simm.s32 @p3 $0x8;
	[sflag:s13] =	ssyncadd.s32 $0xFFFFE000  }
0x8a: {  	[spmem:s1] =	stream.indirect.scatter.add.f32 [tilespmem:s3], [sflag:$0xD], $0x40, s0, s29, $0xb8;
	[tilespmem:$0x18A60] =	vst v63  }
0x8b: {  	_ =	swait.ge @p3 [sflag:s7], $0x80  }
0x8c: {  	[sflag:s7] =	ssyncset.done @p3 $0x0  }
0x8d: {  	[sflag:s7] =	ssyncadd.s32 @p3 $0xFFFFFF80;
	s7 =	simm.s32 @p3 $0x2  }
0x8e: {  	_ =	swait.ge @p3 [sflag:s7], $0x2000  }
0x8f: {  	s31 =	simm.s32 @p3 $0x80;
	[sflag:s7] =	ssyncset.done @p3 $0x0  }
0x90: {  	s28 =	simm.s32 @p3 $0x4E20;
	[sflag:s7] =	ssyncadd.s32 @p3 $0xFFFFE000;
	s7 =	simm.s32 @p3 $0x2BA0  }
0x91: {  	[spmem:s1] =	stream.indirect.scatter.add.f32 @p3 [tilespmem:s28], [sflag:$0xE], $0x40, s7, s31, $0xb8;
	[tilespmem:$0x18A60] =	vst v63  }
0x92: {  	s7 =	simm.s32 @!p3 $0xD  }
0x93: {  	_ =	swait.ge @!p3 [sflag:s7], $0x2000  }
0x94: {  	[sflag:s7] =	ssyncset.done @!p3 $0x0  }
0x95: {  	s0 =	rddreg [dreg:$0x4];
	[sflag:s7] =	ssyncadd.s32 @!p3 $0xFFFFE000;
	s7 =	sshrl.u32 @!p3 s2, $0x3  }
0x96: {  	s30 =	simm.s32 @!p3 $0x2B20;
	s28 =	sadd.s32 @!p3 s0, s7;
	s7 =	simm.s32 @!p3 $0x0  }
0x97: {  	[tilespmem:s30], [sflag:$0x7] =	stream.linear.gather @!p3 [hbm4b:s28+s7], $0x80, $0x38;
	[tilespmem:$0x18A60] =	vst v63  }
0x98: {  	s28 =	sshra.s32 @!p3 s23, $0x2  }
0x99: {  	s5 =	simm.s32 @!p3 $0x2E20;
	s30 =	simm.s32 @!p3 $0x80;
	s0 =	sadd.s32 @!p3 $0x300, s28  }
0x9a: {  	[tilespmem:s5], [sflag:$0x1] =	stream.indirect.gather @!p3 [hbm4b:s4+s30], $0x40, s0, s30, $0xb8;
	[tilespmem:$0x18A60] =	vst v63  }
0x9b: {  	s0 =	simm.s32 @!p3 $0x8  }
0x9c: {  	_ =	swait.ge @!p3 [sflag:s0], $0x80  }
0x9d: {  	[sflag:s0] =	ssyncset.done @!p3 $0x0  }
0x9e: {  	[sflag:s0] =	ssyncadd.s32 @!p3 $0xFFFFFF80;
	s0 =	simm.s32 @!p3 $0x2  }
0x9f: {  	_ =	swait.ge @!p3 [sflag:s0], $0x2000  }
0xa0: {  	s3 =	simm.s32 @!p3 $0xE;
	[sflag:s0] =	ssyncset.done @!p3 $0x0  }
0xa1: {  	s5 =	simm.s32 @!p3 $0x4E20;
	[sflag:s0] =	ssyncadd.s32 @!p3 $0xFFFFE000;
	s0 =	simm.s32 @!p3 $0x2BA0  }
0xa2: {  	[spmem:s1] =	stream.indirect.scatter.add.f32 @!p3 [tilespmem:s5], [sflag:$0xE], $0x40, s0, s30, $0xb8;
	[tilespmem:$0x18A60] =	vst v63  }
0xa3: {  	_ =	swait.ge @!p3 [sflag:s3], $0x2000  }
0xa4: {  	[sflag:s3] =	ssyncset.done @!p3 $0x0  }
0xa5: {  	[sflag:s3] =	ssyncadd.s32 @!p3 $0xFFFFE000  }
0xa6: {  	[tilespmem:s0], [sflag:$0x8] =	stream.linear.gather @!p3 [hbm4b:s20+s7], $0x80, $0x38;
	[tilespmem:$0x18A60] =	vst v63  }
0xa7: {  	s0 =	sadd.s32 @!p3 $0x380, s28  }
0xa8: {  	[tilespmem:s5], [sflag:$0x2] =	stream.indirect.gather @!p3 [hbm4b:s4+s30], $0x40, s0, s30, $0xb8;
	[tilespmem:$0x18A60] =	vst v63  }
0xa9: {  	_ =	swait.ge [sflag:s14], $0x80  }
0xaa: {  	[sflag:s14] =	ssyncset.done $0x0  }
0xab: {  	[sflag:s14] =	ssyncadd.s32 $0xFFFFFF80  }
0xac: {  	_ =	swait.ge [sflag:s15], $0x2000  }
0xad: {  	s3 =	simm.s32 $0x2C20;
	[sflag:s15] =	ssyncset.done $0x0  }
0xae: {  	s5 =	simm.s32 $0x6E20;
	s0 =	simm.s32 @p3 $0xA;
	[sflag:s15] =	ssyncadd.s32 $0xFFFFE000  }
0xaf: {  	[spmem:s1] =	stream.indirect.scatter.add.f32 [tilespmem:s5], [sflag:$0xF], $0x40, s3, s29, $0xb8;
	[tilespmem:$0x18A60] =	vst v63  }
0xb0: {  	_ =	swait.ge @p3 [sflag:s0], $0x80  }
0xb1: {  	[sflag:s0] =	ssyncset.done @p3 $0x0  }
0xb2: {  	[sflag:s0] =	ssyncadd.s32 @p3 $0xFFFFFF80;
	s0 =	simm.s32 @p3 $0x4  }
0xb3: {  	_ =	swait.ge @p3 [sflag:s0], $0x2000  }
0xb4: {  	[sflag:s0] =	ssyncset.done @p3 $0x0  }
0xb5: {  	s3 =	simm.s32 @p3 $0x8E20;
	[sflag:s0] =	ssyncadd.s32 @p3 $0xFFFFE000;
	s0 =	simm.s32 @p3 $0x2CA0  }
0xb6: {  	[spmem:s1] =	stream.indirect.scatter.add.f32 @p3 [tilespmem:s3], [sflag:$0x10], $0x40, s0, s31, $0xb8;
	[tilespmem:$0x18A60] =	vst v63  }
0xb7: {  	s0 =	simm.s32 @!p3 $0xF  }
0xb8: {  	_ =	swait.ge @!p3 [sflag:s0], $0x2000  }
0xb9: {  	[sflag:s0] =	ssyncset.done @!p3 $0x0  }
0xba: {  	[sflag:s0] =	ssyncadd.s32 @!p3 $0xFFFFE000;
	s0 =	simm.s32 @!p3 $0x2C20  }
0xbb: {  	[tilespmem:s0], [sflag:$0x9] =	stream.linear.gather @!p3 [hbm4b:s21+s7], $0x80, $0x38;
	[tilespmem:$0x18A60] =	vst v63  }
0xbc: {  	s3 =	simm.s32 @!p3 $0x6E20;
	s0 =	sadd.s32 @!p3 $0x400, s28  }
0xbd: {  	[tilespmem:s3], [sflag:$0x3] =	stream.indirect.gather @!p3 [hbm4b:s4+s30], $0x40, s0, s30, $0xb8;
	[tilespmem:$0x18A60] =	vst v63  }
0xbe: {  	s0 =	simm.s32 @!p3 $0xA  }
0xbf: {  	_ =	swait.ge @!p3 [sflag:s0], $0x80  }
0xc0: {  	[sflag:s0] =	ssyncset.done @!p3 $0x0  }
0xc1: {  	[sflag:s0] =	ssyncadd.s32 @!p3 $0xFFFFFF80;
	s0 =	simm.s32 @!p3 $0x4  }
0xc2: {  	_ =	swait.ge @!p3 [sflag:s0], $0x2000  }
0xc3: {  	s5 =	simm.s32 @!p3 $0x10;
	[sflag:s0] =	ssyncset.done @!p3 $0x0  }
0xc4: {  	s3 =	simm.s32 @!p3 $0x8E20;
	[sflag:s0] =	ssyncadd.s32 @!p3 $0xFFFFE000;
	s0 =	simm.s32 @!p3 $0x2CA0  }
0xc5: {  	[spmem:s1] =	stream.indirect.scatter.add.f32 @!p3 [tilespmem:s3], [sflag:$0x10], $0x40, s0, s30, $0xb8;
	[tilespmem:$0x18A60] =	vst v63  }
0xc6: {  	_ =	swait.ge @!p3 [sflag:s5], $0x2000  }
0xc7: {  	[sflag:s5] =	ssyncset.done @!p3 $0x0  }
0xc8: {  	[sflag:s5] =	ssyncadd.s32 @!p3 $0xFFFFE000  }
0xc9: {  	[tilespmem:s0], [sflag:$0xA] =	stream.linear.gather @!p3 [hbm4b:s22+s7], $0x80, $0x38;
	[tilespmem:$0x18A60] =	vst v63  }
0xca: {  	s0 =	sadd.s32 @!p3 $0x480, s28  }
0xcb: {  	[tilespmem:s3], [sflag:$0x4] =	stream.indirect.gather @!p3 [hbm4b:s4+s30], $0x40, s0, s30, $0xb8;
	[tilespmem:$0x18A60] =	vst v63  }
0xcc: {  	_ =	swait.ge [sflag:s16], $0x80  }
0xcd: {  	[sflag:s16] =	ssyncset.done $0x0  }
.Ltmp2:
0xce: {  	[sflag:s16] =	ssyncadd.s32 $0xFFFFFF80;
	(pc) =	sbr.rel @p3 .LBB2_4-.Ltmp2, $4  }
0xcf: {  	_ =	swait.ge [sflag:s17], $0x2000  }
0xd0: {  	[sflag:s17] =	ssyncset.done $0x0  }
0xd1: {  	[sflag:s17] =	ssyncadd.s32 $0xFFFFE000  }
0xd2: {  	[spmem:s1] =	stream.indirect.scatter.add.f32 [tilespmem:s9], [sflag:$0x11], $0x40, s8, s29, $0xb8;
	[tilespmem:$0x18A60] =	vst v63  }
0xd3: {  	_ =	swait.ge [sflag:s24], $0x2000  }
0xd4: {  	[sflag:s24] =	ssyncset.done $0x0  }
0xd5: {  	s5 =	simm.s32 $0x0;
	s0 =	sshra.s32 s23, $0x2;
	[sflag:s24] =	ssyncadd.s32 $0xFFFFE000  }
0xd6: {  	[tilespmem:s8], [sflag:$0xB] =	stream.linear.gather [hbm4b:s6+s5], $0x80, $0x38;
	[tilespmem:$0x18A60] =	vst v63  }
0xd7: {  	s3 =	sadd.s32 $0x500, s0  }
0xd8: {  	[tilespmem:s9], [sflag:$0x5] =	stream.indirect.gather [hbm4b:s4+s29], $0x40, s3, s29, $0xb8;
	[tilespmem:$0x18A60] =	vst v63  }
0xd9: {  	_ =	swait.ge [sflag:s18], $0x80  }
0xda: {  	[sflag:s18] =	ssyncset.done $0x0  }
0xdb: {  	[sflag:s18] =	ssyncadd.s32 $0xFFFFFF80  }
0xdc: {  	_ =	swait.ge [sflag:s19], $0x2000  }
0xdd: {  	[sflag:s19] =	ssyncset.done $0x0  }
0xde: {  	[sflag:s19] =	ssyncadd.s32 $0xFFFFE000  }
0xdf: {  	[spmem:s1] =	stream.indirect.scatter.add.f32 [tilespmem:s11], [sflag:$0x12], $0x40, s10, s29, $0xb8;
	[tilespmem:$0x18A60] =	vst v63  }
0xe0: {  	s23 =	sadd.s32 $0xC00, s23;
	s22 =	sadd.s32 $0x60, s22;
	_ =	swait.ge [sflag:s25], $0x2000  }
.Ltmp3:
0xe1: {  	s21 =	sadd.s32 $0x60, s21;
	[sflag:s25] =	ssyncset.done $0x0;
	(pc) =	sbr.rel .LBB2_2-.Ltmp3, $4  }
0xe2: {  	s20 =	sadd.s32 $0x60, s20;
	s2 =	sadd.s32 $0x300, s2;
	[sflag:s25] =	ssyncadd.s32 $0xFFFFE000  }
0xe3: {  	[tilespmem:s10], [sflag:$0xC] =	stream.linear.gather [hbm4b:s26+s5], $0x80, $0x38;
	[tilespmem:$0x18A60] =	vst v63  }
0xe4: {  	s0 =	sadd.s32 $0x580, s0;
	s6 =	sadd.s32 $0x60, s6;
	s26 =	sadd.s32 $0x60, s26  }
0xe5: {  	[tilespmem:s11], [sflag:$0x6] =	stream.indirect.gather [hbm4b:s4+s29], $0x40, s0, s29, $0xb8;
	[tilespmem:$0x18A60] =	vst v63  }
.LBB2_5:
0xe6: {  	_ =	sfence.sel $0x180000  }
0xe7: {  	[bflag:$0x0] =	sbarrier.arrive $0xFFFF  }
0xe8: {  	_ =	strace $0x90000050  }
0xe9: {  	[bflag:$0x2] =	sbarrier.arrive $0xFFFF  }
0xea: {  	p0 =	sne.s32 s3, $0x0;
	s0 =	rddreg [dreg:$0x3]  }
0xeb: {  	s0 =	sadd.s32 @!p0 $0x100000, s0  }
0xec: {  	[sflag:s0] =	ssyncadd.tile.s32 @!p0 $0x1;
	_ =	shalt  }
.Lfunc_end2:
_tile_overlayer_lowered:
.L_overlay_start_2:
0xed: {  	(tag) =	ssettag $0x2  }
0xee: {  	s0 =	rddreg [dreg:$0x0];
	s2 =	stileid.u32  }
0xef: {  	s1 =	rddreg [dreg:$0x1];
	p0 =	sne.s32 s2, $0x0  }
0xf0: {  	s3 =	rddreg [dreg:$0x2];
	[bflag:$0x3] =	sbarrier.arrive $0xFFFF;
	s2 =	simm.s32 @!p0 $0x1C13  }
0xf1: {  	[timem:s3], [sflag:s2] =	dma.local @!p0 [hbm:s0], s1  }
0xf2: {  	s0 =	simm.s32 @!p0 $0x13  }
0xf3: {  	_ =	swait.ge @!p0 [sflag:s0], s1  }
0xf4: {  	s1 =	ssub.s32 @!p0 $0x0, s1;
	[sflag:s0] =	ssyncset.done @!p0 $0x0  }
0xf5: {  	[sflag:s0] =	ssyncadd.s32 @!p0 s1  }
0xf6: {  	[bflag:$0x3] =	sbarrier.arrive $0xFFFF  }
0xf7: {  	_ =	shalt  }

// kernel: kernel.24.cloned.1.call-start
scs
__scs_entry_jumppad:
0x0: {  	(pc) =	sbr.rel $0x88, $3  }
0x1: {  	(tag) =	ssettag $0x0;
	lr =	simm.s32 $0x1  }
0x2: {  	[smem:$0x3F8C] =	sst lr;
	_ =	strace $0xD0000000  }
0x3: {  	_ = 	snop  }
0x4: {  	_ = 	snop  }
0x5: {  	_ = 	snop  }
0x6: {  	_ = 	snop  }
0x7: {  	_ = 	snop  }
__scs_overlays_trampoline_lowered:
0x8: {  	[smem:$0x3F9B] =	sst s0  }
0x9: {  	[smem:$0x3F9C] =	sst s1  }
0xa: {  	[smem:$0x3F9D] =	sst s2  }
0xb: {  	[smem:$0x3F9E] =	sst s3  }
0xc: {  	[smem:$0x3F9F] =	sst s4  }
0xd: {  	[smem:$0x3FA0] =	sst s5  }
0xe: {  	[smem:$0x3FA1] =	sst s6  }
0xf: {  	[smem:$0x3FA2] =	sst s7  }
0x10: {  	[smem:$0x3FA3] =	sst s8  }
0x11: {  	[smem:$0x3FA4] =	sst s9;
	s0 =	simm.s32 @!p0 $0x0  }
0x12: {  	s1 =	sld [smem:$0x3F8A];
	s0 =	simm.s32 @p0 $0x1  }
0x13: {  	[smem:$0x3FA5] =	sst s0;
	s0 =	simm.s32 @!p1 $0x0  }
0x14: {  	s2 =	sld [smem:$0x3F89];
	s0 =	simm.s32 @p1 $0x1  }
0x15: {  	[smem:$0x3FA6] =	sst s0;
	s0 =	simm.s32 @!p2 $0x0  }
0x16: {  	s3 =	sld [smem:$0x3FDB];
	s0 =	simm.s32 @p2 $0x1  }
0x17: {  	s4 =	simm.s32 $0x1BF5;
	[smem:$0x3FA8] =	sst s0  }
0x18: {  	s0 =	sld [smem:$0x3F8B];
	_ =	swait.ge [sflag:s4], $0x0  }
0x19: {  	s7 =	sld [smem:$0x3F8C]  }
0x1a: {  	s8 =	sadd.s32 $0xFFFFE003, lr  }
0x1b: {  	s9 =	sadd.s32 $0xFFFFFEF7, lr;
	s5 =	simm.s32 $0xFFFFFFFF;
	p2 =	slt.u32 s8, $0xFFFFF086  }
0x1c: {  	p1 =	slt.u32 s9, $0xF7A;
	s5 =	simm.s32 @!p2 $0x0  }
0x1d: {  	s5 =	simm.s32 @p1 $0x1;
	p0 =	seq.s32 s7, s2  }
0x1e: {  	s7 =	smul.u32 @!p0 $0xF7A, s2;
	p2 =	seq.s32 @!p0 s5, $0x0  }
0x1f: {  	s9 =	smul.u32 $0xF7A, s1;
	s8 =	simm.s32 @!p0 $0x1BF5;
	p2 =	por !p2, p0  }
0x20: {  	[sflag:s8] =	ssyncset.s32 @!p0 $0xFFFFF086;
	s6 =	sadd.s32 @!p0 s3, s7;
	s7 =	simm.s32 @!p0 $0x108  }
0x21: {  	s3 =	sadd.s32 s3, s9;
	s6 =	sadd.s32 @!p0 $0x88, s6;
	s7 =	simm.s32 @p2 $0x1082  }
0x22: {  	[simem:s7], [sflag:s8] =	dma.local @!p0 [hbm:s6], $0xF7A  }
0x23: {  	s9 =	sor.u32 $0xD0000000, s2;
	s6 =	simm.s32 $0x108;
	_ =	swait.ge @!p0 [sflag:s8], $0x0  }
0x24: {  	s3 =	sadd.s32 $0x88, s3;
	s6 =	simm.s32 @!p1 $0x1082;
	[sflag:s4] =	ssyncset.s32 $0xFFFFF086  }
0x25: {  	[simem:s6], [sflag:s4] =	dma.local [hbm:s3], $0xF7A  }
0x26: {  	[smem:$0x3F8C] =	sst s1;
	(tag) =	ssettag s2;
	_ =	strace s9  }
0x27: {  	s1 =	sld [smem:$0x3F9C]  }
0x28: {  	s2 =	sld [smem:$0x3F9D]  }
0x29: {  	s4 =	sld [smem:$0x3F9F]  }
0x2a: {  	p0 =	seq.s32 s5, $0x0;
	s5 =	sld [smem:$0x3FA0]  }
0x2b: {  	s6 =	sld [smem:$0x3FA1]  }
0x2c: {  	s7 =	sld [smem:$0x3FA2]  }
0x2d: {  	s3 =	simm.s32 $0x108;
	s8 =	sld [smem:$0x3FA3]  }
0x2e: {  	s3 =	simm.s32 @!p0 $0x1082;
	s9 =	sld [smem:$0x3FA4]  }
0x2f: {  	lr =	sadd.s32 s0, s3;
	s0 =	sld [smem:$0x3F9B]  }
0x30: {  	s3 =	sld [smem:$0x3F9E]  }
0x31: {  	[smem:$0x3FA7] =	sst s10  }
0x32: {  	s10 =	sld [smem:$0x3FA5];
	_ =	sdelay $0x3  }
0x33: {  	p0 =	seq.s32 s10, $0x1;
	s10 =	sld [smem:$0x3FA7];
	_ =	sdelay $0x3  }
0x34: {  	[smem:$0x3FA7] =	sst s10  }
0x35: {  	s10 =	sld [smem:$0x3FA6];
	_ =	sdelay $0x3  }
0x36: {  	p1 =	seq.s32 s10, $0x1;
	s10 =	sld [smem:$0x3FA7];
	_ =	sdelay $0x3  }
0x37: {  	[smem:$0x3FA7] =	sst s10  }
0x38: {  	s10 =	sld [smem:$0x3FA8]  }
0x39: {  	_ = 	snop;
	(pc) =	sbr.ind lr, $3  }
0x3a: {  	_ = 	snop  }
0x3b: {  	_ = 	snop  }
0x3c: {  	p2 =	seq.s32 s10, $0x1;
	s10 =	sld [smem:$0x3FA7]  }
0x3d: {  	_ =	shalt  }
0x3e: {  	_ =	shalt  }
0x3f: {  	_ =	shalt  }
0x40: {  	_ =	shalt  }
0x41: {  	_ =	shalt  }
0x42: {  	_ =	shalt  }
0x43: {  	_ =	shalt  }
0x44: {  	_ =	shalt  }
0x45: {  	_ =	shalt  }
0x46: {  	_ =	shalt  }
0x47: {  	_ =	shalt  }
0x48: {  	_ =	shalt  }
0x49: {  	_ =	shalt  }
0x4a: {  	_ =	shalt  }
0x4b: {  	_ =	shalt  }
0x4c: {  	_ =	shalt  }
0x4d: {  	_ =	shalt  }
0x4e: {  	_ =	shalt  }
0x4f: {  	_ =	shalt  }
0x50: {  	_ =	shalt  }
0x51: {  	_ =	shalt  }
0x52: {  	_ =	shalt  }
0x53: {  	_ =	shalt  }
0x54: {  	_ =	shalt  }
0x55: {  	_ =	shalt  }
0x56: {  	_ =	shalt  }
0x57: {  	_ =	shalt  }
0x58: {  	_ =	shalt  }
0x59: {  	_ =	shalt  }
0x5a: {  	_ =	shalt  }
0x5b: {  	_ =	shalt  }
0x5c: {  	_ =	shalt  }
0x5d: {  	_ =	shalt  }
0x5e: {  	_ =	shalt  }
0x5f: {  	_ =	shalt  }
0x60: {  	_ =	shalt  }
0x61: {  	_ =	shalt  }
0x62: {  	_ =	shalt  }
0x63: {  	_ =	shalt  }
0x64: {  	_ =	shalt  }
0x65: {  	_ =	shalt  }
0x66: {  	_ =	shalt  }
0x67: {  	_ =	shalt  }
0x68: {  	_ =	shalt  }
0x69: {  	_ =	shalt  }
0x6a: {  	_ =	shalt  }
0x6b: {  	_ =	shalt  }
0x6c: {  	_ =	shalt  }
0x6d: {  	_ =	shalt  }
0x6e: {  	_ =	shalt  }
0x6f: {  	_ =	shalt  }
0x70: {  	_ =	shalt  }
0x71: {  	_ =	shalt  }
0x72: {  	_ =	shalt  }
0x73: {  	_ =	shalt  }
0x74: {  	_ =	shalt  }
0x75: {  	_ =	shalt  }
0x76: {  	_ =	shalt  }
0x77: {  	_ =	shalt  }
0x78: {  	_ =	shalt  }
0x79: {  	_ =	shalt  }
0x7a: {  	_ =	shalt  }
0x7b: {  	_ =	shalt  }
0x7c: {  	_ =	shalt  }
0x7d: {  	_ =	shalt  }
0x7e: {  	_ =	shalt  }
0x7f: {  	_ =	shalt  }
0x80: {  	_ =	shalt  }
0x81: {  	_ =	shalt  }
0x82: {  	_ =	shalt  }
0x83: {  	_ =	shalt  }
0x84: {  	_ =	shalt  }
0x85: {  	_ =	shalt  }
0x86: {  	_ =	shalt  }
0x87: {  	_ =	shalt  }
.Lfunc_end0:
.L_simem_size_0:
called_computation.4_lowered:
.L_overlay_start_0:
0x88: {  	s2 =	sld [smem:$0x3FD9]  }
0x89: {  	s3 =	sld [smem:$0x3FFE];
	_ =	sdelay $0x1  }
0x8a: {  	s1 =	srdreg.scid  }
0x8b: {  	s0 =	sand.u32 $0x1, s1  }
0x8c: {  	s17 =	sshll.u32 s0, $0xA;
	s2 =	sadd.s32 s3, s2  }
0x8d: {  	s2 =	sadd.s32 s2, s17  }
0x8e: {  	[smem:$0x3FB3] =	sst s2  }
0x8f: {  	_ = 	snop  }
0x90: {  	s2 =	sld [smem:$0x3FD0];
	(tm) =	ssettm $0x1  }
0x91: {  	s18 =	sld [smem:$0x3FFB];
	_ =	sdelay $0x3  }
0x92: {  	_ =	strace s18  }
0x93: {  	s3 =	sld [smem:$0x3FFC];
	_ =	sdelay $0x3  }
0x94: {  	_ =	strace s3  }
0x95: {  	s3 =	sld [smem:$0x3FFD];
	_ =	sdelay $0x3  }
0x96: {  	_ =	strace s3  }
0x97: {  	_ =	strace $0x8FFFFFFF  }
0x98: {  	s19 =	sld [smem:$0x3FDB];
	_ =	sdelay $0x1  }
0x99: {  	s4 =	simm.s32 $_scs_section_size  }
0x9a: {  	s5 =	simm.s32 $_size__tile_overlayer_lowered;
	s6 =	simm.s32 $_tile_overlayer_lowered  }
0x9b: {  	s22 =	simm.s32 $0x1BFF;
	s21 =	sshll.u32 s6, $0x1;
	s3 =	sadd.s32 s4, s19  }
0x9c: {  	s7 =	simm.s32 $0x0;
	s20 =	sshll.u32 s5, $0x1;
	s5 =	sadd.s32 s21, s3  }
0x9d: {  	[timem:s7], [sflag:s22] =	dma.local [hbm:s5], s20  }
0x9e: {  	_ =	swait.ge [sflag:s22], s20  }
0x9f: {  	s4 =	ssub.s32 $0x0, s20;
	[sflag:s22] =	ssyncset.done $0x0  }
0xa0: {  	[sflag:s22] =	ssyncadd.s32 s4;
	_ =	sdelay $0x1  }
0xa1: {  	s23 =	simm.s32 $0x1B8B  }
0xa2: {  	_ =	swait.ge [sflag:s23], $0x1  }
0xa3: {  	[sflag:s23] =	ssyncset.done $0x0  }
0xa4: {  	s25 =	simm.s32 $0x1B8E;
	s24 =	sld [smem:$0x3FFE];
	[sflag:s23] =	ssyncadd.s32 $0xFFFFFFFF  }
0xa5: {  	s26 =	simm.s32 $execute0_lowered;
	[smem:$0x3FD2] =	sst s25  }
0xa6: {  	s5 =	sshll.u32 s26, $0x1;
	_ =	strace $0x80000052;
	[dreg:$0x1] =	wrdreg $0xFFFFFFFF  }
0xa7: {  	s28 =	simm.s32 $_size_execute0_lowered;
	s3 =	sadd.s32 s3, s5;
	[dreg:$0x0] =	wrdreg $0x0  }
0xa8: {  	s5 =	sshll.u32 s28, $0x1;
	[dreg:$0x2] =	wrdreg s3  }
0xa9: {  	[dreg:$0x3] =	wrdreg s5  }
0xaa: {  	[dreg:$0x4] =	wrdreg $0xC0  }
0xab: {  	_ =	task [dreg:s7], $0x5FFFF  }
0xac: {  	[dreg:$0x1] =	wrdreg $0xFFFFFFFF  }
0xad: {  	[dreg:$0x0] =	wrdreg $0x60  }
0xae: {  	[dreg:$0x2] =	wrdreg s24  }
0xaf: {  	[dreg:$0x3] =	wrdreg s2  }
0xb0: {  	[dreg:$0x4] =	wrdreg $0x9  }
0xb1: {  	_ =	task.clear_ibuf [dreg:s7], $0x5FFFF;
	_ =	strace $0x90000052  }
0xb2: {  	s29 =	simm.s32 $0x9;
	_ =	strace $0x80000054  }
0xb3: {  	_ =	swait.ge [sflag:s29], $0x1  }
0xb4: {  	[sflag:s29] =	ssyncadd.s32 $0xFFFFFFFF  }
0xb5: {  	_ =	strace $0x90000054  }
0xb6: {  	_ =	sfence  }
0xb7: {  	s30 =	sld [smem:$0x0];
	_ =	sdelay $0x2  }
0xb8: {  	s31 =	sshll.u32 s1, $0xD;
	s1 =	sshrl.u32 s1, $0x2  }
0xb9: {  	s3 =	sand.u32 $0x4000, s31;
	s1 =	sadd.s32 s1, s30  }
0xba: {  	s0 =	sor.u32 s3, s0;
	s1 =	sshll.u32 s1, $0x11  }
0xbb: {  	s0 =	sor.u32 s1, s0  }
0xbc: {  	s0 =	sadd.s32 $0x8F2B, s0  }
0xbd: {  	[sflag:s0] =	ssyncadd.remote.s32 $0x1  }
0xbe: {  	_ =	sfence.sel $0xFFFF  }
0xbf: {  	[dreg:$0x0] =	wrdreg $0xFFFFFFFF;
	(pc) =	sbr.abs _section_cstart, $3  }
0xc0: {  	[dreg:$0x1] =	wrdreg $0xFFFFFFFF  }
0xc1: {  	_ =	task.clear_ibuf [dreg:s7], $0x2FFFF;
	_ =	strace $0x9FFFFFFF  }
0xc2: {  	(tm) =	ssettm $0x7FFFFFFF  }
0xc3: {  	_ =	shalt  }
tec
execute0_lowered:
.L_overlay_start_1:
0x0: {  	(tag) =	ssettag $0x1  }
0x1: {  	s0 =	rddreg [dreg:$0x0]  }
0x2: {  	s2 =	rddreg [dreg:$0x1];
	s1 =	simm.s32 $0x0;
	s3 =	srdreg.scid  }
0x3: {  	s14 =	stileid.u32;
	s28 =	simm.s32 $0x8;
	s29 =	simm.s32 $0x3  }
0x4: {  	s30 =	simm.s32 $0x9;
	s31 =	simm.s32 $0xA;
	[smem:$0x7FF] =	sst s1  }
0x5: {  	s5 =	sand.u32 $0x1, s3;
	s3 =	sadd.s32 $0x1AC00, s0;
	s4 =	sadd.s32 $0x10E00, s0  }
0x6: {  	s7 =	sadd.s32 $0x7000, s0;
	s8 =	sadd.s32 $0x24A00, s0;
	s13 =	smul.u32 $0x2710, s14  }
0x7: {  	s0 =	sadd.s32 $0x15D200, s0;
	s6 =	sshll.u32 s5, $0x4;
	s10 =	smul.u32 $0x27100, s5  }
0x8: {  	s9 =	ssub.s32 $0x2, s5;
	s5 =	smul.u32 $0x9C400, s5;
	s6 =	sor.u32 s14, s6  }
0x9: {  	_ =	strace $0x80000053;
	s11 =	sshrl.u32 s9, $0x1;
	s6 =	smul.u32 $0x2710, s6  }
0xa: {  	s9 =	ssub.s32 s9, s11;
	s10 =	sadd.s32 s13, s10;
	s11 =	simm.s32 $0x1  }
0xb: {  	s16 =	smax.u32 s9, $0x1;
	s9 =	simm.s32 $0xA220;
	s12 =	sshrl.u32 s6, $0x3  }
0xc: {  	s6 =	sadd.s32 $0x2700, s6;
	[dreg:$0x9] =	wrdreg s16;
	s24 =	sadd.s32 s2, s12  }
0xd: {  	s25 =	sadd.s32 s7, s12;
	s26 =	sshrl.u32 s6, $0x3;
	s6 =	sshll.u32 s6, $0x2  }
0xe: {  	s12 =	sshll.u32 s10, $0x2;
	s10 =	simm.s32 $0x10220;
	[dreg:$0x3] =	wrdreg s24  }
0xf: {  	[dreg:$0x4] =	wrdreg s25;
	s2 =	sadd.s32 s2, s26;
	s7 =	sadd.s32 s7, s26  }
0x10: {  	s13 =	sadd.s32 s8, s6;
	s15 =	sadd.s32 $0xA00, s12;
	s19 =	sadd.s32 $0x800, s12  }
0x11: {  	s20 =	sadd.s32 $0x600, s12;
	s24 =	sadd.s32 $0x400, s12;
	[dreg:$0x5] =	wrdreg s2  }
0x12: {  	s25 =	smul.u32 $0x9C40, s14;
	s26 =	sadd.s32 s5, s8;
	[dreg:$0x6] =	wrdreg s7  }
0x13: {  	s14 =	simm.s32 $0x19;
	[dreg:$0x7] =	wrdreg s13;
	s2 =	sadd.s32 s0, s6  }
0x14: {  	s17 =	sadd.s32 s15, s8;
	s18 =	sadd.s32 s15, s0;
	[dreg:$0x8] =	wrdreg s2  }
0x15: {  	s21 =	sadd.s32 s19, s8;
	s22 =	sadd.s32 s20, s8;
	[dreg:$0xa] =	wrdreg s17  }
0x16: {  	s23 =	sadd.s32 s20, s0;
	s6 =	sadd.s32 $0x200, s12;
	[dreg:$0xb] =	wrdreg s18  }
0x17: {  	s7 =	simm.s32 $0xC;
	s12 =	simm.s32 $0x18;
	[dreg:$0xc] =	wrdreg s21  }
0x18: {  	s15 =	simm.s32 $0x0;
	s2 =	sadd.s32 s19, s0;
	[dreg:$0xe] =	wrdreg s22  }
0x19: {  	[dreg:$0xf] =	wrdreg s23;
	s18 =	sadd.s32 s24, s8;
	s19 =	sadd.s32 s24, s0  }
.Ltmp0:
0x1a: {  	s20 =	sadd.s32 s6, s0;
	s0 =	sadd.s32 s5, s0;
	(pc) =	sbr.rel .LBB2_1-.Ltmp0, $4  }
0x1b: {  	s21 =	sadd.s32 s6, s8;
	s23 =	sadd.s32 s25, s26;
	s26 =	simm.s32 $0x80  }
0x1c: {  	s24 =	simm.s32 $0x2;
	s5 =	simm.s32 $0xB;
	s6 =	simm.s32 $0x6  }
0x1d: {  	s8 =	simm.s32 $0x12;
	[dreg:$0xd] =	wrdreg s2;
	s22 =	sadd.s32 s25, s0  }
0x1e: {  	s25 =	simm.s32 $0x7;
	s0 =	simm.s32 $0x4;
	s2 =	simm.s32 $0x5  }
.LBB2_4:
0x1f: {  	s13 =	simm.s32 $0xD  }
0x20: {  	_ =	swait.ge [sflag:s13], $0x1000  }
0x21: {  	[sflag:s13] =	ssyncset.done $0x0  }
0x22: {  	s16 =	simm.s32 $0x13;
	[sflag:s13] =	ssyncadd.s32 $0xFFFFF000  }
0x23: {  	_ =	swait.ge [sflag:s16], $0x1000  }
0x24: {  	[sflag:s16] =	ssyncset.done $0x0  }
0x25: {  	s17 =	simm.s32 $0xE;
	[sflag:s16] =	ssyncadd.s32 $0xFFFFF000  }
0x26: {  	_ =	swait.ge [sflag:s17], $0x1000  }
0x27: {  	[sflag:s17] =	ssyncset.done $0x0  }
0x28: {  	s14 =	simm.s32 $0x14;
	[sflag:s17] =	ssyncadd.s32 $0xFFFFF000  }
0x29: {  	_ =	swait.ge [sflag:s14], $0x1000  }
0x2a: {  	[sflag:s14] =	ssyncset.done $0x0  }
0x2b: {  	s15 =	simm.s32 $0xF;
	[sflag:s14] =	ssyncadd.s32 $0xFFFFF000  }
0x2c: {  	_ =	swait.ge [sflag:s15], $0x1000  }
0x2d: {  	[sflag:s15] =	ssyncset.done $0x0  }
0x2e: {  	s16 =	simm.s32 $0x15;
	[sflag:s15] =	ssyncadd.s32 $0xFFFFF000  }
0x2f: {  	_ =	swait.ge [sflag:s16], $0x1000  }
0x30: {  	[sflag:s16] =	ssyncset.done $0x0  }
0x31: {  	s15 =	simm.s32 $0x10;
	[sflag:s16] =	ssyncadd.s32 $0xFFFFF000  }
0x32: {  	_ =	swait.ge [sflag:s15], $0x1000  }
0x33: {  	[sflag:s15] =	ssyncset.done $0x0  }
0x34: {  	s17 =	simm.s32 $0x16;
	[sflag:s15] =	ssyncadd.s32 $0xFFFFF000  }
0x35: {  	_ =	swait.ge [sflag:s17], $0x1000  }
0x36: {  	[sflag:s17] =	ssyncset.done $0x0  }
0x37: {  	s14 =	simm.s32 $0x11;
	[sflag:s17] =	ssyncadd.s32 $0xFFFFF000  }
0x38: {  	_ =	swait.ge [sflag:s14], $0x1000  }
0x39: {  	[sflag:s14] =	ssyncset.done $0x0  }
0x3a: {  	s16 =	simm.s32 $0x17;
	[sflag:s14] =	ssyncadd.s32 $0xFFFFF000  }
0x3b: {  	_ =	swait.ge [sflag:s16], $0x1000  }
0x3c: {  	[sflag:s16] =	ssyncset.done $0x0  }
0x3d: {  	[sflag:s16] =	ssyncadd.s32 $0xFFFFF000  }
0x3e: {  	_ =	swait.ge [sflag:s8], $0x1000  }
0x3f: {  	[sflag:s8] =	ssyncset.done $0x0  }
0x40: {  	[sflag:s8] =	ssyncadd.s32 $0xFFFFF000  }
0x41: {  	_ =	swait.ge [sflag:s12], $0x1000  }
0x42: {  	[sflag:s12] =	ssyncset.done $0x0  }
0x43: {  	s14 =	simm.s32 $0x4E00;
	s17 =	rddreg [dreg:$0x5];
	[sflag:s12] =	ssyncadd.s32 $0xFFFFF000  }
0x44: {  	[tilespmem:s14], [sflag:$0x19] =	stream.linear.gather [hbm4b:s17+s1], $0x10, $0x38;
	[tilespmem:$0x11220] =	vst v63  }
0x45: {  	s14 =	simm.s32 $0x19  }
0x46: {  	_ =	swait.ge [sflag:s14], $0x10  }
0x47: {  	[sflag:s14] =	ssyncset.done $0x0  }
0x48: {  	s17 =	simm.s32 $0x4E10;
	s16 =	rddreg [dreg:$0x6];
	[sflag:s14] =	ssyncadd.s32 $0xFFFFFFF0  }
0x49: {  	[tilespmem:s17], [sflag:$0x19] =	stream.linear.gather [hbm4b:s16+s1], $0x10, $0x38;
	[tilespmem:$0x11220] =	vst v63  }
0x4a: {  	_ =	swait.ge [sflag:s14], $0x10  }
0x4b: {  	[sflag:s14] =	ssyncset.done $0x0  }
0x4c: {  	s13 =	simm.s32 $0x4E00;
	s16 =	simm.s32 $0x4E20;
	[sflag:s14] =	ssyncadd.s32 $0xFFFFFFF0  }
0x4d: {  	[tilespmem:s16], [sflag:$0x1] =	stream.indirect.gather [hbm4b:s3+s15], $0x20, s13, s15, $0xb8;
	[tilespmem:$0x11220] =	vst v63  }
0x4e: {  	s13 =	simm.s32 $0x5020  }
0x4f: {  	[tilespmem:s13], [sflag:$0x7] =	stream.indirect.gather [hbm4b:s4+s15], $0x20, s17, s15, $0xb8;
	[tilespmem:$0x11220] =	vst v63  }
0x50: {  	_ =	swait.ge [sflag:s11], $0x200  }
0x51: {  	[sflag:s11] =	ssyncset.done $0x0  }
0x52: {  	s17 =	rddreg [dreg:$0x7];
	[sflag:s11] =	ssyncadd.s32 $0xFFFFFE00  }
0x53: {  	[hbm4b:s17+s1] =	stream.linear.scatter [tilespmem:s16], [sflag:$0x19], $0x200, $0x38;
	[tilespmem:$0x11220] =	vst v63  }
0x54: {  	_ =	swait.ge [sflag:s14], $0x200  }
0x55: {  	[sflag:s14] =	ssyncset.done $0x0  }
0x56: {  	[sflag:s14] =	ssyncadd.s32 $0xFFFFFE00  }
0x57: {  	_ =	swait.ge [sflag:s25], $0x200  }
0x58: {  	[sflag:s25] =	ssyncset.done $0x0  }
0x59: {  	s15 =	simm.s32 $0x5020;
	s17 =	rddreg [dreg:$0x8];
	[sflag:s25] =	ssyncadd.s32 $0xFFFFFE00  }
0x5a: {  	[hbm4b:s17+s1] =	stream.linear.scatter [tilespmem:s15], [sflag:$0x19], $0x200, $0x38;
	[tilespmem:$0x11220] =	vst v63  }
0x5b: {  	_ =	swait.ge [sflag:s14], $0x200  }
0x5c: {  	s16 =	rddreg [dreg:$0x10]  }
0x5d: {  	s17 =	rddreg [dreg:$0x9];
	s15 =	sadd.s32 $0x1, s16  }
0x5e: {  	p0 =	sne.s32 s15, s17  }
.Ltmp1:
0x5f: {  	_ = 	snop;
	(pc) =	sbr.rel @!p0 .LBB2_5-.Ltmp1, $3  }
0x60: {  	_ =	sdelay $0x1  }
0x61: {  	[sflag:s14] =	ssyncset.done $0x0  }
0x62: {  	[sflag:s14] =	ssyncadd.s32 $0xFFFFFE00  }
.LBB2_1:
0x63: {  	[dreg:$0x10] =	wrdreg s15  }
0x64: {  	s13 =	rddreg [dreg:$0x3]  }
0x65: {  	[tilespmem:s1], [sflag:$0x19] =	stream.linear.gather [hbm4b:s13+s1], $0x2700, $0x38;
	[tilespmem:$0x11220] =	vst v63  }
0x66: {  	_ =	swait.ge [sflag:s14], $0x2700  }
0x67: {  	[sflag:s14] =	ssyncset.done $0x0  }
0x68: {  	s17 =	simm.s32 $0x2700;
	s16 =	rddreg [dreg:$0x4];
	[sflag:s14] =	ssyncadd.s32 $0xFFFFD900  }
0x69: {  	[tilespmem:s17], [sflag:$0x19] =	stream.linear.gather [hbm4b:s16+s1], $0x2700, $0x38;
	[tilespmem:$0x11220] =	vst v63  }
0x6a: {  	_ =	swait.ge [sflag:s14], $0x2700  }
0x6b: {  	[sflag:s14] =	ssyncset.done $0x0  }
0x6c: {  	[sflag:s14] =	ssyncadd.s32 $0xFFFFD900;
	s14 =	simm.s32 $0x5220  }
0x6d: {  	[tilespmem:s14], [sflag:$0x1] =	stream.indirect.gather [hbm4b:s3+s26], $0x20, s1, s26, $0xb8;
	[tilespmem:$0x11220] =	vst v63  }
0x6e: {  	s16 =	simm.s32 $0xB220  }
0x6f: {  	[tilespmem:s16], [sflag:$0x7] =	stream.indirect.gather [hbm4b:s4+s26], $0x20, s17, s26, $0xb8;
	[tilespmem:$0x11220] =	vst v63  }
0x70: {  	s17 =	simm.s32 $0x6220  }
0x71: {  	[tilespmem:s17], [sflag:$0x2] =	stream.indirect.gather [hbm4b:s3+s26], $0x20, s26, s26, $0xb8;
	[tilespmem:$0x11220] =	vst v63  }
0x72: {  	s15 =	simm.s32 $0xC220;
	s14 =	simm.s32 $0x2780  }
0x73: {  	[tilespmem:s15], [sflag:$0x8] =	stream.indirect.gather [hbm4b:s4+s26], $0x20, s14, s26, $0xb8;
	[tilespmem:$0x11220] =	vst v63  }
0x74: {  	s16 =	simm.s32 $0x100;
	s17 =	simm.s32 $0x7220  }
0x75: {  	[tilespmem:s17], [sflag:$0x3] =	stream.indirect.gather [hbm4b:s3+s26], $0x20, s16, s26, $0xb8;
	[tilespmem:$0x11220] =	vst v63  }
0x76: {  	s14 =	simm.s32 $0x2800;
	s15 =	simm.s32 $0xD220  }
0x77: {  	[tilespmem:s15], [sflag:$0x9] =	stream.indirect.gather [hbm4b:s4+s26], $0x20, s14, s26, $0xb8;
	[tilespmem:$0x11220] =	vst v63  }
0x78: {  	s16 =	simm.s32 $0x180;
	s17 =	simm.s32 $0x8220  }
0x79: {  	[tilespmem:s17], [sflag:$0x4] =	stream.indirect.gather [hbm4b:s3+s26], $0x20, s16, s26, $0xb8;
	[tilespmem:$0x11220] =	vst v63  }
0x7a: {  	s14 =	simm.s32 $0x2880;
	s15 =	simm.s32 $0xE220  }
0x7b: {  	[tilespmem:s15], [sflag:$0xA] =	stream.indirect.gather [hbm4b:s4+s26], $0x20, s14, s26, $0xb8;
	[tilespmem:$0x11220] =	vst v63  }
0x7c: {  	s16 =	simm.s32 $0x200;
	s17 =	simm.s32 $0x9220  }
0x7d: {  	[tilespmem:s17], [sflag:$0x5] =	stream.indirect.gather [hbm4b:s3+s26], $0x20, s16, s26, $0xb8;
	[tilespmem:$0x11220] =	vst v63  }
0x7e: {  	s14 =	simm.s32 $0x2900;
	s15 =	simm.s32 $0xF220  }
0x7f: {  	[tilespmem:s15], [sflag:$0xB] =	stream.indirect.gather [hbm4b:s4+s26], $0x20, s14, s26, $0xb8;
	[tilespmem:$0x11220] =	vst v63  }
0x80: {  	s16 =	simm.s32 $0x280  }
0x81: {  	[tilespmem:s9], [sflag:$0x6] =	stream.indirect.gather [hbm4b:s3+s26], $0x20, s16, s26, $0xb8;
	[tilespmem:$0x11220] =	vst v63  }
0x82: {  	s13 =	simm.s32 $0x0;
	s17 =	simm.s32 $0x2980  }
0x83: {  	[tilespmem:s10], [sflag:$0xC] =	stream.indirect.gather [hbm4b:s4+s26], $0x20, s17, s26, $0xb8;
	[tilespmem:$0x11220] =	vst v63  }
.LBB2_2:
0x84: {  	_ =	swait.ge [sflag:s11], $0x1000  }
0x85: {  	[sflag:s11] =	ssyncset.done $0x0  }
0x86: {  	s14 =	sadd.s32 s13, s23;
	s15 =	simm.s32 $0x5220;
	[sflag:s11] =	ssyncadd.s32 $0xFFFFF000  }
0x87: {  	[hbm4b:s14+s1] =	stream.linear.scatter [tilespmem:s15], [sflag:$0xD], $0x1000, $0x38;
	[tilespmem:$0x11220] =	vst v63  }
0x88: {  	_ =	swait.ge [sflag:s25], $0x1000  }
0x89: {  	s16 =	simm.s32 $0xB220;
	p0 =	seq.s32 s13, $0x9000;
	[sflag:s25] =	ssyncset.done $0x0  }
0x8a: {  	s15 =	sadd.s32 s13, s22;
	s14 =	simm.s32 @!p0 $0xD;
	[sflag:s25] =	ssyncadd.s32 $0xFFFFF000  }
0x8b: {  	[hbm4b:s15+s1] =	stream.linear.scatter [tilespmem:s16], [sflag:$0x13], $0x1000, $0x38;
	[tilespmem:$0x11220] =	vst v63  }
0x8c: {  	_ =	swait.ge @!p0 [sflag:s14], $0x1000  }
0x8d: {  	[sflag:s14] =	ssyncset.done @!p0 $0x0  }
0x8e: {  	[sflag:s14] =	ssyncadd.s32 @!p0 $0xFFFFF000;
	s14 =	simm.s32 @!p0 $0x13  }
0x8f: {  	_ =	swait.ge @!p0 [sflag:s14], $0x1000  }
0x90: {  	[sflag:s14] =	ssyncset.done @!p0 $0x0  }
0x91: {  	[sflag:s14] =	ssyncadd.s32 @!p0 $0xFFFFF000;
	s14 =	sshra.s32 @!p0 s13, $0x2  }
0x92: {  	s17 =	simm.s32 @!p0 $0x5220;
	s15 =	simm.s32 @!p0 $0x80;
	s16 =	sadd.s32 @!p0 $0x300, s14  }
0x93: {  	[tilespmem:s17], [sflag:$0x1] =	stream.indirect.gather @!p0 [hbm4b:s3+s15], $0x20, s16, s15, $0xb8;
	[tilespmem:$0x11220] =	vst v63  }
0x94: {  	s16 =	sadd.s32 @!p0 $0x2A00, s14;
	s17 =	simm.s32 @!p0 $0xB220  }
0x95: {  	[tilespmem:s17], [sflag:$0x7] =	stream.indirect.gather @!p0 [hbm4b:s4+s15], $0x20, s16, s15, $0xb8;
	[tilespmem:$0x11220] =	vst v63  }
0x96: {  	_ =	swait.ge [sflag:s24], $0x1000  }
0x97: {  	[sflag:s24] =	ssyncset.done $0x0  }
0x98: {  	s16 =	sadd.s32 s13, s21;
	s17 =	simm.s32 $0x6220;
	[sflag:s24] =	ssyncadd.s32 $0xFFFFF000  }
0x99: {  	[hbm4b:s16+s1] =	stream.linear.scatter [tilespmem:s17], [sflag:$0xE], $0x1000, $0x38;
	[tilespmem:$0x11220] =	vst v63  }
0x9a: {  	_ =	swait.ge [sflag:s28], $0x1000  }
0x9b: {  	[sflag:s28] =	ssyncset.done $0x0  }
0x9c: {  	s16 =	sadd.s32 s13, s20;
	s17 =	simm.s32 $0xC220;
	[sflag:s28] =	ssyncadd.s32 $0xFFFFF000  }
0x9d: {  	[hbm4b:s16+s1] =	stream.linear.scatter [tilespmem:s17], [sflag:$0x14], $0x1000, $0x38;
	[tilespmem:$0x11220] =	vst v63  }
0x9e: {  	s16 =	simm.s32 @!p0 $0xE  }
0x9f: {  	_ =	swait.ge @!p0 [sflag:s16], $0x1000  }
0xa0: {  	[sflag:s16] =	ssyncset.done @!p0 $0x0  }
0xa1: {  	[sflag:s16] =	ssyncadd.s32 @!p0 $0xFFFFF000;
	s16 =	simm.s32 @!p0 $0x14  }
0xa2: {  	_ =	swait.ge @!p0 [sflag:s16], $0x1000  }
0xa3: {  	[sflag:s16] =	ssyncset.done @!p0 $0x0  }
0xa4: {  	s17 =	simm.s32 @!p0 $0x6220;
	[sflag:s16] =	ssyncadd.s32 @!p0 $0xFFFFF000;
	s16 =	sadd.s32 @!p0 $0x380, s14  }
0xa5: {  	[tilespmem:s17], [sflag:$0x2] =	stream.indirect.gather @!p0 [hbm4b:s3+s15], $0x20, s16, s15, $0xb8;
	[tilespmem:$0x11220] =	vst v63  }
0xa6: {  	s16 =	sadd.s32 @!p0 $0x2A80, s14;
	s17 =	simm.s32 @!p0 $0xC220  }
0xa7: {  	[tilespmem:s17], [sflag:$0x8] =	stream.indirect.gather @!p0 [hbm4b:s4+s15], $0x20, s16, s15, $0xb8;
	[tilespmem:$0x11220] =	vst v63  }
0xa8: {  	_ =	swait.ge [sflag:s29], $0x1000  }
0xa9: {  	[sflag:s29] =	ssyncset.done $0x0  }
0xaa: {  	s16 =	sadd.s32 s13, s18;
	s17 =	simm.s32 $0x7220;
	[sflag:s29] =	ssyncadd.s32 $0xFFFFF000  }
0xab: {  	[hbm4b:s16+s1] =	stream.linear.scatter [tilespmem:s17], [sflag:$0xF], $0x1000, $0x38;
	[tilespmem:$0x11220] =	vst v63  }
0xac: {  	_ =	swait.ge [sflag:s30], $0x1000  }
0xad: {  	[sflag:s30] =	ssyncset.done $0x0  }
0xae: {  	s16 =	sadd.s32 s13, s19;
	s17 =	simm.s32 $0xD220;
	[sflag:s30] =	ssyncadd.s32 $0xFFFFF000  }
0xaf: {  	[hbm4b:s16+s1] =	stream.linear.scatter [tilespmem:s17], [sflag:$0x15], $0x1000, $0x38;
	[tilespmem:$0x11220] =	vst v63  }
0xb0: {  	s16 =	simm.s32 @!p0 $0xF  }
0xb1: {  	_ =	swait.ge @!p0 [sflag:s16], $0x1000  }
0xb2: {  	[sflag:s16] =	ssyncset.done @!p0 $0x0  }
0xb3: {  	[sflag:s16] =	ssyncadd.s32 @!p0 $0xFFFFF000;
	s16 =	simm.s32 @!p0 $0x15  }
0xb4: {  	_ =	swait.ge @!p0 [sflag:s16], $0x1000  }
0xb5: {  	[sflag:s16] =	ssyncset.done @!p0 $0x0  }
0xb6: {  	s17 =	simm.s32 @!p0 $0x7220;
	[sflag:s16] =	ssyncadd.s32 @!p0 $0xFFFFF000;
	s16 =	sadd.s32 @!p0 $0x400, s14  }
0xb7: {  	[tilespmem:s17], [sflag:$0x3] =	stream.indirect.gather @!p0 [hbm4b:s3+s15], $0x20, s16, s15, $0xb8;
	[tilespmem:$0x11220] =	vst v63  }
0xb8: {  	s16 =	sadd.s32 @!p0 $0x2B00, s14;
	s17 =	simm.s32 @!p0 $0xD220  }
0xb9: {  	[tilespmem:s17], [sflag:$0x9] =	stream.indirect.gather @!p0 [hbm4b:s4+s15], $0x20, s16, s15, $0xb8;
	[tilespmem:$0x11220] =	vst v63  }
0xba: {  	_ =	swait.ge [sflag:s0], $0x1000  }
0xbb: {  	[sflag:s0] =	ssyncset.done $0x0;
	s17 =	rddreg [dreg:$0xe]  }
0xbc: {  	[sflag:s0] =	ssyncadd.s32 $0xFFFFF000;
	s16 =	sadd.s32 s13, s17;
	s17 =	simm.s32 $0x8220  }
0xbd: {  	[hbm4b:s16+s1] =	stream.linear.scatter [tilespmem:s17], [sflag:$0x10], $0x1000, $0x38;
	[tilespmem:$0x11220] =	vst v63  }
0xbe: {  	_ =	swait.ge [sflag:s31], $0x1000  }
0xbf: {  	[sflag:s31] =	ssyncset.done $0x0;
	s17 =	rddreg [dreg:$0xf]  }
0xc0: {  	[sflag:s31] =	ssyncadd.s32 $0xFFFFF000;
	s16 =	sadd.s32 s13, s17;
	s17 =	simm.s32 $0xE220  }
0xc1: {  	[hbm4b:s16+s1] =	stream.linear.scatter [tilespmem:s17], [sflag:$0x16], $0x1000, $0x38;
	[tilespmem:$0x11220] =	vst v63  }
0xc2: {  	s16 =	simm.s32 @!p0 $0x10  }
0xc3: {  	_ =	swait.ge @!p0 [sflag:s16], $0x1000  }
0xc4: {  	[sflag:s16] =	ssyncset.done @!p0 $0x0  }
0xc5: {  	[sflag:s16] =	ssyncadd.s32 @!p0 $0xFFFFF000;
	s16 =	simm.s32 @!p0 $0x16  }
0xc6: {  	_ =	swait.ge @!p0 [sflag:s16], $0x1000  }
0xc7: {  	[sflag:s16] =	ssyncset.done @!p0 $0x0  }
0xc8: {  	s17 =	simm.s32 @!p0 $0x8220;
	[sflag:s16] =	ssyncadd.s32 @!p0 $0xFFFFF000;
	s16 =	sadd.s32 @!p0 $0x480, s14  }
0xc9: {  	[tilespmem:s17], [sflag:$0x4] =	stream.indirect.gather @!p0 [hbm4b:s3+s15], $0x20, s16, s15, $0xb8;
	[tilespmem:$0x11220] =	vst v63  }
0xca: {  	s16 =	sadd.s32 @!p0 $0x2B80, s14;
	s17 =	simm.s32 @!p0 $0xE220  }
0xcb: {  	[tilespmem:s17], [sflag:$0xA] =	stream.indirect.gather @!p0 [hbm4b:s4+s15], $0x20, s16, s15, $0xb8;
	[tilespmem:$0x11220] =	vst v63  }
0xcc: {  	_ =	swait.ge [sflag:s2], $0x1000  }
0xcd: {  	[sflag:s2] =	ssyncset.done $0x0;
	s17 =	rddreg [dreg:$0xc]  }
0xce: {  	[sflag:s2] =	ssyncadd.s32 $0xFFFFF000;
	s16 =	sadd.s32 s13, s17;
	s17 =	simm.s32 $0x9220  }
0xcf: {  	[hbm4b:s16+s1] =	stream.linear.scatter [tilespmem:s17], [sflag:$0x11], $0x1000, $0x38;
	[tilespmem:$0x11220] =	vst v63  }
0xd0: {  	_ =	swait.ge [sflag:s5], $0x1000  }
0xd1: {  	[sflag:s5] =	ssyncset.done $0x0;
	s17 =	rddreg [dreg:$0xd]  }
0xd2: {  	[sflag:s5] =	ssyncadd.s32 $0xFFFFF000;
	s16 =	sadd.s32 s13, s17;
	s17 =	simm.s32 $0xF220  }
0xd3: {  	[hbm4b:s16+s1] =	stream.linear.scatter [tilespmem:s17], [sflag:$0x17], $0x1000, $0x38;
	[tilespmem:$0x11220] =	vst v63  }
0xd4: {  	s16 =	simm.s32 @!p0 $0x11  }
0xd5: {  	_ =	swait.ge @!p0 [sflag:s16], $0x1000  }
0xd6: {  	[sflag:s16] =	ssyncset.done @!p0 $0x0  }
0xd7: {  	[sflag:s16] =	ssyncadd.s32 @!p0 $0xFFFFF000;
	s16 =	simm.s32 @!p0 $0x17  }
0xd8: {  	_ =	swait.ge @!p0 [sflag:s16], $0x1000  }
0xd9: {  	[sflag:s16] =	ssyncset.done @!p0 $0x0  }
0xda: {  	s17 =	simm.s32 @!p0 $0x9220;
	[sflag:s16] =	ssyncadd.s32 @!p0 $0xFFFFF000;
	s16 =	sadd.s32 @!p0 $0x500, s14  }
0xdb: {  	[tilespmem:s17], [sflag:$0x5] =	stream.indirect.gather @!p0 [hbm4b:s3+s15], $0x20, s16, s15, $0xb8;
	[tilespmem:$0x11220] =	vst v63  }
0xdc: {  	s14 =	sadd.s32 @!p0 $0x2C00, s14;
	s16 =	simm.s32 @!p0 $0xF220  }
0xdd: {  	[tilespmem:s16], [sflag:$0xB] =	stream.indirect.gather @!p0 [hbm4b:s4+s15], $0x20, s14, s15, $0xb8;
	[tilespmem:$0x11220] =	vst v63  }
0xde: {  	_ =	swait.ge [sflag:s6], $0x1000  }
0xdf: {  	[sflag:s6] =	ssyncset.done $0x0;
	s16 =	rddreg [dreg:$0xa]  }
0xe0: {  	[sflag:s6] =	ssyncadd.s32 $0xFFFFF000;
	s14 =	sadd.s32 s13, s16  }
0xe1: {  	[hbm4b:s14+s1] =	stream.linear.scatter [tilespmem:s9], [sflag:$0x12], $0x1000, $0x38;
	[tilespmem:$0x11220] =	vst v63  }
.Ltmp2:
0xe2: {  	_ = 	snop;
	(pc) =	sbr.rel @p0 .LBB2_4-.Ltmp2, $4  }
0xe3: {  	_ =	swait.ge [sflag:s7], $0x1000  }
0xe4: {  	[sflag:s7] =	ssyncset.done $0x0;
	s17 =	rddreg [dreg:$0xb]  }
0xe5: {  	[sflag:s7] =	ssyncadd.s32 $0xFFFFF000;
	s14 =	sadd.s32 s13, s17  }
0xe6: {  	[hbm4b:s14+s1] =	stream.linear.scatter [tilespmem:s10], [sflag:$0x18], $0x1000, $0x38;
	[tilespmem:$0x11220] =	vst v63  }
0xe7: {  	_ =	swait.ge [sflag:s8], $0x1000  }
0xe8: {  	[sflag:s8] =	ssyncset.done $0x0  }
0xe9: {  	[sflag:s8] =	ssyncadd.s32 $0xFFFFF000  }
0xea: {  	_ =	swait.ge [sflag:s12], $0x1000  }
.Ltmp3:
0xeb: {  	s14 =	sshra.s32 s13, $0x2;
	[sflag:s12] =	ssyncset.done $0x0;
	(pc) =	sbr.rel .LBB2_2-.Ltmp3, $4  }
0xec: {  	s15 =	sadd.s32 $0x580, s14;
	[sflag:s12] =	ssyncadd.s32 $0xFFFFF000  }
0xed: {  	[tilespmem:s9], [sflag:$0x6] =	stream.indirect.gather [hbm4b:s3+s26], $0x20, s15, s26, $0xb8;
	[tilespmem:$0x11220] =	vst v63  }
0xee: {  	s13 =	sadd.s32 $0xC00, s13;
	s14 =	sadd.s32 $0x2C80, s14  }
0xef: {  	[tilespmem:s10], [sflag:$0xC] =	stream.indirect.gather [hbm4b:s4+s26], $0x20, s14, s26, $0xb8;
	[tilespmem:$0x11220] =	vst v63  }
.LBB2_5:
0xf0: {  	_ =	sfence.sel $0x180000  }
0xf1: {  	[bflag:$0x0] =	sbarrier.arrive $0xFFFF  }
0xf2: {  	_ =	strace $0x90000053  }
0xf3: {  	s0 =	stileid.u32;
	[bflag:$0x2] =	sbarrier.arrive $0xFFFF  }
0xf4: {  	p0 =	sne.s32 s0, $0x0;
	s0 =	rddreg [dreg:$0x2]  }
0xf5: {  	s0 =	sadd.s32 @!p0 $0x100000, s0  }
0xf6: {  	[sflag:s0] =	ssyncadd.tile.s32 @!p0 $0x1;
	_ =	shalt  }
.Lfunc_end2:
_tile_overlayer_lowered:
.L_overlay_start_2:
0xf7: {  	(tag) =	ssettag $0x2  }
0xf8: {  	s0 =	rddreg [dreg:$0x0];
	s2 =	stileid.u32  }
0xf9: {  	s1 =	rddreg [dreg:$0x1];
	p0 =	sne.s32 s2, $0x0  }
0xfa: {  	s3 =	rddreg [dreg:$0x2];
	[bflag:$0x3] =	sbarrier.arrive $0xFFFF;
	s2 =	simm.s32 @!p0 $0x1C19  }
0xfb: {  	[timem:s3], [sflag:s2] =	dma.local @!p0 [hbm:s0], s1  }
0xfc: {  	s0 =	simm.s32 @!p0 $0x19  }
0xfd: {  	_ =	swait.ge @!p0 [sflag:s0], s1  }
0xfe: {  	s1 =	ssub.s32 @!p0 $0x0, s1;
	[sflag:s0] =	ssyncset.done @!p0 $0x0  }
0xff: {  	[sflag:s0] =	ssyncadd.s32 @!p0 s1  }
0x100: {  	[bflag:$0x3] =	sbarrier.arrive $0xFFFF  }
0x101: {  	_ =	shalt  }

</sc_bundles>
